<compile_context>
chip_gen: v7x
topology: tpu7x:2x2x1
jax: 0.10.2.dev20260603
libtpu: 0.0.44.dev20260713+nightly
codegen_flags: <defaults>
</compile_context>

<pallas_src>
import functools

import jax
import jax.numpy as jnp
from jax import lax
from jax.experimental import pallas as pl
from jax.experimental.pallas import tpu as pltpu
from jax.experimental.pallas import tpu_sc as plsc

H, B, A = 8, 4, 5
F = 16
BF = B * F
BH = BF // 2
KA = A * B
HID = H * F
BN = 512
NP = 10240
NH = NP // 2
ETP = 180224
C = 352
NCH = ETP // 16 // C
RT = NH // 16
DUMP = NH
NEG = -3.0e38

_MESH = plsc.VectorSubcoreMesh(core_axis_name="c", subcore_axis_name="s")



def _project_body(x_ref, wb_ref, wc_ref, bc_ref, dinv_ref,
                  tab_ref, bt_ref, wt_ref):
    x = x_ref[...]
    bases = jnp.dot(x, wb_ref[...], preferred_element_type=jnp.float32,
                    precision=lax.Precision.HIGHEST)
    for c in range(2):
        b = bases[:, c * BH:(c + 1) * BH]
        bt_ref[c] = b
        tab_ref[c] = jnp.concatenate(
            [b, b * dinv_ref[...], b * b, jnp.zeros_like(b)], axis=1)
    wt_ref[...] = (
        jnp.dot(x, wc_ref[...], preferred_element_type=jnp.float32,
                precision=lax.Precision.HIGHEST)
        + bc_ref[...]
    )


def _project(x, Wb, Wc, bc, dinv):
    n, din = x.shape
    grid = n // BN
    return pl.pallas_call(
        _project_body,
        grid=(grid,),
        in_specs=[
            pl.BlockSpec((BN, din), lambda i: (i, 0)),
            pl.BlockSpec((din, BF), lambda i: (0, 0)),
            pl.BlockSpec((din, H * KA), lambda i: (0, 0)),
            pl.BlockSpec((1, H * KA), lambda i: (0, 0)),
            pl.BlockSpec((BN, 1), lambda i: (i, 0)),
        ],
        out_specs=[
            pl.BlockSpec((2, BN, 4 * BH), lambda i: (0, i, 0)),
            pl.BlockSpec((2, BN, BH), lambda i: (0, i, 0)),
            pl.BlockSpec((BN, H * KA), lambda i: (i, 0)),
        ],
        out_shape=[
            jax.ShapeDtypeStruct((2, n, 4 * BH), jnp.float32),
            jax.ShapeDtypeStruct((2, n, BH), jnp.float32),
            jax.ShapeDtypeStruct((n, H * KA), jnp.float32),
        ],
    )(x, Wb, Wc, bc.reshape(1, -1), dinv)


def _prep_body(degp_ref, cnt_ref, dinv_ref):
    deg = degp_ref[0]
    for k in range(1, 32):
        deg = deg + degp_ref[k]
    cnt_ref[...] = jnp.maximum(deg, 1.0)
    dinv_ref[...] = jnp.where(deg > 0, lax.rsqrt(deg), 0.0)


def _prep(degp):
    r = NP // 128
    return pl.pallas_call(
        _prep_body,
        in_specs=[pl.BlockSpec((32, r, 128), lambda: (0, 0, 0))],
        out_specs=[pl.BlockSpec((r, 128), lambda: (0, 0)),
                   pl.BlockSpec((r, 128), lambda: (0, 0))],
        out_shape=[jax.ShapeDtypeStruct((r, 128), jnp.float32),
                   jax.ShapeDtypeStruct((r, 128), jnp.float32)],
    )(degp.reshape(32, r, 128))


def _combine_body(cols, a_ref, b_ref, m_ref, cnt_ref, dinv_ref, wt_ref,
                  bias_ref, g_ref, be_ref, out_ref):
    s_col, w_col, q_col, w_from_b = cols

    def pick(ref, col):
        return jnp.concatenate(
            [ref[0][:, col:col + BH], ref[1][:, col:col + BH]], axis=1)

    inv = 1.0 / cnt_ref[...]
    mean = pick(a_ref, s_col) * inv
    var = pick(a_ref, q_col) * inv - mean * mean
    std = jnp.sqrt(jnp.maximum(var, 0.0) + 1e-5)
    symn = pick(b_ref if w_from_b else a_ref, w_col) * dinv_ref[...]
    mx = m_ref[0]
    for k in range(1, m_ref.shape[0]):
        mx = jnp.maximum(mx, m_ref[k])
    mx = jnp.where(mx < -1e38, 0.0, mx)
    aggs = (mean, symn, var, std, mx)
    cols = []
    for a in range(A):
        for b in range(B):
            cols.append(aggs[a][:, b * F:(b + 1) * F])
    aggflat = jnp.concatenate(cols, axis=1)

    kf = KA * F
    rowi = lax.broadcasted_iota(jnp.int32, (KA, kf), 0)
    coli = lax.broadcasted_iota(jnp.int32, (KA, kf), 1)
    E = (coli // F == rowi).astype(jnp.float32)
    ci = lax.broadcasted_iota(jnp.int32, (kf, F), 0)
    fi = lax.broadcasted_iota(jnp.int32, (kf, F), 1)
    S = (ci % F == fi).astype(jnp.float32)

    wt = wt_ref[...]
    outs = []
    for h in range(H):
        wt_h = wt[:, h * KA:(h + 1) * KA]
        wexp = jnp.dot(wt_h, E, preferred_element_type=jnp.float32,
                       precision=lax.Precision.HIGHEST)
        z = jnp.dot(wexp * aggflat, S, preferred_element_type=jnp.float32,
                    precision=lax.Precision.HIGHEST)
        outs.append(z)
    y = jnp.concatenate(outs, axis=1) + bias_ref[...]

    mu = jnp.mean(y, axis=-1, keepdims=True)
    v = jnp.mean((y - mu) ** 2, axis=-1, keepdims=True)
    y = (y - mu) / jnp.sqrt(v + 1e-5) * g_ref[...] + be_ref[...]
    out_ref[...] = jnp.maximum(y, 0.0)


def _combine(cols, a, b, m, cnt, dinv, wt, bias, g, be):
    n = a.shape[1]
    grid = n // BN
    wa = a.shape[2]
    wb = b.shape[2]
    vec = lambda i: (i, 0)
    par = lambda i: (0, 0)
    return pl.pallas_call(
        functools.partial(_combine_body, cols),
        grid=(grid,),
        in_specs=[
            pl.BlockSpec((2, BN, wa), lambda i: (0, i, 0)),
            pl.BlockSpec((2, BN, wb), lambda i: (0, i, 0)),
            pl.BlockSpec((m.shape[0], BN, BF), lambda i: (0, i, 0)),
            pl.BlockSpec((BN, 1), vec),
            pl.BlockSpec((BN, 1), vec),
            pl.BlockSpec((BN, H * KA), vec),
            pl.BlockSpec((1, HID), par),
            pl.BlockSpec((1, HID), par),
            pl.BlockSpec((1, HID), par),
        ],
        out_specs=pl.BlockSpec((BN, HID), vec),
        out_shape=jax.ShapeDtypeStruct((n, HID), jnp.float32),
    )(a, b, m, cnt, dinv, wt, bias.reshape(1, -1), g.reshape(1, -1),
      be.reshape(1, -1))


def _head_body(h_ref, w3_ref, b3_ref, g3_ref, be3_ref, w4_ref, b4_ref,
               out_ref):
    y = jnp.dot(h_ref[...], w3_ref[...], preferred_element_type=jnp.float32,
                precision=lax.Precision.HIGHEST)
    y = y + b3_ref[...]
    mu = jnp.mean(y, axis=-1, keepdims=True)
    v = jnp.mean((y - mu) ** 2, axis=-1, keepdims=True)
    y = (y - mu) / jnp.sqrt(v + 1e-5) * g3_ref[...] + be3_ref[...]
    y = jnp.maximum(y, 0.0)
    out_ref[...] = (
        jnp.dot(y, w4_ref[...], preferred_element_type=jnp.float32,
                precision=lax.Precision.HIGHEST)
        + b4_ref[...]
    )


def _head(h, W3, b3, g3, be3, W4, b4):
    n = h.shape[0]
    grid = n // BN
    d3 = W3.shape[1]
    d4 = W4.shape[1]
    par = lambda i: (0, 0)
    return pl.pallas_call(
        _head_body,
        grid=(grid,),
        in_specs=[
            pl.BlockSpec((BN, HID), lambda i: (i, 0)),
            pl.BlockSpec((HID, d3), par),
            pl.BlockSpec((1, d3), par),
            pl.BlockSpec((1, d3), par),
            pl.BlockSpec((1, d3), par),
            pl.BlockSpec((d3, d4), par),
            pl.BlockSpec((1, d4), par),
        ],
        out_specs=pl.BlockSpec((BN, d4), lambda i: (i, 0)),
        out_shape=jax.ShapeDtypeStruct((n, d4), jnp.float32),
    )(h, W3, b3.reshape(1, -1), g3.reshape(1, -1), be3.reshape(1, -1), W4,
      b4.reshape(1, -1))



def _deg_body(dst_hbm, degp_hbm, dst_c, dacc, sem):
    c = lax.axis_index("c")
    s = lax.axis_index("s")
    wid = s * 2 + c
    lanes = lax.iota(jnp.int32, 16)

    def _fill0(i, _):
        dacc[pl.ds(i * 16, 16)] = jnp.zeros((16,), jnp.float32)
        return 0
    lax.fori_loop(0, NP // 16, _fill0, 0)

    woff = wid * (ETP // 32)

    def _chunk(t, _):
        pltpu.sync_copy(dst_hbm.at[pl.ds(woff + t * C, C)],
                        dst_c.at[pl.ds(0, C)])

        def _upd(e, _):
            d = dst_c[pl.ds(e, 16)][0]
            r = (d >> 4) << 4
            m = lanes == (d - r)
            v = dacc[pl.ds(r, 16)]
            dacc[pl.ds(r, 16)] = v + jnp.where(m, 1.0, 0.0)
            return 0
        lax.fori_loop(0, C, _upd, 0)
        return 0
    lax.fori_loop(0, ETP // 32 // C, _chunk, 0)
    pltpu.sync_copy(dacc, degp_hbm.at[wid])


def _deg(dstP):
    k = functools.partial(
        pl.kernel,
        out_type=jax.ShapeDtypeStruct((32, NP), jnp.float32),
        mesh=_MESH,
        scratch_types=[
            pltpu.VMEM((C + 16,), jnp.int32),
            pltpu.VMEM((NP,), jnp.float32),
            pltpu.SemaphoreType.DMA,
        ],
    )(_deg_body)
    return k(dstP)


def _agg_body(W, src_hbm, dst_hbm, tab_hbm, out,
              src_c, dst_c, srcadj, dstsel, rows, acc, sem):
    c = lax.axis_index("c")
    s = lax.axis_index("s")
    woff = s * (ETP // 16)
    tab_off = c * NP
    nz = W // 16

    for j in range(C // 16):
        srcadj[pl.ds(j * 16, 16)] = jnp.zeros((16,), jnp.int32)

    for p in range(2):
        lo = p * NH
        def _fill0(i, _):
            for j in range(nz):
                rows[i, pl.ds(j * 16, 16)] = jnp.zeros((16,), jnp.float32)
            return 0
        lax.fori_loop(0, C, _fill0, 0)
        pltpu.sync_copy(rows.at[pl.ds(0, RT)], acc.at[pl.ds(s * RT, RT)])
        @pl.when(s == 0)
        def _():
            pltpu.sync_copy(rows.at[pl.ds(0, NH + 16 - RT * 16)],
                            acc.at[pl.ds(RT * 16, NH + 16 - RT * 16)])
        plsc.subcore_barrier()

        def _chunk(t, _):
            base = woff + t * C
            pltpu.sync_copy(src_hbm.at[pl.ds(base, C)], src_c)
            pltpu.sync_copy(dst_hbm.at[pl.ds(base, C)], dst_c)

            def _sel(j, _):
                dv = dst_c[pl.ds(j * 16, 16)]
                iv = src_c[pl.ds(j * 16, 16)]
                m = (dv >= lo) & (dv < lo + NH)
                dstsel[pl.ds(j * 16, 16)] = jnp.where(
                    m, dv - lo, jnp.full((16,), DUMP, jnp.int32))
                srcadj[pl.ds(j * 16, 16)] = iv + tab_off
                return 0
            lax.fori_loop(0, C // 16, _sel, 0)

            pltpu.async_copy(tab_hbm.at[srcadj], rows, sem).wait()
            pltpu.sync_copy(rows, acc.at[dstsel], add=True)
            return 0
        lax.fori_loop(0, NCH, _chunk, 0)
        plsc.subcore_barrier()

        pltpu.sync_copy(acc.at[pl.ds(s * RT, RT)],
                        out.at[c, pl.ds(lo + s * RT, RT)])
        plsc.subcore_barrier()


def _agg(srcP, dstP, tab_flat, W):
    k = functools.partial(
        pl.kernel,
        out_type=jax.ShapeDtypeStruct((2, NP, W), jnp.float32),
        mesh=_MESH,
        scratch_types=[
            pltpu.VMEM((C,), jnp.int32),
            pltpu.VMEM((C,), jnp.int32),
            pltpu.VMEM((C,), jnp.int32),
            pltpu.VMEM((C,), jnp.int32),
            pltpu.VMEM((C, W), jnp.float32),
            pltpu.VMEM_SHARED((NH + 16, W), jnp.float32),
            pltpu.SemaphoreType.DMA,
        ],
    )(functools.partial(_agg_body, W))
    return k(srcP, dstP, tab_flat)


def _aggregate_max(bases, src, dst, n):
    msgs = bases[src]
    m = jnp.full((n, BF), NEG, jnp.float32).at[dst].max(msgs)
    return m[None]



def kernel(x, edge_index, edge_weight, Wb1, Wc1, bc1, bias1, g1, be1,
           Wb2, Wc2, bc2, bias2, g2, be2, W3, b3, g3, be3, W4, b4):
    n = x.shape[0]
    loop = jnp.arange(n, dtype=edge_index.dtype)
    pad = ETP - (edge_index.shape[1] + n)
    srcP = jnp.concatenate(
        [edge_index[0], loop, jnp.zeros((pad,), edge_index.dtype)])
    dstP = jnp.concatenate(
        [edge_index[1], loop,
         jnp.full((pad,), NP - 1, edge_index.dtype)])
    xP = jnp.concatenate([x, jnp.zeros((NP - n, x.shape[1]), x.dtype)])

    degp = _deg(dstP)
    cnt, dinv = _prep(degp)
    cnt = cnt.reshape(NP, 1)
    dinv = dinv.reshape(NP, 1)

    tab1, bt1, wt1 = _project(xP, Wb1, Wc1, bc1, dinv)
    agga1 = _agg(srcP, dstP, tab1.reshape(2 * NP, 4 * BH), 4 * BH)
    m1 = _aggregate_max(jnp.concatenate([bt1[0], bt1[1]], axis=1),
                        srcP, dstP, NP)
    h1 = _combine((0, BH, 2 * BH, False), agga1, agga1, m1, cnt, dinv, wt1,
                  bias1, g1, be1)

    tab2, bt2, wt2 = _project(h1, Wb2, Wc2, bc2, dinv)
    agga2 = _agg(srcP, dstP, tab2.reshape(2 * NP, 4 * BH), 4 * BH)
    m2 = _aggregate_max(jnp.concatenate([bt2[0], bt2[1]], axis=1),
                        srcP, dstP, NP)
    h2 = _combine((0, BH, 2 * BH, False), agga2, agga2, m2, cnt, dinv, wt2,
                  bias2, g2, be2)

    return _head(h2, W3, b3, g3, be3, W4, b4)[:n]

# --- scband reference (transcript-rebuilt; emitter-appended) ---
"""Pipeline reference for scband-egc-11252814315558 (READ-ONLY COPY).

The authoritative reference and input builder live on the scoring server;
editing this copy changes nothing except your own understanding.
"""

import jax, jax.numpy as jnp
import numpy as np

H, B, A = 8, 4, 5
N, E, DIN, HID, DOUT = 10000, 160000, 256, 128, 40
F_ = HID // H

def _ln(x, g, b, eps=1e-5):
    mu = jnp.mean(x, axis=-1, keepdims=True)
    var = jnp.mean((x - mu) ** 2, axis=-1, keepdims=True)
    return (x - mu) / jnp.sqrt(var + eps) * g + b

def _egconv(x, src, dst, symw, Wb, Wc, bc, bias):
    n = x.shape[0]
    bases = x @ Wb
    wt = (x @ Wc + bc).reshape(n, H, B * A)
    msgs = bases[src]
    cnt = jnp.zeros((n,), jnp.float32).at[dst].add(1.0)
    cnt = jnp.maximum(cnt, 1.0)
    s = jnp.zeros((n, B * F_), jnp.float32).at[dst].add(msgs)
    mean = s / cnt[:, None]
    symn = jnp.zeros((n, B * F_), jnp.float32).at[dst].add(msgs * symw[:, None])
    msq = jnp.zeros((n, B * F_), jnp.float32).at[dst].add(msgs * msgs) / cnt[:, None]
    var = msq - mean * mean
    std = jnp.sqrt(jnp.maximum(var, 0.0) + 1e-5)
    mx = jnp.full((n, B * F_), -jnp.inf, jnp.float32).at[dst].max(msgs)
    mx = jnp.where(jnp.isfinite(mx), mx, 0.0)
    agg = jnp.stack([mean, symn, var, std, mx], axis=1).reshape(n, A * B, F_)
    out = jnp.einsum('nhk,nkf->nhf', wt, agg).reshape(n, HID)
    return out + bias

def _forward(x, edge_index, Wb1, Wc1, bc1, bias1, g1, be1, Wb2, Wc2, bc2, bias2, g2, be2, W3, b3, g3, be3, W4, b4):
    n = x.shape[0]
    loop = jnp.arange(n, dtype=edge_index.dtype)
    src = jnp.concatenate([edge_index[0], loop])
    dst = jnp.concatenate([edge_index[1], loop])
    deg = jnp.zeros((n,), jnp.float32).at[dst].add(1.0)
    dinv = jnp.where(deg > 0, 1.0 / jnp.sqrt(deg), 0.0)
    symw = dinv[src] * dinv[dst]
    h = jax.nn.relu(_ln(_egconv(x, src, dst, symw, Wb1, Wc1, bc1, bias1), g1, be1))
    h = jax.nn.relu(_ln(_egconv(h, src, dst, symw, Wb2, Wc2, bc2, bias2), g2, be2))
    r = jax.nn.relu(_ln(h @ W3 + b3, g3, be3))
    return r @ W4 + b4

def setup_inputs(seed: int = 0):
    key = jax.random.key(seed)
    ks = jax.random.split(key, 12)
    def gl(k, shape):
        return jax.random.normal(k, shape, jnp.float32) / np.sqrt(shape[0])
    return {
        "x": jax.random.normal(ks[0], (N, DIN), jnp.float32),
        "edge_index": jax.random.randint(ks[1], (2, E), 0, N, dtype=jnp.int32),
        "edge_weight": jax.random.uniform(ks[2], (E,), jnp.float32),
        "Wb1": gl(ks[3], (DIN, B * F_)),
        "Wc1": gl(ks[4], (DIN, H * B * A)),
        "bc1": jnp.zeros((H * B * A,), jnp.float32),
        "bias1": jnp.zeros((HID,), jnp.float32),
        "g1": jnp.ones((HID,), jnp.float32),
        "be1": jnp.zeros((HID,), jnp.float32),
        "Wb2": gl(ks[5], (HID, B * F_)),
        "Wc2": gl(ks[6], (HID, H * B * A)),
        "bc2": jnp.zeros((H * B * A,), jnp.float32),
        "bias2": jnp.zeros((HID,), jnp.float32),
        "g2": jnp.ones((HID,), jnp.float32),
        "be2": jnp.zeros((HID,), jnp.float32),
        "W3": gl(ks[7], (HID, 32)),
        "b3": jnp.zeros((32,), jnp.float32),
        "g3": jnp.ones((32,), jnp.float32),
        "be3": jnp.zeros((32,), jnp.float32),
        "W4": gl(ks[8], (32, DOUT)),
        "b4": jnp.zeros((DOUT,), jnp.float32),
    }

def reference(x, edge_index, edge_weight, Wb1, Wc1, bc1, bias1, g1, be1, Wb2, Wc2, bc2, bias2, g2, be2, W3, b3, g3, be3, W4, b4):
    return _forward(x, edge_index, Wb1, Wc1, bc1, bias1, g1, be1, Wb2, Wc2, bc2, bias2, g2, be2, W3, b3, g3, be3, W4, b4)

if __name__ == "__main__":
    import jax
    _d = setup_inputs()
    print(jax.jit(kernel)(*tuple(_d.values())))

</pallas_src>

<mosaic_0001>
#map = affine_map<(d0, d1) -> (0)>
#map1 = affine_map<(d0, d1) -> (0, 0)>
module attributes {stable_mosaic.version = 14 : i64} {
  func.func @_deg_body(%arg0: i32, %arg1: i32, %arg2: memref<180224xi32, #tpu.memory_space<hbm>>, %arg3: memref<32x10240xf32, #tpu.memory_space<hbm>>, %arg4: memref<368xi32, #tpu.memory_space<vmem>>, %arg5: memref<10240xf32, #tpu.memory_space<vmem>>, %arg6: memref<!tpu.dma_semaphore, #tpu.memory_space<semaphore_mem>>) attributes {dimension_semantics = [#tpu.dimension_semantics<core_parallel>, #tpu.dimension_semantics<subcore_parallel>], iteration_bounds = array<i64: 2, 16>, scalar_prefetch = 0 : i64, scratch_operands = 3 : i64, tpu.core_type = #tpu.core_type<sc_vector_subcore>, window_params = [{transform_indices = #map}, {transform_indices = #map1}]} {
    %mul3A = arith.constant 2 : i32
    %mul3A_0 = arith.muli %arg1, %mul3A : i32
    %add3A = arith.addi %mul3A_0, %arg0 : i32
    %iota3A = tpu.iota {dimensions = array<i32: 0>} : vector<16xi32>
    %scan3A = arith.constant 0 : i32
    %scan3A_1 = arith.constant 0 : i32
    %scan3A_2 = arith.constant 640 : i32
    %scan3A_3 = arith.addi %scan3A_1, %scan3A_2 : i32
    %scan3A_4 = arith.constant 1 : i32
    %scan3A_5 = scf.for %scan3A_16 = %scan3A_1 to %scan3A_3 step %scan3A_4 iter_args(%scan3A_17 = %scan3A) -> (i32)  : i32 {
      %broadcast_in_dim3A = arith.constant 0.000000e+00 : f32
      %broadcast_in_dim3A_18 = vector.broadcast %broadcast_in_dim3A : f32 to vector<16xf32>
      %mul3A_19 = arith.constant 16 : i32
      %mul3A_20 = arith.muli %scan3A_16, %mul3A_19 : i32
      %swap3A = arith.index_cast %mul3A_20 : i32 to index
      %swap3A_21 = tpu.vector_load %arg5[%swap3A] {strides = array<i32>} : memref<10240xf32, #tpu.memory_space<vmem>>, vector<16xf32>,
      %swap3A_22 = vector.shape_cast %swap3A_21 : vector<16xf32> to vector<16xf32>
      %swap3A_23 = vector.shape_cast %broadcast_in_dim3A_18 : vector<16xf32> to vector<16xf32>
      tpu.vector_store %arg5[%swap3A], %swap3A_23 {strides = array<i32>} : memref<10240xf32, #tpu.memory_space<vmem>>, vector<16xf32>,
      %scan3A_24 = arith.constant 0 : i32
      scf.yield %scan3A_24 : i32
    }
    %scan3A_6 = arith.constant 640 : i32
    %mul3A_7 = arith.constant 5632 : i32
    %mul3A_8 = arith.muli %add3A, %mul3A_7 : i32
    %scan3A_9 = arith.constant 0 : i32
    %scan3A_10 = arith.constant 0 : i32
    %scan3A_11 = arith.constant 16 : i32
    %scan3A_12 = arith.addi %scan3A_10, %scan3A_11 : i32
    %scan3A_13 = arith.constant 1 : i32
    %scan3A_14 = scf.for %scan3A_16 = %scan3A_10 to %scan3A_12 step %scan3A_13 iter_args(%scan3A_17 = %scan3A_9) -> (i32)  : i32 {
      %mul3A_18 = arith.constant 352 : i32
      %mul3A_19 = arith.muli %scan3A_16, %mul3A_18 : i32
      %add3A_20 = arith.addi %mul3A_8, %mul3A_19 : i32
      "tpu.region"() ({
        %run_scoped3A = tpu.sem_alloc : memref<!tpu.dma_semaphore, #tpu.memory_space<semaphore_mem>>
        %dma_start3A = arith.constant 0 : i32
        %dma_start3A_29 = tpu.memref_slice %arg4[%dma_start3A] : memref<368xi32, #tpu.memory_space<vmem>> -> memref<352xi32, #tpu.memory_space<vmem>>
        %dma_start3A_30 = tpu.memref_slice %arg2[%add3A_20] : memref<180224xi32, #tpu.memory_space<hbm>> -> memref<352xi32, #tpu.memory_space<hbm>>
        %dma_start3A_31 = arith.constant 0 : i32
        %dma_start3A_32 = tpu.memref_slice %arg4[%dma_start3A_31] : memref<368xi32, #tpu.memory_space<vmem>> -> memref<352xi32, #tpu.memory_space<vmem>>
        %dma_start3A_33 = tpu.memref_slice %arg2[%add3A_20] : memref<180224xi32, #tpu.memory_space<hbm>> -> memref<352xi32, #tpu.memory_space<hbm>>
        tpu.enqueue_dma source(%dma_start3A_33 : memref<352xi32, #tpu.memory_space<hbm>>) target(%dma_start3A_32 : memref<352xi32, #tpu.memory_space<vmem>>) target_semaphore(%run_scoped3A : memref<!tpu.dma_semaphore, #tpu.memory_space<semaphore_mem>>)
        %dma_wait3A = arith.constant 0 : i32
        %dma_wait3A_34 = tpu.memref_slice %arg4[%dma_wait3A] : memref<368xi32, #tpu.memory_space<vmem>> -> memref<352xi32, #tpu.memory_space<vmem>>
        %dma_wait3A_35 = tpu.memref_slice %arg2[%add3A_20] : memref<180224xi32, #tpu.memory_space<hbm>> -> memref<352xi32, #tpu.memory_space<hbm>>
        %dma_wait3A_36 = arith.constant 0 : i32
        %dma_wait3A_37 = tpu.memref_slice %arg4[%dma_wait3A_36] : memref<368xi32, #tpu.memory_space<vmem>> -> memref<352xi32, #tpu.memory_space<vmem>>
        %dma_wait3A_38 = tpu.memref_slice %arg2[%add3A_20] : memref<180224xi32, #tpu.memory_space<hbm>> -> memref<352xi32, #tpu.memory_space<hbm>>
        tpu.wait_dma2 semaphore(%run_scoped3A : memref<!tpu.dma_semaphore, #tpu.memory_space<semaphore_mem>>) src(%dma_wait3A_38 : memref<352xi32, #tpu.memory_space<hbm>>) dst(%dma_wait3A_37 : memref<352xi32, #tpu.memory_space<vmem>>)
        tpu.yield
      }) : () -> ()
      %scan3A_21 = arith.constant 0 : i32
      %scan3A_22 = arith.constant 0 : i32
      %scan3A_23 = arith.constant 352 : i32
      %scan3A_24 = arith.addi %scan3A_22, %scan3A_23 : i32
      %scan3A_25 = arith.constant 1 : i32
      %scan3A_26 = scf.for %scan3A_29 = %scan3A_22 to %scan3A_24 step %scan3A_25 iter_args(%scan3A_30 = %scan3A_21) -> (i32)  : i32 {
        %get3A = arith.index_cast %scan3A_29 : i32 to index
        %get3A_31 = tpu.vector_load %arg4[%get3A] {strides = array<i32>} : memref<368xi32, #tpu.memory_space<vmem>>, vector<16xi32>,
        %get3A_32 = vector.shape_cast %get3A_31 : vector<16xi32> to vector<16xi32>
        %slice3A = vector.extract_strided_slice %get3A_32 {offsets = [0], sizes = [1], strides = [1]} : vector<16xi32> to vector<1xi32>
        %squeeze3A = vector.extract %slice3A[0] : i32 from vector<1xi32>
        %shift_right_arithmetic3A = arith.constant 4 : i32
        %shift_right_arithmetic3A_33 = arith.shrsi %squeeze3A, %shift_right_arithmetic3A : i32
        %shift_left3A = arith.constant 4 : i32
        %shift_left3A_34 = arith.shli %shift_right_arithmetic3A_33, %shift_left3A : i32
        %sub3A = arith.subi %squeeze3A, %shift_left3A_34 : i32
        %eq3A = vector.broadcast %sub3A : i32 to vector<16xi32>
        %eq3A_35 = arith.cmpi eq, %iota3A, %eq3A : vector<16xi32>
        %get3A_36 = arith.index_cast %shift_left3A_34 : i32 to index
        %get3A_37 = tpu.vector_load %arg5[%get3A_36] {strides = array<i32>} : memref<10240xf32, #tpu.memory_space<vmem>>, vector<16xf32>,
        %get3A_38 = vector.shape_cast %get3A_37 : vector<16xf32> to vector<16xf32>
        %jit3A = arith.constant 1.000000e+00 : f32
        %jit3A_39 = arith.constant 0.000000e+00 : f32
        %broadcast_in_dim3A = vector.broadcast %jit3A : f32 to vector<16xf32>
        %broadcast_in_dim3A_40 = vector.broadcast %jit3A_39 : f32 to vector<16xf32>
        %select_n3A = arith.select %eq3A_35, %broadcast_in_dim3A, %broadcast_in_dim3A_40 : vector<16xi1>, vector<16xf32>
        %add3A_41 = arith.addf %get3A_38, %select_n3A : vector<16xf32>
        %swap3A = arith.index_cast %shift_left3A_34 : i32 to index
        %swap3A_42 = tpu.vector_load %arg5[%swap3A] {strides = array<i32>} : memref<10240xf32, #tpu.memory_space<vmem>>, vector<16xf32>,
        %swap3A_43 = vector.shape_cast %swap3A_42 : vector<16xf32> to vector<16xf32>
        %swap3A_44 = vector.shape_cast %add3A_41 : vector<16xf32> to vector<16xf32>
        tpu.vector_store %arg5[%swap3A], %swap3A_44 {strides = array<i32>} : memref<10240xf32, #tpu.memory_space<vmem>>, vector<16xf32>,
        %scan3A_45 = arith.constant 0 : i32
        scf.yield %scan3A_45 : i32
      }
      %scan3A_27 = arith.constant 352 : i32
      %scan3A_28 = arith.constant 0 : i32
      scf.yield %scan3A_28 : i32
    }
    %scan3A_15 = arith.constant 16 : i32
    "tpu.region"() ({
      %run_scoped3A = tpu.sem_alloc : memref<!tpu.dma_semaphore, #tpu.memory_space<semaphore_mem>>
      %dma_start3A = arith.constant 0 : i32
      %dma_start3A_16 = tpu.memref_slice %arg3[%add3A, %dma_start3A] : memref<32x10240xf32, #tpu.memory_space<hbm>> -> memref<1x10240xf32, #tpu.memory_space<hbm>>
      %dma_start3A_17 = tpu.memref_squeeze %dma_start3A_16 : memref<1x10240xf32, #tpu.memory_space<hbm>> -> memref<10240xf32, #tpu.memory_space<hbm>>
      %dma_start3A_18 = arith.constant 0 : i32
      %dma_start3A_19 = tpu.memref_slice %arg3[%add3A, %dma_start3A_18] : memref<32x10240xf32, #tpu.memory_space<hbm>> -> memref<1x10240xf32, #tpu.memory_space<hbm>>
      %dma_start3A_20 = tpu.memref_squeeze %dma_start3A_19 : memref<1x10240xf32, #tpu.memory_space<hbm>> -> memref<10240xf32, #tpu.memory_space<hbm>>
      tpu.enqueue_dma source(%arg5 : memref<10240xf32, #tpu.memory_space<vmem>>) target(%dma_start3A_20 : memref<10240xf32, #tpu.memory_space<hbm>>) target_semaphore(%run_scoped3A : memref<!tpu.dma_semaphore, #tpu.memory_space<semaphore_mem>>)
      %dma_wait3A = arith.constant 0 : i32
      %dma_wait3A_21 = tpu.memref_slice %arg3[%add3A, %dma_wait3A] : memref<32x10240xf32, #tpu.memory_space<hbm>> -> memref<1x10240xf32, #tpu.memory_space<hbm>>
      %dma_wait3A_22 = tpu.memref_squeeze %dma_wait3A_21 : memref<1x10240xf32, #tpu.memory_space<hbm>> -> memref<10240xf32, #tpu.memory_space<hbm>>
      %dma_wait3A_23 = arith.constant 0 : i32
      %dma_wait3A_24 = tpu.memref_slice %arg3[%add3A, %dma_wait3A_23] : memref<32x10240xf32, #tpu.memory_space<hbm>> -> memref<1x10240xf32, #tpu.memory_space<hbm>>
      %dma_wait3A_25 = tpu.memref_squeeze %dma_wait3A_24 : memref<1x10240xf32, #tpu.memory_space<hbm>> -> memref<10240xf32, #tpu.memory_space<hbm>>
      tpu.wait_dma2 semaphore(%run_scoped3A : memref<!tpu.dma_semaphore, #tpu.memory_space<semaphore_mem>>) src(%arg5 : memref<10240xf32, #tpu.memory_space<vmem>>) dst(%dma_wait3A_25 : memref<10240xf32, #tpu.memory_space<hbm>>)
      tpu.yield
    }) : () -> ()
    return
  }
}

#map = affine_map<(d0, d1) -> (0)>
#map1 = affine_map<(d0, d1) -> (0, 0)>
#map2 = affine_map<(d0, d1) -> (0, 0, 0)>
module attributes {stable_mosaic.version = 14 : i64} {
  func.func @_agg_body(%arg0: i32, %arg1: i32, %arg2: memref<180224xi32, #tpu.memory_space<hbm>>, %arg3: memref<180224xi32, #tpu.memory_space<hbm>>, %arg4: memref<20480x128xf32, #tpu.memory_space<hbm>>, %arg5: memref<2x10240x128xf32, #tpu.memory_space<hbm>>, %arg6: memref<352xi32, #tpu.memory_space<vmem>>, %arg7: memref<352xi32, #tpu.memory_space<vmem>>, %arg8: memref<352xi32, #tpu.memory_space<vmem>>, %arg9: memref<352xi32, #tpu.memory_space<vmem>>, %arg10: memref<352x128xf32, #tpu.memory_space<vmem>>, %arg11: memref<5136x128xf32, #tpu.memory_space<vmem_shared>>, %arg12: memref<!tpu.dma_semaphore, #tpu.memory_space<semaphore_mem>>) attributes {dimension_semantics = [#tpu.dimension_semantics<core_parallel>, #tpu.dimension_semantics<subcore_parallel>], iteration_bounds = array<i64: 2, 16>, scalar_prefetch = 0 : i64, scratch_operands = 7 : i64, tpu.core_type = #tpu.core_type<sc_vector_subcore>, window_params = [{transform_indices = #map}, {transform_indices = #map}, {transform_indices = #map1}, {transform_indices = #map2}]} {
    %mul3A = arith.constant 11264 : i32
    %mul3A_0 = arith.muli %arg1, %mul3A : i32
    %mul3A_1 = arith.constant 10240 : i32
    %mul3A_2 = arith.muli %arg0, %mul3A_1 : i32
    %broadcast_in_dim3A = arith.constant 0 : i32
    %broadcast_in_dim3A_3 = vector.broadcast %broadcast_in_dim3A : i32 to vector<16xi32>
    %swap3A = arith.constant 0 : index
    %swap3A_4 = tpu.vector_load %arg8[%swap3A] {strides = array<i32>} : memref<352xi32, #tpu.memory_space<vmem>>, vector<16xi32>,
    %swap3A_5 = vector.shape_cast %swap3A_4 : vector<16xi32> to vector<16xi32>
    %swap3A_6 = vector.shape_cast %broadcast_in_dim3A_3 : vector<16xi32> to vector<16xi32>
    tpu.vector_store %arg8[%swap3A], %swap3A_6 {strides = array<i32>} : memref<352xi32, #tpu.memory_space<vmem>>, vector<16xi32>,
    %broadcast_in_dim3A_7 = arith.constant 0 : i32
    %broadcast_in_dim3A_8 = vector.broadcast %broadcast_in_dim3A_7 : i32 to vector<16xi32>
    %swap3A_9 = arith.constant 16 : index
    %swap3A_10 = tpu.vector_load %arg8[%swap3A_9] {strides = array<i32>} : memref<352xi32, #tpu.memory_space<vmem>>, vector<16xi32>,
    %swap3A_11 = vector.shape_cast %swap3A_10 : vector<16xi32> to vector<16xi32>
    %swap3A_12 = vector.shape_cast %broadcast_in_dim3A_8 : vector<16xi32> to vector<16xi32>
    tpu.vector_store %arg8[%swap3A_9], %swap3A_12 {strides = array<i32>} : memref<352xi32, #tpu.memory_space<vmem>>, vector<16xi32>,
    %broadcast_in_dim3A_13 = arith.constant 0 : i32
    %broadcast_in_dim3A_14 = vector.broadcast %broadcast_in_dim3A_13 : i32 to vector<16xi32>
    %swap3A_15 = arith.constant 32 : index
    %swap3A_16 = tpu.vector_load %arg8[%swap3A_15] {strides = array<i32>} : memref<352xi32, #tpu.memory_space<vmem>>, vector<16xi32>,
    %swap3A_17 = vector.shape_cast %swap3A_16 : vector<16xi32> to vector<16xi32>
    %swap3A_18 = vector.shape_cast %broadcast_in_dim3A_14 : vector<16xi32> to vector<16xi32>
    tpu.vector_store %arg8[%swap3A_15], %swap3A_18 {strides = array<i32>} : memref<352xi32, #tpu.memory_space<vmem>>, vector<16xi32>,
    %broadcast_in_dim3A_19 = arith.constant 0 : i32
    %broadcast_in_dim3A_20 = vector.broadcast %broadcast_in_dim3A_19 : i32 to vector<16xi32>
    %swap3A_21 = arith.constant 48 : index
    %swap3A_22 = tpu.vector_load %arg8[%swap3A_21] {strides = array<i32>} : memref<352xi32, #tpu.memory_space<vmem>>, vector<16xi32>,
    %swap3A_23 = vector.shape_cast %swap3A_22 : vector<16xi32> to vector<16xi32>
    %swap3A_24 = vector.shape_cast %broadcast_in_dim3A_20 : vector<16xi32> to vector<16xi32>
    tpu.vector_store %arg8[%swap3A_21], %swap3A_24 {strides = array<i32>} : memref<352xi32, #tpu.memory_space<vmem>>, vector<16xi32>,
    %broadcast_in_dim3A_25 = arith.constant 0 : i32
    %broadcast_in_dim3A_26 = vector.broadcast %broadcast_in_dim3A_25 : i32 to vector<16xi32>
    %swap3A_27 = arith.constant 64 : index
    %swap3A_28 = tpu.vector_load %arg8[%swap3A_27] {strides = array<i32>} : memref<352xi32, #tpu.memory_space<vmem>>, vector<16xi32>,
    %swap3A_29 = vector.shape_cast %swap3A_28 : vector<16xi32> to vector<16xi32>
    %swap3A_30 = vector.shape_cast %broadcast_in_dim3A_26 : vector<16xi32> to vector<16xi32>
    tpu.vector_store %arg8[%swap3A_27], %swap3A_30 {strides = array<i32>} : memref<352xi32, #tpu.memory_space<vmem>>, vector<16xi32>,
    %broadcast_in_dim3A_31 = arith.constant 0 : i32
    %broadcast_in_dim3A_32 = vector.broadcast %broadcast_in_dim3A_31 : i32 to vector<16xi32>
    %swap3A_33 = arith.constant 80 : index
    %swap3A_34 = tpu.vector_load %arg8[%swap3A_33] {strides = array<i32>} : memref<352xi32, #tpu.memory_space<vmem>>, vector<16xi32>,
    %swap3A_35 = vector.shape_cast %swap3A_34 : vector<16xi32> to vector<16xi32>
    %swap3A_36 = vector.shape_cast %broadcast_in_dim3A_32 : vector<16xi32> to vector<16xi32>
    tpu.vector_store %arg8[%swap3A_33], %swap3A_36 {strides = array<i32>} : memref<352xi32, #tpu.memory_space<vmem>>, vector<16xi32>,
    %broadcast_in_dim3A_37 = arith.constant 0 : i32
    %broadcast_in_dim3A_38 = vector.broadcast %broadcast_in_dim3A_37 : i32 to vector<16xi32>
    %swap3A_39 = arith.constant 96 : index
    %swap3A_40 = tpu.vector_load %arg8[%swap3A_39] {strides = array<i32>} : memref<352xi32, #tpu.memory_space<vmem>>, vector<16xi32>,
    %swap3A_41 = vector.shape_cast %swap3A_40 : vector<16xi32> to vector<16xi32>
    %swap3A_42 = vector.shape_cast %broadcast_in_dim3A_38 : vector<16xi32> to vector<16xi32>
    tpu.vector_store %arg8[%swap3A_39], %swap3A_42 {strides = array<i32>} : memref<352xi32, #tpu.memory_space<vmem>>, vector<16xi32>,
    %broadcast_in_dim3A_43 = arith.constant 0 : i32
    %broadcast_in_dim3A_44 = vector.broadcast %broadcast_in_dim3A_43 : i32 to vector<16xi32>
    %swap3A_45 = arith.constant 112 : index
    %swap3A_46 = tpu.vector_load %arg8[%swap3A_45] {strides = array<i32>} : memref<352xi32, #tpu.memory_space<vmem>>, vector<16xi32>,
    %swap3A_47 = vector.shape_cast %swap3A_46 : vector<16xi32> to vector<16xi32>
    %swap3A_48 = vector.shape_cast %broadcast_in_dim3A_44 : vector<16xi32> to vector<16xi32>
    tpu.vector_store %arg8[%swap3A_45], %swap3A_48 {strides = array<i32>} : memref<352xi32, #tpu.memory_space<vmem>>, vector<16xi32>,
    %broadcast_in_dim3A_49 = arith.constant 0 : i32
    %broadcast_in_dim3A_50 = vector.broadcast %broadcast_in_dim3A_49 : i32 to vector<16xi32>
    %swap3A_51 = arith.constant 128 : index
    %swap3A_52 = tpu.vector_load %arg8[%swap3A_51] {strides = array<i32>} : memref<352xi32, #tpu.memory_space<vmem>>, vector<16xi32>,
    %swap3A_53 = vector.shape_cast %swap3A_52 : vector<16xi32> to vector<16xi32>
    %swap3A_54 = vector.shape_cast %broadcast_in_dim3A_50 : vector<16xi32> to vector<16xi32>
    tpu.vector_store %arg8[%swap3A_51], %swap3A_54 {strides = array<i32>} : memref<352xi32, #tpu.memory_space<vmem>>, vector<16xi32>,
    %broadcast_in_dim3A_55 = arith.constant 0 : i32
    %broadcast_in_dim3A_56 = vector.broadcast %broadcast_in_dim3A_55 : i32 to vector<16xi32>
    %swap3A_57 = arith.constant 144 : index
    %swap3A_58 = tpu.vector_load %arg8[%swap3A_57] {strides = array<i32>} : memref<352xi32, #tpu.memory_space<vmem>>, vector<16xi32>,
    %swap3A_59 = vector.shape_cast %swap3A_58 : vector<16xi32> to vector<16xi32>
    %swap3A_60 = vector.shape_cast %broadcast_in_dim3A_56 : vector<16xi32> to vector<16xi32>
    tpu.vector_store %arg8[%swap3A_57], %swap3A_60 {strides = array<i32>} : memref<352xi32, #tpu.memory_space<vmem>>, vector<16xi32>,
    %broadcast_in_dim3A_61 = arith.constant 0 : i32
    %broadcast_in_dim3A_62 = vector.broadcast %broadcast_in_dim3A_61 : i32 to vector<16xi32>
    %swap3A_63 = arith.constant 160 : index
    %swap3A_64 = tpu.vector_load %arg8[%swap3A_63] {strides = array<i32>} : memref<352xi32, #tpu.memory_space<vmem>>, vector<16xi32>,
    %swap3A_65 = vector.shape_cast %swap3A_64 : vector<16xi32> to vector<16xi32>
    %swap3A_66 = vector.shape_cast %broadcast_in_dim3A_62 : vector<16xi32> to vector<16xi32>
    tpu.vector_store %arg8[%swap3A_63], %swap3A_66 {strides = array<i32>} : memref<352xi32, #tpu.memory_space<vmem>>, vector<16xi32>,
    %broadcast_in_dim3A_67 = arith.constant 0 : i32
    %broadcast_in_dim3A_68 = vector.broadcast %broadcast_in_dim3A_67 : i32 to vector<16xi32>
    %swap3A_69 = arith.constant 176 : index
    %swap3A_70 = tpu.vector_load %arg8[%swap3A_69] {strides = array<i32>} : memref<352xi32, #tpu.memory_space<vmem>>, vector<16xi32>,
    %swap3A_71 = vector.shape_cast %swap3A_70 : vector<16xi32> to vector<16xi32>
    %swap3A_72 = vector.shape_cast %broadcast_in_dim3A_68 : vector<16xi32> to vector<16xi32>
    tpu.vector_store %arg8[%swap3A_69], %swap3A_72 {strides = array<i32>} : memref<352xi32, #tpu.memory_space<vmem>>, vector<16xi32>,
    %broadcast_in_dim3A_73 = arith.constant 0 : i32
    %broadcast_in_dim3A_74 = vector.broadcast %broadcast_in_dim3A_73 : i32 to vector<16xi32>
    %swap3A_75 = arith.constant 192 : index
    %swap3A_76 = tpu.vector_load %arg8[%swap3A_75] {strides = array<i32>} : memref<352xi32, #tpu.memory_space<vmem>>, vector<16xi32>,
    %swap3A_77 = vector.shape_cast %swap3A_76 : vector<16xi32> to vector<16xi32>
    %swap3A_78 = vector.shape_cast %broadcast_in_dim3A_74 : vector<16xi32> to vector<16xi32>
    tpu.vector_store %arg8[%swap3A_75], %swap3A_78 {strides = array<i32>} : memref<352xi32, #tpu.memory_space<vmem>>, vector<16xi32>,
    %broadcast_in_dim3A_79 = arith.constant 0 : i32
    %broadcast_in_dim3A_80 = vector.broadcast %broadcast_in_dim3A_79 : i32 to vector<16xi32>
    %swap3A_81 = arith.constant 208 : index
    %swap3A_82 = tpu.vector_load %arg8[%swap3A_81] {strides = array<i32>} : memref<352xi32, #tpu.memory_space<vmem>>, vector<16xi32>,
    %swap3A_83 = vector.shape_cast %swap3A_82 : vector<16xi32> to vector<16xi32>
    %swap3A_84 = vector.shape_cast %broadcast_in_dim3A_80 : vector<16xi32> to vector<16xi32>
    tpu.vector_store %arg8[%swap3A_81], %swap3A_84 {strides = array<i32>} : memref<352xi32, #tpu.memory_space<vmem>>, vector<16xi32>,
    %broadcast_in_dim3A_85 = arith.constant 0 : i32
    %broadcast_in_dim3A_86 = vector.broadcast %broadcast_in_dim3A_85 : i32 to vector<16xi32>
    %swap3A_87 = arith.constant 224 : index
    %swap3A_88 = tpu.vector_load %arg8[%swap3A_87] {strides = array<i32>} : memref<352xi32, #tpu.memory_space<vmem>>, vector<16xi32>,
    %swap3A_89 = vector.shape_cast %swap3A_88 : vector<16xi32> to vector<16xi32>
    %swap3A_90 = vector.shape_cast %broadcast_in_dim3A_86 : vector<16xi32> to vector<16xi32>
    tpu.vector_store %arg8[%swap3A_87], %swap3A_90 {strides = array<i32>} : memref<352xi32, #tpu.memory_space<vmem>>, vector<16xi32>,
    %broadcast_in_dim3A_91 = arith.constant 0 : i32
    %broadcast_in_dim3A_92 = vector.broadcast %broadcast_in_dim3A_91 : i32 to vector<16xi32>
    %swap3A_93 = arith.constant 240 : index
    %swap3A_94 = tpu.vector_load %arg8[%swap3A_93] {strides = array<i32>} : memref<352xi32, #tpu.memory_space<vmem>>, vector<16xi32>,
    %swap3A_95 = vector.shape_cast %swap3A_94 : vector<16xi32> to vector<16xi32>
    %swap3A_96 = vector.shape_cast %broadcast_in_dim3A_92 : vector<16xi32> to vector<16xi32>
    tpu.vector_store %arg8[%swap3A_93], %swap3A_96 {strides = array<i32>} : memref<352xi32, #tpu.memory_space<vmem>>, vector<16xi32>,
    %broadcast_in_dim3A_97 = arith.constant 0 : i32
    %broadcast_in_dim3A_98 = vector.broadcast %broadcast_in_dim3A_97 : i32 to vector<16xi32>
    %swap3A_99 = arith.constant 256 : index
    %swap3A_100 = tpu.vector_load %arg8[%swap3A_99] {strides = array<i32>} : memref<352xi32, #tpu.memory_space<vmem>>, vector<16xi32>,
    %swap3A_101 = vector.shape_cast %swap3A_100 : vector<16xi32> to vector<16xi32>
    %swap3A_102 = vector.shape_cast %broadcast_in_dim3A_98 : vector<16xi32> to vector<16xi32>
    tpu.vector_store %arg8[%swap3A_99], %swap3A_102 {strides = array<i32>} : memref<352xi32, #tpu.memory_space<vmem>>, vector<16xi32>,
    %broadcast_in_dim3A_103 = arith.constant 0 : i32
    %broadcast_in_dim3A_104 = vector.broadcast %broadcast_in_dim3A_103 : i32 to vector<16xi32>
    %swap3A_105 = arith.constant 272 : index
    %swap3A_106 = tpu.vector_load %arg8[%swap3A_105] {strides = array<i32>} : memref<352xi32, #tpu.memory_space<vmem>>, vector<16xi32>,
    %swap3A_107 = vector.shape_cast %swap3A_106 : vector<16xi32> to vector<16xi32>
    %swap3A_108 = vector.shape_cast %broadcast_in_dim3A_104 : vector<16xi32> to vector<16xi32>
    tpu.vector_store %arg8[%swap3A_105], %swap3A_108 {strides = array<i32>} : memref<352xi32, #tpu.memory_space<vmem>>, vector<16xi32>,
    %broadcast_in_dim3A_109 = arith.constant 0 : i32
    %broadcast_in_dim3A_110 = vector.broadcast %broadcast_in_dim3A_109 : i32 to vector<16xi32>
    %swap3A_111 = arith.constant 288 : index
    %swap3A_112 = tpu.vector_load %arg8[%swap3A_111] {strides = array<i32>} : memref<352xi32, #tpu.memory_space<vmem>>, vector<16xi32>,
    %swap3A_113 = vector.shape_cast %swap3A_112 : vector<16xi32> to vector<16xi32>
    %swap3A_114 = vector.shape_cast %broadcast_in_dim3A_110 : vector<16xi32> to vector<16xi32>
    tpu.vector_store %arg8[%swap3A_111], %swap3A_114 {strides = array<i32>} : memref<352xi32, #tpu.memory_space<vmem>>, vector<16xi32>,
    %broadcast_in_dim3A_115 = arith.constant 0 : i32
    %broadcast_in_dim3A_116 = vector.broadcast %broadcast_in_dim3A_115 : i32 to vector<16xi32>
    %swap3A_117 = arith.constant 304 : index
    %swap3A_118 = tpu.vector_load %arg8[%swap3A_117] {strides = array<i32>} : memref<352xi32, #tpu.memory_space<vmem>>, vector<16xi32>,
    %swap3A_119 = vector.shape_cast %swap3A_118 : vector<16xi32> to vector<16xi32>
    %swap3A_120 = vector.shape_cast %broadcast_in_dim3A_116 : vector<16xi32> to vector<16xi32>
    tpu.vector_store %arg8[%swap3A_117], %swap3A_120 {strides = array<i32>} : memref<352xi32, #tpu.memory_space<vmem>>, vector<16xi32>,
    %broadcast_in_dim3A_121 = arith.constant 0 : i32
    %broadcast_in_dim3A_122 = vector.broadcast %broadcast_in_dim3A_121 : i32 to vector<16xi32>
    %swap3A_123 = arith.constant 320 : index
    %swap3A_124 = tpu.vector_load %arg8[%swap3A_123] {strides = array<i32>} : memref<352xi32, #tpu.memory_space<vmem>>, vector<16xi32>,
    %swap3A_125 = vector.shape_cast %swap3A_124 : vector<16xi32> to vector<16xi32>
    %swap3A_126 = vector.shape_cast %broadcast_in_dim3A_122 : vector<16xi32> to vector<16xi32>
    tpu.vector_store %arg8[%swap3A_123], %swap3A_126 {strides = array<i32>} : memref<352xi32, #tpu.memory_space<vmem>>, vector<16xi32>,
    %broadcast_in_dim3A_127 = arith.constant 0 : i32
    %broadcast_in_dim3A_128 = vector.broadcast %broadcast_in_dim3A_127 : i32 to vector<16xi32>
    %swap3A_129 = arith.constant 336 : index
    %swap3A_130 = tpu.vector_load %arg8[%swap3A_129] {strides = array<i32>} : memref<352xi32, #tpu.memory_space<vmem>>, vector<16xi32>,
    %swap3A_131 = vector.shape_cast %swap3A_130 : vector<16xi32> to vector<16xi32>
    %swap3A_132 = vector.shape_cast %broadcast_in_dim3A_128 : vector<16xi32> to vector<16xi32>
    tpu.vector_store %arg8[%swap3A_129], %swap3A_132 {strides = array<i32>} : memref<352xi32, #tpu.memory_space<vmem>>, vector<16xi32>,
    %scan3A = arith.constant 0 : i32
    %scan3A_133 = arith.constant 0 : i32
    %scan3A_134 = arith.constant 352 : i32
    %scan3A_135 = arith.addi %scan3A_133, %scan3A_134 : i32
    %scan3A_136 = arith.constant 1 : i32
    %scan3A_137 = scf.for %scan3A_187 = %scan3A_133 to %scan3A_135 step %scan3A_136 iter_args(%scan3A_188 = %scan3A) -> (i32)  : i32 {
      %broadcast_in_dim3A_189 = arith.constant 0.000000e+00 : f32
      %broadcast_in_dim3A_190 = vector.broadcast %broadcast_in_dim3A_189 : f32 to vector<16xf32>
      %swap3A_191 = arith.index_cast %scan3A_187 : i32 to index
      %swap3A_192 = arith.constant 0 : index
      %swap3A_193 = tpu.vector_load %arg10[%swap3A_191, %swap3A_192] {strides = array<i32>} : memref<352x128xf32, #tpu.memory_space<vmem>>, vector<1x16xf32>,
      %swap3A_194 = vector.shape_cast %swap3A_193 : vector<1x16xf32> to vector<16xf32>
      %swap3A_195 = vector.shape_cast %broadcast_in_dim3A_190 : vector<16xf32> to vector<1x16xf32>
      tpu.vector_store %arg10[%swap3A_191, %swap3A_192], %swap3A_195 {strides = array<i32>} : memref<352x128xf32, #tpu.memory_space<vmem>>, vector<1x16xf32>,
      %broadcast_in_dim3A_196 = arith.constant 0.000000e+00 : f32
      %broadcast_in_dim3A_197 = vector.broadcast %broadcast_in_dim3A_196 : f32 to vector<16xf32>
      %swap3A_198 = arith.index_cast %scan3A_187 : i32 to index
      %swap3A_199 = arith.constant 16 : index
      %swap3A_200 = tpu.vector_load %arg10[%swap3A_198, %swap3A_199] {strides = array<i32>} : memref<352x128xf32, #tpu.memory_space<vmem>>, vector<1x16xf32>,
      %swap3A_201 = vector.shape_cast %swap3A_200 : vector<1x16xf32> to vector<16xf32>
      %swap3A_202 = vector.shape_cast %broadcast_in_dim3A_197 : vector<16xf32> to vector<1x16xf32>
      tpu.vector_store %arg10[%swap3A_198, %swap3A_199], %swap3A_202 {strides = array<i32>} : memref<352x128xf32, #tpu.memory_space<vmem>>, vector<1x16xf32>,
      %broadcast_in_dim3A_203 = arith.constant 0.000000e+00 : f32
      %broadcast_in_dim3A_204 = vector.broadcast %broadcast_in_dim3A_203 : f32 to vector<16xf32>
      %swap3A_205 = arith.index_cast %scan3A_187 : i32 to index
      %swap3A_206 = arith.constant 32 : index
      %swap3A_207 = tpu.vector_load %arg10[%swap3A_205, %swap3A_206] {strides = array<i32>} : memref<352x128xf32, #tpu.memory_space<vmem>>, vector<1x16xf32>,
      %swap3A_208 = vector.shape_cast %swap3A_207 : vector<1x16xf32> to vector<16xf32>
      %swap3A_209 = vector.shape_cast %broadcast_in_dim3A_204 : vector<16xf32> to vector<1x16xf32>
      tpu.vector_store %arg10[%swap3A_205, %swap3A_206], %swap3A_209 {strides = array<i32>} : memref<352x128xf32, #tpu.memory_space<vmem>>, vector<1x16xf32>,
      %broadcast_in_dim3A_210 = arith.constant 0.000000e+00 : f32
      %broadcast_in_dim3A_211 = vector.broadcast %broadcast_in_dim3A_210 : f32 to vector<16xf32>
      %swap3A_212 = arith.index_cast %scan3A_187 : i32 to index
      %swap3A_213 = arith.constant 48 : index
      %swap3A_214 = tpu.vector_load %arg10[%swap3A_212, %swap3A_213] {strides = array<i32>} : memref<352x128xf32, #tpu.memory_space<vmem>>, vector<1x16xf32>,
      %swap3A_215 = vector.shape_cast %swap3A_214 : vector<1x16xf32> to vector<16xf32>
      %swap3A_216 = vector.shape_cast %broadcast_in_dim3A_211 : vector<16xf32> to vector<1x16xf32>
      tpu.vector_store %arg10[%swap3A_212, %swap3A_213], %swap3A_216 {strides = array<i32>} : memref<352x128xf32, #tpu.memory_space<vmem>>, vector<1x16xf32>,
      %broadcast_in_dim3A_217 = arith.constant 0.000000e+00 : f32
      %broadcast_in_dim3A_218 = vector.broadcast %broadcast_in_dim3A_217 : f32 to vector<16xf32>
      %swap3A_219 = arith.index_cast %scan3A_187 : i32 to index
      %swap3A_220 = arith.constant 64 : index
      %swap3A_221 = tpu.vector_load %arg10[%swap3A_219, %swap3A_220] {strides = array<i32>} : memref<352x128xf32, #tpu.memory_space<vmem>>, vector<1x16xf32>,
      %swap3A_222 = vector.shape_cast %swap3A_221 : vector<1x16xf32> to vector<16xf32>
      %swap3A_223 = vector.shape_cast %broadcast_in_dim3A_218 : vector<16xf32> to vector<1x16xf32>
      tpu.vector_store %arg10[%swap3A_219, %swap3A_220], %swap3A_223 {strides = array<i32>} : memref<352x128xf32, #tpu.memory_space<vmem>>, vector<1x16xf32>,
      %broadcast_in_dim3A_224 = arith.constant 0.000000e+00 : f32
      %broadcast_in_dim3A_225 = vector.broadcast %broadcast_in_dim3A_224 : f32 to vector<16xf32>
      %swap3A_226 = arith.index_cast %scan3A_187 : i32 to index
      %swap3A_227 = arith.constant 80 : index
      %swap3A_228 = tpu.vector_load %arg10[%swap3A_226, %swap3A_227] {strides = array<i32>} : memref<352x128xf32, #tpu.memory_space<vmem>>, vector<1x16xf32>,
      %swap3A_229 = vector.shape_cast %swap3A_228 : vector<1x16xf32> to vector<16xf32>
      %swap3A_230 = vector.shape_cast %broadcast_in_dim3A_225 : vector<16xf32> to vector<1x16xf32>
      tpu.vector_store %arg10[%swap3A_226, %swap3A_227], %swap3A_230 {strides = array<i32>} : memref<352x128xf32, #tpu.memory_space<vmem>>, vector<1x16xf32>,
      %broadcast_in_dim3A_231 = arith.constant 0.000000e+00 : f32
      %broadcast_in_dim3A_232 = vector.broadcast %broadcast_in_dim3A_231 : f32 to vector<16xf32>
      %swap3A_233 = arith.index_cast %scan3A_187 : i32 to index
      %swap3A_234 = arith.constant 96 : index
      %swap3A_235 = tpu.vector_load %arg10[%swap3A_233, %swap3A_234] {strides = array<i32>} : memref<352x128xf32, #tpu.memory_space<vmem>>, vector<1x16xf32>,
      %swap3A_236 = vector.shape_cast %swap3A_235 : vector<1x16xf32> to vector<16xf32>
      %swap3A_237 = vector.shape_cast %broadcast_in_dim3A_232 : vector<16xf32> to vector<1x16xf32>
      tpu.vector_store %arg10[%swap3A_233, %swap3A_234], %swap3A_237 {strides = array<i32>} : memref<352x128xf32, #tpu.memory_space<vmem>>, vector<1x16xf32>,
      %broadcast_in_dim3A_238 = arith.constant 0.000000e+00 : f32
      %broadcast_in_dim3A_239 = vector.broadcast %broadcast_in_dim3A_238 : f32 to vector<16xf32>
      %swap3A_240 = arith.index_cast %scan3A_187 : i32 to index
      %swap3A_241 = arith.constant 112 : index
      %swap3A_242 = tpu.vector_load %arg10[%swap3A_240, %swap3A_241] {strides = array<i32>} : memref<352x128xf32, #tpu.memory_space<vmem>>, vector<1x16xf32>,
      %swap3A_243 = vector.shape_cast %swap3A_242 : vector<1x16xf32> to vector<16xf32>
      %swap3A_244 = vector.shape_cast %broadcast_in_dim3A_239 : vector<16xf32> to vector<1x16xf32>
      tpu.vector_store %arg10[%swap3A_240, %swap3A_241], %swap3A_244 {strides = array<i32>} : memref<352x128xf32, #tpu.memory_space<vmem>>, vector<1x16xf32>,
      %scan3A_245 = arith.constant 0 : i32
      scf.yield %scan3A_245 : i32
    }
    %scan3A_138 = arith.constant 352 : i32
    %mul3A_139 = arith.constant 320 : i32
    %mul3A_140 = arith.muli %arg1, %mul3A_139 : i32
    "tpu.region"() ({
      %run_scoped3A = tpu.sem_alloc : memref<!tpu.dma_semaphore, #tpu.memory_space<semaphore_mem>>
      %dma_start3A = arith.constant 0 : i32
      %dma_start3A_187 = arith.constant 0 : i32
      %dma_start3A_188 = tpu.memref_slice %arg10[%dma_start3A, %dma_start3A_187] : memref<352x128xf32, #tpu.memory_space<vmem>> -> memref<320x128xf32, #tpu.memory_space<vmem>>
      %dma_start3A_189 = arith.constant 0 : i32
      %dma_start3A_190 = tpu.memref_slice %arg11[%mul3A_140, %dma_start3A_189] : memref<5136x128xf32, #tpu.memory_space<vmem_shared>> -> memref<320x128xf32, #tpu.memory_space<vmem_shared>>
      %dma_start3A_191 = arith.constant 0 : i32
      %dma_start3A_192 = tpu.memref_slice %arg11[%mul3A_140, %dma_start3A_191] : memref<5136x128xf32, #tpu.memory_space<vmem_shared>> -> memref<320x128xf32, #tpu.memory_space<vmem_shared>>
      %dma_start3A_193 = arith.constant 0 : i32
      %dma_start3A_194 = arith.constant 0 : i32
      %dma_start3A_195 = tpu.memref_slice %arg10[%dma_start3A_193, %dma_start3A_194] : memref<352x128xf32, #tpu.memory_space<vmem>> -> memref<320x128xf32, #tpu.memory_space<vmem>>
      tpu.enqueue_dma source(%dma_start3A_195 : memref<320x128xf32, #tpu.memory_space<vmem>>) target(%dma_start3A_192 : memref<320x128xf32, #tpu.memory_space<vmem_shared>>) target_semaphore(%run_scoped3A : memref<!tpu.dma_semaphore, #tpu.memory_space<semaphore_mem>>)
      %dma_wait3A = arith.constant 0 : i32
      %dma_wait3A_196 = arith.constant 0 : i32
      %dma_wait3A_197 = tpu.memref_slice %arg10[%dma_wait3A, %dma_wait3A_196] : memref<352x128xf32, #tpu.memory_space<vmem>> -> memref<320x128xf32, #tpu.memory_space<vmem>>
      %dma_wait3A_198 = arith.constant 0 : i32
      %dma_wait3A_199 = tpu.memref_slice %arg11[%mul3A_140, %dma_wait3A_198] : memref<5136x128xf32, #tpu.memory_space<vmem_shared>> -> memref<320x128xf32, #tpu.memory_space<vmem_shared>>
      %dma_wait3A_200 = arith.constant 0 : i32
      %dma_wait3A_201 = tpu.memref_slice %arg11[%mul3A_140, %dma_wait3A_200] : memref<5136x128xf32, #tpu.memory_space<vmem_shared>> -> memref<320x128xf32, #tpu.memory_space<vmem_shared>>
      %dma_wait3A_202 = arith.constant 0 : i32
      %dma_wait3A_203 = arith.constant 0 : i32
      %dma_wait3A_204 = tpu.memref_slice %arg10[%dma_wait3A_202, %dma_wait3A_203] : memref<352x128xf32, #tpu.memory_space<vmem>> -> memref<320x128xf32, #tpu.memory_space<vmem>>
      tpu.wait_dma2 semaphore(%run_scoped3A : memref<!tpu.dma_semaphore, #tpu.memory_space<semaphore_mem>>) src(%dma_wait3A_204 : memref<320x128xf32, #tpu.memory_space<vmem>>) dst(%dma_wait3A_201 : memref<320x128xf32, #tpu.memory_space<vmem_shared>>)
      tpu.yield
    }) : () -> ()
    %eq3A = arith.constant 0 : i32
    %eq3A_141 = arith.cmpi eq, %arg1, %eq3A : i32
    %convert_element_type3A = arith.extui %eq3A_141 : i1 to i32
    %cond3A = arith.constant 0 : i32
    %cond3A_142 = arith.cmpi ne, %convert_element_type3A, %cond3A : i32
    scf.if %cond3A_142 {
      "tpu.region"() ({
        %run_scoped3A = tpu.sem_alloc : memref<!tpu.dma_semaphore, #tpu.memory_space<semaphore_mem>>
        %dma_start3A = arith.constant 0 : i32
        %dma_start3A_187 = arith.constant 0 : i32
        %dma_start3A_188 = tpu.memref_slice %arg10[%dma_start3A, %dma_start3A_187] : memref<352x128xf32, #tpu.memory_space<vmem>> -> memref<16x128xf32, #tpu.memory_space<vmem>>
        %dma_start3A_189 = arith.constant 5120 : i32
        %dma_start3A_190 = arith.constant 0 : i32
        %dma_start3A_191 = tpu.memref_slice %arg11[%dma_start3A_189, %dma_start3A_190] : memref<5136x128xf32, #tpu.memory_space<vmem_shared>> -> memref<16x128xf32, #tpu.memory_space<vmem_shared>>
        %dma_start3A_192 = arith.constant 5120 : i32
        %dma_start3A_193 = arith.constant 0 : i32
        %dma_start3A_194 = tpu.memref_slice %arg11[%dma_start3A_192, %dma_start3A_193] : memref<5136x128xf32, #tpu.memory_space<vmem_shared>> -> memref<16x128xf32, #tpu.memory_space<vmem_shared>>
        %dma_start3A_195 = arith.constant 0 : i32
        %dma_start3A_196 = arith.constant 0 : i32
        %dma_start3A_197 = tpu.memref_slice %arg10[%dma_start3A_195, %dma_start3A_196] : memref<352x128xf32, #tpu.memory_space<vmem>> -> memref<16x128xf32, #tpu.memory_space<vmem>>
        tpu.enqueue_dma source(%dma_start3A_197 : memref<16x128xf32, #tpu.memory_space<vmem>>) target(%dma_start3A_194 : memref<16x128xf32, #tpu.memory_space<vmem_shared>>) target_semaphore(%run_scoped3A : memref<!tpu.dma_semaphore, #tpu.memory_space<semaphore_mem>>)
        %dma_wait3A = arith.constant 0 : i32
        %dma_wait3A_198 = arith.constant 0 : i32
        %dma_wait3A_199 = tpu.memref_slice %arg10[%dma_wait3A, %dma_wait3A_198] : memref<352x128xf32, #tpu.memory_space<vmem>> -> memref<16x128xf32, #tpu.memory_space<vmem>>
        %dma_wait3A_200 = arith.constant 5120 : i32
        %dma_wait3A_201 = arith.constant 0 : i32
        %dma_wait3A_202 = tpu.memref_slice %arg11[%dma_wait3A_200, %dma_wait3A_201] : memref<5136x128xf32, #tpu.memory_space<vmem_shared>> -> memref<16x128xf32, #tpu.memory_space<vmem_shared>>
        %dma_wait3A_203 = arith.constant 5120 : i32
        %dma_wait3A_204 = arith.constant 0 : i32
        %dma_wait3A_205 = tpu.memref_slice %arg11[%dma_wait3A_203, %dma_wait3A_204] : memref<5136x128xf32, #tpu.memory_space<vmem_shared>> -> memref<16x128xf32, #tpu.memory_space<vmem_shared>>
        %dma_wait3A_206 = arith.constant 0 : i32
        %dma_wait3A_207 = arith.constant 0 : i32
        %dma_wait3A_208 = tpu.memref_slice %arg10[%dma_wait3A_206, %dma_wait3A_207] : memref<352x128xf32, #tpu.memory_space<vmem>> -> memref<16x128xf32, #tpu.memory_space<vmem>>
        tpu.wait_dma2 semaphore(%run_scoped3A : memref<!tpu.dma_semaphore, #tpu.memory_space<semaphore_mem>>) src(%dma_wait3A_208 : memref<16x128xf32, #tpu.memory_space<vmem>>) dst(%dma_wait3A_205 : memref<16x128xf32, #tpu.memory_space<vmem_shared>>)
        tpu.yield
      }) : () -> ()
    } else {
    }
    %barrier3A = arith.constant 0 : index
    tpu.barrier barrier_id(%barrier3A)
    %scan3A_143 = arith.constant 0 : i32
    %scan3A_144 = arith.constant 0 : i32
    %scan3A_145 = arith.constant 32 : i32
    %scan3A_146 = arith.addi %scan3A_144, %scan3A_145 : i32
    %scan3A_147 = arith.constant 1 : i32
    %scan3A_148 = scf.for %scan3A_187 = %scan3A_144 to %scan3A_146 step %scan3A_147 iter_args(%scan3A_188 = %scan3A_143) -> (i32)  : i32 {
      %mul3A_189 = arith.constant 352 : i32
      %mul3A_190 = arith.muli %scan3A_187, %mul3A_189 : i32
      %add3A_191 = arith.addi %mul3A_0, %mul3A_190 : i32
      "tpu.region"() ({
        %run_scoped3A = tpu.sem_alloc : memref<!tpu.dma_semaphore, #tpu.memory_space<semaphore_mem>>
        %dma_start3A_204 = tpu.memref_slice %arg2[%add3A_191] : memref<180224xi32, #tpu.memory_space<hbm>> -> memref<352xi32, #tpu.memory_space<hbm>>
        %dma_start3A_205 = tpu.memref_slice %arg2[%add3A_191] : memref<180224xi32, #tpu.memory_space<hbm>> -> memref<352xi32, #tpu.memory_space<hbm>>
        tpu.enqueue_dma source(%dma_start3A_205 : memref<352xi32, #tpu.memory_space<hbm>>) target(%arg6 : memref<352xi32, #tpu.memory_space<vmem>>) target_semaphore(%run_scoped3A : memref<!tpu.dma_semaphore, #tpu.memory_space<semaphore_mem>>)
        %dma_wait3A_206 = tpu.memref_slice %arg2[%add3A_191] : memref<180224xi32, #tpu.memory_space<hbm>> -> memref<352xi32, #tpu.memory_space<hbm>>
        %dma_wait3A_207 = tpu.memref_slice %arg2[%add3A_191] : memref<180224xi32, #tpu.memory_space<hbm>> -> memref<352xi32, #tpu.memory_space<hbm>>
        tpu.wait_dma2 semaphore(%run_scoped3A : memref<!tpu.dma_semaphore, #tpu.memory_space<semaphore_mem>>) src(%dma_wait3A_207 : memref<352xi32, #tpu.memory_space<hbm>>) dst(%arg6 : memref<352xi32, #tpu.memory_space<vmem>>)
        tpu.yield
      }) : () -> ()
      "tpu.region"() ({
        %run_scoped3A = tpu.sem_alloc : memref<!tpu.dma_semaphore, #tpu.memory_space<semaphore_mem>>
        %dma_start3A_204 = tpu.memref_slice %arg3[%add3A_191] : memref<180224xi32, #tpu.memory_space<hbm>> -> memref<352xi32, #tpu.memory_space<hbm>>
        %dma_start3A_205 = tpu.memref_slice %arg3[%add3A_191] : memref<180224xi32, #tpu.memory_space<hbm>> -> memref<352xi32, #tpu.memory_space<hbm>>
        tpu.enqueue_dma source(%dma_start3A_205 : memref<352xi32, #tpu.memory_space<hbm>>) target(%arg7 : memref<352xi32, #tpu.memory_space<vmem>>) target_semaphore(%run_scoped3A : memref<!tpu.dma_semaphore, #tpu.memory_space<semaphore_mem>>)
        %dma_wait3A_206 = tpu.memref_slice %arg3[%add3A_191] : memref<180224xi32, #tpu.memory_space<hbm>> -> memref<352xi32, #tpu.memory_space<hbm>>
        %dma_wait3A_207 = tpu.memref_slice %arg3[%add3A_191] : memref<180224xi32, #tpu.memory_space<hbm>> -> memref<352xi32, #tpu.memory_space<hbm>>
        tpu.wait_dma2 semaphore(%run_scoped3A : memref<!tpu.dma_semaphore, #tpu.memory_space<semaphore_mem>>) src(%dma_wait3A_207 : memref<352xi32, #tpu.memory_space<hbm>>) dst(%arg7 : memref<352xi32, #tpu.memory_space<vmem>>)
        tpu.yield
      }) : () -> ()
      %scan3A_192 = arith.constant 0 : i32
      %scan3A_193 = arith.constant 0 : i32
      %scan3A_194 = arith.constant 22 : i32
      %scan3A_195 = arith.addi %scan3A_193, %scan3A_194 : i32
      %scan3A_196 = arith.constant 1 : i32
      %scan3A_197 = scf.for %scan3A_204 = %scan3A_193 to %scan3A_195 step %scan3A_196 iter_args(%scan3A_205 = %scan3A_192) -> (i32)  : i32 {
        %mul3A_206 = arith.constant 16 : i32
        %mul3A_207 = arith.muli %scan3A_204, %mul3A_206 : i32
        %get3A = arith.index_cast %mul3A_207 : i32 to index
        %get3A_208 = tpu.vector_load %arg7[%get3A] {strides = array<i32>} : memref<352xi32, #tpu.memory_space<vmem>>, vector<16xi32>,
        %get3A_209 = vector.shape_cast %get3A_208 : vector<16xi32> to vector<16xi32>
        %mul3A_210 = arith.constant 16 : i32
        %mul3A_211 = arith.muli %scan3A_204, %mul3A_210 : i32
        %get3A_212 = arith.index_cast %mul3A_211 : i32 to index
        %get3A_213 = tpu.vector_load %arg6[%get3A_212] {strides = array<i32>} : memref<352xi32, #tpu.memory_space<vmem>>, vector<16xi32>,
        %get3A_214 = vector.shape_cast %get3A_213 : vector<16xi32> to vector<16xi32>
        %ge3A = arith.constant 0 : i32
        %ge3A_215 = vector.broadcast %ge3A : i32 to vector<16xi32>
        %ge3A_216 = arith.cmpi sge, %get3A_209, %ge3A_215 : vector<16xi32>
        %lt3A = arith.constant 5120 : i32
        %lt3A_217 = vector.broadcast %lt3A : i32 to vector<16xi32>
        %lt3A_218 = arith.cmpi slt, %get3A_209, %lt3A_217 : vector<16xi32>
        %and3A = arith.andi %ge3A_216, %lt3A_218 : vector<16xi1>
        %sub3A = arith.constant 0 : i32
        %sub3A_219 = vector.broadcast %sub3A : i32 to vector<16xi32>
        %sub3A_220 = arith.subi %get3A_209, %sub3A_219 : vector<16xi32>
        %broadcast_in_dim3A_221 = arith.constant 5120 : i32
        %broadcast_in_dim3A_222 = vector.broadcast %broadcast_in_dim3A_221 : i32 to vector<16xi32>
        %select_n3A = arith.select %and3A, %sub3A_220, %broadcast_in_dim3A_222 : vector<16xi1>, vector<16xi32>
        %mul3A_223 = arith.constant 16 : i32
        %mul3A_224 = arith.muli %scan3A_204, %mul3A_223 : i32
        %swap3A_225 = arith.index_cast %mul3A_224 : i32 to index
        %swap3A_226 = tpu.vector_load %arg9[%swap3A_225] {strides = array<i32>} : memref<352xi32, #tpu.memory_space<vmem>>, vector<16xi32>,
        %swap3A_227 = vector.shape_cast %swap3A_226 : vector<16xi32> to vector<16xi32>
        %swap3A_228 = vector.shape_cast %select_n3A : vector<16xi32> to vector<16xi32>
        tpu.vector_store %arg9[%swap3A_225], %swap3A_228 {strides = array<i32>} : memref<352xi32, #tpu.memory_space<vmem>>, vector<16xi32>,
        %add3A_229 = vector.broadcast %mul3A_2 : i32 to vector<16xi32>
        %add3A_230 = arith.addi %get3A_214, %add3A_229 : vector<16xi32>
        %mul3A_231 = arith.constant 16 : i32
        %mul3A_232 = arith.muli %scan3A_204, %mul3A_231 : i32
        %swap3A_233 = arith.index_cast %mul3A_232 : i32 to index
        %swap3A_234 = tpu.vector_load %arg8[%swap3A_233] {strides = array<i32>} : memref<352xi32, #tpu.memory_space<vmem>>, vector<16xi32>,
        %swap3A_235 = vector.shape_cast %swap3A_234 : vector<16xi32> to vector<16xi32>
        %swap3A_236 = vector.shape_cast %add3A_230 : vector<16xi32> to vector<16xi32>
        tpu.vector_store %arg8[%swap3A_233], %swap3A_236 {strides = array<i32>} : memref<352xi32, #tpu.memory_space<vmem>>, vector<16xi32>,
        %scan3A_237 = arith.constant 0 : i32
        scf.yield %scan3A_237 : i32
      }
      %scan3A_198 = arith.constant 22 : i32
      %dma_start3A = arith.constant 0 : i32
      %dma_start3A_199 = arith.constant 0 : i32
      %dma_start3A_200 = tpu.memref_slice %arg4[%dma_start3A, %dma_start3A_199] : memref<20480x128xf32, #tpu.memory_space<hbm>> -> memref<20480x128xf32, #tpu.memory_space<hbm>>
      tpu.enqueue_indirect_dma source(%dma_start3A_200 : memref<20480x128xf32, #tpu.memory_space<hbm>>) target(%arg10 : memref<352x128xf32, #tpu.memory_space<vmem>>) offsets(%arg8 : memref<352xi32, #tpu.memory_space<vmem>>) semaphore(%arg12 : memref<!tpu.dma_semaphore, #tpu.memory_space<semaphore_mem>>)
      %dma_wait3A = arith.constant 0 : i32
      %dma_wait3A_201 = arith.constant 0 : i32
      %dma_wait3A_202 = tpu.memref_slice %arg4[%dma_wait3A, %dma_wait3A_201] : memref<20480x128xf32, #tpu.memory_space<hbm>> -> memref<20480x128xf32, #tpu.memory_space<hbm>>
      tpu.wait_indirect_dma semaphore(%arg12 : memref<!tpu.dma_semaphore, #tpu.memory_space<semaphore_mem>>) src(%dma_wait3A_202 : memref<20480x128xf32, #tpu.memory_space<hbm>>) dst(%arg10 : memref<352x128xf32, #tpu.memory_space<vmem>>)
      "tpu.region"() ({
        %run_scoped3A = tpu.sem_alloc : memref<!tpu.dma_semaphore, #tpu.memory_space<semaphore_mem>>
        %dma_start3A_204 = arith.constant 0 : i32
        %dma_start3A_205 = arith.constant 0 : i32
        %dma_start3A_206 = tpu.memref_slice %arg11[%dma_start3A_204, %dma_start3A_205] : memref<5136x128xf32, #tpu.memory_space<vmem_shared>> -> memref<5136x128xf32, #tpu.memory_space<vmem_shared>>
        tpu.enqueue_indirect_dma source(%arg10 : memref<352x128xf32, #tpu.memory_space<vmem>>) target(%dma_start3A_206 : memref<5136x128xf32, #tpu.memory_space<vmem_shared>>) offsets(%arg9 : memref<352xi32, #tpu.memory_space<vmem>>) semaphore(%run_scoped3A : memref<!tpu.dma_semaphore, #tpu.memory_space<semaphore_mem>>) {add = true}
        %dma_wait3A_207 = arith.constant 0 : i32
        %dma_wait3A_208 = arith.constant 0 : i32
        %dma_wait3A_209 = tpu.memref_slice %arg11[%dma_wait3A_207, %dma_wait3A_208] : memref<5136x128xf32, #tpu.memory_space<vmem_shared>> -> memref<5136x128xf32, #tpu.memory_space<vmem_shared>>
        tpu.wait_indirect_dma semaphore(%run_scoped3A : memref<!tpu.dma_semaphore, #tpu.memory_space<semaphore_mem>>) src(%arg10 : memref<352x128xf32, #tpu.memory_space<vmem>>) dst(%dma_wait3A_209 : memref<5136x128xf32, #tpu.memory_space<vmem_shared>>)
        tpu.yield
      }) : () -> ()
      %scan3A_203 = arith.constant 0 : i32
      scf.yield %scan3A_203 : i32
    }
    %scan3A_149 = arith.constant 32 : i32
    %barrier3A_150 = arith.constant 0 : index
    tpu.barrier barrier_id(%barrier3A_150)
    %mul3A_151 = arith.constant 320 : i32
    %mul3A_152 = arith.muli %arg1, %mul3A_151 : i32
    %mul3A_153 = arith.constant 320 : i32
    %mul3A_154 = arith.muli %arg1, %mul3A_153 : i32
    %add3A = arith.constant 0 : i32
    %add3A_155 = arith.addi %add3A, %mul3A_154 : i32
    "tpu.region"() ({
      %run_scoped3A = tpu.sem_alloc : memref<!tpu.dma_semaphore, #tpu.memory_space<semaphore_mem>>
      %dma_start3A = arith.constant 0 : i32
      %dma_start3A_187 = tpu.memref_slice %arg5[%arg0, %add3A_155, %dma_start3A] : memref<2x10240x128xf32, #tpu.memory_space<hbm>> -> memref<1x320x128xf32, #tpu.memory_space<hbm>>
      %dma_start3A_188 = tpu.memref_squeeze %dma_start3A_187 : memref<1x320x128xf32, #tpu.memory_space<hbm>> -> memref<320x128xf32, #tpu.memory_space<hbm>>
      %dma_start3A_189 = arith.constant 0 : i32
      %dma_start3A_190 = tpu.memref_slice %arg11[%mul3A_152, %dma_start3A_189] : memref<5136x128xf32, #tpu.memory_space<vmem_shared>> -> memref<320x128xf32, #tpu.memory_space<vmem_shared>>
      tpu.enqueue_dma source(%dma_start3A_190 : memref<320x128xf32, #tpu.memory_space<vmem_shared>>) target(%dma_start3A_188 : memref<320x128xf32, #tpu.memory_space<hbm>>) target_semaphore(%run_scoped3A : memref<!tpu.dma_semaphore, #tpu.memory_space<semaphore_mem>>)
      %dma_wait3A = arith.constant 0 : i32
      %dma_wait3A_191 = tpu.memref_slice %arg5[%arg0, %add3A_155, %dma_wait3A] : memref<2x10240x128xf32, #tpu.memory_space<hbm>> -> memref<1x320x128xf32, #tpu.memory_space<hbm>>
      %dma_wait3A_192 = tpu.memref_squeeze %dma_wait3A_191 : memref<1x320x128xf32, #tpu.memory_space<hbm>> -> memref<320x128xf32, #tpu.memory_space<hbm>>
      %dma_wait3A_193 = arith.constant 0 : i32
      %dma_wait3A_194 = tpu.memref_slice %arg11[%mul3A_152, %dma_wait3A_193] : memref<5136x128xf32, #tpu.memory_space<vmem_shared>> -> memref<320x128xf32, #tpu.memory_space<vmem_shared>>
      tpu.wait_dma2 semaphore(%run_scoped3A : memref<!tpu.dma_semaphore, #tpu.memory_space<semaphore_mem>>) src(%dma_wait3A_194 : memref<320x128xf32, #tpu.memory_space<vmem_shared>>) dst(%dma_wait3A_192 : memref<320x128xf32, #tpu.memory_space<hbm>>)
      tpu.yield
    }) : () -> ()
    %barrier3A_156 = arith.constant 0 : index
    tpu.barrier barrier_id(%barrier3A_156)
    %scan3A_157 = arith.constant 0 : i32
    %scan3A_158 = arith.constant 0 : i32
    %scan3A_159 = arith.constant 352 : i32
    %scan3A_160 = arith.addi %scan3A_158, %scan3A_159 : i32
    %scan3A_161 = arith.constant 1 : i32
    %scan3A_162 = scf.for %scan3A_187 = %scan3A_158 to %scan3A_160 step %scan3A_161 iter_args(%scan3A_188 = %scan3A_157) -> (i32)  : i32 {
      %broadcast_in_dim3A_189 = arith.constant 0.000000e+00 : f32
      %broadcast_in_dim3A_190 = vector.broadcast %broadcast_in_dim3A_189 : f32 to vector<16xf32>
      %swap3A_191 = arith.index_cast %scan3A_187 : i32 to index
      %swap3A_192 = arith.constant 0 : index
      %swap3A_193 = tpu.vector_load %arg10[%swap3A_191, %swap3A_192] {strides = array<i32>} : memref<352x128xf32, #tpu.memory_space<vmem>>, vector<1x16xf32>,
      %swap3A_194 = vector.shape_cast %swap3A_193 : vector<1x16xf32> to vector<16xf32>
      %swap3A_195 = vector.shape_cast %broadcast_in_dim3A_190 : vector<16xf32> to vector<1x16xf32>
      tpu.vector_store %arg10[%swap3A_191, %swap3A_192], %swap3A_195 {strides = array<i32>} : memref<352x128xf32, #tpu.memory_space<vmem>>, vector<1x16xf32>,
      %broadcast_in_dim3A_196 = arith.constant 0.000000e+00 : f32
      %broadcast_in_dim3A_197 = vector.broadcast %broadcast_in_dim3A_196 : f32 to vector<16xf32>
      %swap3A_198 = arith.index_cast %scan3A_187 : i32 to index
      %swap3A_199 = arith.constant 16 : index
      %swap3A_200 = tpu.vector_load %arg10[%swap3A_198, %swap3A_199] {strides = array<i32>} : memref<352x128xf32, #tpu.memory_space<vmem>>, vector<1x16xf32>,
      %swap3A_201 = vector.shape_cast %swap3A_200 : vector<1x16xf32> to vector<16xf32>
      %swap3A_202 = vector.shape_cast %broadcast_in_dim3A_197 : vector<16xf32> to vector<1x16xf32>
      tpu.vector_store %arg10[%swap3A_198, %swap3A_199], %swap3A_202 {strides = array<i32>} : memref<352x128xf32, #tpu.memory_space<vmem>>, vector<1x16xf32>,
      %broadcast_in_dim3A_203 = arith.constant 0.000000e+00 : f32
      %broadcast_in_dim3A_204 = vector.broadcast %broadcast_in_dim3A_203 : f32 to vector<16xf32>
      %swap3A_205 = arith.index_cast %scan3A_187 : i32 to index
      %swap3A_206 = arith.constant 32 : index
      %swap3A_207 = tpu.vector_load %arg10[%swap3A_205, %swap3A_206] {strides = array<i32>} : memref<352x128xf32, #tpu.memory_space<vmem>>, vector<1x16xf32>,
      %swap3A_208 = vector.shape_cast %swap3A_207 : vector<1x16xf32> to vector<16xf32>
      %swap3A_209 = vector.shape_cast %broadcast_in_dim3A_204 : vector<16xf32> to vector<1x16xf32>
      tpu.vector_store %arg10[%swap3A_205, %swap3A_206], %swap3A_209 {strides = array<i32>} : memref<352x128xf32, #tpu.memory_space<vmem>>, vector<1x16xf32>,
      %broadcast_in_dim3A_210 = arith.constant 0.000000e+00 : f32
      %broadcast_in_dim3A_211 = vector.broadcast %broadcast_in_dim3A_210 : f32 to vector<16xf32>
      %swap3A_212 = arith.index_cast %scan3A_187 : i32 to index
      %swap3A_213 = arith.constant 48 : index
      %swap3A_214 = tpu.vector_load %arg10[%swap3A_212, %swap3A_213] {strides = array<i32>} : memref<352x128xf32, #tpu.memory_space<vmem>>, vector<1x16xf32>,
      %swap3A_215 = vector.shape_cast %swap3A_214 : vector<1x16xf32> to vector<16xf32>
      %swap3A_216 = vector.shape_cast %broadcast_in_dim3A_211 : vector<16xf32> to vector<1x16xf32>
      tpu.vector_store %arg10[%swap3A_212, %swap3A_213], %swap3A_216 {strides = array<i32>} : memref<352x128xf32, #tpu.memory_space<vmem>>, vector<1x16xf32>,
      %broadcast_in_dim3A_217 = arith.constant 0.000000e+00 : f32
      %broadcast_in_dim3A_218 = vector.broadcast %broadcast_in_dim3A_217 : f32 to vector<16xf32>
      %swap3A_219 = arith.index_cast %scan3A_187 : i32 to index
      %swap3A_220 = arith.constant 64 : index
      %swap3A_221 = tpu.vector_load %arg10[%swap3A_219, %swap3A_220] {strides = array<i32>} : memref<352x128xf32, #tpu.memory_space<vmem>>, vector<1x16xf32>,
      %swap3A_222 = vector.shape_cast %swap3A_221 : vector<1x16xf32> to vector<16xf32>
      %swap3A_223 = vector.shape_cast %broadcast_in_dim3A_218 : vector<16xf32> to vector<1x16xf32>
      tpu.vector_store %arg10[%swap3A_219, %swap3A_220], %swap3A_223 {strides = array<i32>} : memref<352x128xf32, #tpu.memory_space<vmem>>, vector<1x16xf32>,
      %broadcast_in_dim3A_224 = arith.constant 0.000000e+00 : f32
      %broadcast_in_dim3A_225 = vector.broadcast %broadcast_in_dim3A_224 : f32 to vector<16xf32>
      %swap3A_226 = arith.index_cast %scan3A_187 : i32 to index
      %swap3A_227 = arith.constant 80 : index
      %swap3A_228 = tpu.vector_load %arg10[%swap3A_226, %swap3A_227] {strides = array<i32>} : memref<352x128xf32, #tpu.memory_space<vmem>>, vector<1x16xf32>,
      %swap3A_229 = vector.shape_cast %swap3A_228 : vector<1x16xf32> to vector<16xf32>
      %swap3A_230 = vector.shape_cast %broadcast_in_dim3A_225 : vector<16xf32> to vector<1x16xf32>
      tpu.vector_store %arg10[%swap3A_226, %swap3A_227], %swap3A_230 {strides = array<i32>} : memref<352x128xf32, #tpu.memory_space<vmem>>, vector<1x16xf32>,
      %broadcast_in_dim3A_231 = arith.constant 0.000000e+00 : f32
      %broadcast_in_dim3A_232 = vector.broadcast %broadcast_in_dim3A_231 : f32 to vector<16xf32>
      %swap3A_233 = arith.index_cast %scan3A_187 : i32 to index
      %swap3A_234 = arith.constant 96 : index
      %swap3A_235 = tpu.vector_load %arg10[%swap3A_233, %swap3A_234] {strides = array<i32>} : memref<352x128xf32, #tpu.memory_space<vmem>>, vector<1x16xf32>,
      %swap3A_236 = vector.shape_cast %swap3A_235 : vector<1x16xf32> to vector<16xf32>
      %swap3A_237 = vector.shape_cast %broadcast_in_dim3A_232 : vector<16xf32> to vector<1x16xf32>
      tpu.vector_store %arg10[%swap3A_233, %swap3A_234], %swap3A_237 {strides = array<i32>} : memref<352x128xf32, #tpu.memory_space<vmem>>, vector<1x16xf32>,
      %broadcast_in_dim3A_238 = arith.constant 0.000000e+00 : f32
      %broadcast_in_dim3A_239 = vector.broadcast %broadcast_in_dim3A_238 : f32 to vector<16xf32>
      %swap3A_240 = arith.index_cast %scan3A_187 : i32 to index
      %swap3A_241 = arith.constant 112 : index
      %swap3A_242 = tpu.vector_load %arg10[%swap3A_240, %swap3A_241] {strides = array<i32>} : memref<352x128xf32, #tpu.memory_space<vmem>>, vector<1x16xf32>,
      %swap3A_243 = vector.shape_cast %swap3A_242 : vector<1x16xf32> to vector<16xf32>
      %swap3A_244 = vector.shape_cast %broadcast_in_dim3A_239 : vector<16xf32> to vector<1x16xf32>
      tpu.vector_store %arg10[%swap3A_240, %swap3A_241], %swap3A_244 {strides = array<i32>} : memref<352x128xf32, #tpu.memory_space<vmem>>, vector<1x16xf32>,
      %scan3A_245 = arith.constant 0 : i32
      scf.yield %scan3A_245 : i32
    }
    %scan3A_163 = arith.constant 352 : i32
    %mul3A_164 = arith.constant 320 : i32
    %mul3A_165 = arith.muli %arg1, %mul3A_164 : i32
    "tpu.region"() ({
      %run_scoped3A = tpu.sem_alloc : memref<!tpu.dma_semaphore, #tpu.memory_space<semaphore_mem>>
      %dma_start3A = arith.constant 0 : i32
      %dma_start3A_187 = arith.constant 0 : i32
      %dma_start3A_188 = tpu.memref_slice %arg10[%dma_start3A, %dma_start3A_187] : memref<352x128xf32, #tpu.memory_space<vmem>> -> memref<320x128xf32, #tpu.memory_space<vmem>>
      %dma_start3A_189 = arith.constant 0 : i32
      %dma_start3A_190 = tpu.memref_slice %arg11[%mul3A_165, %dma_start3A_189] : memref<5136x128xf32, #tpu.memory_space<vmem_shared>> -> memref<320x128xf32, #tpu.memory_space<vmem_shared>>
      %dma_start3A_191 = arith.constant 0 : i32
      %dma_start3A_192 = tpu.memref_slice %arg11[%mul3A_165, %dma_start3A_191] : memref<5136x128xf32, #tpu.memory_space<vmem_shared>> -> memref<320x128xf32, #tpu.memory_space<vmem_shared>>
      %dma_start3A_193 = arith.constant 0 : i32
      %dma_start3A_194 = arith.constant 0 : i32
      %dma_start3A_195 = tpu.memref_slice %arg10[%dma_start3A_193, %dma_start3A_194] : memref<352x128xf32, #tpu.memory_space<vmem>> -> memref<320x128xf32, #tpu.memory_space<vmem>>
      tpu.enqueue_dma source(%dma_start3A_195 : memref<320x128xf32, #tpu.memory_space<vmem>>) target(%dma_start3A_192 : memref<320x128xf32, #tpu.memory_space<vmem_shared>>) target_semaphore(%run_scoped3A : memref<!tpu.dma_semaphore, #tpu.memory_space<semaphore_mem>>)
      %dma_wait3A = arith.constant 0 : i32
      %dma_wait3A_196 = arith.constant 0 : i32
      %dma_wait3A_197 = tpu.memref_slice %arg10[%dma_wait3A, %dma_wait3A_196] : memref<352x128xf32, #tpu.memory_space<vmem>> -> memref<320x128xf32, #tpu.memory_space<vmem>>
      %dma_wait3A_198 = arith.constant 0 : i32
      %dma_wait3A_199 = tpu.memref_slice %arg11[%mul3A_165, %dma_wait3A_198] : memref<5136x128xf32, #tpu.memory_space<vmem_shared>> -> memref<320x128xf32, #tpu.memory_space<vmem_shared>>
      %dma_wait3A_200 = arith.constant 0 : i32
      %dma_wait3A_201 = tpu.memref_slice %arg11[%mul3A_165, %dma_wait3A_200] : memref<5136x128xf32, #tpu.memory_space<vmem_shared>> -> memref<320x128xf32, #tpu.memory_space<vmem_shared>>
      %dma_wait3A_202 = arith.constant 0 : i32
      %dma_wait3A_203 = arith.constant 0 : i32
      %dma_wait3A_204 = tpu.memref_slice %arg10[%dma_wait3A_202, %dma_wait3A_203] : memref<352x128xf32, #tpu.memory_space<vmem>> -> memref<320x128xf32, #tpu.memory_space<vmem>>
      tpu.wait_dma2 semaphore(%run_scoped3A : memref<!tpu.dma_semaphore, #tpu.memory_space<semaphore_mem>>) src(%dma_wait3A_204 : memref<320x128xf32, #tpu.memory_space<vmem>>) dst(%dma_wait3A_201 : memref<320x128xf32, #tpu.memory_space<vmem_shared>>)
      tpu.yield
    }) : () -> ()
    %eq3A_166 = arith.constant 0 : i32
    %eq3A_167 = arith.cmpi eq, %arg1, %eq3A_166 : i32
    %convert_element_type3A_168 = arith.extui %eq3A_167 : i1 to i32
    %cond3A_169 = arith.constant 0 : i32
    %cond3A_170 = arith.cmpi ne, %convert_element_type3A_168, %cond3A_169 : i32
    scf.if %cond3A_170 {
      "tpu.region"() ({
        %run_scoped3A = tpu.sem_alloc : memref<!tpu.dma_semaphore, #tpu.memory_space<semaphore_mem>>
        %dma_start3A = arith.constant 0 : i32
        %dma_start3A_187 = arith.constant 0 : i32
        %dma_start3A_188 = tpu.memref_slice %arg10[%dma_start3A, %dma_start3A_187] : memref<352x128xf32, #tpu.memory_space<vmem>> -> memref<16x128xf32, #tpu.memory_space<vmem>>
        %dma_start3A_189 = arith.constant 5120 : i32
        %dma_start3A_190 = arith.constant 0 : i32
        %dma_start3A_191 = tpu.memref_slice %arg11[%dma_start3A_189, %dma_start3A_190] : memref<5136x128xf32, #tpu.memory_space<vmem_shared>> -> memref<16x128xf32, #tpu.memory_space<vmem_shared>>
        %dma_start3A_192 = arith.constant 5120 : i32
        %dma_start3A_193 = arith.constant 0 : i32
        %dma_start3A_194 = tpu.memref_slice %arg11[%dma_start3A_192, %dma_start3A_193] : memref<5136x128xf32, #tpu.memory_space<vmem_shared>> -> memref<16x128xf32, #tpu.memory_space<vmem_shared>>
        %dma_start3A_195 = arith.constant 0 : i32
        %dma_start3A_196 = arith.constant 0 : i32
        %dma_start3A_197 = tpu.memref_slice %arg10[%dma_start3A_195, %dma_start3A_196] : memref<352x128xf32, #tpu.memory_space<vmem>> -> memref<16x128xf32, #tpu.memory_space<vmem>>
        tpu.enqueue_dma source(%dma_start3A_197 : memref<16x128xf32, #tpu.memory_space<vmem>>) target(%dma_start3A_194 : memref<16x128xf32, #tpu.memory_space<vmem_shared>>) target_semaphore(%run_scoped3A : memref<!tpu.dma_semaphore, #tpu.memory_space<semaphore_mem>>)
        %dma_wait3A = arith.constant 0 : i32
        %dma_wait3A_198 = arith.constant 0 : i32
        %dma_wait3A_199 = tpu.memref_slice %arg10[%dma_wait3A, %dma_wait3A_198] : memref<352x128xf32, #tpu.memory_space<vmem>> -> memref<16x128xf32, #tpu.memory_space<vmem>>
        %dma_wait3A_200 = arith.constant 5120 : i32
        %dma_wait3A_201 = arith.constant 0 : i32
        %dma_wait3A_202 = tpu.memref_slice %arg11[%dma_wait3A_200, %dma_wait3A_201] : memref<5136x128xf32, #tpu.memory_space<vmem_shared>> -> memref<16x128xf32, #tpu.memory_space<vmem_shared>>
        %dma_wait3A_203 = arith.constant 5120 : i32
        %dma_wait3A_204 = arith.constant 0 : i32
        %dma_wait3A_205 = tpu.memref_slice %arg11[%dma_wait3A_203, %dma_wait3A_204] : memref<5136x128xf32, #tpu.memory_space<vmem_shared>> -> memref<16x128xf32, #tpu.memory_space<vmem_shared>>
        %dma_wait3A_206 = arith.constant 0 : i32
        %dma_wait3A_207 = arith.constant 0 : i32
        %dma_wait3A_208 = tpu.memref_slice %arg10[%dma_wait3A_206, %dma_wait3A_207] : memref<352x128xf32, #tpu.memory_space<vmem>> -> memref<16x128xf32, #tpu.memory_space<vmem>>
        tpu.wait_dma2 semaphore(%run_scoped3A : memref<!tpu.dma_semaphore, #tpu.memory_space<semaphore_mem>>) src(%dma_wait3A_208 : memref<16x128xf32, #tpu.memory_space<vmem>>) dst(%dma_wait3A_205 : memref<16x128xf32, #tpu.memory_space<vmem_shared>>)
        tpu.yield
      }) : () -> ()
    } else {
    }
    %barrier3A_171 = arith.constant 0 : index
    tpu.barrier barrier_id(%barrier3A_171)
    %scan3A_172 = arith.constant 0 : i32
    %scan3A_173 = arith.constant 0 : i32
    %scan3A_174 = arith.constant 32 : i32
    %scan3A_175 = arith.addi %scan3A_173, %scan3A_174 : i32
    %scan3A_176 = arith.constant 1 : i32
    %scan3A_177 = scf.for %scan3A_187 = %scan3A_173 to %scan3A_175 step %scan3A_176 iter_args(%scan3A_188 = %scan3A_172) -> (i32)  : i32 {
      %mul3A_189 = arith.constant 352 : i32
      %mul3A_190 = arith.muli %scan3A_187, %mul3A_189 : i32
      %add3A_191 = arith.addi %mul3A_0, %mul3A_190 : i32
      "tpu.region"() ({
        %run_scoped3A = tpu.sem_alloc : memref<!tpu.dma_semaphore, #tpu.memory_space<semaphore_mem>>
        %dma_start3A_204 = tpu.memref_slice %arg2[%add3A_191] : memref<180224xi32, #tpu.memory_space<hbm>> -> memref<352xi32, #tpu.memory_space<hbm>>
        %dma_start3A_205 = tpu.memref_slice %arg2[%add3A_191] : memref<180224xi32, #tpu.memory_space<hbm>> -> memref<352xi32, #tpu.memory_space<hbm>>
        tpu.enqueue_dma source(%dma_start3A_205 : memref<352xi32, #tpu.memory_space<hbm>>) target(%arg6 : memref<352xi32, #tpu.memory_space<vmem>>) target_semaphore(%run_scoped3A : memref<!tpu.dma_semaphore, #tpu.memory_space<semaphore_mem>>)
        %dma_wait3A_206 = tpu.memref_slice %arg2[%add3A_191] : memref<180224xi32, #tpu.memory_space<hbm>> -> memref<352xi32, #tpu.memory_space<hbm>>
        %dma_wait3A_207 = tpu.memref_slice %arg2[%add3A_191] : memref<180224xi32, #tpu.memory_space<hbm>> -> memref<352xi32, #tpu.memory_space<hbm>>
        tpu.wait_dma2 semaphore(%run_scoped3A : memref<!tpu.dma_semaphore, #tpu.memory_space<semaphore_mem>>) src(%dma_wait3A_207 : memref<352xi32, #tpu.memory_space<hbm>>) dst(%arg6 : memref<352xi32, #tpu.memory_space<vmem>>)
        tpu.yield
      }) : () -> ()
      "tpu.region"() ({
        %run_scoped3A = tpu.sem_alloc : memref<!tpu.dma_semaphore, #tpu.memory_space<semaphore_mem>>
        %dma_start3A_204 = tpu.memref_slice %arg3[%add3A_191] : memref<180224xi32, #tpu.memory_space<hbm>> -> memref<352xi32, #tpu.memory_space<hbm>>
        %dma_start3A_205 = tpu.memref_slice %arg3[%add3A_191] : memref<180224xi32, #tpu.memory_space<hbm>> -> memref<352xi32, #tpu.memory_space<hbm>>
        tpu.enqueue_dma source(%dma_start3A_205 : memref<352xi32, #tpu.memory_space<hbm>>) target(%arg7 : memref<352xi32, #tpu.memory_space<vmem>>) target_semaphore(%run_scoped3A : memref<!tpu.dma_semaphore, #tpu.memory_space<semaphore_mem>>)
        %dma_wait3A_206 = tpu.memref_slice %arg3[%add3A_191] : memref<180224xi32, #tpu.memory_space<hbm>> -> memref<352xi32, #tpu.memory_space<hbm>>
        %dma_wait3A_207 = tpu.memref_slice %arg3[%add3A_191] : memref<180224xi32, #tpu.memory_space<hbm>> -> memref<352xi32, #tpu.memory_space<hbm>>
        tpu.wait_dma2 semaphore(%run_scoped3A : memref<!tpu.dma_semaphore, #tpu.memory_space<semaphore_mem>>) src(%dma_wait3A_207 : memref<352xi32, #tpu.memory_space<hbm>>) dst(%arg7 : memref<352xi32, #tpu.memory_space<vmem>>)
        tpu.yield
      }) : () -> ()
      %scan3A_192 = arith.constant 0 : i32
      %scan3A_193 = arith.constant 0 : i32
      %scan3A_194 = arith.constant 22 : i32
      %scan3A_195 = arith.addi %scan3A_193, %scan3A_194 : i32
      %scan3A_196 = arith.constant 1 : i32
      %scan3A_197 = scf.for %scan3A_204 = %scan3A_193 to %scan3A_195 step %scan3A_196 iter_args(%scan3A_205 = %scan3A_192) -> (i32)  : i32 {
        %mul3A_206 = arith.constant 16 : i32
        %mul3A_207 = arith.muli %scan3A_204, %mul3A_206 : i32
        %get3A = arith.index_cast %mul3A_207 : i32 to index
        %get3A_208 = tpu.vector_load %arg7[%get3A] {strides = array<i32>} : memref<352xi32, #tpu.memory_space<vmem>>, vector<16xi32>,
        %get3A_209 = vector.shape_cast %get3A_208 : vector<16xi32> to vector<16xi32>
        %mul3A_210 = arith.constant 16 : i32
        %mul3A_211 = arith.muli %scan3A_204, %mul3A_210 : i32
        %get3A_212 = arith.index_cast %mul3A_211 : i32 to index
        %get3A_213 = tpu.vector_load %arg6[%get3A_212] {strides = array<i32>} : memref<352xi32, #tpu.memory_space<vmem>>, vector<16xi32>,
        %get3A_214 = vector.shape_cast %get3A_213 : vector<16xi32> to vector<16xi32>
        %ge3A = arith.constant 5120 : i32
        %ge3A_215 = vector.broadcast %ge3A : i32 to vector<16xi32>
        %ge3A_216 = arith.cmpi sge, %get3A_209, %ge3A_215 : vector<16xi32>
        %lt3A = arith.constant 10240 : i32
        %lt3A_217 = vector.broadcast %lt3A : i32 to vector<16xi32>
        %lt3A_218 = arith.cmpi slt, %get3A_209, %lt3A_217 : vector<16xi32>
        %and3A = arith.andi %ge3A_216, %lt3A_218 : vector<16xi1>
        %sub3A = arith.constant 5120 : i32
        %sub3A_219 = vector.broadcast %sub3A : i32 to vector<16xi32>
        %sub3A_220 = arith.subi %get3A_209, %sub3A_219 : vector<16xi32>
        %broadcast_in_dim3A_221 = arith.constant 5120 : i32
        %broadcast_in_dim3A_222 = vector.broadcast %broadcast_in_dim3A_221 : i32 to vector<16xi32>
        %select_n3A = arith.select %and3A, %sub3A_220, %broadcast_in_dim3A_222 : vector<16xi1>, vector<16xi32>
        %mul3A_223 = arith.constant 16 : i32
        %mul3A_224 = arith.muli %scan3A_204, %mul3A_223 : i32
        %swap3A_225 = arith.index_cast %mul3A_224 : i32 to index
        %swap3A_226 = tpu.vector_load %arg9[%swap3A_225] {strides = array<i32>} : memref<352xi32, #tpu.memory_space<vmem>>, vector<16xi32>,
        %swap3A_227 = vector.shape_cast %swap3A_226 : vector<16xi32> to vector<16xi32>
        %swap3A_228 = vector.shape_cast %select_n3A : vector<16xi32> to vector<16xi32>
        tpu.vector_store %arg9[%swap3A_225], %swap3A_228 {strides = array<i32>} : memref<352xi32, #tpu.memory_space<vmem>>, vector<16xi32>,
        %add3A_229 = vector.broadcast %mul3A_2 : i32 to vector<16xi32>
        %add3A_230 = arith.addi %get3A_214, %add3A_229 : vector<16xi32>
        %mul3A_231 = arith.constant 16 : i32
        %mul3A_232 = arith.muli %scan3A_204, %mul3A_231 : i32
        %swap3A_233 = arith.index_cast %mul3A_232 : i32 to index
        %swap3A_234 = tpu.vector_load %arg8[%swap3A_233] {strides = array<i32>} : memref<352xi32, #tpu.memory_space<vmem>>, vector<16xi32>,
        %swap3A_235 = vector.shape_cast %swap3A_234 : vector<16xi32> to vector<16xi32>
        %swap3A_236 = vector.shape_cast %add3A_230 : vector<16xi32> to vector<16xi32>
        tpu.vector_store %arg8[%swap3A_233], %swap3A_236 {strides = array<i32>} : memref<352xi32, #tpu.memory_space<vmem>>, vector<16xi32>,
        %scan3A_237 = arith.constant 0 : i32
        scf.yield %scan3A_237 : i32
      }
      %scan3A_198 = arith.constant 22 : i32
      %dma_start3A = arith.constant 0 : i32
      %dma_start3A_199 = arith.constant 0 : i32
      %dma_start3A_200 = tpu.memref_slice %arg4[%dma_start3A, %dma_start3A_199] : memref<20480x128xf32, #tpu.memory_space<hbm>> -> memref<20480x128xf32, #tpu.memory_space<hbm>>
      tpu.enqueue_indirect_dma source(%dma_start3A_200 : memref<20480x128xf32, #tpu.memory_space<hbm>>) target(%arg10 : memref<352x128xf32, #tpu.memory_space<vmem>>) offsets(%arg8 : memref<352xi32, #tpu.memory_space<vmem>>) semaphore(%arg12 : memref<!tpu.dma_semaphore, #tpu.memory_space<semaphore_mem>>)
      %dma_wait3A = arith.constant 0 : i32
      %dma_wait3A_201 = arith.constant 0 : i32
      %dma_wait3A_202 = tpu.memref_slice %arg4[%dma_wait3A, %dma_wait3A_201] : memref<20480x128xf32, #tpu.memory_space<hbm>> -> memref<20480x128xf32, #tpu.memory_space<hbm>>
      tpu.wait_indirect_dma semaphore(%arg12 : memref<!tpu.dma_semaphore, #tpu.memory_space<semaphore_mem>>) src(%dma_wait3A_202 : memref<20480x128xf32, #tpu.memory_space<hbm>>) dst(%arg10 : memref<352x128xf32, #tpu.memory_space<vmem>>)
      "tpu.region"() ({
        %run_scoped3A = tpu.sem_alloc : memref<!tpu.dma_semaphore, #tpu.memory_space<semaphore_mem>>
        %dma_start3A_204 = arith.constant 0 : i32
        %dma_start3A_205 = arith.constant 0 : i32
        %dma_start3A_206 = tpu.memref_slice %arg11[%dma_start3A_204, %dma_start3A_205] : memref<5136x128xf32, #tpu.memory_space<vmem_shared>> -> memref<5136x128xf32, #tpu.memory_space<vmem_shared>>
        tpu.enqueue_indirect_dma source(%arg10 : memref<352x128xf32, #tpu.memory_space<vmem>>) target(%dma_start3A_206 : memref<5136x128xf32, #tpu.memory_space<vmem_shared>>) offsets(%arg9 : memref<352xi32, #tpu.memory_space<vmem>>) semaphore(%run_scoped3A : memref<!tpu.dma_semaphore, #tpu.memory_space<semaphore_mem>>) {add = true}
        %dma_wait3A_207 = arith.constant 0 : i32
        %dma_wait3A_208 = arith.constant 0 : i32
        %dma_wait3A_209 = tpu.memref_slice %arg11[%dma_wait3A_207, %dma_wait3A_208] : memref<5136x128xf32, #tpu.memory_space<vmem_shared>> -> memref<5136x128xf32, #tpu.memory_space<vmem_shared>>
        tpu.wait_indirect_dma semaphore(%run_scoped3A : memref<!tpu.dma_semaphore, #tpu.memory_space<semaphore_mem>>) src(%arg10 : memref<352x128xf32, #tpu.memory_space<vmem>>) dst(%dma_wait3A_209 : memref<5136x128xf32, #tpu.memory_space<vmem_shared>>)
        tpu.yield
      }) : () -> ()
      %scan3A_203 = arith.constant 0 : i32
      scf.yield %scan3A_203 : i32
    }
    %scan3A_178 = arith.constant 32 : i32
    %barrier3A_179 = arith.constant 0 : index
    tpu.barrier barrier_id(%barrier3A_179)
    %mul3A_180 = arith.constant 320 : i32
    %mul3A_181 = arith.muli %arg1, %mul3A_180 : i32
    %mul3A_182 = arith.constant 320 : i32
    %mul3A_183 = arith.muli %arg1, %mul3A_182 : i32
    %add3A_184 = arith.constant 5120 : i32
    %add3A_185 = arith.addi %add3A_184, %mul3A_183 : i32
    "tpu.region"() ({
      %run_scoped3A = tpu.sem_alloc : memref<!tpu.dma_semaphore, #tpu.memory_space<semaphore_mem>>
      %dma_start3A = arith.constant 0 : i32
      %dma_start3A_187 = tpu.memref_slice %arg5[%arg0, %add3A_185, %dma_start3A] : memref<2x10240x128xf32, #tpu.memory_space<hbm>> -> memref<1x320x128xf32, #tpu.memory_space<hbm>>
      %dma_start3A_188 = tpu.memref_squeeze %dma_start3A_187 : memref<1x320x128xf32, #tpu.memory_space<hbm>> -> memref<320x128xf32, #tpu.memory_space<hbm>>
      %dma_start3A_189 = arith.constant 0 : i32
      %dma_start3A_190 = tpu.memref_slice %arg11[%mul3A_181, %dma_start3A_189] : memref<5136x128xf32, #tpu.memory_space<vmem_shared>> -> memref<320x128xf32, #tpu.memory_space<vmem_shared>>
      tpu.enqueue_dma source(%dma_start3A_190 : memref<320x128xf32, #tpu.memory_space<vmem_shared>>) target(%dma_start3A_188 : memref<320x128xf32, #tpu.memory_space<hbm>>) target_semaphore(%run_scoped3A : memref<!tpu.dma_semaphore, #tpu.memory_space<semaphore_mem>>)
      %dma_wait3A = arith.constant 0 : i32
      %dma_wait3A_191 = tpu.memref_slice %arg5[%arg0, %add3A_185, %dma_wait3A] : memref<2x10240x128xf32, #tpu.memory_space<hbm>> -> memref<1x320x128xf32, #tpu.memory_space<hbm>>
      %dma_wait3A_192 = tpu.memref_squeeze %dma_wait3A_191 : memref<1x320x128xf32, #tpu.memory_space<hbm>> -> memref<320x128xf32, #tpu.memory_space<hbm>>
      %dma_wait3A_193 = arith.constant 0 : i32
      %dma_wait3A_194 = tpu.memref_slice %arg11[%mul3A_181, %dma_wait3A_193] : memref<5136x128xf32, #tpu.memory_space<vmem_shared>> -> memref<320x128xf32, #tpu.memory_space<vmem_shared>>
      tpu.wait_dma2 semaphore(%run_scoped3A : memref<!tpu.dma_semaphore, #tpu.memory_space<semaphore_mem>>) src(%dma_wait3A_194 : memref<320x128xf32, #tpu.memory_space<vmem_shared>>) dst(%dma_wait3A_192 : memref<320x128xf32, #tpu.memory_space<hbm>>)
      tpu.yield
    }) : () -> ()
    %barrier3A_186 = arith.constant 0 : index
    tpu.barrier barrier_id(%barrier3A_186)
    return
  }
}

#map = affine_map<(d0, d1) -> (0)>
#map1 = affine_map<(d0, d1) -> (0, 0)>
#map2 = affine_map<(d0, d1) -> (0, 0, 0)>
module attributes {stable_mosaic.version = 14 : i64} {
  func.func @_agg_body(%arg0: i32, %arg1: i32, %arg2: memref<180224xi32, #tpu.memory_space<hbm>>, %arg3: memref<180224xi32, #tpu.memory_space<hbm>>, %arg4: memref<20480x128xf32, #tpu.memory_space<hbm>>, %arg5: memref<2x10240x128xf32, #tpu.memory_space<hbm>>, %arg6: memref<352xi32, #tpu.memory_space<vmem>>, %arg7: memref<352xi32, #tpu.memory_space<vmem>>, %arg8: memref<352xi32, #tpu.memory_space<vmem>>, %arg9: memref<352xi32, #tpu.memory_space<vmem>>, %arg10: memref<352x128xf32, #tpu.memory_space<vmem>>, %arg11: memref<5136x128xf32, #tpu.memory_space<vmem_shared>>, %arg12: memref<!tpu.dma_semaphore, #tpu.memory_space<semaphore_mem>>) attributes {dimension_semantics = [#tpu.dimension_semantics<core_parallel>, #tpu.dimension_semantics<subcore_parallel>], iteration_bounds = array<i64: 2, 16>, scalar_prefetch = 0 : i64, scratch_operands = 7 : i64, tpu.core_type = #tpu.core_type<sc_vector_subcore>, window_params = [{transform_indices = #map}, {transform_indices = #map}, {transform_indices = #map1}, {transform_indices = #map2}]} {
    %mul3A = arith.constant 11264 : i32
    %mul3A_0 = arith.muli %arg1, %mul3A : i32
    %mul3A_1 = arith.constant 10240 : i32
    %mul3A_2 = arith.muli %arg0, %mul3A_1 : i32
    %broadcast_in_dim3A = arith.constant 0 : i32
    %broadcast_in_dim3A_3 = vector.broadcast %broadcast_in_dim3A : i32 to vector<16xi32>
    %swap3A = arith.constant 0 : index
    %swap3A_4 = tpu.vector_load %arg8[%swap3A] {strides = array<i32>} : memref<352xi32, #tpu.memory_space<vmem>>, vector<16xi32>,
    %swap3A_5 = vector.shape_cast %swap3A_4 : vector<16xi32> to vector<16xi32>
    %swap3A_6 = vector.shape_cast %broadcast_in_dim3A_3 : vector<16xi32> to vector<16xi32>
    tpu.vector_store %arg8[%swap3A], %swap3A_6 {strides = array<i32>} : memref<352xi32, #tpu.memory_space<vmem>>, vector<16xi32>,
    %broadcast_in_dim3A_7 = arith.constant 0 : i32
    %broadcast_in_dim3A_8 = vector.broadcast %broadcast_in_dim3A_7 : i32 to vector<16xi32>
    %swap3A_9 = arith.constant 16 : index
    %swap3A_10 = tpu.vector_load %arg8[%swap3A_9] {strides = array<i32>} : memref<352xi32, #tpu.memory_space<vmem>>, vector<16xi32>,
    %swap3A_11 = vector.shape_cast %swap3A_10 : vector<16xi32> to vector<16xi32>
    %swap3A_12 = vector.shape_cast %broadcast_in_dim3A_8 : vector<16xi32> to vector<16xi32>
    tpu.vector_store %arg8[%swap3A_9], %swap3A_12 {strides = array<i32>} : memref<352xi32, #tpu.memory_space<vmem>>, vector<16xi32>,
    %broadcast_in_dim3A_13 = arith.constant 0 : i32
    %broadcast_in_dim3A_14 = vector.broadcast %broadcast_in_dim3A_13 : i32 to vector<16xi32>
    %swap3A_15 = arith.constant 32 : index
    %swap3A_16 = tpu.vector_load %arg8[%swap3A_15] {strides = array<i32>} : memref<352xi32, #tpu.memory_space<vmem>>, vector<16xi32>,
    %swap3A_17 = vector.shape_cast %swap3A_16 : vector<16xi32> to vector<16xi32>
    %swap3A_18 = vector.shape_cast %broadcast_in_dim3A_14 : vector<16xi32> to vector<16xi32>
    tpu.vector_store %arg8[%swap3A_15], %swap3A_18 {strides = array<i32>} : memref<352xi32, #tpu.memory_space<vmem>>, vector<16xi32>,
    %broadcast_in_dim3A_19 = arith.constant 0 : i32
    %broadcast_in_dim3A_20 = vector.broadcast %broadcast_in_dim3A_19 : i32 to vector<16xi32>
    %swap3A_21 = arith.constant 48 : index
    %swap3A_22 = tpu.vector_load %arg8[%swap3A_21] {strides = array<i32>} : memref<352xi32, #tpu.memory_space<vmem>>, vector<16xi32>,
    %swap3A_23 = vector.shape_cast %swap3A_22 : vector<16xi32> to vector<16xi32>
    %swap3A_24 = vector.shape_cast %broadcast_in_dim3A_20 : vector<16xi32> to vector<16xi32>
    tpu.vector_store %arg8[%swap3A_21], %swap3A_24 {strides = array<i32>} : memref<352xi32, #tpu.memory_space<vmem>>, vector<16xi32>,
    %broadcast_in_dim3A_25 = arith.constant 0 : i32
    %broadcast_in_dim3A_26 = vector.broadcast %broadcast_in_dim3A_25 : i32 to vector<16xi32>
    %swap3A_27 = arith.constant 64 : index
    %swap3A_28 = tpu.vector_load %arg8[%swap3A_27] {strides = array<i32>} : memref<352xi32, #tpu.memory_space<vmem>>, vector<16xi32>,
    %swap3A_29 = vector.shape_cast %swap3A_28 : vector<16xi32> to vector<16xi32>
    %swap3A_30 = vector.shape_cast %broadcast_in_dim3A_26 : vector<16xi32> to vector<16xi32>
    tpu.vector_store %arg8[%swap3A_27], %swap3A_30 {strides = array<i32>} : memref<352xi32, #tpu.memory_space<vmem>>, vector<16xi32>,
    %broadcast_in_dim3A_31 = arith.constant 0 : i32
    %broadcast_in_dim3A_32 = vector.broadcast %broadcast_in_dim3A_31 : i32 to vector<16xi32>
    %swap3A_33 = arith.constant 80 : index
    %swap3A_34 = tpu.vector_load %arg8[%swap3A_33] {strides = array<i32>} : memref<352xi32, #tpu.memory_space<vmem>>, vector<16xi32>,
    %swap3A_35 = vector.shape_cast %swap3A_34 : vector<16xi32> to vector<16xi32>
    %swap3A_36 = vector.shape_cast %broadcast_in_dim3A_32 : vector<16xi32> to vector<16xi32>
    tpu.vector_store %arg8[%swap3A_33], %swap3A_36 {strides = array<i32>} : memref<352xi32, #tpu.memory_space<vmem>>, vector<16xi32>,
    %broadcast_in_dim3A_37 = arith.constant 0 : i32
    %broadcast_in_dim3A_38 = vector.broadcast %broadcast_in_dim3A_37 : i32 to vector<16xi32>
    %swap3A_39 = arith.constant 96 : index
    %swap3A_40 = tpu.vector_load %arg8[%swap3A_39] {strides = array<i32>} : memref<352xi32, #tpu.memory_space<vmem>>, vector<16xi32>,
    %swap3A_41 = vector.shape_cast %swap3A_40 : vector<16xi32> to vector<16xi32>
    %swap3A_42 = vector.shape_cast %broadcast_in_dim3A_38 : vector<16xi32> to vector<16xi32>
    tpu.vector_store %arg8[%swap3A_39], %swap3A_42 {strides = array<i32>} : memref<352xi32, #tpu.memory_space<vmem>>, vector<16xi32>,
    %broadcast_in_dim3A_43 = arith.constant 0 : i32
    %broadcast_in_dim3A_44 = vector.broadcast %broadcast_in_dim3A_43 : i32 to vector<16xi32>
    %swap3A_45 = arith.constant 112 : index
    %swap3A_46 = tpu.vector_load %arg8[%swap3A_45] {strides = array<i32>} : memref<352xi32, #tpu.memory_space<vmem>>, vector<16xi32>,
    %swap3A_47 = vector.shape_cast %swap3A_46 : vector<16xi32> to vector<16xi32>
    %swap3A_48 = vector.shape_cast %broadcast_in_dim3A_44 : vector<16xi32> to vector<16xi32>
    tpu.vector_store %arg8[%swap3A_45], %swap3A_48 {strides = array<i32>} : memref<352xi32, #tpu.memory_space<vmem>>, vector<16xi32>,
    %broadcast_in_dim3A_49 = arith.constant 0 : i32
    %broadcast_in_dim3A_50 = vector.broadcast %broadcast_in_dim3A_49 : i32 to vector<16xi32>
    %swap3A_51 = arith.constant 128 : index
    %swap3A_52 = tpu.vector_load %arg8[%swap3A_51] {strides = array<i32>} : memref<352xi32, #tpu.memory_space<vmem>>, vector<16xi32>,
    %swap3A_53 = vector.shape_cast %swap3A_52 : vector<16xi32> to vector<16xi32>
    %swap3A_54 = vector.shape_cast %broadcast_in_dim3A_50 : vector<16xi32> to vector<16xi32>
    tpu.vector_store %arg8[%swap3A_51], %swap3A_54 {strides = array<i32>} : memref<352xi32, #tpu.memory_space<vmem>>, vector<16xi32>,
    %broadcast_in_dim3A_55 = arith.constant 0 : i32
    %broadcast_in_dim3A_56 = vector.broadcast %broadcast_in_dim3A_55 : i32 to vector<16xi32>
    %swap3A_57 = arith.constant 144 : index
    %swap3A_58 = tpu.vector_load %arg8[%swap3A_57] {strides = array<i32>} : memref<352xi32, #tpu.memory_space<vmem>>, vector<16xi32>,
    %swap3A_59 = vector.shape_cast %swap3A_58 : vector<16xi32> to vector<16xi32>
    %swap3A_60 = vector.shape_cast %broadcast_in_dim3A_56 : vector<16xi32> to vector<16xi32>
    tpu.vector_store %arg8[%swap3A_57], %swap3A_60 {strides = array<i32>} : memref<352xi32, #tpu.memory_space<vmem>>, vector<16xi32>,
    %broadcast_in_dim3A_61 = arith.constant 0 : i32
    %broadcast_in_dim3A_62 = vector.broadcast %broadcast_in_dim3A_61 : i32 to vector<16xi32>
    %swap3A_63 = arith.constant 160 : index
    %swap3A_64 = tpu.vector_load %arg8[%swap3A_63] {strides = array<i32>} : memref<352xi32, #tpu.memory_space<vmem>>, vector<16xi32>,
    %swap3A_65 = vector.shape_cast %swap3A_64 : vector<16xi32> to vector<16xi32>
    %swap3A_66 = vector.shape_cast %broadcast_in_dim3A_62 : vector<16xi32> to vector<16xi32>
    tpu.vector_store %arg8[%swap3A_63], %swap3A_66 {strides = array<i32>} : memref<352xi32, #tpu.memory_space<vmem>>, vector<16xi32>,
    %broadcast_in_dim3A_67 = arith.constant 0 : i32
    %broadcast_in_dim3A_68 = vector.broadcast %broadcast_in_dim3A_67 : i32 to vector<16xi32>
    %swap3A_69 = arith.constant 176 : index
    %swap3A_70 = tpu.vector_load %arg8[%swap3A_69] {strides = array<i32>} : memref<352xi32, #tpu.memory_space<vmem>>, vector<16xi32>,
    %swap3A_71 = vector.shape_cast %swap3A_70 : vector<16xi32> to vector<16xi32>
    %swap3A_72 = vector.shape_cast %broadcast_in_dim3A_68 : vector<16xi32> to vector<16xi32>
    tpu.vector_store %arg8[%swap3A_69], %swap3A_72 {strides = array<i32>} : memref<352xi32, #tpu.memory_space<vmem>>, vector<16xi32>,
    %broadcast_in_dim3A_73 = arith.constant 0 : i32
    %broadcast_in_dim3A_74 = vector.broadcast %broadcast_in_dim3A_73 : i32 to vector<16xi32>
    %swap3A_75 = arith.constant 192 : index
    %swap3A_76 = tpu.vector_load %arg8[%swap3A_75] {strides = array<i32>} : memref<352xi32, #tpu.memory_space<vmem>>, vector<16xi32>,
    %swap3A_77 = vector.shape_cast %swap3A_76 : vector<16xi32> to vector<16xi32>
    %swap3A_78 = vector.shape_cast %broadcast_in_dim3A_74 : vector<16xi32> to vector<16xi32>
    tpu.vector_store %arg8[%swap3A_75], %swap3A_78 {strides = array<i32>} : memref<352xi32, #tpu.memory_space<vmem>>, vector<16xi32>,
    %broadcast_in_dim3A_79 = arith.constant 0 : i32
    %broadcast_in_dim3A_80 = vector.broadcast %broadcast_in_dim3A_79 : i32 to vector<16xi32>
    %swap3A_81 = arith.constant 208 : index
    %swap3A_82 = tpu.vector_load %arg8[%swap3A_81] {strides = array<i32>} : memref<352xi32, #tpu.memory_space<vmem>>, vector<16xi32>,
    %swap3A_83 = vector.shape_cast %swap3A_82 : vector<16xi32> to vector<16xi32>
    %swap3A_84 = vector.shape_cast %broadcast_in_dim3A_80 : vector<16xi32> to vector<16xi32>
    tpu.vector_store %arg8[%swap3A_81], %swap3A_84 {strides = array<i32>} : memref<352xi32, #tpu.memory_space<vmem>>, vector<16xi32>,
    %broadcast_in_dim3A_85 = arith.constant 0 : i32
    %broadcast_in_dim3A_86 = vector.broadcast %broadcast_in_dim3A_85 : i32 to vector<16xi32>
    %swap3A_87 = arith.constant 224 : index
    %swap3A_88 = tpu.vector_load %arg8[%swap3A_87] {strides = array<i32>} : memref<352xi32, #tpu.memory_space<vmem>>, vector<16xi32>,
    %swap3A_89 = vector.shape_cast %swap3A_88 : vector<16xi32> to vector<16xi32>
    %swap3A_90 = vector.shape_cast %broadcast_in_dim3A_86 : vector<16xi32> to vector<16xi32>
    tpu.vector_store %arg8[%swap3A_87], %swap3A_90 {strides = array<i32>} : memref<352xi32, #tpu.memory_space<vmem>>, vector<16xi32>,
    %broadcast_in_dim3A_91 = arith.constant 0 : i32
    %broadcast_in_dim3A_92 = vector.broadcast %broadcast_in_dim3A_91 : i32 to vector<16xi32>
    %swap3A_93 = arith.constant 240 : index
    %swap3A_94 = tpu.vector_load %arg8[%swap3A_93] {strides = array<i32>} : memref<352xi32, #tpu.memory_space<vmem>>, vector<16xi32>,
    %swap3A_95 = vector.shape_cast %swap3A_94 : vector<16xi32> to vector<16xi32>
    %swap3A_96 = vector.shape_cast %broadcast_in_dim3A_92 : vector<16xi32> to vector<16xi32>
    tpu.vector_store %arg8[%swap3A_93], %swap3A_96 {strides = array<i32>} : memref<352xi32, #tpu.memory_space<vmem>>, vector<16xi32>,
    %broadcast_in_dim3A_97 = arith.constant 0 : i32
    %broadcast_in_dim3A_98 = vector.broadcast %broadcast_in_dim3A_97 : i32 to vector<16xi32>
    %swap3A_99 = arith.constant 256 : index
    %swap3A_100 = tpu.vector_load %arg8[%swap3A_99] {strides = array<i32>} : memref<352xi32, #tpu.memory_space<vmem>>, vector<16xi32>,
    %swap3A_101 = vector.shape_cast %swap3A_100 : vector<16xi32> to vector<16xi32>
    %swap3A_102 = vector.shape_cast %broadcast_in_dim3A_98 : vector<16xi32> to vector<16xi32>
    tpu.vector_store %arg8[%swap3A_99], %swap3A_102 {strides = array<i32>} : memref<352xi32, #tpu.memory_space<vmem>>, vector<16xi32>,
    %broadcast_in_dim3A_103 = arith.constant 0 : i32
    %broadcast_in_dim3A_104 = vector.broadcast %broadcast_in_dim3A_103 : i32 to vector<16xi32>
    %swap3A_105 = arith.constant 272 : index
    %swap3A_106 = tpu.vector_load %arg8[%swap3A_105] {strides = array<i32>} : memref<352xi32, #tpu.memory_space<vmem>>, vector<16xi32>,
    %swap3A_107 = vector.shape_cast %swap3A_106 : vector<16xi32> to vector<16xi32>
    %swap3A_108 = vector.shape_cast %broadcast_in_dim3A_104 : vector<16xi32> to vector<16xi32>
    tpu.vector_store %arg8[%swap3A_105], %swap3A_108 {strides = array<i32>} : memref<352xi32, #tpu.memory_space<vmem>>, vector<16xi32>,
    %broadcast_in_dim3A_109 = arith.constant 0 : i32
    %broadcast_in_dim3A_110 = vector.broadcast %broadcast_in_dim3A_109 : i32 to vector<16xi32>
    %swap3A_111 = arith.constant 288 : index
    %swap3A_112 = tpu.vector_load %arg8[%swap3A_111] {strides = array<i32>} : memref<352xi32, #tpu.memory_space<vmem>>, vector<16xi32>,
    %swap3A_113 = vector.shape_cast %swap3A_112 : vector<16xi32> to vector<16xi32>
    %swap3A_114 = vector.shape_cast %broadcast_in_dim3A_110 : vector<16xi32> to vector<16xi32>
    tpu.vector_store %arg8[%swap3A_111], %swap3A_114 {strides = array<i32>} : memref<352xi32, #tpu.memory_space<vmem>>, vector<16xi32>,
    %broadcast_in_dim3A_115 = arith.constant 0 : i32
    %broadcast_in_dim3A_116 = vector.broadcast %broadcast_in_dim3A_115 : i32 to vector<16xi32>
    %swap3A_117 = arith.constant 304 : index
    %swap3A_118 = tpu.vector_load %arg8[%swap3A_117] {strides = array<i32>} : memref<352xi32, #tpu.memory_space<vmem>>, vector<16xi32>,
    %swap3A_119 = vector.shape_cast %swap3A_118 : vector<16xi32> to vector<16xi32>
    %swap3A_120 = vector.shape_cast %broadcast_in_dim3A_116 : vector<16xi32> to vector<16xi32>
    tpu.vector_store %arg8[%swap3A_117], %swap3A_120 {strides = array<i32>} : memref<352xi32, #tpu.memory_space<vmem>>, vector<16xi32>,
    %broadcast_in_dim3A_121 = arith.constant 0 : i32
    %broadcast_in_dim3A_122 = vector.broadcast %broadcast_in_dim3A_121 : i32 to vector<16xi32>
    %swap3A_123 = arith.constant 320 : index
    %swap3A_124 = tpu.vector_load %arg8[%swap3A_123] {strides = array<i32>} : memref<352xi32, #tpu.memory_space<vmem>>, vector<16xi32>,
    %swap3A_125 = vector.shape_cast %swap3A_124 : vector<16xi32> to vector<16xi32>
    %swap3A_126 = vector.shape_cast %broadcast_in_dim3A_122 : vector<16xi32> to vector<16xi32>
    tpu.vector_store %arg8[%swap3A_123], %swap3A_126 {strides = array<i32>} : memref<352xi32, #tpu.memory_space<vmem>>, vector<16xi32>,
    %broadcast_in_dim3A_127 = arith.constant 0 : i32
    %broadcast_in_dim3A_128 = vector.broadcast %broadcast_in_dim3A_127 : i32 to vector<16xi32>
    %swap3A_129 = arith.constant 336 : index
    %swap3A_130 = tpu.vector_load %arg8[%swap3A_129] {strides = array<i32>} : memref<352xi32, #tpu.memory_space<vmem>>, vector<16xi32>,
    %swap3A_131 = vector.shape_cast %swap3A_130 : vector<16xi32> to vector<16xi32>
    %swap3A_132 = vector.shape_cast %broadcast_in_dim3A_128 : vector<16xi32> to vector<16xi32>
    tpu.vector_store %arg8[%swap3A_129], %swap3A_132 {strides = array<i32>} : memref<352xi32, #tpu.memory_space<vmem>>, vector<16xi32>,
    %scan3A = arith.constant 0 : i32
    %scan3A_133 = arith.constant 0 : i32
    %scan3A_134 = arith.constant 352 : i32
    %scan3A_135 = arith.addi %scan3A_133, %scan3A_134 : i32
    %scan3A_136 = arith.constant 1 : i32
    %scan3A_137 = scf.for %scan3A_187 = %scan3A_133 to %scan3A_135 step %scan3A_136 iter_args(%scan3A_188 = %scan3A) -> (i32)  : i32 {
      %broadcast_in_dim3A_189 = arith.constant 0.000000e+00 : f32
      %broadcast_in_dim3A_190 = vector.broadcast %broadcast_in_dim3A_189 : f32 to vector<16xf32>
      %swap3A_191 = arith.index_cast %scan3A_187 : i32 to index
      %swap3A_192 = arith.constant 0 : index
      %swap3A_193 = tpu.vector_load %arg10[%swap3A_191, %swap3A_192] {strides = array<i32>} : memref<352x128xf32, #tpu.memory_space<vmem>>, vector<1x16xf32>,
      %swap3A_194 = vector.shape_cast %swap3A_193 : vector<1x16xf32> to vector<16xf32>
      %swap3A_195 = vector.shape_cast %broadcast_in_dim3A_190 : vector<16xf32> to vector<1x16xf32>
      tpu.vector_store %arg10[%swap3A_191, %swap3A_192], %swap3A_195 {strides = array<i32>} : memref<352x128xf32, #tpu.memory_space<vmem>>, vector<1x16xf32>,
      %broadcast_in_dim3A_196 = arith.constant 0.000000e+00 : f32
      %broadcast_in_dim3A_197 = vector.broadcast %broadcast_in_dim3A_196 : f32 to vector<16xf32>
      %swap3A_198 = arith.index_cast %scan3A_187 : i32 to index
      %swap3A_199 = arith.constant 16 : index
      %swap3A_200 = tpu.vector_load %arg10[%swap3A_198, %swap3A_199] {strides = array<i32>} : memref<352x128xf32, #tpu.memory_space<vmem>>, vector<1x16xf32>,
      %swap3A_201 = vector.shape_cast %swap3A_200 : vector<1x16xf32> to vector<16xf32>
      %swap3A_202 = vector.shape_cast %broadcast_in_dim3A_197 : vector<16xf32> to vector<1x16xf32>
      tpu.vector_store %arg10[%swap3A_198, %swap3A_199], %swap3A_202 {strides = array<i32>} : memref<352x128xf32, #tpu.memory_space<vmem>>, vector<1x16xf32>,
      %broadcast_in_dim3A_203 = arith.constant 0.000000e+00 : f32
      %broadcast_in_dim3A_204 = vector.broadcast %broadcast_in_dim3A_203 : f32 to vector<16xf32>
      %swap3A_205 = arith.index_cast %scan3A_187 : i32 to index
      %swap3A_206 = arith.constant 32 : index
      %swap3A_207 = tpu.vector_load %arg10[%swap3A_205, %swap3A_206] {strides = array<i32>} : memref<352x128xf32, #tpu.memory_space<vmem>>, vector<1x16xf32>,
      %swap3A_208 = vector.shape_cast %swap3A_207 : vector<1x16xf32> to vector<16xf32>
      %swap3A_209 = vector.shape_cast %broadcast_in_dim3A_204 : vector<16xf32> to vector<1x16xf32>
      tpu.vector_store %arg10[%swap3A_205, %swap3A_206], %swap3A_209 {strides = array<i32>} : memref<352x128xf32, #tpu.memory_space<vmem>>, vector<1x16xf32>,
      %broadcast_in_dim3A_210 = arith.constant 0.000000e+00 : f32
      %broadcast_in_dim3A_211 = vector.broadcast %broadcast_in_dim3A_210 : f32 to vector<16xf32>
      %swap3A_212 = arith.index_cast %scan3A_187 : i32 to index
      %swap3A_213 = arith.constant 48 : index
      %swap3A_214 = tpu.vector_load %arg10[%swap3A_212, %swap3A_213] {strides = array<i32>} : memref<352x128xf32, #tpu.memory_space<vmem>>, vector<1x16xf32>,
      %swap3A_215 = vector.shape_cast %swap3A_214 : vector<1x16xf32> to vector<16xf32>
      %swap3A_216 = vector.shape_cast %broadcast_in_dim3A_211 : vector<16xf32> to vector<1x16xf32>
      tpu.vector_store %arg10[%swap3A_212, %swap3A_213], %swap3A_216 {strides = array<i32>} : memref<352x128xf32, #tpu.memory_space<vmem>>, vector<1x16xf32>,
      %broadcast_in_dim3A_217 = arith.constant 0.000000e+00 : f32
      %broadcast_in_dim3A_218 = vector.broadcast %broadcast_in_dim3A_217 : f32 to vector<16xf32>
      %swap3A_219 = arith.index_cast %scan3A_187 : i32 to index
      %swap3A_220 = arith.constant 64 : index
      %swap3A_221 = tpu.vector_load %arg10[%swap3A_219, %swap3A_220] {strides = array<i32>} : memref<352x128xf32, #tpu.memory_space<vmem>>, vector<1x16xf32>,
      %swap3A_222 = vector.shape_cast %swap3A_221 : vector<1x16xf32> to vector<16xf32>
      %swap3A_223 = vector.shape_cast %broadcast_in_dim3A_218 : vector<16xf32> to vector<1x16xf32>
      tpu.vector_store %arg10[%swap3A_219, %swap3A_220], %swap3A_223 {strides = array<i32>} : memref<352x128xf32, #tpu.memory_space<vmem>>, vector<1x16xf32>,
      %broadcast_in_dim3A_224 = arith.constant 0.000000e+00 : f32
      %broadcast_in_dim3A_225 = vector.broadcast %broadcast_in_dim3A_224 : f32 to vector<16xf32>
      %swap3A_226 = arith.index_cast %scan3A_187 : i32 to index
      %swap3A_227 = arith.constant 80 : index
      %swap3A_228 = tpu.vector_load %arg10[%swap3A_226, %swap3A_227] {strides = array<i32>} : memref<352x128xf32, #tpu.memory_space<vmem>>, vector<1x16xf32>,
      %swap3A_229 = vector.shape_cast %swap3A_228 : vector<1x16xf32> to vector<16xf32>
      %swap3A_230 = vector.shape_cast %broadcast_in_dim3A_225 : vector<16xf32> to vector<1x16xf32>
      tpu.vector_store %arg10[%swap3A_226, %swap3A_227], %swap3A_230 {strides = array<i32>} : memref<352x128xf32, #tpu.memory_space<vmem>>, vector<1x16xf32>,
      %broadcast_in_dim3A_231 = arith.constant 0.000000e+00 : f32
      %broadcast_in_dim3A_232 = vector.broadcast %broadcast_in_dim3A_231 : f32 to vector<16xf32>
      %swap3A_233 = arith.index_cast %scan3A_187 : i32 to index
      %swap3A_234 = arith.constant 96 : index
      %swap3A_235 = tpu.vector_load %arg10[%swap3A_233, %swap3A_234] {strides = array<i32>} : memref<352x128xf32, #tpu.memory_space<vmem>>, vector<1x16xf32>,
      %swap3A_236 = vector.shape_cast %swap3A_235 : vector<1x16xf32> to vector<16xf32>
      %swap3A_237 = vector.shape_cast %broadcast_in_dim3A_232 : vector<16xf32> to vector<1x16xf32>
      tpu.vector_store %arg10[%swap3A_233, %swap3A_234], %swap3A_237 {strides = array<i32>} : memref<352x128xf32, #tpu.memory_space<vmem>>, vector<1x16xf32>,
      %broadcast_in_dim3A_238 = arith.constant 0.000000e+00 : f32
      %broadcast_in_dim3A_239 = vector.broadcast %broadcast_in_dim3A_238 : f32 to vector<16xf32>
      %swap3A_240 = arith.index_cast %scan3A_187 : i32 to index
      %swap3A_241 = arith.constant 112 : index
      %swap3A_242 = tpu.vector_load %arg10[%swap3A_240, %swap3A_241] {strides = array<i32>} : memref<352x128xf32, #tpu.memory_space<vmem>>, vector<1x16xf32>,
      %swap3A_243 = vector.shape_cast %swap3A_242 : vector<1x16xf32> to vector<16xf32>
      %swap3A_244 = vector.shape_cast %broadcast_in_dim3A_239 : vector<16xf32> to vector<1x16xf32>
      tpu.vector_store %arg10[%swap3A_240, %swap3A_241], %swap3A_244 {strides = array<i32>} : memref<352x128xf32, #tpu.memory_space<vmem>>, vector<1x16xf32>,
      %scan3A_245 = arith.constant 0 : i32
      scf.yield %scan3A_245 : i32
    }
    %scan3A_138 = arith.constant 352 : i32
    %mul3A_139 = arith.constant 320 : i32
    %mul3A_140 = arith.muli %arg1, %mul3A_139 : i32
    "tpu.region"() ({
      %run_scoped3A = tpu.sem_alloc : memref<!tpu.dma_semaphore, #tpu.memory_space<semaphore_mem>>
      %dma_start3A = arith.constant 0 : i32
      %dma_start3A_187 = arith.constant 0 : i32
      %dma_start3A_188 = tpu.memref_slice %arg10[%dma_start3A, %dma_start3A_187] : memref<352x128xf32, #tpu.memory_space<vmem>> -> memref<320x128xf32, #tpu.memory_space<vmem>>
      %dma_start3A_189 = arith.constant 0 : i32
      %dma_start3A_190 = tpu.memref_slice %arg11[%mul3A_140, %dma_start3A_189] : memref<5136x128xf32, #tpu.memory_space<vmem_shared>> -> memref<320x128xf32, #tpu.memory_space<vmem_shared>>
      %dma_start3A_191 = arith.constant 0 : i32
      %dma_start3A_192 = tpu.memref_slice %arg11[%mul3A_140, %dma_start3A_191] : memref<5136x128xf32, #tpu.memory_space<vmem_shared>> -> memref<320x128xf32, #tpu.memory_space<vmem_shared>>
      %dma_start3A_193 = arith.constant 0 : i32
      %dma_start3A_194 = arith.constant 0 : i32
      %dma_start3A_195 = tpu.memref_slice %arg10[%dma_start3A_193, %dma_start3A_194] : memref<352x128xf32, #tpu.memory_space<vmem>> -> memref<320x128xf32, #tpu.memory_space<vmem>>
      tpu.enqueue_dma source(%dma_start3A_195 : memref<320x128xf32, #tpu.memory_space<vmem>>) target(%dma_start3A_192 : memref<320x128xf32, #tpu.memory_space<vmem_shared>>) target_semaphore(%run_scoped3A : memref<!tpu.dma_semaphore, #tpu.memory_space<semaphore_mem>>)
      %dma_wait3A = arith.constant 0 : i32
      %dma_wait3A_196 = arith.constant 0 : i32
      %dma_wait3A_197 = tpu.memref_slice %arg10[%dma_wait3A, %dma_wait3A_196] : memref<352x128xf32, #tpu.memory_space<vmem>> -> memref<320x128xf32, #tpu.memory_space<vmem>>
      %dma_wait3A_198 = arith.constant 0 : i32
      %dma_wait3A_199 = tpu.memref_slice %arg11[%mul3A_140, %dma_wait3A_198] : memref<5136x128xf32, #tpu.memory_space<vmem_shared>> -> memref<320x128xf32, #tpu.memory_space<vmem_shared>>
      %dma_wait3A_200 = arith.constant 0 : i32
      %dma_wait3A_201 = tpu.memref_slice %arg11[%mul3A_140, %dma_wait3A_200] : memref<5136x128xf32, #tpu.memory_space<vmem_shared>> -> memref<320x128xf32, #tpu.memory_space<vmem_shared>>
      %dma_wait3A_202 = arith.constant 0 : i32
      %dma_wait3A_203 = arith.constant 0 : i32
      %dma_wait3A_204 = tpu.memref_slice %arg10[%dma_wait3A_202, %dma_wait3A_203] : memref<352x128xf32, #tpu.memory_space<vmem>> -> memref<320x128xf32, #tpu.memory_space<vmem>>
      tpu.wait_dma2 semaphore(%run_scoped3A : memref<!tpu.dma_semaphore, #tpu.memory_space<semaphore_mem>>) src(%dma_wait3A_204 : memref<320x128xf32, #tpu.memory_space<vmem>>) dst(%dma_wait3A_201 : memref<320x128xf32, #tpu.memory_space<vmem_shared>>)
      tpu.yield
    }) : () -> ()
    %eq3A = arith.constant 0 : i32
    %eq3A_141 = arith.cmpi eq, %arg1, %eq3A : i32
    %convert_element_type3A = arith.extui %eq3A_141 : i1 to i32
    %cond3A = arith.constant 0 : i32
    %cond3A_142 = arith.cmpi ne, %convert_element_type3A, %cond3A : i32
    scf.if %cond3A_142 {
      "tpu.region"() ({
        %run_scoped3A = tpu.sem_alloc : memref<!tpu.dma_semaphore, #tpu.memory_space<semaphore_mem>>
        %dma_start3A = arith.constant 0 : i32
        %dma_start3A_187 = arith.constant 0 : i32
        %dma_start3A_188 = tpu.memref_slice %arg10[%dma_start3A, %dma_start3A_187] : memref<352x128xf32, #tpu.memory_space<vmem>> -> memref<16x128xf32, #tpu.memory_space<vmem>>
        %dma_start3A_189 = arith.constant 5120 : i32
        %dma_start3A_190 = arith.constant 0 : i32
        %dma_start3A_191 = tpu.memref_slice %arg11[%dma_start3A_189, %dma_start3A_190] : memref<5136x128xf32, #tpu.memory_space<vmem_shared>> -> memref<16x128xf32, #tpu.memory_space<vmem_shared>>
        %dma_start3A_192 = arith.constant 5120 : i32
        %dma_start3A_193 = arith.constant 0 : i32
        %dma_start3A_194 = tpu.memref_slice %arg11[%dma_start3A_192, %dma_start3A_193] : memref<5136x128xf32, #tpu.memory_space<vmem_shared>> -> memref<16x128xf32, #tpu.memory_space<vmem_shared>>
        %dma_start3A_195 = arith.constant 0 : i32
        %dma_start3A_196 = arith.constant 0 : i32
        %dma_start3A_197 = tpu.memref_slice %arg10[%dma_start3A_195, %dma_start3A_196] : memref<352x128xf32, #tpu.memory_space<vmem>> -> memref<16x128xf32, #tpu.memory_space<vmem>>
        tpu.enqueue_dma source(%dma_start3A_197 : memref<16x128xf32, #tpu.memory_space<vmem>>) target(%dma_start3A_194 : memref<16x128xf32, #tpu.memory_space<vmem_shared>>) target_semaphore(%run_scoped3A : memref<!tpu.dma_semaphore, #tpu.memory_space<semaphore_mem>>)
        %dma_wait3A = arith.constant 0 : i32
        %dma_wait3A_198 = arith.constant 0 : i32
        %dma_wait3A_199 = tpu.memref_slice %arg10[%dma_wait3A, %dma_wait3A_198] : memref<352x128xf32, #tpu.memory_space<vmem>> -> memref<16x128xf32, #tpu.memory_space<vmem>>
        %dma_wait3A_200 = arith.constant 5120 : i32
        %dma_wait3A_201 = arith.constant 0 : i32
        %dma_wait3A_202 = tpu.memref_slice %arg11[%dma_wait3A_200, %dma_wait3A_201] : memref<5136x128xf32, #tpu.memory_space<vmem_shared>> -> memref<16x128xf32, #tpu.memory_space<vmem_shared>>
        %dma_wait3A_203 = arith.constant 5120 : i32
        %dma_wait3A_204 = arith.constant 0 : i32
        %dma_wait3A_205 = tpu.memref_slice %arg11[%dma_wait3A_203, %dma_wait3A_204] : memref<5136x128xf32, #tpu.memory_space<vmem_shared>> -> memref<16x128xf32, #tpu.memory_space<vmem_shared>>
        %dma_wait3A_206 = arith.constant 0 : i32
        %dma_wait3A_207 = arith.constant 0 : i32
        %dma_wait3A_208 = tpu.memref_slice %arg10[%dma_wait3A_206, %dma_wait3A_207] : memref<352x128xf32, #tpu.memory_space<vmem>> -> memref<16x128xf32, #tpu.memory_space<vmem>>
        tpu.wait_dma2 semaphore(%run_scoped3A : memref<!tpu.dma_semaphore, #tpu.memory_space<semaphore_mem>>) src(%dma_wait3A_208 : memref<16x128xf32, #tpu.memory_space<vmem>>) dst(%dma_wait3A_205 : memref<16x128xf32, #tpu.memory_space<vmem_shared>>)
        tpu.yield
      }) : () -> ()
    } else {
    }
    %barrier3A = arith.constant 0 : index
    tpu.barrier barrier_id(%barrier3A)
    %scan3A_143 = arith.constant 0 : i32
    %scan3A_144 = arith.constant 0 : i32
    %scan3A_145 = arith.constant 32 : i32
    %scan3A_146 = arith.addi %scan3A_144, %scan3A_145 : i32
    %scan3A_147 = arith.constant 1 : i32
    %scan3A_148 = scf.for %scan3A_187 = %scan3A_144 to %scan3A_146 step %scan3A_147 iter_args(%scan3A_188 = %scan3A_143) -> (i32)  : i32 {
      %mul3A_189 = arith.constant 352 : i32
      %mul3A_190 = arith.muli %scan3A_187, %mul3A_189 : i32
      %add3A_191 = arith.addi %mul3A_0, %mul3A_190 : i32
      "tpu.region"() ({
        %run_scoped3A = tpu.sem_alloc : memref<!tpu.dma_semaphore, #tpu.memory_space<semaphore_mem>>
        %dma_start3A_204 = tpu.memref_slice %arg2[%add3A_191] : memref<180224xi32, #tpu.memory_space<hbm>> -> memref<352xi32, #tpu.memory_space<hbm>>
        %dma_start3A_205 = tpu.memref_slice %arg2[%add3A_191] : memref<180224xi32, #tpu.memory_space<hbm>> -> memref<352xi32, #tpu.memory_space<hbm>>
        tpu.enqueue_dma source(%dma_start3A_205 : memref<352xi32, #tpu.memory_space<hbm>>) target(%arg6 : memref<352xi32, #tpu.memory_space<vmem>>) target_semaphore(%run_scoped3A : memref<!tpu.dma_semaphore, #tpu.memory_space<semaphore_mem>>)
        %dma_wait3A_206 = tpu.memref_slice %arg2[%add3A_191] : memref<180224xi32, #tpu.memory_space<hbm>> -> memref<352xi32, #tpu.memory_space<hbm>>
        %dma_wait3A_207 = tpu.memref_slice %arg2[%add3A_191] : memref<180224xi32, #tpu.memory_space<hbm>> -> memref<352xi32, #tpu.memory_space<hbm>>
        tpu.wait_dma2 semaphore(%run_scoped3A : memref<!tpu.dma_semaphore, #tpu.memory_space<semaphore_mem>>) src(%dma_wait3A_207 : memref<352xi32, #tpu.memory_space<hbm>>) dst(%arg6 : memref<352xi32, #tpu.memory_space<vmem>>)
        tpu.yield
      }) : () -> ()
      "tpu.region"() ({
        %run_scoped3A = tpu.sem_alloc : memref<!tpu.dma_semaphore, #tpu.memory_space<semaphore_mem>>
        %dma_start3A_204 = tpu.memref_slice %arg3[%add3A_191] : memref<180224xi32, #tpu.memory_space<hbm>> -> memref<352xi32, #tpu.memory_space<hbm>>
        %dma_start3A_205 = tpu.memref_slice %arg3[%add3A_191] : memref<180224xi32, #tpu.memory_space<hbm>> -> memref<352xi32, #tpu.memory_space<hbm>>
        tpu.enqueue_dma source(%dma_start3A_205 : memref<352xi32, #tpu.memory_space<hbm>>) target(%arg7 : memref<352xi32, #tpu.memory_space<vmem>>) target_semaphore(%run_scoped3A : memref<!tpu.dma_semaphore, #tpu.memory_space<semaphore_mem>>)
        %dma_wait3A_206 = tpu.memref_slice %arg3[%add3A_191] : memref<180224xi32, #tpu.memory_space<hbm>> -> memref<352xi32, #tpu.memory_space<hbm>>
        %dma_wait3A_207 = tpu.memref_slice %arg3[%add3A_191] : memref<180224xi32, #tpu.memory_space<hbm>> -> memref<352xi32, #tpu.memory_space<hbm>>
        tpu.wait_dma2 semaphore(%run_scoped3A : memref<!tpu.dma_semaphore, #tpu.memory_space<semaphore_mem>>) src(%dma_wait3A_207 : memref<352xi32, #tpu.memory_space<hbm>>) dst(%arg7 : memref<352xi32, #tpu.memory_space<vmem>>)
        tpu.yield
      }) : () -> ()
      %scan3A_192 = arith.constant 0 : i32
      %scan3A_193 = arith.constant 0 : i32
      %scan3A_194 = arith.constant 22 : i32
      %scan3A_195 = arith.addi %scan3A_193, %scan3A_194 : i32
      %scan3A_196 = arith.constant 1 : i32
      %scan3A_197 = scf.for %scan3A_204 = %scan3A_193 to %scan3A_195 step %scan3A_196 iter_args(%scan3A_205 = %scan3A_192) -> (i32)  : i32 {
        %mul3A_206 = arith.constant 16 : i32
        %mul3A_207 = arith.muli %scan3A_204, %mul3A_206 : i32
        %get3A = arith.index_cast %mul3A_207 : i32 to index
        %get3A_208 = tpu.vector_load %arg7[%get3A] {strides = array<i32>} : memref<352xi32, #tpu.memory_space<vmem>>, vector<16xi32>,
        %get3A_209 = vector.shape_cast %get3A_208 : vector<16xi32> to vector<16xi32>
        %mul3A_210 = arith.constant 16 : i32
        %mul3A_211 = arith.muli %scan3A_204, %mul3A_210 : i32
        %get3A_212 = arith.index_cast %mul3A_211 : i32 to index
        %get3A_213 = tpu.vector_load %arg6[%get3A_212] {strides = array<i32>} : memref<352xi32, #tpu.memory_space<vmem>>, vector<16xi32>,
        %get3A_214 = vector.shape_cast %get3A_213 : vector<16xi32> to vector<16xi32>
        %ge3A = arith.constant 0 : i32
        %ge3A_215 = vector.broadcast %ge3A : i32 to vector<16xi32>
        %ge3A_216 = arith.cmpi sge, %get3A_209, %ge3A_215 : vector<16xi32>
        %lt3A = arith.constant 5120 : i32
        %lt3A_217 = vector.broadcast %lt3A : i32 to vector<16xi32>
        %lt3A_218 = arith.cmpi slt, %get3A_209, %lt3A_217 : vector<16xi32>
        %and3A = arith.andi %ge3A_216, %lt3A_218 : vector<16xi1>
        %sub3A = arith.constant 0 : i32
        %sub3A_219 = vector.broadcast %sub3A : i32 to vector<16xi32>
        %sub3A_220 = arith.subi %get3A_209, %sub3A_219 : vector<16xi32>
        %broadcast_in_dim3A_221 = arith.constant 5120 : i32
        %broadcast_in_dim3A_222 = vector.broadcast %broadcast_in_dim3A_221 : i32 to vector<16xi32>
        %select_n3A = arith.select %and3A, %sub3A_220, %broadcast_in_dim3A_222 : vector<16xi1>, vector<16xi32>
        %mul3A_223 = arith.constant 16 : i32
        %mul3A_224 = arith.muli %scan3A_204, %mul3A_223 : i32
        %swap3A_225 = arith.index_cast %mul3A_224 : i32 to index
        %swap3A_226 = tpu.vector_load %arg9[%swap3A_225] {strides = array<i32>} : memref<352xi32, #tpu.memory_space<vmem>>, vector<16xi32>,
        %swap3A_227 = vector.shape_cast %swap3A_226 : vector<16xi32> to vector<16xi32>
        %swap3A_228 = vector.shape_cast %select_n3A : vector<16xi32> to vector<16xi32>
        tpu.vector_store %arg9[%swap3A_225], %swap3A_228 {strides = array<i32>} : memref<352xi32, #tpu.memory_space<vmem>>, vector<16xi32>,
        %add3A_229 = vector.broadcast %mul3A_2 : i32 to vector<16xi32>
        %add3A_230 = arith.addi %get3A_214, %add3A_229 : vector<16xi32>
        %mul3A_231 = arith.constant 16 : i32
        %mul3A_232 = arith.muli %scan3A_204, %mul3A_231 : i32
        %swap3A_233 = arith.index_cast %mul3A_232 : i32 to index
        %swap3A_234 = tpu.vector_load %arg8[%swap3A_233] {strides = array<i32>} : memref<352xi32, #tpu.memory_space<vmem>>, vector<16xi32>,
        %swap3A_235 = vector.shape_cast %swap3A_234 : vector<16xi32> to vector<16xi32>
        %swap3A_236 = vector.shape_cast %add3A_230 : vector<16xi32> to vector<16xi32>
        tpu.vector_store %arg8[%swap3A_233], %swap3A_236 {strides = array<i32>} : memref<352xi32, #tpu.memory_space<vmem>>, vector<16xi32>,
        %scan3A_237 = arith.constant 0 : i32
        scf.yield %scan3A_237 : i32
      }
      %scan3A_198 = arith.constant 22 : i32
      %dma_start3A = arith.constant 0 : i32
      %dma_start3A_199 = arith.constant 0 : i32
      %dma_start3A_200 = tpu.memref_slice %arg4[%dma_start3A, %dma_start3A_199] : memref<20480x128xf32, #tpu.memory_space<hbm>> -> memref<20480x128xf32, #tpu.memory_space<hbm>>
      tpu.enqueue_indirect_dma source(%dma_start3A_200 : memref<20480x128xf32, #tpu.memory_space<hbm>>) target(%arg10 : memref<352x128xf32, #tpu.memory_space<vmem>>) offsets(%arg8 : memref<352xi32, #tpu.memory_space<vmem>>) semaphore(%arg12 : memref<!tpu.dma_semaphore, #tpu.memory_space<semaphore_mem>>)
      %dma_wait3A = arith.constant 0 : i32
      %dma_wait3A_201 = arith.constant 0 : i32
      %dma_wait3A_202 = tpu.memref_slice %arg4[%dma_wait3A, %dma_wait3A_201] : memref<20480x128xf32, #tpu.memory_space<hbm>> -> memref<20480x128xf32, #tpu.memory_space<hbm>>
      tpu.wait_indirect_dma semaphore(%arg12 : memref<!tpu.dma_semaphore, #tpu.memory_space<semaphore_mem>>) src(%dma_wait3A_202 : memref<20480x128xf32, #tpu.memory_space<hbm>>) dst(%arg10 : memref<352x128xf32, #tpu.memory_space<vmem>>)
      "tpu.region"() ({
        %run_scoped3A = tpu.sem_alloc : memref<!tpu.dma_semaphore, #tpu.memory_space<semaphore_mem>>
        %dma_start3A_204 = arith.constant 0 : i32
        %dma_start3A_205 = arith.constant 0 : i32
        %dma_start3A_206 = tpu.memref_slice %arg11[%dma_start3A_204, %dma_start3A_205] : memref<5136x128xf32, #tpu.memory_space<vmem_shared>> -> memref<5136x128xf32, #tpu.memory_space<vmem_shared>>
        tpu.enqueue_indirect_dma source(%arg10 : memref<352x128xf32, #tpu.memory_space<vmem>>) target(%dma_start3A_206 : memref<5136x128xf32, #tpu.memory_space<vmem_shared>>) offsets(%arg9 : memref<352xi32, #tpu.memory_space<vmem>>) semaphore(%run_scoped3A : memref<!tpu.dma_semaphore, #tpu.memory_space<semaphore_mem>>) {add = true}
        %dma_wait3A_207 = arith.constant 0 : i32
        %dma_wait3A_208 = arith.constant 0 : i32
        %dma_wait3A_209 = tpu.memref_slice %arg11[%dma_wait3A_207, %dma_wait3A_208] : memref<5136x128xf32, #tpu.memory_space<vmem_shared>> -> memref<5136x128xf32, #tpu.memory_space<vmem_shared>>
        tpu.wait_indirect_dma semaphore(%run_scoped3A : memref<!tpu.dma_semaphore, #tpu.memory_space<semaphore_mem>>) src(%arg10 : memref<352x128xf32, #tpu.memory_space<vmem>>) dst(%dma_wait3A_209 : memref<5136x128xf32, #tpu.memory_space<vmem_shared>>)
        tpu.yield
      }) : () -> ()
      %scan3A_203 = arith.constant 0 : i32
      scf.yield %scan3A_203 : i32
    }
    %scan3A_149 = arith.constant 32 : i32
    %barrier3A_150 = arith.constant 0 : index
    tpu.barrier barrier_id(%barrier3A_150)
    %mul3A_151 = arith.constant 320 : i32
    %mul3A_152 = arith.muli %arg1, %mul3A_151 : i32
    %mul3A_153 = arith.constant 320 : i32
    %mul3A_154 = arith.muli %arg1, %mul3A_153 : i32
    %add3A = arith.constant 0 : i32
    %add3A_155 = arith.addi %add3A, %mul3A_154 : i32
    "tpu.region"() ({
      %run_scoped3A = tpu.sem_alloc : memref<!tpu.dma_semaphore, #tpu.memory_space<semaphore_mem>>
      %dma_start3A = arith.constant 0 : i32
      %dma_start3A_187 = tpu.memref_slice %arg5[%arg0, %add3A_155, %dma_start3A] : memref<2x10240x128xf32, #tpu.memory_space<hbm>> -> memref<1x320x128xf32, #tpu.memory_space<hbm>>
      %dma_start3A_188 = tpu.memref_squeeze %dma_start3A_187 : memref<1x320x128xf32, #tpu.memory_space<hbm>> -> memref<320x128xf32, #tpu.memory_space<hbm>>
      %dma_start3A_189 = arith.constant 0 : i32
      %dma_start3A_190 = tpu.memref_slice %arg11[%mul3A_152, %dma_start3A_189] : memref<5136x128xf32, #tpu.memory_space<vmem_shared>> -> memref<320x128xf32, #tpu.memory_space<vmem_shared>>
      tpu.enqueue_dma source(%dma_start3A_190 : memref<320x128xf32, #tpu.memory_space<vmem_shared>>) target(%dma_start3A_188 : memref<320x128xf32, #tpu.memory_space<hbm>>) target_semaphore(%run_scoped3A : memref<!tpu.dma_semaphore, #tpu.memory_space<semaphore_mem>>)
      %dma_wait3A = arith.constant 0 : i32
      %dma_wait3A_191 = tpu.memref_slice %arg5[%arg0, %add3A_155, %dma_wait3A] : memref<2x10240x128xf32, #tpu.memory_space<hbm>> -> memref<1x320x128xf32, #tpu.memory_space<hbm>>
      %dma_wait3A_192 = tpu.memref_squeeze %dma_wait3A_191 : memref<1x320x128xf32, #tpu.memory_space<hbm>> -> memref<320x128xf32, #tpu.memory_space<hbm>>
      %dma_wait3A_193 = arith.constant 0 : i32
      %dma_wait3A_194 = tpu.memref_slice %arg11[%mul3A_152, %dma_wait3A_193] : memref<5136x128xf32, #tpu.memory_space<vmem_shared>> -> memref<320x128xf32, #tpu.memory_space<vmem_shared>>
      tpu.wait_dma2 semaphore(%run_scoped3A : memref<!tpu.dma_semaphore, #tpu.memory_space<semaphore_mem>>) src(%dma_wait3A_194 : memref<320x128xf32, #tpu.memory_space<vmem_shared>>) dst(%dma_wait3A_192 : memref<320x128xf32, #tpu.memory_space<hbm>>)
      tpu.yield
    }) : () -> ()
    %barrier3A_156 = arith.constant 0 : index
    tpu.barrier barrier_id(%barrier3A_156)
    %scan3A_157 = arith.constant 0 : i32
    %scan3A_158 = arith.constant 0 : i32
    %scan3A_159 = arith.constant 352 : i32
    %scan3A_160 = arith.addi %scan3A_158, %scan3A_159 : i32
    %scan3A_161 = arith.constant 1 : i32
    %scan3A_162 = scf.for %scan3A_187 = %scan3A_158 to %scan3A_160 step %scan3A_161 iter_args(%scan3A_188 = %scan3A_157) -> (i32)  : i32 {
      %broadcast_in_dim3A_189 = arith.constant 0.000000e+00 : f32
      %broadcast_in_dim3A_190 = vector.broadcast %broadcast_in_dim3A_189 : f32 to vector<16xf32>
      %swap3A_191 = arith.index_cast %scan3A_187 : i32 to index
      %swap3A_192 = arith.constant 0 : index
      %swap3A_193 = tpu.vector_load %arg10[%swap3A_191, %swap3A_192] {strides = array<i32>} : memref<352x128xf32, #tpu.memory_space<vmem>>, vector<1x16xf32>,
      %swap3A_194 = vector.shape_cast %swap3A_193 : vector<1x16xf32> to vector<16xf32>
      %swap3A_195 = vector.shape_cast %broadcast_in_dim3A_190 : vector<16xf32> to vector<1x16xf32>
      tpu.vector_store %arg10[%swap3A_191, %swap3A_192], %swap3A_195 {strides = array<i32>} : memref<352x128xf32, #tpu.memory_space<vmem>>, vector<1x16xf32>,
      %broadcast_in_dim3A_196 = arith.constant 0.000000e+00 : f32
      %broadcast_in_dim3A_197 = vector.broadcast %broadcast_in_dim3A_196 : f32 to vector<16xf32>
      %swap3A_198 = arith.index_cast %scan3A_187 : i32 to index
      %swap3A_199 = arith.constant 16 : index
      %swap3A_200 = tpu.vector_load %arg10[%swap3A_198, %swap3A_199] {strides = array<i32>} : memref<352x128xf32, #tpu.memory_space<vmem>>, vector<1x16xf32>,
      %swap3A_201 = vector.shape_cast %swap3A_200 : vector<1x16xf32> to vector<16xf32>
      %swap3A_202 = vector.shape_cast %broadcast_in_dim3A_197 : vector<16xf32> to vector<1x16xf32>
      tpu.vector_store %arg10[%swap3A_198, %swap3A_199], %swap3A_202 {strides = array<i32>} : memref<352x128xf32, #tpu.memory_space<vmem>>, vector<1x16xf32>,
      %broadcast_in_dim3A_203 = arith.constant 0.000000e+00 : f32
      %broadcast_in_dim3A_204 = vector.broadcast %broadcast_in_dim3A_203 : f32 to vector<16xf32>
      %swap3A_205 = arith.index_cast %scan3A_187 : i32 to index
      %swap3A_206 = arith.constant 32 : index
      %swap3A_207 = tpu.vector_load %arg10[%swap3A_205, %swap3A_206] {strides = array<i32>} : memref<352x128xf32, #tpu.memory_space<vmem>>, vector<1x16xf32>,
      %swap3A_208 = vector.shape_cast %swap3A_207 : vector<1x16xf32> to vector<16xf32>
      %swap3A_209 = vector.shape_cast %broadcast_in_dim3A_204 : vector<16xf32> to vector<1x16xf32>
      tpu.vector_store %arg10[%swap3A_205, %swap3A_206], %swap3A_209 {strides = array<i32>} : memref<352x128xf32, #tpu.memory_space<vmem>>, vector<1x16xf32>,
      %broadcast_in_dim3A_210 = arith.constant 0.000000e+00 : f32
      %broadcast_in_dim3A_211 = vector.broadcast %broadcast_in_dim3A_210 : f32 to vector<16xf32>
      %swap3A_212 = arith.index_cast %scan3A_187 : i32 to index
      %swap3A_213 = arith.constant 48 : index
      %swap3A_214 = tpu.vector_load %arg10[%swap3A_212, %swap3A_213] {strides = array<i32>} : memref<352x128xf32, #tpu.memory_space<vmem>>, vector<1x16xf32>,
      %swap3A_215 = vector.shape_cast %swap3A_214 : vector<1x16xf32> to vector<16xf32>
      %swap3A_216 = vector.shape_cast %broadcast_in_dim3A_211 : vector<16xf32> to vector<1x16xf32>
      tpu.vector_store %arg10[%swap3A_212, %swap3A_213], %swap3A_216 {strides = array<i32>} : memref<352x128xf32, #tpu.memory_space<vmem>>, vector<1x16xf32>,
      %broadcast_in_dim3A_217 = arith.constant 0.000000e+00 : f32
      %broadcast_in_dim3A_218 = vector.broadcast %broadcast_in_dim3A_217 : f32 to vector<16xf32>
      %swap3A_219 = arith.index_cast %scan3A_187 : i32 to index
      %swap3A_220 = arith.constant 64 : index
      %swap3A_221 = tpu.vector_load %arg10[%swap3A_219, %swap3A_220] {strides = array<i32>} : memref<352x128xf32, #tpu.memory_space<vmem>>, vector<1x16xf32>,
      %swap3A_222 = vector.shape_cast %swap3A_221 : vector<1x16xf32> to vector<16xf32>
      %swap3A_223 = vector.shape_cast %broadcast_in_dim3A_218 : vector<16xf32> to vector<1x16xf32>
      tpu.vector_store %arg10[%swap3A_219, %swap3A_220], %swap3A_223 {strides = array<i32>} : memref<352x128xf32, #tpu.memory_space<vmem>>, vector<1x16xf32>,
      %broadcast_in_dim3A_224 = arith.constant 0.000000e+00 : f32
      %broadcast_in_dim3A_225 = vector.broadcast %broadcast_in_dim3A_224 : f32 to vector<16xf32>
      %swap3A_226 = arith.index_cast %scan3A_187 : i32 to index
      %swap3A_227 = arith.constant 80 : index
      %swap3A_228 = tpu.vector_load %arg10[%swap3A_226, %swap3A_227] {strides = array<i32>} : memref<352x128xf32, #tpu.memory_space<vmem>>, vector<1x16xf32>,
      %swap3A_229 = vector.shape_cast %swap3A_228 : vector<1x16xf32> to vector<16xf32>
      %swap3A_230 = vector.shape_cast %broadcast_in_dim3A_225 : vector<16xf32> to vector<1x16xf32>
      tpu.vector_store %arg10[%swap3A_226, %swap3A_227], %swap3A_230 {strides = array<i32>} : memref<352x128xf32, #tpu.memory_space<vmem>>, vector<1x16xf32>,
      %broadcast_in_dim3A_231 = arith.constant 0.000000e+00 : f32
      %broadcast_in_dim3A_232 = vector.broadcast %broadcast_in_dim3A_231 : f32 to vector<16xf32>
      %swap3A_233 = arith.index_cast %scan3A_187 : i32 to index
      %swap3A_234 = arith.constant 96 : index
      %swap3A_235 = tpu.vector_load %arg10[%swap3A_233, %swap3A_234] {strides = array<i32>} : memref<352x128xf32, #tpu.memory_space<vmem>>, vector<1x16xf32>,
      %swap3A_236 = vector.shape_cast %swap3A_235 : vector<1x16xf32> to vector<16xf32>
      %swap3A_237 = vector.shape_cast %broadcast_in_dim3A_232 : vector<16xf32> to vector<1x16xf32>
      tpu.vector_store %arg10[%swap3A_233, %swap3A_234], %swap3A_237 {strides = array<i32>} : memref<352x128xf32, #tpu.memory_space<vmem>>, vector<1x16xf32>,
      %broadcast_in_dim3A_238 = arith.constant 0.000000e+00 : f32
      %broadcast_in_dim3A_239 = vector.broadcast %broadcast_in_dim3A_238 : f32 to vector<16xf32>
      %swap3A_240 = arith.index_cast %scan3A_187 : i32 to index
      %swap3A_241 = arith.constant 112 : index
      %swap3A_242 = tpu.vector_load %arg10[%swap3A_240, %swap3A_241] {strides = array<i32>} : memref<352x128xf32, #tpu.memory_space<vmem>>, vector<1x16xf32>,
      %swap3A_243 = vector.shape_cast %swap3A_242 : vector<1x16xf32> to vector<16xf32>
      %swap3A_244 = vector.shape_cast %broadcast_in_dim3A_239 : vector<16xf32> to vector<1x16xf32>
      tpu.vector_store %arg10[%swap3A_240, %swap3A_241], %swap3A_244 {strides = array<i32>} : memref<352x128xf32, #tpu.memory_space<vmem>>, vector<1x16xf32>,
      %scan3A_245 = arith.constant 0 : i32
      scf.yield %scan3A_245 : i32
    }
    %scan3A_163 = arith.constant 352 : i32
    %mul3A_164 = arith.constant 320 : i32
    %mul3A_165 = arith.muli %arg1, %mul3A_164 : i32
    "tpu.region"() ({
      %run_scoped3A = tpu.sem_alloc : memref<!tpu.dma_semaphore, #tpu.memory_space<semaphore_mem>>
      %dma_start3A = arith.constant 0 : i32
      %dma_start3A_187 = arith.constant 0 : i32
      %dma_start3A_188 = tpu.memref_slice %arg10[%dma_start3A, %dma_start3A_187] : memref<352x128xf32, #tpu.memory_space<vmem>> -> memref<320x128xf32, #tpu.memory_space<vmem>>
      %dma_start3A_189 = arith.constant 0 : i32
      %dma_start3A_190 = tpu.memref_slice %arg11[%mul3A_165, %dma_start3A_189] : memref<5136x128xf32, #tpu.memory_space<vmem_shared>> -> memref<320x128xf32, #tpu.memory_space<vmem_shared>>
      %dma_start3A_191 = arith.constant 0 : i32
      %dma_start3A_192 = tpu.memref_slice %arg11[%mul3A_165, %dma_start3A_191] : memref<5136x128xf32, #tpu.memory_space<vmem_shared>> -> memref<320x128xf32, #tpu.memory_space<vmem_shared>>
      %dma_start3A_193 = arith.constant 0 : i32
      %dma_start3A_194 = arith.constant 0 : i32
      %dma_start3A_195 = tpu.memref_slice %arg10[%dma_start3A_193, %dma_start3A_194] : memref<352x128xf32, #tpu.memory_space<vmem>> -> memref<320x128xf32, #tpu.memory_space<vmem>>
      tpu.enqueue_dma source(%dma_start3A_195 : memref<320x128xf32, #tpu.memory_space<vmem>>) target(%dma_start3A_192 : memref<320x128xf32, #tpu.memory_space<vmem_shared>>) target_semaphore(%run_scoped3A : memref<!tpu.dma_semaphore, #tpu.memory_space<semaphore_mem>>)
      %dma_wait3A = arith.constant 0 : i32
      %dma_wait3A_196 = arith.constant 0 : i32
      %dma_wait3A_197 = tpu.memref_slice %arg10[%dma_wait3A, %dma_wait3A_196] : memref<352x128xf32, #tpu.memory_space<vmem>> -> memref<320x128xf32, #tpu.memory_space<vmem>>
      %dma_wait3A_198 = arith.constant 0 : i32
      %dma_wait3A_199 = tpu.memref_slice %arg11[%mul3A_165, %dma_wait3A_198] : memref<5136x128xf32, #tpu.memory_space<vmem_shared>> -> memref<320x128xf32, #tpu.memory_space<vmem_shared>>
      %dma_wait3A_200 = arith.constant 0 : i32
      %dma_wait3A_201 = tpu.memref_slice %arg11[%mul3A_165, %dma_wait3A_200] : memref<5136x128xf32, #tpu.memory_space<vmem_shared>> -> memref<320x128xf32, #tpu.memory_space<vmem_shared>>
      %dma_wait3A_202 = arith.constant 0 : i32
      %dma_wait3A_203 = arith.constant 0 : i32
      %dma_wait3A_204 = tpu.memref_slice %arg10[%dma_wait3A_202, %dma_wait3A_203] : memref<352x128xf32, #tpu.memory_space<vmem>> -> memref<320x128xf32, #tpu.memory_space<vmem>>
      tpu.wait_dma2 semaphore(%run_scoped3A : memref<!tpu.dma_semaphore, #tpu.memory_space<semaphore_mem>>) src(%dma_wait3A_204 : memref<320x128xf32, #tpu.memory_space<vmem>>) dst(%dma_wait3A_201 : memref<320x128xf32, #tpu.memory_space<vmem_shared>>)
      tpu.yield
    }) : () -> ()
    %eq3A_166 = arith.constant 0 : i32
    %eq3A_167 = arith.cmpi eq, %arg1, %eq3A_166 : i32
    %convert_element_type3A_168 = arith.extui %eq3A_167 : i1 to i32
    %cond3A_169 = arith.constant 0 : i32
    %cond3A_170 = arith.cmpi ne, %convert_element_type3A_168, %cond3A_169 : i32
    scf.if %cond3A_170 {
      "tpu.region"() ({
        %run_scoped3A = tpu.sem_alloc : memref<!tpu.dma_semaphore, #tpu.memory_space<semaphore_mem>>
        %dma_start3A = arith.constant 0 : i32
        %dma_start3A_187 = arith.constant 0 : i32
        %dma_start3A_188 = tpu.memref_slice %arg10[%dma_start3A, %dma_start3A_187] : memref<352x128xf32, #tpu.memory_space<vmem>> -> memref<16x128xf32, #tpu.memory_space<vmem>>
        %dma_start3A_189 = arith.constant 5120 : i32
        %dma_start3A_190 = arith.constant 0 : i32
        %dma_start3A_191 = tpu.memref_slice %arg11[%dma_start3A_189, %dma_start3A_190] : memref<5136x128xf32, #tpu.memory_space<vmem_shared>> -> memref<16x128xf32, #tpu.memory_space<vmem_shared>>
        %dma_start3A_192 = arith.constant 5120 : i32
        %dma_start3A_193 = arith.constant 0 : i32
        %dma_start3A_194 = tpu.memref_slice %arg11[%dma_start3A_192, %dma_start3A_193] : memref<5136x128xf32, #tpu.memory_space<vmem_shared>> -> memref<16x128xf32, #tpu.memory_space<vmem_shared>>
        %dma_start3A_195 = arith.constant 0 : i32
        %dma_start3A_196 = arith.constant 0 : i32
        %dma_start3A_197 = tpu.memref_slice %arg10[%dma_start3A_195, %dma_start3A_196] : memref<352x128xf32, #tpu.memory_space<vmem>> -> memref<16x128xf32, #tpu.memory_space<vmem>>
        tpu.enqueue_dma source(%dma_start3A_197 : memref<16x128xf32, #tpu.memory_space<vmem>>) target(%dma_start3A_194 : memref<16x128xf32, #tpu.memory_space<vmem_shared>>) target_semaphore(%run_scoped3A : memref<!tpu.dma_semaphore, #tpu.memory_space<semaphore_mem>>)
        %dma_wait3A = arith.constant 0 : i32
        %dma_wait3A_198 = arith.constant 0 : i32
        %dma_wait3A_199 = tpu.memref_slice %arg10[%dma_wait3A, %dma_wait3A_198] : memref<352x128xf32, #tpu.memory_space<vmem>> -> memref<16x128xf32, #tpu.memory_space<vmem>>
        %dma_wait3A_200 = arith.constant 5120 : i32
        %dma_wait3A_201 = arith.constant 0 : i32
        %dma_wait3A_202 = tpu.memref_slice %arg11[%dma_wait3A_200, %dma_wait3A_201] : memref<5136x128xf32, #tpu.memory_space<vmem_shared>> -> memref<16x128xf32, #tpu.memory_space<vmem_shared>>
        %dma_wait3A_203 = arith.constant 5120 : i32
        %dma_wait3A_204 = arith.constant 0 : i32
        %dma_wait3A_205 = tpu.memref_slice %arg11[%dma_wait3A_203, %dma_wait3A_204] : memref<5136x128xf32, #tpu.memory_space<vmem_shared>> -> memref<16x128xf32, #tpu.memory_space<vmem_shared>>
        %dma_wait3A_206 = arith.constant 0 : i32
        %dma_wait3A_207 = arith.constant 0 : i32
        %dma_wait3A_208 = tpu.memref_slice %arg10[%dma_wait3A_206, %dma_wait3A_207] : memref<352x128xf32, #tpu.memory_space<vmem>> -> memref<16x128xf32, #tpu.memory_space<vmem>>
        tpu.wait_dma2 semaphore(%run_scoped3A : memref<!tpu.dma_semaphore, #tpu.memory_space<semaphore_mem>>) src(%dma_wait3A_208 : memref<16x128xf32, #tpu.memory_space<vmem>>) dst(%dma_wait3A_205 : memref<16x128xf32, #tpu.memory_space<vmem_shared>>)
        tpu.yield
      }) : () -> ()
    } else {
    }
    %barrier3A_171 = arith.constant 0 : index
    tpu.barrier barrier_id(%barrier3A_171)
    %scan3A_172 = arith.constant 0 : i32
    %scan3A_173 = arith.constant 0 : i32
    %scan3A_174 = arith.constant 32 : i32
    %scan3A_175 = arith.addi %scan3A_173, %scan3A_174 : i32
    %scan3A_176 = arith.constant 1 : i32
    %scan3A_177 = scf.for %scan3A_187 = %scan3A_173 to %scan3A_175 step %scan3A_176 iter_args(%scan3A_188 = %scan3A_172) -> (i32)  : i32 {
      %mul3A_189 = arith.constant 352 : i32
      %mul3A_190 = arith.muli %scan3A_187, %mul3A_189 : i32
      %add3A_191 = arith.addi %mul3A_0, %mul3A_190 : i32
      "tpu.region"() ({
        %run_scoped3A = tpu.sem_alloc : memref<!tpu.dma_semaphore, #tpu.memory_space<semaphore_mem>>
        %dma_start3A_204 = tpu.memref_slice %arg2[%add3A_191] : memref<180224xi32, #tpu.memory_space<hbm>> -> memref<352xi32, #tpu.memory_space<hbm>>
        %dma_start3A_205 = tpu.memref_slice %arg2[%add3A_191] : memref<180224xi32, #tpu.memory_space<hbm>> -> memref<352xi32, #tpu.memory_space<hbm>>
        tpu.enqueue_dma source(%dma_start3A_205 : memref<352xi32, #tpu.memory_space<hbm>>) target(%arg6 : memref<352xi32, #tpu.memory_space<vmem>>) target_semaphore(%run_scoped3A : memref<!tpu.dma_semaphore, #tpu.memory_space<semaphore_mem>>)
        %dma_wait3A_206 = tpu.memref_slice %arg2[%add3A_191] : memref<180224xi32, #tpu.memory_space<hbm>> -> memref<352xi32, #tpu.memory_space<hbm>>
        %dma_wait3A_207 = tpu.memref_slice %arg2[%add3A_191] : memref<180224xi32, #tpu.memory_space<hbm>> -> memref<352xi32, #tpu.memory_space<hbm>>
        tpu.wait_dma2 semaphore(%run_scoped3A : memref<!tpu.dma_semaphore, #tpu.memory_space<semaphore_mem>>) src(%dma_wait3A_207 : memref<352xi32, #tpu.memory_space<hbm>>) dst(%arg6 : memref<352xi32, #tpu.memory_space<vmem>>)
        tpu.yield
      }) : () -> ()
      "tpu.region"() ({
        %run_scoped3A = tpu.sem_alloc : memref<!tpu.dma_semaphore, #tpu.memory_space<semaphore_mem>>
        %dma_start3A_204 = tpu.memref_slice %arg3[%add3A_191] : memref<180224xi32, #tpu.memory_space<hbm>> -> memref<352xi32, #tpu.memory_space<hbm>>
        %dma_start3A_205 = tpu.memref_slice %arg3[%add3A_191] : memref<180224xi32, #tpu.memory_space<hbm>> -> memref<352xi32, #tpu.memory_space<hbm>>
        tpu.enqueue_dma source(%dma_start3A_205 : memref<352xi32, #tpu.memory_space<hbm>>) target(%arg7 : memref<352xi32, #tpu.memory_space<vmem>>) target_semaphore(%run_scoped3A : memref<!tpu.dma_semaphore, #tpu.memory_space<semaphore_mem>>)
        %dma_wait3A_206 = tpu.memref_slice %arg3[%add3A_191] : memref<180224xi32, #tpu.memory_space<hbm>> -> memref<352xi32, #tpu.memory_space<hbm>>
        %dma_wait3A_207 = tpu.memref_slice %arg3[%add3A_191] : memref<180224xi32, #tpu.memory_space<hbm>> -> memref<352xi32, #tpu.memory_space<hbm>>
        tpu.wait_dma2 semaphore(%run_scoped3A : memref<!tpu.dma_semaphore, #tpu.memory_space<semaphore_mem>>) src(%dma_wait3A_207 : memref<352xi32, #tpu.memory_space<hbm>>) dst(%arg7 : memref<352xi32, #tpu.memory_space<vmem>>)
        tpu.yield
      }) : () -> ()
      %scan3A_192 = arith.constant 0 : i32
      %scan3A_193 = arith.constant 0 : i32
      %scan3A_194 = arith.constant 22 : i32
      %scan3A_195 = arith.addi %scan3A_193, %scan3A_194 : i32
      %scan3A_196 = arith.constant 1 : i32
      %scan3A_197 = scf.for %scan3A_204 = %scan3A_193 to %scan3A_195 step %scan3A_196 iter_args(%scan3A_205 = %scan3A_192) -> (i32)  : i32 {
        %mul3A_206 = arith.constant 16 : i32
        %mul3A_207 = arith.muli %scan3A_204, %mul3A_206 : i32
        %get3A = arith.index_cast %mul3A_207 : i32 to index
        %get3A_208 = tpu.vector_load %arg7[%get3A] {strides = array<i32>} : memref<352xi32, #tpu.memory_space<vmem>>, vector<16xi32>,
        %get3A_209 = vector.shape_cast %get3A_208 : vector<16xi32> to vector<16xi32>
        %mul3A_210 = arith.constant 16 : i32
        %mul3A_211 = arith.muli %scan3A_204, %mul3A_210 : i32
        %get3A_212 = arith.index_cast %mul3A_211 : i32 to index
        %get3A_213 = tpu.vector_load %arg6[%get3A_212] {strides = array<i32>} : memref<352xi32, #tpu.memory_space<vmem>>, vector<16xi32>,
        %get3A_214 = vector.shape_cast %get3A_213 : vector<16xi32> to vector<16xi32>
        %ge3A = arith.constant 5120 : i32
        %ge3A_215 = vector.broadcast %ge3A : i32 to vector<16xi32>
        %ge3A_216 = arith.cmpi sge, %get3A_209, %ge3A_215 : vector<16xi32>
        %lt3A = arith.constant 10240 : i32
        %lt3A_217 = vector.broadcast %lt3A : i32 to vector<16xi32>
        %lt3A_218 = arith.cmpi slt, %get3A_209, %lt3A_217 : vector<16xi32>
        %and3A = arith.andi %ge3A_216, %lt3A_218 : vector<16xi1>
        %sub3A = arith.constant 5120 : i32
        %sub3A_219 = vector.broadcast %sub3A : i32 to vector<16xi32>
        %sub3A_220 = arith.subi %get3A_209, %sub3A_219 : vector<16xi32>
        %broadcast_in_dim3A_221 = arith.constant 5120 : i32
        %broadcast_in_dim3A_222 = vector.broadcast %broadcast_in_dim3A_221 : i32 to vector<16xi32>
        %select_n3A = arith.select %and3A, %sub3A_220, %broadcast_in_dim3A_222 : vector<16xi1>, vector<16xi32>
        %mul3A_223 = arith.constant 16 : i32
        %mul3A_224 = arith.muli %scan3A_204, %mul3A_223 : i32
        %swap3A_225 = arith.index_cast %mul3A_224 : i32 to index
        %swap3A_226 = tpu.vector_load %arg9[%swap3A_225] {strides = array<i32>} : memref<352xi32, #tpu.memory_space<vmem>>, vector<16xi32>,
        %swap3A_227 = vector.shape_cast %swap3A_226 : vector<16xi32> to vector<16xi32>
        %swap3A_228 = vector.shape_cast %select_n3A : vector<16xi32> to vector<16xi32>
        tpu.vector_store %arg9[%swap3A_225], %swap3A_228 {strides = array<i32>} : memref<352xi32, #tpu.memory_space<vmem>>, vector<16xi32>,
        %add3A_229 = vector.broadcast %mul3A_2 : i32 to vector<16xi32>
        %add3A_230 = arith.addi %get3A_214, %add3A_229 : vector<16xi32>
        %mul3A_231 = arith.constant 16 : i32
        %mul3A_232 = arith.muli %scan3A_204, %mul3A_231 : i32
        %swap3A_233 = arith.index_cast %mul3A_232 : i32 to index
        %swap3A_234 = tpu.vector_load %arg8[%swap3A_233] {strides = array<i32>} : memref<352xi32, #tpu.memory_space<vmem>>, vector<16xi32>,
        %swap3A_235 = vector.shape_cast %swap3A_234 : vector<16xi32> to vector<16xi32>
        %swap3A_236 = vector.shape_cast %add3A_230 : vector<16xi32> to vector<16xi32>
        tpu.vector_store %arg8[%swap3A_233], %swap3A_236 {strides = array<i32>} : memref<352xi32, #tpu.memory_space<vmem>>, vector<16xi32>,
        %scan3A_237 = arith.constant 0 : i32
        scf.yield %scan3A_237 : i32
      }
      %scan3A_198 = arith.constant 22 : i32
      %dma_start3A = arith.constant 0 : i32
      %dma_start3A_199 = arith.constant 0 : i32
      %dma_start3A_200 = tpu.memref_slice %arg4[%dma_start3A, %dma_start3A_199] : memref<20480x128xf32, #tpu.memory_space<hbm>> -> memref<20480x128xf32, #tpu.memory_space<hbm>>
      tpu.enqueue_indirect_dma source(%dma_start3A_200 : memref<20480x128xf32, #tpu.memory_space<hbm>>) target(%arg10 : memref<352x128xf32, #tpu.memory_space<vmem>>) offsets(%arg8 : memref<352xi32, #tpu.memory_space<vmem>>) semaphore(%arg12 : memref<!tpu.dma_semaphore, #tpu.memory_space<semaphore_mem>>)
      %dma_wait3A = arith.constant 0 : i32
      %dma_wait3A_201 = arith.constant 0 : i32
      %dma_wait3A_202 = tpu.memref_slice %arg4[%dma_wait3A, %dma_wait3A_201] : memref<20480x128xf32, #tpu.memory_space<hbm>> -> memref<20480x128xf32, #tpu.memory_space<hbm>>
      tpu.wait_indirect_dma semaphore(%arg12 : memref<!tpu.dma_semaphore, #tpu.memory_space<semaphore_mem>>) src(%dma_wait3A_202 : memref<20480x128xf32, #tpu.memory_space<hbm>>) dst(%arg10 : memref<352x128xf32, #tpu.memory_space<vmem>>)
      "tpu.region"() ({
        %run_scoped3A = tpu.sem_alloc : memref<!tpu.dma_semaphore, #tpu.memory_space<semaphore_mem>>
        %dma_start3A_204 = arith.constant 0 : i32
        %dma_start3A_205 = arith.constant 0 : i32
        %dma_start3A_206 = tpu.memref_slice %arg11[%dma_start3A_204, %dma_start3A_205] : memref<5136x128xf32, #tpu.memory_space<vmem_shared>> -> memref<5136x128xf32, #tpu.memory_space<vmem_shared>>
        tpu.enqueue_indirect_dma source(%arg10 : memref<352x128xf32, #tpu.memory_space<vmem>>) target(%dma_start3A_206 : memref<5136x128xf32, #tpu.memory_space<vmem_shared>>) offsets(%arg9 : memref<352xi32, #tpu.memory_space<vmem>>) semaphore(%run_scoped3A : memref<!tpu.dma_semaphore, #tpu.memory_space<semaphore_mem>>) {add = true}
        %dma_wait3A_207 = arith.constant 0 : i32
        %dma_wait3A_208 = arith.constant 0 : i32
        %dma_wait3A_209 = tpu.memref_slice %arg11[%dma_wait3A_207, %dma_wait3A_208] : memref<5136x128xf32, #tpu.memory_space<vmem_shared>> -> memref<5136x128xf32, #tpu.memory_space<vmem_shared>>
        tpu.wait_indirect_dma semaphore(%run_scoped3A : memref<!tpu.dma_semaphore, #tpu.memory_space<semaphore_mem>>) src(%arg10 : memref<352x128xf32, #tpu.memory_space<vmem>>) dst(%dma_wait3A_209 : memref<5136x128xf32, #tpu.memory_space<vmem_shared>>)
        tpu.yield
      }) : () -> ()
      %scan3A_203 = arith.constant 0 : i32
      scf.yield %scan3A_203 : i32
    }
    %scan3A_178 = arith.constant 32 : i32
    %barrier3A_179 = arith.constant 0 : index
    tpu.barrier barrier_id(%barrier3A_179)
    %mul3A_180 = arith.constant 320 : i32
    %mul3A_181 = arith.muli %arg1, %mul3A_180 : i32
    %mul3A_182 = arith.constant 320 : i32
    %mul3A_183 = arith.muli %arg1, %mul3A_182 : i32
    %add3A_184 = arith.constant 5120 : i32
    %add3A_185 = arith.addi %add3A_184, %mul3A_183 : i32
    "tpu.region"() ({
      %run_scoped3A = tpu.sem_alloc : memref<!tpu.dma_semaphore, #tpu.memory_space<semaphore_mem>>
      %dma_start3A = arith.constant 0 : i32
      %dma_start3A_187 = tpu.memref_slice %arg5[%arg0, %add3A_185, %dma_start3A] : memref<2x10240x128xf32, #tpu.memory_space<hbm>> -> memref<1x320x128xf32, #tpu.memory_space<hbm>>
      %dma_start3A_188 = tpu.memref_squeeze %dma_start3A_187 : memref<1x320x128xf32, #tpu.memory_space<hbm>> -> memref<320x128xf32, #tpu.memory_space<hbm>>
      %dma_start3A_189 = arith.constant 0 : i32
      %dma_start3A_190 = tpu.memref_slice %arg11[%mul3A_181, %dma_start3A_189] : memref<5136x128xf32, #tpu.memory_space<vmem_shared>> -> memref<320x128xf32, #tpu.memory_space<vmem_shared>>
      tpu.enqueue_dma source(%dma_start3A_190 : memref<320x128xf32, #tpu.memory_space<vmem_shared>>) target(%dma_start3A_188 : memref<320x128xf32, #tpu.memory_space<hbm>>) target_semaphore(%run_scoped3A : memref<!tpu.dma_semaphore, #tpu.memory_space<semaphore_mem>>)
      %dma_wait3A = arith.constant 0 : i32
      %dma_wait3A_191 = tpu.memref_slice %arg5[%arg0, %add3A_185, %dma_wait3A] : memref<2x10240x128xf32, #tpu.memory_space<hbm>> -> memref<1x320x128xf32, #tpu.memory_space<hbm>>
      %dma_wait3A_192 = tpu.memref_squeeze %dma_wait3A_191 : memref<1x320x128xf32, #tpu.memory_space<hbm>> -> memref<320x128xf32, #tpu.memory_space<hbm>>
      %dma_wait3A_193 = arith.constant 0 : i32
      %dma_wait3A_194 = tpu.memref_slice %arg11[%mul3A_181, %dma_wait3A_193] : memref<5136x128xf32, #tpu.memory_space<vmem_shared>> -> memref<320x128xf32, #tpu.memory_space<vmem_shared>>
      tpu.wait_dma2 semaphore(%run_scoped3A : memref<!tpu.dma_semaphore, #tpu.memory_space<semaphore_mem>>) src(%dma_wait3A_194 : memref<320x128xf32, #tpu.memory_space<vmem_shared>>) dst(%dma_wait3A_192 : memref<320x128xf32, #tpu.memory_space<hbm>>)
      tpu.yield
    }) : () -> ()
    %barrier3A_186 = arith.constant 0 : index
    tpu.barrier barrier_id(%barrier3A_186)
    return
  }
}

module attributes {stable_mosaic.version = 14 : i64} {
  func.func @_prep_body(%arg0: memref<32x80x128xf32, #tpu.memory_space<vmem>>, %arg1: memref<80x128xf32, #tpu.memory_space<vmem>>, %arg2: memref<80x128xf32, #tpu.memory_space<vmem>>) attributes {dimension_semantics = [], scalar_prefetch = 0 : i64, scratch_operands = 0 : i64, tpu.core_type = #tpu.core_type<tc>} {
    %get3A = arith.constant 0 : index
    %get3A_0 = arith.constant 0 : index
    %get3A_1 = arith.constant 0 : index
    %get3A_2 = vector.load %arg0[%get3A, %get3A_0, %get3A_1] : memref<32x80x128xf32, #tpu.memory_space<vmem>>, vector<1x80x128xf32>
    %get3A_3 = vector.shape_cast %get3A_2 : vector<1x80x128xf32> to vector<80x128xf32>
    %get3A_4 = arith.constant 1 : index
    %get3A_5 = arith.constant 0 : index
    %get3A_6 = arith.constant 0 : index
    %get3A_7 = vector.load %arg0[%get3A_4, %get3A_5, %get3A_6] : memref<32x80x128xf32, #tpu.memory_space<vmem>>, vector<1x80x128xf32>
    %get3A_8 = vector.shape_cast %get3A_7 : vector<1x80x128xf32> to vector<80x128xf32>
    %add3A = arith.addf %get3A_3, %get3A_8 : vector<80x128xf32>
    %get3A_9 = arith.constant 2 : index
    %get3A_10 = arith.constant 0 : index
    %get3A_11 = arith.constant 0 : index
    %get3A_12 = vector.load %arg0[%get3A_9, %get3A_10, %get3A_11] : memref<32x80x128xf32, #tpu.memory_space<vmem>>, vector<1x80x128xf32>
    %get3A_13 = vector.shape_cast %get3A_12 : vector<1x80x128xf32> to vector<80x128xf32>
    %add3A_14 = arith.addf %add3A, %get3A_13 : vector<80x128xf32>
    %get3A_15 = arith.constant 3 : index
    %get3A_16 = arith.constant 0 : index
    %get3A_17 = arith.constant 0 : index
    %get3A_18 = vector.load %arg0[%get3A_15, %get3A_16, %get3A_17] : memref<32x80x128xf32, #tpu.memory_space<vmem>>, vector<1x80x128xf32>
    %get3A_19 = vector.shape_cast %get3A_18 : vector<1x80x128xf32> to vector<80x128xf32>
    %add3A_20 = arith.addf %add3A_14, %get3A_19 : vector<80x128xf32>
    %get3A_21 = arith.constant 4 : index
    %get3A_22 = arith.constant 0 : index
    %get3A_23 = arith.constant 0 : index
    %get3A_24 = vector.load %arg0[%get3A_21, %get3A_22, %get3A_23] : memref<32x80x128xf32, #tpu.memory_space<vmem>>, vector<1x80x128xf32>
    %get3A_25 = vector.shape_cast %get3A_24 : vector<1x80x128xf32> to vector<80x128xf32>
    %add3A_26 = arith.addf %add3A_20, %get3A_25 : vector<80x128xf32>
    %get3A_27 = arith.constant 5 : index
    %get3A_28 = arith.constant 0 : index
    %get3A_29 = arith.constant 0 : index
    %get3A_30 = vector.load %arg0[%get3A_27, %get3A_28, %get3A_29] : memref<32x80x128xf32, #tpu.memory_space<vmem>>, vector<1x80x128xf32>
    %get3A_31 = vector.shape_cast %get3A_30 : vector<1x80x128xf32> to vector<80x128xf32>
    %add3A_32 = arith.addf %add3A_26, %get3A_31 : vector<80x128xf32>
    %get3A_33 = arith.constant 6 : index
    %get3A_34 = arith.constant 0 : index
    %get3A_35 = arith.constant 0 : index
    %get3A_36 = vector.load %arg0[%get3A_33, %get3A_34, %get3A_35] : memref<32x80x128xf32, #tpu.memory_space<vmem>>, vector<1x80x128xf32>
    %get3A_37 = vector.shape_cast %get3A_36 : vector<1x80x128xf32> to vector<80x128xf32>
    %add3A_38 = arith.addf %add3A_32, %get3A_37 : vector<80x128xf32>
    %get3A_39 = arith.constant 7 : index
    %get3A_40 = arith.constant 0 : index
    %get3A_41 = arith.constant 0 : index
    %get3A_42 = vector.load %arg0[%get3A_39, %get3A_40, %get3A_41] : memref<32x80x128xf32, #tpu.memory_space<vmem>>, vector<1x80x128xf32>
    %get3A_43 = vector.shape_cast %get3A_42 : vector<1x80x128xf32> to vector<80x128xf32>
    %add3A_44 = arith.addf %add3A_38, %get3A_43 : vector<80x128xf32>
    %get3A_45 = arith.constant 8 : index
    %get3A_46 = arith.constant 0 : index
    %get3A_47 = arith.constant 0 : index
    %get3A_48 = vector.load %arg0[%get3A_45, %get3A_46, %get3A_47] : memref<32x80x128xf32, #tpu.memory_space<vmem>>, vector<1x80x128xf32>
    %get3A_49 = vector.shape_cast %get3A_48 : vector<1x80x128xf32> to vector<80x128xf32>
    %add3A_50 = arith.addf %add3A_44, %get3A_49 : vector<80x128xf32>
    %get3A_51 = arith.constant 9 : index
    %get3A_52 = arith.constant 0 : index
    %get3A_53 = arith.constant 0 : index
    %get3A_54 = vector.load %arg0[%get3A_51, %get3A_52, %get3A_53] : memref<32x80x128xf32, #tpu.memory_space<vmem>>, vector<1x80x128xf32>
    %get3A_55 = vector.shape_cast %get3A_54 : vector<1x80x128xf32> to vector<80x128xf32>
    %add3A_56 = arith.addf %add3A_50, %get3A_55 : vector<80x128xf32>
    %get3A_57 = arith.constant 10 : index
    %get3A_58 = arith.constant 0 : index
    %get3A_59 = arith.constant 0 : index
    %get3A_60 = vector.load %arg0[%get3A_57, %get3A_58, %get3A_59] : memref<32x80x128xf32, #tpu.memory_space<vmem>>, vector<1x80x128xf32>
    %get3A_61 = vector.shape_cast %get3A_60 : vector<1x80x128xf32> to vector<80x128xf32>
    %add3A_62 = arith.addf %add3A_56, %get3A_61 : vector<80x128xf32>
    %get3A_63 = arith.constant 11 : index
    %get3A_64 = arith.constant 0 : index
    %get3A_65 = arith.constant 0 : index
    %get3A_66 = vector.load %arg0[%get3A_63, %get3A_64, %get3A_65] : memref<32x80x128xf32, #tpu.memory_space<vmem>>, vector<1x80x128xf32>
    %get3A_67 = vector.shape_cast %get3A_66 : vector<1x80x128xf32> to vector<80x128xf32>
    %add3A_68 = arith.addf %add3A_62, %get3A_67 : vector<80x128xf32>
    %get3A_69 = arith.constant 12 : index
    %get3A_70 = arith.constant 0 : index
    %get3A_71 = arith.constant 0 : index
    %get3A_72 = vector.load %arg0[%get3A_69, %get3A_70, %get3A_71] : memref<32x80x128xf32, #tpu.memory_space<vmem>>, vector<1x80x128xf32>
    %get3A_73 = vector.shape_cast %get3A_72 : vector<1x80x128xf32> to vector<80x128xf32>
    %add3A_74 = arith.addf %add3A_68, %get3A_73 : vector<80x128xf32>
    %get3A_75 = arith.constant 13 : index
    %get3A_76 = arith.constant 0 : index
    %get3A_77 = arith.constant 0 : index
    %get3A_78 = vector.load %arg0[%get3A_75, %get3A_76, %get3A_77] : memref<32x80x128xf32, #tpu.memory_space<vmem>>, vector<1x80x128xf32>
    %get3A_79 = vector.shape_cast %get3A_78 : vector<1x80x128xf32> to vector<80x128xf32>
    %add3A_80 = arith.addf %add3A_74, %get3A_79 : vector<80x128xf32>
    %get3A_81 = arith.constant 14 : index
    %get3A_82 = arith.constant 0 : index
    %get3A_83 = arith.constant 0 : index
    %get3A_84 = vector.load %arg0[%get3A_81, %get3A_82, %get3A_83] : memref<32x80x128xf32, #tpu.memory_space<vmem>>, vector<1x80x128xf32>
    %get3A_85 = vector.shape_cast %get3A_84 : vector<1x80x128xf32> to vector<80x128xf32>
    %add3A_86 = arith.addf %add3A_80, %get3A_85 : vector<80x128xf32>
    %get3A_87 = arith.constant 15 : index
    %get3A_88 = arith.constant 0 : index
    %get3A_89 = arith.constant 0 : index
    %get3A_90 = vector.load %arg0[%get3A_87, %get3A_88, %get3A_89] : memref<32x80x128xf32, #tpu.memory_space<vmem>>, vector<1x80x128xf32>
    %get3A_91 = vector.shape_cast %get3A_90 : vector<1x80x128xf32> to vector<80x128xf32>
    %add3A_92 = arith.addf %add3A_86, %get3A_91 : vector<80x128xf32>
    %get3A_93 = arith.constant 16 : index
    %get3A_94 = arith.constant 0 : index
    %get3A_95 = arith.constant 0 : index
    %get3A_96 = vector.load %arg0[%get3A_93, %get3A_94, %get3A_95] : memref<32x80x128xf32, #tpu.memory_space<vmem>>, vector<1x80x128xf32>
    %get3A_97 = vector.shape_cast %get3A_96 : vector<1x80x128xf32> to vector<80x128xf32>
    %add3A_98 = arith.addf %add3A_92, %get3A_97 : vector<80x128xf32>
    %get3A_99 = arith.constant 17 : index
    %get3A_100 = arith.constant 0 : index
    %get3A_101 = arith.constant 0 : index
    %get3A_102 = vector.load %arg0[%get3A_99, %get3A_100, %get3A_101] : memref<32x80x128xf32, #tpu.memory_space<vmem>>, vector<1x80x128xf32>
    %get3A_103 = vector.shape_cast %get3A_102 : vector<1x80x128xf32> to vector<80x128xf32>
    %add3A_104 = arith.addf %add3A_98, %get3A_103 : vector<80x128xf32>
    %get3A_105 = arith.constant 18 : index
    %get3A_106 = arith.constant 0 : index
    %get3A_107 = arith.constant 0 : index
    %get3A_108 = vector.load %arg0[%get3A_105, %get3A_106, %get3A_107] : memref<32x80x128xf32, #tpu.memory_space<vmem>>, vector<1x80x128xf32>
    %get3A_109 = vector.shape_cast %get3A_108 : vector<1x80x128xf32> to vector<80x128xf32>
    %add3A_110 = arith.addf %add3A_104, %get3A_109 : vector<80x128xf32>
    %get3A_111 = arith.constant 19 : index
    %get3A_112 = arith.constant 0 : index
    %get3A_113 = arith.constant 0 : index
    %get3A_114 = vector.load %arg0[%get3A_111, %get3A_112, %get3A_113] : memref<32x80x128xf32, #tpu.memory_space<vmem>>, vector<1x80x128xf32>
    %get3A_115 = vector.shape_cast %get3A_114 : vector<1x80x128xf32> to vector<80x128xf32>
    %add3A_116 = arith.addf %add3A_110, %get3A_115 : vector<80x128xf32>
    %get3A_117 = arith.constant 20 : index
    %get3A_118 = arith.constant 0 : index
    %get3A_119 = arith.constant 0 : index
    %get3A_120 = vector.load %arg0[%get3A_117, %get3A_118, %get3A_119] : memref<32x80x128xf32, #tpu.memory_space<vmem>>, vector<1x80x128xf32>
    %get3A_121 = vector.shape_cast %get3A_120 : vector<1x80x128xf32> to vector<80x128xf32>
    %add3A_122 = arith.addf %add3A_116, %get3A_121 : vector<80x128xf32>
    %get3A_123 = arith.constant 21 : index
    %get3A_124 = arith.constant 0 : index
    %get3A_125 = arith.constant 0 : index
    %get3A_126 = vector.load %arg0[%get3A_123, %get3A_124, %get3A_125] : memref<32x80x128xf32, #tpu.memory_space<vmem>>, vector<1x80x128xf32>
    %get3A_127 = vector.shape_cast %get3A_126 : vector<1x80x128xf32> to vector<80x128xf32>
    %add3A_128 = arith.addf %add3A_122, %get3A_127 : vector<80x128xf32>
    %get3A_129 = arith.constant 22 : index
    %get3A_130 = arith.constant 0 : index
    %get3A_131 = arith.constant 0 : index
    %get3A_132 = vector.load %arg0[%get3A_129, %get3A_130, %get3A_131] : memref<32x80x128xf32, #tpu.memory_space<vmem>>, vector<1x80x128xf32>
    %get3A_133 = vector.shape_cast %get3A_132 : vector<1x80x128xf32> to vector<80x128xf32>
    %add3A_134 = arith.addf %add3A_128, %get3A_133 : vector<80x128xf32>
    %get3A_135 = arith.constant 23 : index
    %get3A_136 = arith.constant 0 : index
    %get3A_137 = arith.constant 0 : index
    %get3A_138 = vector.load %arg0[%get3A_135, %get3A_136, %get3A_137] : memref<32x80x128xf32, #tpu.memory_space<vmem>>, vector<1x80x128xf32>
    %get3A_139 = vector.shape_cast %get3A_138 : vector<1x80x128xf32> to vector<80x128xf32>
    %add3A_140 = arith.addf %add3A_134, %get3A_139 : vector<80x128xf32>
    %get3A_141 = arith.constant 24 : index
    %get3A_142 = arith.constant 0 : index
    %get3A_143 = arith.constant 0 : index
    %get3A_144 = vector.load %arg0[%get3A_141, %get3A_142, %get3A_143] : memref<32x80x128xf32, #tpu.memory_space<vmem>>, vector<1x80x128xf32>
    %get3A_145 = vector.shape_cast %get3A_144 : vector<1x80x128xf32> to vector<80x128xf32>
    %add3A_146 = arith.addf %add3A_140, %get3A_145 : vector<80x128xf32>
    %get3A_147 = arith.constant 25 : index
    %get3A_148 = arith.constant 0 : index
    %get3A_149 = arith.constant 0 : index
    %get3A_150 = vector.load %arg0[%get3A_147, %get3A_148, %get3A_149] : memref<32x80x128xf32, #tpu.memory_space<vmem>>, vector<1x80x128xf32>
    %get3A_151 = vector.shape_cast %get3A_150 : vector<1x80x128xf32> to vector<80x128xf32>
    %add3A_152 = arith.addf %add3A_146, %get3A_151 : vector<80x128xf32>
    %get3A_153 = arith.constant 26 : index
    %get3A_154 = arith.constant 0 : index
    %get3A_155 = arith.constant 0 : index
    %get3A_156 = vector.load %arg0[%get3A_153, %get3A_154, %get3A_155] : memref<32x80x128xf32, #tpu.memory_space<vmem>>, vector<1x80x128xf32>
    %get3A_157 = vector.shape_cast %get3A_156 : vector<1x80x128xf32> to vector<80x128xf32>
    %add3A_158 = arith.addf %add3A_152, %get3A_157 : vector<80x128xf32>
    %get3A_159 = arith.constant 27 : index
    %get3A_160 = arith.constant 0 : index
    %get3A_161 = arith.constant 0 : index
    %get3A_162 = vector.load %arg0[%get3A_159, %get3A_160, %get3A_161] : memref<32x80x128xf32, #tpu.memory_space<vmem>>, vector<1x80x128xf32>
    %get3A_163 = vector.shape_cast %get3A_162 : vector<1x80x128xf32> to vector<80x128xf32>
    %add3A_164 = arith.addf %add3A_158, %get3A_163 : vector<80x128xf32>
    %get3A_165 = arith.constant 28 : index
    %get3A_166 = arith.constant 0 : index
    %get3A_167 = arith.constant 0 : index
    %get3A_168 = vector.load %arg0[%get3A_165, %get3A_166, %get3A_167] : memref<32x80x128xf32, #tpu.memory_space<vmem>>, vector<1x80x128xf32>
    %get3A_169 = vector.shape_cast %get3A_168 : vector<1x80x128xf32> to vector<80x128xf32>
    %add3A_170 = arith.addf %add3A_164, %get3A_169 : vector<80x128xf32>
    %get3A_171 = arith.constant 29 : index
    %get3A_172 = arith.constant 0 : index
    %get3A_173 = arith.constant 0 : index
    %get3A_174 = vector.load %arg0[%get3A_171, %get3A_172, %get3A_173] : memref<32x80x128xf32, #tpu.memory_space<vmem>>, vector<1x80x128xf32>
    %get3A_175 = vector.shape_cast %get3A_174 : vector<1x80x128xf32> to vector<80x128xf32>
    %add3A_176 = arith.addf %add3A_170, %get3A_175 : vector<80x128xf32>
    %get3A_177 = arith.constant 30 : index
    %get3A_178 = arith.constant 0 : index
    %get3A_179 = arith.constant 0 : index
    %get3A_180 = vector.load %arg0[%get3A_177, %get3A_178, %get3A_179] : memref<32x80x128xf32, #tpu.memory_space<vmem>>, vector<1x80x128xf32>
    %get3A_181 = vector.shape_cast %get3A_180 : vector<1x80x128xf32> to vector<80x128xf32>
    %add3A_182 = arith.addf %add3A_176, %get3A_181 : vector<80x128xf32>
    %get3A_183 = arith.constant 31 : index
    %get3A_184 = arith.constant 0 : index
    %get3A_185 = arith.constant 0 : index
    %get3A_186 = vector.load %arg0[%get3A_183, %get3A_184, %get3A_185] : memref<32x80x128xf32, #tpu.memory_space<vmem>>, vector<1x80x128xf32>
    %get3A_187 = vector.shape_cast %get3A_186 : vector<1x80x128xf32> to vector<80x128xf32>
    %add3A_188 = arith.addf %add3A_182, %get3A_187 : vector<80x128xf32>
    %max3A = arith.constant 1.000000e+00 : f32
    %max3A_189 = vector.broadcast %max3A : f32 to vector<80x128xf32>
    %max3A_190 = arith.maximumf %add3A_188, %max3A_189 : vector<80x128xf32>
    %swap3A = arith.constant 0 : index
    %swap3A_191 = arith.constant 0 : index
    %swap3A_192 = vector.load %arg1[%swap3A, %swap3A_191] : memref<80x128xf32, #tpu.memory_space<vmem>>, vector<80x128xf32>
    tpu.vector_store %arg1[%swap3A, %swap3A_191], %max3A_190 {strides = array<i32>} : memref<80x128xf32, #tpu.memory_space<vmem>>, vector<80x128xf32>,
    %gt3A = arith.constant 0.000000e+00 : f32
    %gt3A_193 = vector.broadcast %gt3A : f32 to vector<80x128xf32>
    %gt3A_194 = arith.cmpf ogt, %add3A_188, %gt3A_193 : vector<80x128xf32>
    %rsqrt3A = math.rsqrt %add3A_188 : vector<80x128xf32>
    %jit3A = arith.constant 0.000000e+00 : f32
    %broadcast_in_dim3A = vector.broadcast %jit3A : f32 to vector<80x128xf32>
    %select_n3A = arith.select %gt3A_194, %rsqrt3A, %broadcast_in_dim3A : vector<80x128xi1>, vector<80x128xf32>
    %swap3A_195 = arith.constant 0 : index
    %swap3A_196 = arith.constant 0 : index
    %swap3A_197 = vector.load %arg2[%swap3A_195, %swap3A_196] : memref<80x128xf32, #tpu.memory_space<vmem>>, vector<80x128xf32>
    tpu.vector_store %arg2[%swap3A_195, %swap3A_196], %select_n3A {strides = array<i32>} : memref<80x128xf32, #tpu.memory_space<vmem>>, vector<80x128xf32>,
    return
  }
}

module attributes {stable_mosaic.version = 14 : i64} {
  func.func @_project_body(%arg0: i32, %arg1: memref<512x256xf32, #tpu.memory_space<vmem>>, %arg2: memref<256x64xf32, #tpu.memory_space<vmem>>, %arg3: memref<256x160xf32, #tpu.memory_space<vmem>>, %arg4: memref<1x160xf32, #tpu.memory_space<vmem>>, %arg5: memref<512x1xf32, #tpu.memory_space<vmem>>, %arg6: memref<2x512x128xf32, #tpu.memory_space<vmem>>, %arg7: memref<2x512x32xf32, #tpu.memory_space<vmem>>, %arg8: memref<512x160xf32, #tpu.memory_space<vmem>>) attributes {dimension_semantics = [#tpu.dimension_semantics<arbitrary>], iteration_bounds = array<i64: 20>, scalar_prefetch = 0 : i64, scratch_operands = 0 : i64, tpu.core_type = #tpu.core_type<tc>, window_params = [{transform_indices = @transform_0, window_bounds = array<i64: 512, 256>}, {pipeline_mode = #tpu.pipeline_mode<synchronous>, transform_indices = @transform_1, window_bounds = array<i64: 256, 64>}, {pipeline_mode = #tpu.pipeline_mode<synchronous>, transform_indices = @transform_2, window_bounds = array<i64: 256, 160>}, {pipeline_mode = #tpu.pipeline_mode<synchronous>, transform_indices = @transform_3, window_bounds = array<i64: 1, 160>}, {transform_indices = @transform_4, window_bounds = array<i64: 512, 1>}, {transform_indices = @transform_5, window_bounds = array<i64: 2, 512, 128>}, {transform_indices = @transform_6, window_bounds = array<i64: 2, 512, 32>}, {transform_indices = @transform_7, window_bounds = array<i64: 512, 160>}]} {
    %get3A = arith.constant 0 : index
    %get3A_0 = arith.constant 0 : index
    %get3A_1 = vector.load %arg1[%get3A, %get3A_0] : memref<512x256xf32, #tpu.memory_space<vmem>>, vector<512x256xf32>
    %get3A_2 = arith.constant 0 : index
    %get3A_3 = arith.constant 0 : index
    %get3A_4 = vector.load %arg2[%get3A_2, %get3A_3] : memref<256x64xf32, #tpu.memory_space<vmem>>, vector<256x64xf32>
    %dot_general3A = arith.constant dense<0.000000e+00> : vector<512x64xf32>
    %dot_general3A_5 = tpu.matmul %get3A_1, %get3A_4, %dot_general3A {dimension_numbers = #tpu.dot_dimension_numbers<[1], [0], [0], [1], [0, 0, 1, 1], [], []>, precision = #tpu.contract_precision<fp32>, transpose_lhs_hint = false} : vector<512x256xf32>, vector<256x64xf32>, vector<512x64xf32> -> vector<512x64xf32>
    %slice3A = vector.extract_strided_slice %dot_general3A_5 {offsets = [0, 0], sizes = [512, 32], strides = [1, 1]} : vector<512x64xf32> to vector<512x32xf32>
    %swap3A = arith.constant 0 : index
    %swap3A_6 = arith.constant 0 : index
    %swap3A_7 = arith.constant 0 : index
    %swap3A_8 = vector.load %arg7[%swap3A, %swap3A_6, %swap3A_7] : memref<2x512x32xf32, #tpu.memory_space<vmem>>, vector<1x512x32xf32>
    %swap3A_9 = vector.shape_cast %swap3A_8 : vector<1x512x32xf32> to vector<512x32xf32>
    %swap3A_10 = vector.shape_cast %slice3A : vector<512x32xf32> to vector<1x512x32xf32>
    tpu.vector_store %arg7[%swap3A, %swap3A_6, %swap3A_7], %swap3A_10 {strides = array<i32>} : memref<2x512x32xf32, #tpu.memory_space<vmem>>, vector<1x512x32xf32>,
    %get3A_11 = arith.constant 0 : index
    %get3A_12 = arith.constant 0 : index
    %get3A_13 = vector.load %arg5[%get3A_11, %get3A_12] : memref<512x1xf32, #tpu.memory_space<vmem>>, vector<512x1xf32>
    %mul3A = vector.broadcast %get3A_13 : vector<512x1xf32> to vector<512x32xf32>
    %mul3A_14 = arith.mulf %slice3A, %mul3A : vector<512x32xf32>
    %mul3A_15 = arith.mulf %slice3A, %slice3A : vector<512x32xf32>
    %broadcast_in_dim3A = arith.constant 0.000000e+00 : f32
    %broadcast_in_dim3A_16 = vector.broadcast %broadcast_in_dim3A : f32 to vector<512x32xf32>
    %concatenate3A = tpu.concatenate %slice3A, %mul3A_14, %mul3A_15, %broadcast_in_dim3A_16 in 1 : vector<512x32xf32>, vector<512x32xf32>, vector<512x32xf32>, vector<512x32xf32> -> vector<512x128xf32>
    %swap3A_17 = arith.constant 0 : index
    %swap3A_18 = arith.constant 0 : index
    %swap3A_19 = arith.constant 0 : index
    %swap3A_20 = vector.load %arg6[%swap3A_17, %swap3A_18, %swap3A_19] : memref<2x512x128xf32, #tpu.memory_space<vmem>>, vector<1x512x128xf32>
    %swap3A_21 = vector.shape_cast %swap3A_20 : vector<1x512x128xf32> to vector<512x128xf32>
    %swap3A_22 = vector.shape_cast %concatenate3A : vector<512x128xf32> to vector<1x512x128xf32>
    tpu.vector_store %arg6[%swap3A_17, %swap3A_18, %swap3A_19], %swap3A_22 {strides = array<i32>} : memref<2x512x128xf32, #tpu.memory_space<vmem>>, vector<1x512x128xf32>,
    %slice3A_23 = vector.extract_strided_slice %dot_general3A_5 {offsets = [0, 32], sizes = [512, 32], strides = [1, 1]} : vector<512x64xf32> to vector<512x32xf32>
    %swap3A_24 = arith.constant 1 : index
    %swap3A_25 = arith.constant 0 : index
    %swap3A_26 = arith.constant 0 : index
    %swap3A_27 = vector.load %arg7[%swap3A_24, %swap3A_25, %swap3A_26] : memref<2x512x32xf32, #tpu.memory_space<vmem>>, vector<1x512x32xf32>
    %swap3A_28 = vector.shape_cast %swap3A_27 : vector<1x512x32xf32> to vector<512x32xf32>
    %swap3A_29 = vector.shape_cast %slice3A_23 : vector<512x32xf32> to vector<1x512x32xf32>
    tpu.vector_store %arg7[%swap3A_24, %swap3A_25, %swap3A_26], %swap3A_29 {strides = array<i32>} : memref<2x512x32xf32, #tpu.memory_space<vmem>>, vector<1x512x32xf32>,
    %get3A_30 = arith.constant 0 : index
    %get3A_31 = arith.constant 0 : index
    %get3A_32 = vector.load %arg5[%get3A_30, %get3A_31] : memref<512x1xf32, #tpu.memory_space<vmem>>, vector<512x1xf32>
    %mul3A_33 = vector.broadcast %get3A_32 : vector<512x1xf32> to vector<512x32xf32>
    %mul3A_34 = arith.mulf %slice3A_23, %mul3A_33 : vector<512x32xf32>
    %mul3A_35 = arith.mulf %slice3A_23, %slice3A_23 : vector<512x32xf32>
    %broadcast_in_dim3A_36 = arith.constant 0.000000e+00 : f32
    %broadcast_in_dim3A_37 = vector.broadcast %broadcast_in_dim3A_36 : f32 to vector<512x32xf32>
    %concatenate3A_38 = tpu.concatenate %slice3A_23, %mul3A_34, %mul3A_35, %broadcast_in_dim3A_37 in 1 : vector<512x32xf32>, vector<512x32xf32>, vector<512x32xf32>, vector<512x32xf32> -> vector<512x128xf32>
    %swap3A_39 = arith.constant 1 : index
    %swap3A_40 = arith.constant 0 : index
    %swap3A_41 = arith.constant 0 : index
    %swap3A_42 = vector.load %arg6[%swap3A_39, %swap3A_40, %swap3A_41] : memref<2x512x128xf32, #tpu.memory_space<vmem>>, vector<1x512x128xf32>
    %swap3A_43 = vector.shape_cast %swap3A_42 : vector<1x512x128xf32> to vector<512x128xf32>
    %swap3A_44 = vector.shape_cast %concatenate3A_38 : vector<512x128xf32> to vector<1x512x128xf32>
    tpu.vector_store %arg6[%swap3A_39, %swap3A_40, %swap3A_41], %swap3A_44 {strides = array<i32>} : memref<2x512x128xf32, #tpu.memory_space<vmem>>, vector<1x512x128xf32>,
    %get3A_45 = arith.constant 0 : index
    %get3A_46 = arith.constant 0 : index
    %get3A_47 = vector.load %arg3[%get3A_45, %get3A_46] : memref<256x160xf32, #tpu.memory_space<vmem>>, vector<256x160xf32>
    %dot_general3A_48 = arith.constant dense<0.000000e+00> : vector<512x160xf32>
    %dot_general3A_49 = tpu.matmul %get3A_1, %get3A_47, %dot_general3A_48 {dimension_numbers = #tpu.dot_dimension_numbers<[1], [0], [0], [1], [0, 0, 1, 1], [], []>, precision = #tpu.contract_precision<fp32>, transpose_lhs_hint = false} : vector<512x256xf32>, vector<256x160xf32>, vector<512x160xf32> -> vector<512x160xf32>
    %get3A_50 = arith.constant 0 : index
    %get3A_51 = arith.constant 0 : index
    %get3A_52 = vector.load %arg4[%get3A_50, %get3A_51] : memref<1x160xf32, #tpu.memory_space<vmem>>, vector<1x160xf32>
    %add3A = vector.broadcast %get3A_52 : vector<1x160xf32> to vector<512x160xf32>
    %add3A_53 = arith.addf %dot_general3A_49, %add3A : vector<512x160xf32>
    %swap3A_54 = arith.constant 0 : index
    %swap3A_55 = arith.constant 0 : index
    %swap3A_56 = vector.load %arg8[%swap3A_54, %swap3A_55] : memref<512x160xf32, #tpu.memory_space<vmem>>, vector<512x160xf32>
    tpu.vector_store %arg8[%swap3A_54, %swap3A_55], %add3A_53 {strides = array<i32>} : memref<512x160xf32, #tpu.memory_space<vmem>>, vector<512x160xf32>,
    return
  }
  func.func @transform_0(%arg0: i32) -> (i32, i32) {
    %c0_i32 = arith.constant 0 : i32
    %c0_i32_0 = arith.constant 0 : i32
    return %arg0, %c0_i32 : i32, i32
  }
  func.func @transform_1(%arg0: i32) -> (i32, i32) {
    %c0_i32 = arith.constant 0 : i32
    %c0_i32_0 = arith.constant 0 : i32
    %c0_i32_1 = arith.constant 0 : i32
    return %c0_i32, %c0_i32_0 : i32, i32
  }
  func.func @transform_2(%arg0: i32) -> (i32, i32) {
    %c0_i32 = arith.constant 0 : i32
    %c0_i32_0 = arith.constant 0 : i32
    %c0_i32_1 = arith.constant 0 : i32
    return %c0_i32, %c0_i32_0 : i32, i32
  }
  func.func @transform_3(%arg0: i32) -> (i32, i32) {
    %c0_i32 = arith.constant 0 : i32
    %c0_i32_0 = arith.constant 0 : i32
    %c0_i32_1 = arith.constant 0 : i32
    return %c0_i32, %c0_i32_0 : i32, i32
  }
  func.func @transform_4(%arg0: i32) -> (i32, i32) {
    %c0_i32 = arith.constant 0 : i32
    %c0_i32_0 = arith.constant 0 : i32
    return %arg0, %c0_i32 : i32, i32
  }
  func.func @transform_5(%arg0: i32) -> (i32, i32, i32) {
    %c0_i32 = arith.constant 0 : i32
    %c0_i32_0 = arith.constant 0 : i32
    %c0_i32_1 = arith.constant 0 : i32
    return %c0_i32, %arg0, %c0_i32_0 : i32, i32, i32
  }
  func.func @transform_6(%arg0: i32) -> (i32, i32, i32) {
    %c0_i32 = arith.constant 0 : i32
    %c0_i32_0 = arith.constant 0 : i32
    %c0_i32_1 = arith.constant 0 : i32
    return %c0_i32, %arg0, %c0_i32_0 : i32, i32, i32
  }
  func.func @transform_7(%arg0: i32) -> (i32, i32) {
    %c0_i32 = arith.constant 0 : i32
    %c0_i32_0 = arith.constant 0 : i32
    return %arg0, %c0_i32 : i32, i32
  }
}

module attributes {stable_mosaic.version = 14 : i64} {
  func.func @_combine_body(%arg0: i32, %arg1: memref<2x512x128xf32, #tpu.memory_space<vmem>>, %arg2: memref<2x512x128xf32, #tpu.memory_space<vmem>>, %arg3: memref<1x512x64xf32, #tpu.memory_space<vmem>>, %arg4: memref<512x1xf32, #tpu.memory_space<vmem>>, %arg5: memref<512x1xf32, #tpu.memory_space<vmem>>, %arg6: memref<512x160xf32, #tpu.memory_space<vmem>>, %arg7: memref<1x128xf32, #tpu.memory_space<vmem>>, %arg8: memref<1x128xf32, #tpu.memory_space<vmem>>, %arg9: memref<1x128xf32, #tpu.memory_space<vmem>>, %arg10: memref<512x128xf32, #tpu.memory_space<vmem>>) attributes {dimension_semantics = [#tpu.dimension_semantics<arbitrary>], iteration_bounds = array<i64: 20>, scalar_prefetch = 0 : i64, scratch_operands = 0 : i64, tpu.core_type = #tpu.core_type<tc>, window_params = [{transform_indices = @transform_0, window_bounds = array<i64: 2, 512, 128>}, {transform_indices = @transform_1, window_bounds = array<i64: 2, 512, 128>}, {transform_indices = @transform_2, window_bounds = array<i64: 1, 512, 64>}, {transform_indices = @transform_3, window_bounds = array<i64: 512, 1>}, {transform_indices = @transform_4, window_bounds = array<i64: 512, 1>}, {transform_indices = @transform_5, window_bounds = array<i64: 512, 160>}, {pipeline_mode = #tpu.pipeline_mode<synchronous>, transform_indices = @transform_6, window_bounds = array<i64: 1, 128>}, {pipeline_mode = #tpu.pipeline_mode<synchronous>, transform_indices = @transform_7, window_bounds = array<i64: 1, 128>}, {pipeline_mode = #tpu.pipeline_mode<synchronous>, transform_indices = @transform_8, window_bounds = array<i64: 1, 128>}, {transform_indices = @transform_9, window_bounds = array<i64: 512, 128>}]} {
    %get3A = arith.constant 0 : index
    %get3A_0 = arith.constant 0 : index
    %get3A_1 = vector.load %arg4[%get3A, %get3A_0] : memref<512x1xf32, #tpu.memory_space<vmem>>, vector<512x1xf32>
    %div3A = arith.constant 1.000000e+00 : f32
    %div3A_2 = vector.broadcast %div3A : f32 to vector<512x1xf32>
    %div3A_3 = arith.divf %div3A_2, %get3A_1 : vector<512x1xf32>
    %get3A_4 = arith.constant 0 : index
    %get3A_5 = arith.constant 0 : index
    %get3A_6 = arith.constant 0 : index
    %get3A_7 = vector.load %arg1[%get3A_4, %get3A_5, %get3A_6] : memref<2x512x128xf32, #tpu.memory_space<vmem>>, vector<1x512x128xf32>
    %get3A_8 = vector.shape_cast %get3A_7 : vector<1x512x128xf32> to vector<512x128xf32>
    %slice3A = vector.extract_strided_slice %get3A_8 {offsets = [0, 0], sizes = [512, 32], strides = [1, 1]} : vector<512x128xf32> to vector<512x32xf32>
    %get3A_9 = arith.constant 1 : index
    %get3A_10 = arith.constant 0 : index
    %get3A_11 = arith.constant 0 : index
    %get3A_12 = vector.load %arg1[%get3A_9, %get3A_10, %get3A_11] : memref<2x512x128xf32, #tpu.memory_space<vmem>>, vector<1x512x128xf32>
    %get3A_13 = vector.shape_cast %get3A_12 : vector<1x512x128xf32> to vector<512x128xf32>
    %slice3A_14 = vector.extract_strided_slice %get3A_13 {offsets = [0, 0], sizes = [512, 32], strides = [1, 1]} : vector<512x128xf32> to vector<512x32xf32>
    %concatenate3A = tpu.concatenate %slice3A, %slice3A_14 in 1 : vector<512x32xf32>, vector<512x32xf32> -> vector<512x64xf32>
    %mul3A = vector.broadcast %div3A_3 : vector<512x1xf32> to vector<512x64xf32>
    %mul3A_15 = arith.mulf %concatenate3A, %mul3A : vector<512x64xf32>
    %get3A_16 = arith.constant 0 : index
    %get3A_17 = arith.constant 0 : index
    %get3A_18 = arith.constant 0 : index
    %get3A_19 = vector.load %arg1[%get3A_16, %get3A_17, %get3A_18] : memref<2x512x128xf32, #tpu.memory_space<vmem>>, vector<1x512x128xf32>
    %get3A_20 = vector.shape_cast %get3A_19 : vector<1x512x128xf32> to vector<512x128xf32>
    %slice3A_21 = vector.extract_strided_slice %get3A_20 {offsets = [0, 64], sizes = [512, 32], strides = [1, 1]} : vector<512x128xf32> to vector<512x32xf32>
    %get3A_22 = arith.constant 1 : index
    %get3A_23 = arith.constant 0 : index
    %get3A_24 = arith.constant 0 : index
    %get3A_25 = vector.load %arg1[%get3A_22, %get3A_23, %get3A_24] : memref<2x512x128xf32, #tpu.memory_space<vmem>>, vector<1x512x128xf32>
    %get3A_26 = vector.shape_cast %get3A_25 : vector<1x512x128xf32> to vector<512x128xf32>
    %slice3A_27 = vector.extract_strided_slice %get3A_26 {offsets = [0, 64], sizes = [512, 32], strides = [1, 1]} : vector<512x128xf32> to vector<512x32xf32>
    %concatenate3A_28 = tpu.concatenate %slice3A_21, %slice3A_27 in 1 : vector<512x32xf32>, vector<512x32xf32> -> vector<512x64xf32>
    %mul3A_29 = vector.broadcast %div3A_3 : vector<512x1xf32> to vector<512x64xf32>
    %mul3A_30 = arith.mulf %concatenate3A_28, %mul3A_29 : vector<512x64xf32>
    %mul3A_31 = arith.mulf %mul3A_15, %mul3A_15 : vector<512x64xf32>
    %sub3A = arith.subf %mul3A_30, %mul3A_31 : vector<512x64xf32>
    %max3A = arith.constant 0.000000e+00 : f32
    %max3A_32 = vector.broadcast %max3A : f32 to vector<512x64xf32>
    %max3A_33 = arith.maximumf %sub3A, %max3A_32 : vector<512x64xf32>
    %add3A = arith.constant 9.99999974E-6 : f32
    %add3A_34 = vector.broadcast %add3A : f32 to vector<512x64xf32>
    %add3A_35 = arith.addf %max3A_33, %add3A_34 : vector<512x64xf32>
    %sqrt3A = math.sqrt %add3A_35 : vector<512x64xf32>
    %get3A_36 = arith.constant 0 : index
    %get3A_37 = arith.constant 0 : index
    %get3A_38 = arith.constant 0 : index
    %get3A_39 = vector.load %arg1[%get3A_36, %get3A_37, %get3A_38] : memref<2x512x128xf32, #tpu.memory_space<vmem>>, vector<1x512x128xf32>
    %get3A_40 = vector.shape_cast %get3A_39 : vector<1x512x128xf32> to vector<512x128xf32>
    %slice3A_41 = vector.extract_strided_slice %get3A_40 {offsets = [0, 32], sizes = [512, 32], strides = [1, 1]} : vector<512x128xf32> to vector<512x32xf32>
    %get3A_42 = arith.constant 1 : index
    %get3A_43 = arith.constant 0 : index
    %get3A_44 = arith.constant 0 : index
    %get3A_45 = vector.load %arg1[%get3A_42, %get3A_43, %get3A_44] : memref<2x512x128xf32, #tpu.memory_space<vmem>>, vector<1x512x128xf32>
    %get3A_46 = vector.shape_cast %get3A_45 : vector<1x512x128xf32> to vector<512x128xf32>
    %slice3A_47 = vector.extract_strided_slice %get3A_46 {offsets = [0, 32], sizes = [512, 32], strides = [1, 1]} : vector<512x128xf32> to vector<512x32xf32>
    %concatenate3A_48 = tpu.concatenate %slice3A_41, %slice3A_47 in 1 : vector<512x32xf32>, vector<512x32xf32> -> vector<512x64xf32>
    %get3A_49 = arith.constant 0 : index
    %get3A_50 = arith.constant 0 : index
    %get3A_51 = vector.load %arg5[%get3A_49, %get3A_50] : memref<512x1xf32, #tpu.memory_space<vmem>>, vector<512x1xf32>
    %mul3A_52 = vector.broadcast %get3A_51 : vector<512x1xf32> to vector<512x64xf32>
    %mul3A_53 = arith.mulf %concatenate3A_48, %mul3A_52 : vector<512x64xf32>
    %get3A_54 = arith.constant 0 : index
    %get3A_55 = arith.constant 0 : index
    %get3A_56 = arith.constant 0 : index
    %get3A_57 = vector.load %arg3[%get3A_54, %get3A_55, %get3A_56] : memref<1x512x64xf32, #tpu.memory_space<vmem>>, vector<1x512x64xf32>
    %get3A_58 = vector.shape_cast %get3A_57 : vector<1x512x64xf32> to vector<512x64xf32>
    %lt3A = arith.constant -9.99999968E+37 : f32
    %lt3A_59 = vector.broadcast %lt3A : f32 to vector<512x64xf32>
    %lt3A_60 = arith.cmpf olt, %get3A_58, %lt3A_59 : vector<512x64xf32>
    %jit3A = arith.constant 0.000000e+00 : f32
    %broadcast_in_dim3A = vector.broadcast %jit3A : f32 to vector<512x64xf32>
    %select_n3A = arith.select %lt3A_60, %broadcast_in_dim3A, %get3A_58 : vector<512x64xi1>, vector<512x64xf32>
    %slice3A_61 = vector.extract_strided_slice %mul3A_15 {offsets = [0, 0], sizes = [512, 16], strides = [1, 1]} : vector<512x64xf32> to vector<512x16xf32>
    %slice3A_62 = vector.extract_strided_slice %mul3A_15 {offsets = [0, 16], sizes = [512, 16], strides = [1, 1]} : vector<512x64xf32> to vector<512x16xf32>
    %slice3A_63 = vector.extract_strided_slice %mul3A_15 {offsets = [0, 32], sizes = [512, 16], strides = [1, 1]} : vector<512x64xf32> to vector<512x16xf32>
    %slice3A_64 = vector.extract_strided_slice %mul3A_15 {offsets = [0, 48], sizes = [512, 16], strides = [1, 1]} : vector<512x64xf32> to vector<512x16xf32>
    %slice3A_65 = vector.extract_strided_slice %mul3A_53 {offsets = [0, 0], sizes = [512, 16], strides = [1, 1]} : vector<512x64xf32> to vector<512x16xf32>
    %slice3A_66 = vector.extract_strided_slice %mul3A_53 {offsets = [0, 16], sizes = [512, 16], strides = [1, 1]} : vector<512x64xf32> to vector<512x16xf32>
    %slice3A_67 = vector.extract_strided_slice %mul3A_53 {offsets = [0, 32], sizes = [512, 16], strides = [1, 1]} : vector<512x64xf32> to vector<512x16xf32>
    %slice3A_68 = vector.extract_strided_slice %mul3A_53 {offsets = [0, 48], sizes = [512, 16], strides = [1, 1]} : vector<512x64xf32> to vector<512x16xf32>
    %slice3A_69 = vector.extract_strided_slice %sub3A {offsets = [0, 0], sizes = [512, 16], strides = [1, 1]} : vector<512x64xf32> to vector<512x16xf32>
    %slice3A_70 = vector.extract_strided_slice %sub3A {offsets = [0, 16], sizes = [512, 16], strides = [1, 1]} : vector<512x64xf32> to vector<512x16xf32>
    %slice3A_71 = vector.extract_strided_slice %sub3A {offsets = [0, 32], sizes = [512, 16], strides = [1, 1]} : vector<512x64xf32> to vector<512x16xf32>
    %slice3A_72 = vector.extract_strided_slice %sub3A {offsets = [0, 48], sizes = [512, 16], strides = [1, 1]} : vector<512x64xf32> to vector<512x16xf32>
    %slice3A_73 = vector.extract_strided_slice %sqrt3A {offsets = [0, 0], sizes = [512, 16], strides = [1, 1]} : vector<512x64xf32> to vector<512x16xf32>
    %slice3A_74 = vector.extract_strided_slice %sqrt3A {offsets = [0, 16], sizes = [512, 16], strides = [1, 1]} : vector<512x64xf32> to vector<512x16xf32>
    %slice3A_75 = vector.extract_strided_slice %sqrt3A {offsets = [0, 32], sizes = [512, 16], strides = [1, 1]} : vector<512x64xf32> to vector<512x16xf32>
    %slice3A_76 = vector.extract_strided_slice %sqrt3A {offsets = [0, 48], sizes = [512, 16], strides = [1, 1]} : vector<512x64xf32> to vector<512x16xf32>
    %slice3A_77 = vector.extract_strided_slice %select_n3A {offsets = [0, 0], sizes = [512, 16], strides = [1, 1]} : vector<512x64xf32> to vector<512x16xf32>
    %slice3A_78 = vector.extract_strided_slice %select_n3A {offsets = [0, 16], sizes = [512, 16], strides = [1, 1]} : vector<512x64xf32> to vector<512x16xf32>
    %slice3A_79 = vector.extract_strided_slice %select_n3A {offsets = [0, 32], sizes = [512, 16], strides = [1, 1]} : vector<512x64xf32> to vector<512x16xf32>
    %slice3A_80 = vector.extract_strided_slice %select_n3A {offsets = [0, 48], sizes = [512, 16], strides = [1, 1]} : vector<512x64xf32> to vector<512x16xf32>
    %concatenate3A_81 = tpu.concatenate %slice3A_61, %slice3A_62, %slice3A_63, %slice3A_64, %slice3A_65, %slice3A_66, %slice3A_67, %slice3A_68, %slice3A_69, %slice3A_70, %slice3A_71, %slice3A_72, %slice3A_73, %slice3A_74, %slice3A_75, %slice3A_76, %slice3A_77, %slice3A_78, %slice3A_79, %slice3A_80 in 1 : vector<512x16xf32>, vector<512x16xf32>, vector<512x16xf32>, vector<512x16xf32>, vector<512x16xf32>, vector<512x16xf32>, vector<512x16xf32>, vector<512x16xf32>, vector<512x16xf32>, vector<512x16xf32>, vector<512x16xf32>, vector<512x16xf32>, vector<512x16xf32>, vector<512x16xf32>, vector<512x16xf32>, vector<512x16xf32>, vector<512x16xf32>, vector<512x16xf32>, vector<512x16xf32>, vector<512x16xf32> -> vector<512x320xf32>
    %iota3A = tpu.iota {dimensions = array<i32: 0>} : vector<20x320xi32>
    %iota3A_82 = tpu.iota {dimensions = array<i32: 1>} : vector<20x320xi32>
    %jit3A_83 = arith.constant 16 : i32
    %div3A_84 = vector.broadcast %jit3A_83 : i32 to vector<20x320xi32>
    %div3A_85 = arith.divsi %iota3A_82, %div3A_84 : vector<20x320xi32>
    %sign3A = arith.constant 0 : i32
    %sign3A_86 = vector.broadcast %sign3A : i32 to vector<20x320xi32>
    %sign3A_87 = arith.cmpi sgt, %iota3A_82, %sign3A_86 : vector<20x320xi32>
    %sign3A_88 = arith.extui %sign3A_87 : vector<20x320xi1> to vector<20x320xi32>
    %sign3A_89 = arith.constant 0 : i32
    %sign3A_90 = vector.broadcast %sign3A_89 : i32 to vector<20x320xi32>
    %sign3A_91 = arith.cmpi slt, %iota3A_82, %sign3A_90 : vector<20x320xi32>
    %sign3A_92 = arith.extui %sign3A_91 : vector<20x320xi1> to vector<20x320xi32>
    %sign3A_93 = arith.subi %sign3A_88, %sign3A_92 : vector<20x320xi32>
    %sign3A_94 = arith.constant 0 : i32
    %sign3A_95 = arith.cmpi sgt, %jit3A_83, %sign3A_94 : i32
    %sign3A_96 = arith.extui %sign3A_95 : i1 to i32
    %sign3A_97 = arith.constant 0 : i32
    %sign3A_98 = arith.cmpi slt, %jit3A_83, %sign3A_97 : i32
    %sign3A_99 = arith.extui %sign3A_98 : i1 to i32
    %sign3A_100 = arith.subi %sign3A_96, %sign3A_99 : i32
    %ne3A = vector.broadcast %sign3A_100 : i32 to vector<20x320xi32>
    %ne3A_101 = arith.cmpi ne, %sign3A_93, %ne3A : vector<20x320xi32>
    %rem3A = vector.broadcast %jit3A_83 : i32 to vector<20x320xi32>
    %rem3A_102 = arith.remsi %iota3A_82, %rem3A : vector<20x320xi32>
    %ne3A_103 = arith.constant 0 : i32
    %ne3A_104 = vector.broadcast %ne3A_103 : i32 to vector<20x320xi32>
    %ne3A_105 = arith.cmpi ne, %rem3A_102, %ne3A_104 : vector<20x320xi32>
    %and3A = arith.andi %ne3A_101, %ne3A_105 : vector<20x320xi1>
    %sub3A_106 = arith.constant 1 : i32
    %sub3A_107 = vector.broadcast %sub3A_106 : i32 to vector<20x320xi32>
    %sub3A_108 = arith.subi %div3A_85, %sub3A_107 : vector<20x320xi32>
    %select_n3A_109 = arith.select %and3A, %sub3A_108, %div3A_85 : vector<20x320xi1>, vector<20x320xi32>
    %eq3A = arith.cmpi eq, %select_n3A_109, %iota3A : vector<20x320xi32>
    %convert_element_type3A = arith.extui %eq3A : vector<20x320xi1> to vector<20x320xi32>
    %convert_element_type3A_110 = arith.sitofp %convert_element_type3A : vector<20x320xi32> to vector<20x320xf32>
    %iota3A_111 = tpu.iota {dimensions = array<i32: 0>} : vector<320x16xi32>
    %iota3A_112 = tpu.iota {dimensions = array<i32: 1>} : vector<320x16xi32>
    %jit3A_113 = arith.constant 16 : i32
    %eq3A_114 = arith.constant 0 : i32
    %eq3A_115 = arith.cmpi eq, %jit3A_113, %eq3A_114 : i32
    %jit3A_116 = arith.constant 1 : i32
    %select_n3A_117 = arith.select %eq3A_115, %jit3A_116, %jit3A_113 : i32
    %rem3A_118 = vector.broadcast %select_n3A_117 : i32 to vector<320x16xi32>
    %rem3A_119 = arith.remsi %iota3A_111, %rem3A_118 : vector<320x16xi32>
    %ne3A_120 = arith.constant 0 : i32
    %ne3A_121 = vector.broadcast %ne3A_120 : i32 to vector<320x16xi32>
    %ne3A_122 = arith.cmpi ne, %rem3A_119, %ne3A_121 : vector<320x16xi32>
    %lt3A_123 = arith.constant 0 : i32
    %lt3A_124 = vector.broadcast %lt3A_123 : i32 to vector<320x16xi32>
    %lt3A_125 = arith.cmpi slt, %rem3A_119, %lt3A_124 : vector<320x16xi32>
    %lt3A_126 = arith.constant 0 : i32
    %lt3A_127 = arith.cmpi slt, %select_n3A_117, %lt3A_126 : i32
    %ne3A_128 = vector.broadcast %lt3A_127 : i1 to vector<320x16xi1>
    %ne3A_129 = vector.broadcast %ne3A_128 : vector<320x16xi1> to vector<320x16xi1>
    %ne3A_130 = arith.xori %lt3A_125, %ne3A_129 : vector<320x16xi1>
    %and3A_131 = arith.andi %ne3A_130, %ne3A_122 : vector<320x16xi1>
    %add3A_132 = vector.broadcast %select_n3A_117 : i32 to vector<320x16xi32>
    %add3A_133 = arith.addi %rem3A_119, %add3A_132 : vector<320x16xi32>
    %select_n3A_134 = arith.select %and3A_131, %add3A_133, %rem3A_119 : vector<320x16xi1>, vector<320x16xi32>
    %eq3A_135 = arith.cmpi eq, %select_n3A_134, %iota3A_112 : vector<320x16xi32>
    %convert_element_type3A_136 = arith.extui %eq3A_135 : vector<320x16xi1> to vector<320x16xi32>
    %convert_element_type3A_137 = arith.sitofp %convert_element_type3A_136 : vector<320x16xi32> to vector<320x16xf32>
    %get3A_138 = arith.constant 0 : index
    %get3A_139 = arith.constant 0 : index
    %get3A_140 = vector.load %arg6[%get3A_138, %get3A_139] : memref<512x160xf32, #tpu.memory_space<vmem>>, vector<512x160xf32>
    %slice3A_141 = vector.extract_strided_slice %get3A_140 {offsets = [0, 0], sizes = [512, 20], strides = [1, 1]} : vector<512x160xf32> to vector<512x20xf32>
    %dot_general3A = arith.constant dense<0.000000e+00> : vector<512x320xf32>
    %dot_general3A_142 = tpu.matmul %slice3A_141, %convert_element_type3A_110, %dot_general3A {dimension_numbers = #tpu.dot_dimension_numbers<[1], [0], [0], [1], [0, 0, 1, 1], [], []>, precision = #tpu.contract_precision<fp32>, transpose_lhs_hint = false} : vector<512x20xf32>, vector<20x320xf32>, vector<512x320xf32> -> vector<512x320xf32>
    %mul3A_143 = arith.mulf %dot_general3A_142, %concatenate3A_81 : vector<512x320xf32>
    %dot_general3A_144 = arith.constant dense<0.000000e+00> : vector<512x16xf32>
    %dot_general3A_145 = tpu.matmul %mul3A_143, %convert_element_type3A_137, %dot_general3A_144 {dimension_numbers = #tpu.dot_dimension_numbers<[1], [0], [0], [1], [0, 0, 1, 1], [], []>, precision = #tpu.contract_precision<fp32>, transpose_lhs_hint = false} : vector<512x320xf32>, vector<320x16xf32>, vector<512x16xf32> -> vector<512x16xf32>
    %slice3A_146 = vector.extract_strided_slice %get3A_140 {offsets = [0, 20], sizes = [512, 20], strides = [1, 1]} : vector<512x160xf32> to vector<512x20xf32>
    %dot_general3A_147 = arith.constant dense<0.000000e+00> : vector<512x320xf32>
    %dot_general3A_148 = tpu.matmul %slice3A_146, %convert_element_type3A_110, %dot_general3A_147 {dimension_numbers = #tpu.dot_dimension_numbers<[1], [0], [0], [1], [0, 0, 1, 1], [], []>, precision = #tpu.contract_precision<fp32>, transpose_lhs_hint = false} : vector<512x20xf32>, vector<20x320xf32>, vector<512x320xf32> -> vector<512x320xf32>
    %mul3A_149 = arith.mulf %dot_general3A_148, %concatenate3A_81 : vector<512x320xf32>
    %dot_general3A_150 = arith.constant dense<0.000000e+00> : vector<512x16xf32>
    %dot_general3A_151 = tpu.matmul %mul3A_149, %convert_element_type3A_137, %dot_general3A_150 {dimension_numbers = #tpu.dot_dimension_numbers<[1], [0], [0], [1], [0, 0, 1, 1], [], []>, precision = #tpu.contract_precision<fp32>, transpose_lhs_hint = false} : vector<512x320xf32>, vector<320x16xf32>, vector<512x16xf32> -> vector<512x16xf32>
    %slice3A_152 = vector.extract_strided_slice %get3A_140 {offsets = [0, 40], sizes = [512, 20], strides = [1, 1]} : vector<512x160xf32> to vector<512x20xf32>
    %dot_general3A_153 = arith.constant dense<0.000000e+00> : vector<512x320xf32>
    %dot_general3A_154 = tpu.matmul %slice3A_152, %convert_element_type3A_110, %dot_general3A_153 {dimension_numbers = #tpu.dot_dimension_numbers<[1], [0], [0], [1], [0, 0, 1, 1], [], []>, precision = #tpu.contract_precision<fp32>, transpose_lhs_hint = false} : vector<512x20xf32>, vector<20x320xf32>, vector<512x320xf32> -> vector<512x320xf32>
    %mul3A_155 = arith.mulf %dot_general3A_154, %concatenate3A_81 : vector<512x320xf32>
    %dot_general3A_156 = arith.constant dense<0.000000e+00> : vector<512x16xf32>
    %dot_general3A_157 = tpu.matmul %mul3A_155, %convert_element_type3A_137, %dot_general3A_156 {dimension_numbers = #tpu.dot_dimension_numbers<[1], [0], [0], [1], [0, 0, 1, 1], [], []>, precision = #tpu.contract_precision<fp32>, transpose_lhs_hint = false} : vector<512x320xf32>, vector<320x16xf32>, vector<512x16xf32> -> vector<512x16xf32>
    %slice3A_158 = vector.extract_strided_slice %get3A_140 {offsets = [0, 60], sizes = [512, 20], strides = [1, 1]} : vector<512x160xf32> to vector<512x20xf32>
    %dot_general3A_159 = arith.constant dense<0.000000e+00> : vector<512x320xf32>
    %dot_general3A_160 = tpu.matmul %slice3A_158, %convert_element_type3A_110, %dot_general3A_159 {dimension_numbers = #tpu.dot_dimension_numbers<[1], [0], [0], [1], [0, 0, 1, 1], [], []>, precision = #tpu.contract_precision<fp32>, transpose_lhs_hint = false} : vector<512x20xf32>, vector<20x320xf32>, vector<512x320xf32> -> vector<512x320xf32>
    %mul3A_161 = arith.mulf %dot_general3A_160, %concatenate3A_81 : vector<512x320xf32>
    %dot_general3A_162 = arith.constant dense<0.000000e+00> : vector<512x16xf32>
    %dot_general3A_163 = tpu.matmul %mul3A_161, %convert_element_type3A_137, %dot_general3A_162 {dimension_numbers = #tpu.dot_dimension_numbers<[1], [0], [0], [1], [0, 0, 1, 1], [], []>, precision = #tpu.contract_precision<fp32>, transpose_lhs_hint = false} : vector<512x320xf32>, vector<320x16xf32>, vector<512x16xf32> -> vector<512x16xf32>
    %slice3A_164 = vector.extract_strided_slice %get3A_140 {offsets = [0, 80], sizes = [512, 20], strides = [1, 1]} : vector<512x160xf32> to vector<512x20xf32>
    %dot_general3A_165 = arith.constant dense<0.000000e+00> : vector<512x320xf32>
    %dot_general3A_166 = tpu.matmul %slice3A_164, %convert_element_type3A_110, %dot_general3A_165 {dimension_numbers = #tpu.dot_dimension_numbers<[1], [0], [0], [1], [0, 0, 1, 1], [], []>, precision = #tpu.contract_precision<fp32>, transpose_lhs_hint = false} : vector<512x20xf32>, vector<20x320xf32>, vector<512x320xf32> -> vector<512x320xf32>
    %mul3A_167 = arith.mulf %dot_general3A_166, %concatenate3A_81 : vector<512x320xf32>
    %dot_general3A_168 = arith.constant dense<0.000000e+00> : vector<512x16xf32>
    %dot_general3A_169 = tpu.matmul %mul3A_167, %convert_element_type3A_137, %dot_general3A_168 {dimension_numbers = #tpu.dot_dimension_numbers<[1], [0], [0], [1], [0, 0, 1, 1], [], []>, precision = #tpu.contract_precision<fp32>, transpose_lhs_hint = false} : vector<512x320xf32>, vector<320x16xf32>, vector<512x16xf32> -> vector<512x16xf32>
    %slice3A_170 = vector.extract_strided_slice %get3A_140 {offsets = [0, 100], sizes = [512, 20], strides = [1, 1]} : vector<512x160xf32> to vector<512x20xf32>
    %dot_general3A_171 = arith.constant dense<0.000000e+00> : vector<512x320xf32>
    %dot_general3A_172 = tpu.matmul %slice3A_170, %convert_element_type3A_110, %dot_general3A_171 {dimension_numbers = #tpu.dot_dimension_numbers<[1], [0], [0], [1], [0, 0, 1, 1], [], []>, precision = #tpu.contract_precision<fp32>, transpose_lhs_hint = false} : vector<512x20xf32>, vector<20x320xf32>, vector<512x320xf32> -> vector<512x320xf32>
    %mul3A_173 = arith.mulf %dot_general3A_172, %concatenate3A_81 : vector<512x320xf32>
    %dot_general3A_174 = arith.constant dense<0.000000e+00> : vector<512x16xf32>
    %dot_general3A_175 = tpu.matmul %mul3A_173, %convert_element_type3A_137, %dot_general3A_174 {dimension_numbers = #tpu.dot_dimension_numbers<[1], [0], [0], [1], [0, 0, 1, 1], [], []>, precision = #tpu.contract_precision<fp32>, transpose_lhs_hint = false} : vector<512x320xf32>, vector<320x16xf32>, vector<512x16xf32> -> vector<512x16xf32>
    %slice3A_176 = vector.extract_strided_slice %get3A_140 {offsets = [0, 120], sizes = [512, 20], strides = [1, 1]} : vector<512x160xf32> to vector<512x20xf32>
    %dot_general3A_177 = arith.constant dense<0.000000e+00> : vector<512x320xf32>
    %dot_general3A_178 = tpu.matmul %slice3A_176, %convert_element_type3A_110, %dot_general3A_177 {dimension_numbers = #tpu.dot_dimension_numbers<[1], [0], [0], [1], [0, 0, 1, 1], [], []>, precision = #tpu.contract_precision<fp32>, transpose_lhs_hint = false} : vector<512x20xf32>, vector<20x320xf32>, vector<512x320xf32> -> vector<512x320xf32>
    %mul3A_179 = arith.mulf %dot_general3A_178, %concatenate3A_81 : vector<512x320xf32>
    %dot_general3A_180 = arith.constant dense<0.000000e+00> : vector<512x16xf32>
    %dot_general3A_181 = tpu.matmul %mul3A_179, %convert_element_type3A_137, %dot_general3A_180 {dimension_numbers = #tpu.dot_dimension_numbers<[1], [0], [0], [1], [0, 0, 1, 1], [], []>, precision = #tpu.contract_precision<fp32>, transpose_lhs_hint = false} : vector<512x320xf32>, vector<320x16xf32>, vector<512x16xf32> -> vector<512x16xf32>
    %slice3A_182 = vector.extract_strided_slice %get3A_140 {offsets = [0, 140], sizes = [512, 20], strides = [1, 1]} : vector<512x160xf32> to vector<512x20xf32>
    %dot_general3A_183 = arith.constant dense<0.000000e+00> : vector<512x320xf32>
    %dot_general3A_184 = tpu.matmul %slice3A_182, %convert_element_type3A_110, %dot_general3A_183 {dimension_numbers = #tpu.dot_dimension_numbers<[1], [0], [0], [1], [0, 0, 1, 1], [], []>, precision = #tpu.contract_precision<fp32>, transpose_lhs_hint = false} : vector<512x20xf32>, vector<20x320xf32>, vector<512x320xf32> -> vector<512x320xf32>
    %mul3A_185 = arith.mulf %dot_general3A_184, %concatenate3A_81 : vector<512x320xf32>
    %dot_general3A_186 = arith.constant dense<0.000000e+00> : vector<512x16xf32>
    %dot_general3A_187 = tpu.matmul %mul3A_185, %convert_element_type3A_137, %dot_general3A_186 {dimension_numbers = #tpu.dot_dimension_numbers<[1], [0], [0], [1], [0, 0, 1, 1], [], []>, precision = #tpu.contract_precision<fp32>, transpose_lhs_hint = false} : vector<512x320xf32>, vector<320x16xf32>, vector<512x16xf32> -> vector<512x16xf32>
    %concatenate3A_188 = tpu.concatenate %dot_general3A_145, %dot_general3A_151, %dot_general3A_157, %dot_general3A_163, %dot_general3A_169, %dot_general3A_175, %dot_general3A_181, %dot_general3A_187 in 1 : vector<512x16xf32>, vector<512x16xf32>, vector<512x16xf32>, vector<512x16xf32>, vector<512x16xf32>, vector<512x16xf32>, vector<512x16xf32>, vector<512x16xf32> -> vector<512x128xf32>
    %get3A_189 = arith.constant 0 : index
    %get3A_190 = arith.constant 0 : index
    %get3A_191 = vector.load %arg7[%get3A_189, %get3A_190] : memref<1x128xf32, #tpu.memory_space<vmem>>, vector<1x128xf32>
    %add3A_192 = vector.broadcast %get3A_191 : vector<1x128xf32> to vector<512x128xf32>
    %add3A_193 = arith.addf %concatenate3A_188, %add3A_192 : vector<512x128xf32>
    %reduce_sum3A = arith.constant dense<0.000000e+00> : vector<512xf32>
    %reduce_sum3A_194 = vector.multi_reduction <add>, %add3A_193, %reduce_sum3A [1] : vector<512x128xf32> to vector<512xf32>
    %broadcast_in_dim3A_195 = vector.shape_cast %reduce_sum3A_194 : vector<512xf32> to vector<512x1xf32>
    %div3A_196 = arith.constant 1.280000e+02 : f32
    %div3A_197 = vector.broadcast %div3A_196 : f32 to vector<512x1xf32>
    %div3A_198 = arith.divf %broadcast_in_dim3A_195, %div3A_197 : vector<512x1xf32>
    %sub3A_199 = vector.broadcast %div3A_198 : vector<512x1xf32> to vector<512x128xf32>
    %sub3A_200 = arith.subf %add3A_193, %sub3A_199 : vector<512x128xf32>
    %integer_pow3A = arith.mulf %sub3A_200, %sub3A_200 : vector<512x128xf32>
    %reduce_sum3A_201 = arith.constant dense<0.000000e+00> : vector<512xf32>
    %reduce_sum3A_202 = vector.multi_reduction <add>, %integer_pow3A, %reduce_sum3A_201 [1] : vector<512x128xf32> to vector<512xf32>
    %broadcast_in_dim3A_203 = vector.shape_cast %reduce_sum3A_202 : vector<512xf32> to vector<512x1xf32>
    %div3A_204 = arith.constant 1.280000e+02 : f32
    %div3A_205 = vector.broadcast %div3A_204 : f32 to vector<512x1xf32>
    %div3A_206 = arith.divf %broadcast_in_dim3A_203, %div3A_205 : vector<512x1xf32>
    %sub3A_207 = vector.broadcast %div3A_198 : vector<512x1xf32> to vector<512x128xf32>
    %sub3A_208 = arith.subf %add3A_193, %sub3A_207 : vector<512x128xf32>
    %add3A_209 = arith.constant 9.99999974E-6 : f32
    %add3A_210 = vector.broadcast %add3A_209 : f32 to vector<512x1xf32>
    %add3A_211 = arith.addf %div3A_206, %add3A_210 : vector<512x1xf32>
    %sqrt3A_212 = math.sqrt %add3A_211 : vector<512x1xf32>
    %div3A_213 = vector.broadcast %sqrt3A_212 : vector<512x1xf32> to vector<512x128xf32>
    %div3A_214 = arith.divf %sub3A_208, %div3A_213 : vector<512x128xf32>
    %get3A_215 = arith.constant 0 : index
    %get3A_216 = arith.constant 0 : index
    %get3A_217 = vector.load %arg8[%get3A_215, %get3A_216] : memref<1x128xf32, #tpu.memory_space<vmem>>, vector<1x128xf32>
    %mul3A_218 = vector.broadcast %get3A_217 : vector<1x128xf32> to vector<512x128xf32>
    %mul3A_219 = arith.mulf %div3A_214, %mul3A_218 : vector<512x128xf32>
    %get3A_220 = arith.constant 0 : index
    %get3A_221 = arith.constant 0 : index
    %get3A_222 = vector.load %arg9[%get3A_220, %get3A_221] : memref<1x128xf32, #tpu.memory_space<vmem>>, vector<1x128xf32>
    %add3A_223 = vector.broadcast %get3A_222 : vector<1x128xf32> to vector<512x128xf32>
    %add3A_224 = arith.addf %mul3A_219, %add3A_223 : vector<512x128xf32>
    %max3A_225 = arith.constant 0.000000e+00 : f32
    %max3A_226 = vector.broadcast %max3A_225 : f32 to vector<512x128xf32>
    %max3A_227 = arith.maximumf %add3A_224, %max3A_226 : vector<512x128xf32>
    %swap3A = arith.constant 0 : index
    %swap3A_228 = arith.constant 0 : index
    %swap3A_229 = vector.load %arg10[%swap3A, %swap3A_228] : memref<512x128xf32, #tpu.memory_space<vmem>>, vector<512x128xf32>
    tpu.vector_store %arg10[%swap3A, %swap3A_228], %max3A_227 {strides = array<i32>} : memref<512x128xf32, #tpu.memory_space<vmem>>, vector<512x128xf32>,
    return
  }
  func.func @transform_0(%arg0: i32) -> (i32, i32, i32) {
    %c0_i32 = arith.constant 0 : i32
    %c0_i32_0 = arith.constant 0 : i32
    %c0_i32_1 = arith.constant 0 : i32
    return %c0_i32, %arg0, %c0_i32_0 : i32, i32, i32
  }
  func.func @transform_1(%arg0: i32) -> (i32, i32, i32) {
    %c0_i32 = arith.constant 0 : i32
    %c0_i32_0 = arith.constant 0 : i32
    %c0_i32_1 = arith.constant 0 : i32
    return %c0_i32, %arg0, %c0_i32_0 : i32, i32, i32
  }
  func.func @transform_2(%arg0: i32) -> (i32, i32, i32) {
    %c0_i32 = arith.constant 0 : i32
    %c0_i32_0 = arith.constant 0 : i32
    %c0_i32_1 = arith.constant 0 : i32
    return %c0_i32, %arg0, %c0_i32_0 : i32, i32, i32
  }
  func.func @transform_3(%arg0: i32) -> (i32, i32) {
    %c0_i32 = arith.constant 0 : i32
    %c0_i32_0 = arith.constant 0 : i32
    return %arg0, %c0_i32 : i32, i32
  }
  func.func @transform_4(%arg0: i32) -> (i32, i32) {
    %c0_i32 = arith.constant 0 : i32
    %c0_i32_0 = arith.constant 0 : i32
    return %arg0, %c0_i32 : i32, i32
  }
  func.func @transform_5(%arg0: i32) -> (i32, i32) {
    %c0_i32 = arith.constant 0 : i32
    %c0_i32_0 = arith.constant 0 : i32
    return %arg0, %c0_i32 : i32, i32
  }
  func.func @transform_6(%arg0: i32) -> (i32, i32) {
    %c0_i32 = arith.constant 0 : i32
    %c0_i32_0 = arith.constant 0 : i32
    %c0_i32_1 = arith.constant 0 : i32
    return %c0_i32, %c0_i32_0 : i32, i32
  }
  func.func @transform_7(%arg0: i32) -> (i32, i32) {
    %c0_i32 = arith.constant 0 : i32
    %c0_i32_0 = arith.constant 0 : i32
    %c0_i32_1 = arith.constant 0 : i32
    return %c0_i32, %c0_i32_0 : i32, i32
  }
  func.func @transform_8(%arg0: i32) -> (i32, i32) {
    %c0_i32 = arith.constant 0 : i32
    %c0_i32_0 = arith.constant 0 : i32
    %c0_i32_1 = arith.constant 0 : i32
    return %c0_i32, %c0_i32_0 : i32, i32
  }
  func.func @transform_9(%arg0: i32) -> (i32, i32) {
    %c0_i32 = arith.constant 0 : i32
    %c0_i32_0 = arith.constant 0 : i32
    return %arg0, %c0_i32 : i32, i32
  }
}

module attributes {stable_mosaic.version = 14 : i64} {
  func.func @_project_body(%arg0: i32, %arg1: memref<512x128xf32, #tpu.memory_space<vmem>>, %arg2: memref<128x64xf32, #tpu.memory_space<vmem>>, %arg3: memref<128x160xf32, #tpu.memory_space<vmem>>, %arg4: memref<1x160xf32, #tpu.memory_space<vmem>>, %arg5: memref<512x1xf32, #tpu.memory_space<vmem>>, %arg6: memref<2x512x128xf32, #tpu.memory_space<vmem>>, %arg7: memref<2x512x32xf32, #tpu.memory_space<vmem>>, %arg8: memref<512x160xf32, #tpu.memory_space<vmem>>) attributes {dimension_semantics = [#tpu.dimension_semantics<arbitrary>], iteration_bounds = array<i64: 20>, scalar_prefetch = 0 : i64, scratch_operands = 0 : i64, tpu.core_type = #tpu.core_type<tc>, window_params = [{transform_indices = @transform_0, window_bounds = array<i64: 512, 128>}, {pipeline_mode = #tpu.pipeline_mode<synchronous>, transform_indices = @transform_1, window_bounds = array<i64: 128, 64>}, {pipeline_mode = #tpu.pipeline_mode<synchronous>, transform_indices = @transform_2, window_bounds = array<i64: 128, 160>}, {pipeline_mode = #tpu.pipeline_mode<synchronous>, transform_indices = @transform_3, window_bounds = array<i64: 1, 160>}, {transform_indices = @transform_4, window_bounds = array<i64: 512, 1>}, {transform_indices = @transform_5, window_bounds = array<i64: 2, 512, 128>}, {transform_indices = @transform_6, window_bounds = array<i64: 2, 512, 32>}, {transform_indices = @transform_7, window_bounds = array<i64: 512, 160>}]} {
    %get3A = arith.constant 0 : index
    %get3A_0 = arith.constant 0 : index
    %get3A_1 = vector.load %arg1[%get3A, %get3A_0] : memref<512x128xf32, #tpu.memory_space<vmem>>, vector<512x128xf32>
    %get3A_2 = arith.constant 0 : index
    %get3A_3 = arith.constant 0 : index
    %get3A_4 = vector.load %arg2[%get3A_2, %get3A_3] : memref<128x64xf32, #tpu.memory_space<vmem>>, vector<128x64xf32>
    %dot_general3A = arith.constant dense<0.000000e+00> : vector<512x64xf32>
    %dot_general3A_5 = tpu.matmul %get3A_1, %get3A_4, %dot_general3A {dimension_numbers = #tpu.dot_dimension_numbers<[1], [0], [0], [1], [0, 0, 1, 1], [], []>, precision = #tpu.contract_precision<fp32>, transpose_lhs_hint = false} : vector<512x128xf32>, vector<128x64xf32>, vector<512x64xf32> -> vector<512x64xf32>
    %slice3A = vector.extract_strided_slice %dot_general3A_5 {offsets = [0, 0], sizes = [512, 32], strides = [1, 1]} : vector<512x64xf32> to vector<512x32xf32>
    %swap3A = arith.constant 0 : index
    %swap3A_6 = arith.constant 0 : index
    %swap3A_7 = arith.constant 0 : index
    %swap3A_8 = vector.load %arg7[%swap3A, %swap3A_6, %swap3A_7] : memref<2x512x32xf32, #tpu.memory_space<vmem>>, vector<1x512x32xf32>
    %swap3A_9 = vector.shape_cast %swap3A_8 : vector<1x512x32xf32> to vector<512x32xf32>
    %swap3A_10 = vector.shape_cast %slice3A : vector<512x32xf32> to vector<1x512x32xf32>
    tpu.vector_store %arg7[%swap3A, %swap3A_6, %swap3A_7], %swap3A_10 {strides = array<i32>} : memref<2x512x32xf32, #tpu.memory_space<vmem>>, vector<1x512x32xf32>,
    %get3A_11 = arith.constant 0 : index
    %get3A_12 = arith.constant 0 : index
    %get3A_13 = vector.load %arg5[%get3A_11, %get3A_12] : memref<512x1xf32, #tpu.memory_space<vmem>>, vector<512x1xf32>
    %mul3A = vector.broadcast %get3A_13 : vector<512x1xf32> to vector<512x32xf32>
    %mul3A_14 = arith.mulf %slice3A, %mul3A : vector<512x32xf32>
    %mul3A_15 = arith.mulf %slice3A, %slice3A : vector<512x32xf32>
    %broadcast_in_dim3A = arith.constant 0.000000e+00 : f32
    %broadcast_in_dim3A_16 = vector.broadcast %broadcast_in_dim3A : f32 to vector<512x32xf32>
    %concatenate3A = tpu.concatenate %slice3A, %mul3A_14, %mul3A_15, %broadcast_in_dim3A_16 in 1 : vector<512x32xf32>, vector<512x32xf32>, vector<512x32xf32>, vector<512x32xf32> -> vector<512x128xf32>
    %swap3A_17 = arith.constant 0 : index
    %swap3A_18 = arith.constant 0 : index
    %swap3A_19 = arith.constant 0 : index
    %swap3A_20 = vector.load %arg6[%swap3A_17, %swap3A_18, %swap3A_19] : memref<2x512x128xf32, #tpu.memory_space<vmem>>, vector<1x512x128xf32>
    %swap3A_21 = vector.shape_cast %swap3A_20 : vector<1x512x128xf32> to vector<512x128xf32>
    %swap3A_22 = vector.shape_cast %concatenate3A : vector<512x128xf32> to vector<1x512x128xf32>
    tpu.vector_store %arg6[%swap3A_17, %swap3A_18, %swap3A_19], %swap3A_22 {strides = array<i32>} : memref<2x512x128xf32, #tpu.memory_space<vmem>>, vector<1x512x128xf32>,
    %slice3A_23 = vector.extract_strided_slice %dot_general3A_5 {offsets = [0, 32], sizes = [512, 32], strides = [1, 1]} : vector<512x64xf32> to vector<512x32xf32>
    %swap3A_24 = arith.constant 1 : index
    %swap3A_25 = arith.constant 0 : index
    %swap3A_26 = arith.constant 0 : index
    %swap3A_27 = vector.load %arg7[%swap3A_24, %swap3A_25, %swap3A_26] : memref<2x512x32xf32, #tpu.memory_space<vmem>>, vector<1x512x32xf32>
    %swap3A_28 = vector.shape_cast %swap3A_27 : vector<1x512x32xf32> to vector<512x32xf32>
    %swap3A_29 = vector.shape_cast %slice3A_23 : vector<512x32xf32> to vector<1x512x32xf32>
    tpu.vector_store %arg7[%swap3A_24, %swap3A_25, %swap3A_26], %swap3A_29 {strides = array<i32>} : memref<2x512x32xf32, #tpu.memory_space<vmem>>, vector<1x512x32xf32>,
    %get3A_30 = arith.constant 0 : index
    %get3A_31 = arith.constant 0 : index
    %get3A_32 = vector.load %arg5[%get3A_30, %get3A_31] : memref<512x1xf32, #tpu.memory_space<vmem>>, vector<512x1xf32>
    %mul3A_33 = vector.broadcast %get3A_32 : vector<512x1xf32> to vector<512x32xf32>
    %mul3A_34 = arith.mulf %slice3A_23, %mul3A_33 : vector<512x32xf32>
    %mul3A_35 = arith.mulf %slice3A_23, %slice3A_23 : vector<512x32xf32>
    %broadcast_in_dim3A_36 = arith.constant 0.000000e+00 : f32
    %broadcast_in_dim3A_37 = vector.broadcast %broadcast_in_dim3A_36 : f32 to vector<512x32xf32>
    %concatenate3A_38 = tpu.concatenate %slice3A_23, %mul3A_34, %mul3A_35, %broadcast_in_dim3A_37 in 1 : vector<512x32xf32>, vector<512x32xf32>, vector<512x32xf32>, vector<512x32xf32> -> vector<512x128xf32>
    %swap3A_39 = arith.constant 1 : index
    %swap3A_40 = arith.constant 0 : index
    %swap3A_41 = arith.constant 0 : index
    %swap3A_42 = vector.load %arg6[%swap3A_39, %swap3A_40, %swap3A_41] : memref<2x512x128xf32, #tpu.memory_space<vmem>>, vector<1x512x128xf32>
    %swap3A_43 = vector.shape_cast %swap3A_42 : vector<1x512x128xf32> to vector<512x128xf32>
    %swap3A_44 = vector.shape_cast %concatenate3A_38 : vector<512x128xf32> to vector<1x512x128xf32>
    tpu.vector_store %arg6[%swap3A_39, %swap3A_40, %swap3A_41], %swap3A_44 {strides = array<i32>} : memref<2x512x128xf32, #tpu.memory_space<vmem>>, vector<1x512x128xf32>,
    %get3A_45 = arith.constant 0 : index
    %get3A_46 = arith.constant 0 : index
    %get3A_47 = vector.load %arg3[%get3A_45, %get3A_46] : memref<128x160xf32, #tpu.memory_space<vmem>>, vector<128x160xf32>
    %dot_general3A_48 = arith.constant dense<0.000000e+00> : vector<512x160xf32>
    %dot_general3A_49 = tpu.matmul %get3A_1, %get3A_47, %dot_general3A_48 {dimension_numbers = #tpu.dot_dimension_numbers<[1], [0], [0], [1], [0, 0, 1, 1], [], []>, precision = #tpu.contract_precision<fp32>, transpose_lhs_hint = false} : vector<512x128xf32>, vector<128x160xf32>, vector<512x160xf32> -> vector<512x160xf32>
    %get3A_50 = arith.constant 0 : index
    %get3A_51 = arith.constant 0 : index
    %get3A_52 = vector.load %arg4[%get3A_50, %get3A_51] : memref<1x160xf32, #tpu.memory_space<vmem>>, vector<1x160xf32>
    %add3A = vector.broadcast %get3A_52 : vector<1x160xf32> to vector<512x160xf32>
    %add3A_53 = arith.addf %dot_general3A_49, %add3A : vector<512x160xf32>
    %swap3A_54 = arith.constant 0 : index
    %swap3A_55 = arith.constant 0 : index
    %swap3A_56 = vector.load %arg8[%swap3A_54, %swap3A_55] : memref<512x160xf32, #tpu.memory_space<vmem>>, vector<512x160xf32>
    tpu.vector_store %arg8[%swap3A_54, %swap3A_55], %add3A_53 {strides = array<i32>} : memref<512x160xf32, #tpu.memory_space<vmem>>, vector<512x160xf32>,
    return
  }
  func.func @transform_0(%arg0: i32) -> (i32, i32) {
    %c0_i32 = arith.constant 0 : i32
    %c0_i32_0 = arith.constant 0 : i32
    return %arg0, %c0_i32 : i32, i32
  }
  func.func @transform_1(%arg0: i32) -> (i32, i32) {
    %c0_i32 = arith.constant 0 : i32
    %c0_i32_0 = arith.constant 0 : i32
    %c0_i32_1 = arith.constant 0 : i32
    return %c0_i32, %c0_i32_0 : i32, i32
  }
  func.func @transform_2(%arg0: i32) -> (i32, i32) {
    %c0_i32 = arith.constant 0 : i32
    %c0_i32_0 = arith.constant 0 : i32
    %c0_i32_1 = arith.constant 0 : i32
    return %c0_i32, %c0_i32_0 : i32, i32
  }
  func.func @transform_3(%arg0: i32) -> (i32, i32) {
    %c0_i32 = arith.constant 0 : i32
    %c0_i32_0 = arith.constant 0 : i32
    %c0_i32_1 = arith.constant 0 : i32
    return %c0_i32, %c0_i32_0 : i32, i32
  }
  func.func @transform_4(%arg0: i32) -> (i32, i32) {
    %c0_i32 = arith.constant 0 : i32
    %c0_i32_0 = arith.constant 0 : i32
    return %arg0, %c0_i32 : i32, i32
  }
  func.func @transform_5(%arg0: i32) -> (i32, i32, i32) {
    %c0_i32 = arith.constant 0 : i32
    %c0_i32_0 = arith.constant 0 : i32
    %c0_i32_1 = arith.constant 0 : i32
    return %c0_i32, %arg0, %c0_i32_0 : i32, i32, i32
  }
  func.func @transform_6(%arg0: i32) -> (i32, i32, i32) {
    %c0_i32 = arith.constant 0 : i32
    %c0_i32_0 = arith.constant 0 : i32
    %c0_i32_1 = arith.constant 0 : i32
    return %c0_i32, %arg0, %c0_i32_0 : i32, i32, i32
  }
  func.func @transform_7(%arg0: i32) -> (i32, i32) {
    %c0_i32 = arith.constant 0 : i32
    %c0_i32_0 = arith.constant 0 : i32
    return %arg0, %c0_i32 : i32, i32
  }
}

module attributes {stable_mosaic.version = 14 : i64} {
  func.func @_head_body(%arg0: i32, %arg1: memref<512x128xf32, #tpu.memory_space<vmem>>, %arg2: memref<128x32xf32, #tpu.memory_space<vmem>>, %arg3: memref<1x32xf32, #tpu.memory_space<vmem>>, %arg4: memref<1x32xf32, #tpu.memory_space<vmem>>, %arg5: memref<1x32xf32, #tpu.memory_space<vmem>>, %arg6: memref<32x40xf32, #tpu.memory_space<vmem>>, %arg7: memref<1x40xf32, #tpu.memory_space<vmem>>, %arg8: memref<512x40xf32, #tpu.memory_space<vmem>>) attributes {dimension_semantics = [#tpu.dimension_semantics<arbitrary>], iteration_bounds = array<i64: 20>, scalar_prefetch = 0 : i64, scratch_operands = 0 : i64, tpu.core_type = #tpu.core_type<tc>, window_params = [{transform_indices = @transform_0, window_bounds = array<i64: 512, 128>}, {pipeline_mode = #tpu.pipeline_mode<synchronous>, transform_indices = @transform_1, window_bounds = array<i64: 128, 32>}, {pipeline_mode = #tpu.pipeline_mode<synchronous>, transform_indices = @transform_2, window_bounds = array<i64: 1, 32>}, {pipeline_mode = #tpu.pipeline_mode<synchronous>, transform_indices = @transform_3, window_bounds = array<i64: 1, 32>}, {pipeline_mode = #tpu.pipeline_mode<synchronous>, transform_indices = @transform_4, window_bounds = array<i64: 1, 32>}, {pipeline_mode = #tpu.pipeline_mode<synchronous>, transform_indices = @transform_5, window_bounds = array<i64: 32, 40>}, {pipeline_mode = #tpu.pipeline_mode<synchronous>, transform_indices = @transform_6, window_bounds = array<i64: 1, 40>}, {transform_indices = @transform_7, window_bounds = array<i64: 512, 40>}]} {
    %get3A = arith.constant 0 : index
    %get3A_0 = arith.constant 0 : index
    %get3A_1 = vector.load %arg1[%get3A, %get3A_0] : memref<512x128xf32, #tpu.memory_space<vmem>>, vector<512x128xf32>
    %get3A_2 = arith.constant 0 : index
    %get3A_3 = arith.constant 0 : index
    %get3A_4 = vector.load %arg2[%get3A_2, %get3A_3] : memref<128x32xf32, #tpu.memory_space<vmem>>, vector<128x32xf32>
    %dot_general3A = arith.constant dense<0.000000e+00> : vector<512x32xf32>
    %dot_general3A_5 = tpu.matmul %get3A_1, %get3A_4, %dot_general3A {dimension_numbers = #tpu.dot_dimension_numbers<[1], [0], [0], [1], [0, 0, 1, 1], [], []>, precision = #tpu.contract_precision<fp32>, transpose_lhs_hint = false} : vector<512x128xf32>, vector<128x32xf32>, vector<512x32xf32> -> vector<512x32xf32>
    %get3A_6 = arith.constant 0 : index
    %get3A_7 = arith.constant 0 : index
    %get3A_8 = vector.load %arg3[%get3A_6, %get3A_7] : memref<1x32xf32, #tpu.memory_space<vmem>>, vector<1x32xf32>
    %add3A = vector.broadcast %get3A_8 : vector<1x32xf32> to vector<512x32xf32>
    %add3A_9 = arith.addf %dot_general3A_5, %add3A : vector<512x32xf32>
    %reduce_sum3A = arith.constant dense<0.000000e+00> : vector<512xf32>
    %reduce_sum3A_10 = vector.multi_reduction <add>, %add3A_9, %reduce_sum3A [1] : vector<512x32xf32> to vector<512xf32>
    %broadcast_in_dim3A = vector.shape_cast %reduce_sum3A_10 : vector<512xf32> to vector<512x1xf32>
    %div3A = arith.constant 3.200000e+01 : f32
    %div3A_11 = vector.broadcast %div3A : f32 to vector<512x1xf32>
    %div3A_12 = arith.divf %broadcast_in_dim3A, %div3A_11 : vector<512x1xf32>
    %sub3A = vector.broadcast %div3A_12 : vector<512x1xf32> to vector<512x32xf32>
    %sub3A_13 = arith.subf %add3A_9, %sub3A : vector<512x32xf32>
    %integer_pow3A = arith.mulf %sub3A_13, %sub3A_13 : vector<512x32xf32>
    %reduce_sum3A_14 = arith.constant dense<0.000000e+00> : vector<512xf32>
    %reduce_sum3A_15 = vector.multi_reduction <add>, %integer_pow3A, %reduce_sum3A_14 [1] : vector<512x32xf32> to vector<512xf32>
    %broadcast_in_dim3A_16 = vector.shape_cast %reduce_sum3A_15 : vector<512xf32> to vector<512x1xf32>
    %div3A_17 = arith.constant 3.200000e+01 : f32
    %div3A_18 = vector.broadcast %div3A_17 : f32 to vector<512x1xf32>
    %div3A_19 = arith.divf %broadcast_in_dim3A_16, %div3A_18 : vector<512x1xf32>
    %sub3A_20 = vector.broadcast %div3A_12 : vector<512x1xf32> to vector<512x32xf32>
    %sub3A_21 = arith.subf %add3A_9, %sub3A_20 : vector<512x32xf32>
    %add3A_22 = arith.constant 9.99999974E-6 : f32
    %add3A_23 = vector.broadcast %add3A_22 : f32 to vector<512x1xf32>
    %add3A_24 = arith.addf %div3A_19, %add3A_23 : vector<512x1xf32>
    %sqrt3A = math.sqrt %add3A_24 : vector<512x1xf32>
    %div3A_25 = vector.broadcast %sqrt3A : vector<512x1xf32> to vector<512x32xf32>
    %div3A_26 = arith.divf %sub3A_21, %div3A_25 : vector<512x32xf32>
    %get3A_27 = arith.constant 0 : index
    %get3A_28 = arith.constant 0 : index
    %get3A_29 = vector.load %arg4[%get3A_27, %get3A_28] : memref<1x32xf32, #tpu.memory_space<vmem>>, vector<1x32xf32>
    %mul3A = vector.broadcast %get3A_29 : vector<1x32xf32> to vector<512x32xf32>
    %mul3A_30 = arith.mulf %div3A_26, %mul3A : vector<512x32xf32>
    %get3A_31 = arith.constant 0 : index
    %get3A_32 = arith.constant 0 : index
    %get3A_33 = vector.load %arg5[%get3A_31, %get3A_32] : memref<1x32xf32, #tpu.memory_space<vmem>>, vector<1x32xf32>
    %add3A_34 = vector.broadcast %get3A_33 : vector<1x32xf32> to vector<512x32xf32>
    %add3A_35 = arith.addf %mul3A_30, %add3A_34 : vector<512x32xf32>
    %max3A = arith.constant 0.000000e+00 : f32
    %max3A_36 = vector.broadcast %max3A : f32 to vector<512x32xf32>
    %max3A_37 = arith.maximumf %add3A_35, %max3A_36 : vector<512x32xf32>
    %get3A_38 = arith.constant 0 : index
    %get3A_39 = arith.constant 0 : index
    %get3A_40 = vector.load %arg6[%get3A_38, %get3A_39] : memref<32x40xf32, #tpu.memory_space<vmem>>, vector<32x40xf32>
    %dot_general3A_41 = arith.constant dense<0.000000e+00> : vector<512x40xf32>
    %dot_general3A_42 = tpu.matmul %max3A_37, %get3A_40, %dot_general3A_41 {dimension_numbers = #tpu.dot_dimension_numbers<[1], [0], [0], [1], [0, 0, 1, 1], [], []>, precision = #tpu.contract_precision<fp32>, transpose_lhs_hint = false} : vector<512x32xf32>, vector<32x40xf32>, vector<512x40xf32> -> vector<512x40xf32>
    %get3A_43 = arith.constant 0 : index
    %get3A_44 = arith.constant 0 : index
    %get3A_45 = vector.load %arg7[%get3A_43, %get3A_44] : memref<1x40xf32, #tpu.memory_space<vmem>>, vector<1x40xf32>
    %add3A_46 = vector.broadcast %get3A_45 : vector<1x40xf32> to vector<512x40xf32>
    %add3A_47 = arith.addf %dot_general3A_42, %add3A_46 : vector<512x40xf32>
    %swap3A = arith.constant 0 : index
    %swap3A_48 = arith.constant 0 : index
    %swap3A_49 = vector.load %arg8[%swap3A, %swap3A_48] : memref<512x40xf32, #tpu.memory_space<vmem>>, vector<512x40xf32>
    tpu.vector_store %arg8[%swap3A, %swap3A_48], %add3A_47 {strides = array<i32>} : memref<512x40xf32, #tpu.memory_space<vmem>>, vector<512x40xf32>,
    return
  }
  func.func @transform_0(%arg0: i32) -> (i32, i32) {
    %c0_i32 = arith.constant 0 : i32
    %c0_i32_0 = arith.constant 0 : i32
    return %arg0, %c0_i32 : i32, i32
  }
  func.func @transform_1(%arg0: i32) -> (i32, i32) {
    %c0_i32 = arith.constant 0 : i32
    %c0_i32_0 = arith.constant 0 : i32
    %c0_i32_1 = arith.constant 0 : i32
    return %c0_i32, %c0_i32_0 : i32, i32
  }
  func.func @transform_2(%arg0: i32) -> (i32, i32) {
    %c0_i32 = arith.constant 0 : i32
    %c0_i32_0 = arith.constant 0 : i32
    %c0_i32_1 = arith.constant 0 : i32
    return %c0_i32, %c0_i32_0 : i32, i32
  }
  func.func @transform_3(%arg0: i32) -> (i32, i32) {
    %c0_i32 = arith.constant 0 : i32
    %c0_i32_0 = arith.constant 0 : i32
    %c0_i32_1 = arith.constant 0 : i32
    return %c0_i32, %c0_i32_0 : i32, i32
  }
  func.func @transform_4(%arg0: i32) -> (i32, i32) {
    %c0_i32 = arith.constant 0 : i32
    %c0_i32_0 = arith.constant 0 : i32
    %c0_i32_1 = arith.constant 0 : i32
    return %c0_i32, %c0_i32_0 : i32, i32
  }
  func.func @transform_5(%arg0: i32) -> (i32, i32) {
    %c0_i32 = arith.constant 0 : i32
    %c0_i32_0 = arith.constant 0 : i32
    %c0_i32_1 = arith.constant 0 : i32
    return %c0_i32, %c0_i32_0 : i32, i32
  }
  func.func @transform_6(%arg0: i32) -> (i32, i32) {
    %c0_i32 = arith.constant 0 : i32
    %c0_i32_0 = arith.constant 0 : i32
    %c0_i32_1 = arith.constant 0 : i32
    return %c0_i32, %c0_i32_0 : i32, i32
  }
  func.func @transform_7(%arg0: i32) -> (i32, i32) {
    %c0_i32 = arith.constant 0 : i32
    %c0_i32_0 = arith.constant 0 : i32
    return %arg0, %c0_i32 : i32, i32
  }
}

</mosaic_0001>

<sc_bundles>
// kernel: kernel.11.cloned.1.call-start
scs
__scs_entry_jumppad:
0x0: {  	(pc) =	sbr.rel $0x88, $3  }
0x1: {  	(tag) =	ssettag $0x0;
	lr =	simm.s32 $0x1  }
0x2: {  	[smem:$0x3F8D] =	sst lr;
	_ =	strace $0xD0000000  }
0x3: {  	_ = 	snop  }
0x4: {  	_ = 	snop  }
0x5: {  	_ = 	snop  }
0x6: {  	_ = 	snop  }
0x7: {  	_ = 	snop  }
__scs_overlays_trampoline_lowered:
0x8: {  	[smem:$0x3F9C] =	sst s0  }
0x9: {  	[smem:$0x3F9D] =	sst s1  }
0xa: {  	[smem:$0x3F9E] =	sst s2  }
0xb: {  	[smem:$0x3F9F] =	sst s3  }
0xc: {  	[smem:$0x3FA0] =	sst s4  }
0xd: {  	[smem:$0x3FA1] =	sst s5  }
0xe: {  	[smem:$0x3FA2] =	sst s6  }
0xf: {  	[smem:$0x3FA3] =	sst s7  }
0x10: {  	[smem:$0x3FA4] =	sst s8  }
0x11: {  	[smem:$0x3FA5] =	sst s9;
	s0 =	simm.s32 @!p0 $0x0  }
0x12: {  	s1 =	sld [smem:$0x3F8B];
	s0 =	simm.s32 @p0 $0x1  }
0x13: {  	[smem:$0x3FA6] =	sst s0;
	s0 =	simm.s32 @!p1 $0x0  }
0x14: {  	s2 =	sld [smem:$0x3F8A];
	s0 =	simm.s32 @p1 $0x1  }
0x15: {  	[smem:$0x3FA7] =	sst s0;
	s0 =	simm.s32 @!p2 $0x0  }
0x16: {  	s3 =	sld [smem:$0x3FDB];
	s0 =	simm.s32 @p2 $0x1  }
0x17: {  	s4 =	simm.s32 $0x1BF5;
	[smem:$0x3FA9] =	sst s0  }
0x18: {  	s0 =	sld [smem:$0x3F8C];
	_ =	swait.ge [sflag:s4], $0x0  }
0x19: {  	s7 =	sld [smem:$0x3F8D]  }
0x1a: {  	s8 =	sadd.s32 $0xFFFFE003, lr  }
0x1b: {  	s9 =	sadd.s32 $0xFFFFFEF7, lr;
	s5 =	simm.s32 $0xFFFFFFFF;
	p2 =	slt.u32 s8, $0xFFFFF086  }
0x1c: {  	p1 =	slt.u32 s9, $0xF7A;
	s5 =	simm.s32 @!p2 $0x0  }
0x1d: {  	s5 =	simm.s32 @p1 $0x1;
	p0 =	seq.s32 s7, s2  }
0x1e: {  	s7 =	smul.u32 @!p0 $0xF7A, s2;
	p2 =	seq.s32 @!p0 s5, $0x0  }
0x1f: {  	s9 =	smul.u32 $0xF7A, s1;
	s8 =	simm.s32 @!p0 $0x1BF5;
	p2 =	por !p2, p0  }
0x20: {  	[sflag:s8] =	ssyncset.s32 @!p0 $0xFFFFF086;
	s6 =	sadd.s32 @!p0 s3, s7;
	s7 =	simm.s32 @!p0 $0x108  }
0x21: {  	s3 =	sadd.s32 s3, s9;
	s6 =	sadd.s32 @!p0 $0x88, s6;
	s7 =	simm.s32 @p2 $0x1082  }
0x22: {  	[simem:s7], [sflag:s8] =	dma.local @!p0 [hbm:s6], $0xF7A  }
0x23: {  	s9 =	sor.u32 $0xD0000000, s2;
	s6 =	simm.s32 $0x108;
	_ =	swait.ge @!p0 [sflag:s8], $0x0  }
0x24: {  	s3 =	sadd.s32 $0x88, s3;
	s6 =	simm.s32 @!p1 $0x1082;
	[sflag:s4] =	ssyncset.s32 $0xFFFFF086  }
0x25: {  	[simem:s6], [sflag:s4] =	dma.local [hbm:s3], $0xF7A  }
0x26: {  	[smem:$0x3F8D] =	sst s1;
	(tag) =	ssettag s2;
	_ =	strace s9  }
0x27: {  	s1 =	sld [smem:$0x3F9D]  }
0x28: {  	s2 =	sld [smem:$0x3F9E]  }
0x29: {  	s4 =	sld [smem:$0x3FA0]  }
0x2a: {  	p0 =	seq.s32 s5, $0x0;
	s5 =	sld [smem:$0x3FA1]  }
0x2b: {  	s6 =	sld [smem:$0x3FA2]  }
0x2c: {  	s7 =	sld [smem:$0x3FA3]  }
0x2d: {  	s3 =	simm.s32 $0x108;
	s8 =	sld [smem:$0x3FA4]  }
0x2e: {  	s3 =	simm.s32 @!p0 $0x1082;
	s9 =	sld [smem:$0x3FA5]  }
0x2f: {  	lr =	sadd.s32 s0, s3;
	s0 =	sld [smem:$0x3F9C]  }
0x30: {  	s3 =	sld [smem:$0x3F9F]  }
0x31: {  	[smem:$0x3FA8] =	sst s10  }
0x32: {  	s10 =	sld [smem:$0x3FA6];
	_ =	sdelay $0x3  }
0x33: {  	p0 =	seq.s32 s10, $0x1;
	s10 =	sld [smem:$0x3FA8];
	_ =	sdelay $0x3  }
0x34: {  	[smem:$0x3FA8] =	sst s10  }
0x35: {  	s10 =	sld [smem:$0x3FA7];
	_ =	sdelay $0x3  }
0x36: {  	p1 =	seq.s32 s10, $0x1;
	s10 =	sld [smem:$0x3FA8];
	_ =	sdelay $0x3  }
0x37: {  	[smem:$0x3FA8] =	sst s10  }
0x38: {  	s10 =	sld [smem:$0x3FA9]  }
0x39: {  	_ = 	snop;
	(pc) =	sbr.ind lr, $3  }
0x3a: {  	_ = 	snop  }
0x3b: {  	_ = 	snop  }
0x3c: {  	p2 =	seq.s32 s10, $0x1;
	s10 =	sld [smem:$0x3FA8]  }
0x3d: {  	_ =	shalt  }
0x3e: {  	_ =	shalt  }
0x3f: {  	_ =	shalt  }
0x40: {  	_ =	shalt  }
0x41: {  	_ =	shalt  }
0x42: {  	_ =	shalt  }
0x43: {  	_ =	shalt  }
0x44: {  	_ =	shalt  }
0x45: {  	_ =	shalt  }
0x46: {  	_ =	shalt  }
0x47: {  	_ =	shalt  }
0x48: {  	_ =	shalt  }
0x49: {  	_ =	shalt  }
0x4a: {  	_ =	shalt  }
0x4b: {  	_ =	shalt  }
0x4c: {  	_ =	shalt  }
0x4d: {  	_ =	shalt  }
0x4e: {  	_ =	shalt  }
0x4f: {  	_ =	shalt  }
0x50: {  	_ =	shalt  }
0x51: {  	_ =	shalt  }
0x52: {  	_ =	shalt  }
0x53: {  	_ =	shalt  }
0x54: {  	_ =	shalt  }
0x55: {  	_ =	shalt  }
0x56: {  	_ =	shalt  }
0x57: {  	_ =	shalt  }
0x58: {  	_ =	shalt  }
0x59: {  	_ =	shalt  }
0x5a: {  	_ =	shalt  }
0x5b: {  	_ =	shalt  }
0x5c: {  	_ =	shalt  }
0x5d: {  	_ =	shalt  }
0x5e: {  	_ =	shalt  }
0x5f: {  	_ =	shalt  }
0x60: {  	_ =	shalt  }
0x61: {  	_ =	shalt  }
0x62: {  	_ =	shalt  }
0x63: {  	_ =	shalt  }
0x64: {  	_ =	shalt  }
0x65: {  	_ =	shalt  }
0x66: {  	_ =	shalt  }
0x67: {  	_ =	shalt  }
0x68: {  	_ =	shalt  }
0x69: {  	_ =	shalt  }
0x6a: {  	_ =	shalt  }
0x6b: {  	_ =	shalt  }
0x6c: {  	_ =	shalt  }
0x6d: {  	_ =	shalt  }
0x6e: {  	_ =	shalt  }
0x6f: {  	_ =	shalt  }
0x70: {  	_ =	shalt  }
0x71: {  	_ =	shalt  }
0x72: {  	_ =	shalt  }
0x73: {  	_ =	shalt  }
0x74: {  	_ =	shalt  }
0x75: {  	_ =	shalt  }
0x76: {  	_ =	shalt  }
0x77: {  	_ =	shalt  }
0x78: {  	_ =	shalt  }
0x79: {  	_ =	shalt  }
0x7a: {  	_ =	shalt  }
0x7b: {  	_ =	shalt  }
0x7c: {  	_ =	shalt  }
0x7d: {  	_ =	shalt  }
0x7e: {  	_ =	shalt  }
0x7f: {  	_ =	shalt  }
0x80: {  	_ =	shalt  }
0x81: {  	_ =	shalt  }
0x82: {  	_ =	shalt  }
0x83: {  	_ =	shalt  }
0x84: {  	_ =	shalt  }
0x85: {  	_ =	shalt  }
0x86: {  	_ =	shalt  }
0x87: {  	_ =	shalt  }
.Lfunc_end0:
.L_simem_size_0:
called_computation.2_lowered:
.L_overlay_start_0:
0x88: {  	s2 =	sld [smem:$0x3FD9]  }
0x89: {  	s3 =	sld [smem:$0x3FFE];
	_ =	sdelay $0x1  }
0x8a: {  	s1 =	srdreg.scid  }
0x8b: {  	s0 =	sand.u32 $0x1, s1  }
0x8c: {  	s17 =	sshll.u32 s0, $0xA;
	s2 =	sadd.s32 s3, s2  }
0x8d: {  	s2 =	sadd.s32 s2, s17  }
0x8e: {  	[smem:$0x3FB4] =	sst s2  }
0x8f: {  	_ = 	snop  }
0x90: {  	s2 =	sld [smem:$0x3FD0];
	(tm) =	ssettm $0x1  }
0x91: {  	s18 =	sld [smem:$0x3FFB];
	_ =	sdelay $0x3  }
0x92: {  	_ =	strace s18  }
0x93: {  	s3 =	sld [smem:$0x3FFC];
	_ =	sdelay $0x3  }
0x94: {  	_ =	strace s3  }
0x95: {  	s3 =	sld [smem:$0x3FFD];
	_ =	sdelay $0x3  }
0x96: {  	_ =	strace s3  }
0x97: {  	_ =	strace $0x8FFFFFFF  }
0x98: {  	s19 =	sld [smem:$0x3FDB];
	_ =	sdelay $0x1  }
0x99: {  	s4 =	simm.s32 $_scs_section_size  }
0x9a: {  	s5 =	simm.s32 $_size__tile_overlayer_lowered;
	s6 =	simm.s32 $_tile_overlayer_lowered  }
0x9b: {  	s22 =	simm.s32 $0x1BFF;
	s21 =	sshll.u32 s6, $0x1;
	s3 =	sadd.s32 s4, s19  }
0x9c: {  	s7 =	simm.s32 $0x0;
	s20 =	sshll.u32 s5, $0x1;
	s5 =	sadd.s32 s21, s3  }
0x9d: {  	[timem:s7], [sflag:s22] =	dma.local [hbm:s5], s20  }
0x9e: {  	_ =	swait.ge [sflag:s22], s20  }
0x9f: {  	s4 =	ssub.s32 $0x0, s20;
	[sflag:s22] =	ssyncset.done $0x0  }
0xa0: {  	[sflag:s22] =	ssyncadd.s32 s4;
	_ =	sdelay $0x1  }
0xa1: {  	s23 =	simm.s32 $0x1B8B  }
0xa2: {  	_ =	swait.ge [sflag:s23], $0x1  }
0xa3: {  	[sflag:s23] =	ssyncset.done $0x0  }
0xa4: {  	s25 =	simm.s32 $0x1B8E;
	s24 =	sld [smem:$0x3FFE];
	[sflag:s23] =	ssyncadd.s32 $0xFFFFFFFF  }
0xa5: {  	s26 =	simm.s32 $execute0_lowered;
	[smem:$0x3FD2] =	sst s25  }
0xa6: {  	s5 =	sshll.u32 s26, $0x1;
	_ =	strace $0x80000046;
	[dreg:$0x1] =	wrdreg $0xFFFFFFFF  }
0xa7: {  	s28 =	simm.s32 $_size_execute0_lowered;
	s3 =	sadd.s32 s3, s5;
	[dreg:$0x0] =	wrdreg $0x0  }
0xa8: {  	s5 =	sshll.u32 s28, $0x1;
	[dreg:$0x2] =	wrdreg s3  }
0xa9: {  	[dreg:$0x3] =	wrdreg s5  }
0xaa: {  	[dreg:$0x4] =	wrdreg $0xC0  }
0xab: {  	_ =	task [dreg:s7], $0x5FFFF  }
0xac: {  	[dreg:$0x1] =	wrdreg $0xFFFFFFFF  }
0xad: {  	[dreg:$0x0] =	wrdreg $0x60  }
0xae: {  	[dreg:$0x2] =	wrdreg s24  }
0xaf: {  	[dreg:$0x3] =	wrdreg s2  }
0xb0: {  	[dreg:$0x4] =	wrdreg $0x9  }
0xb1: {  	_ =	task.clear_ibuf [dreg:s7], $0x5FFFF;
	_ =	strace $0x90000046  }
0xb2: {  	s29 =	simm.s32 $0x9;
	_ =	strace $0x80000048  }
0xb3: {  	_ =	swait.ge [sflag:s29], $0x1  }
0xb4: {  	[sflag:s29] =	ssyncadd.s32 $0xFFFFFFFF  }
0xb5: {  	_ =	strace $0x90000048  }
0xb6: {  	_ =	sfence  }
0xb7: {  	s30 =	sld [smem:$0x0];
	_ =	sdelay $0x2  }
0xb8: {  	s31 =	sshll.u32 s1, $0xD;
	s1 =	sshrl.u32 s1, $0x2  }
0xb9: {  	s3 =	sand.u32 $0x4000, s31;
	s1 =	sadd.s32 s1, s30  }
0xba: {  	s0 =	sor.u32 s3, s0;
	s1 =	sshll.u32 s1, $0x11  }
0xbb: {  	s0 =	sor.u32 s1, s0  }
0xbc: {  	s0 =	sadd.s32 $0x8F2B, s0  }
0xbd: {  	[sflag:s0] =	ssyncadd.remote.s32 $0x1  }
0xbe: {  	_ =	sfence.sel $0xFFFF  }
0xbf: {  	[dreg:$0x0] =	wrdreg $0xFFFFFFFF;
	(pc) =	sbr.abs _section_cstart, $3  }
0xc0: {  	[dreg:$0x1] =	wrdreg $0xFFFFFFFF  }
0xc1: {  	_ =	task.clear_ibuf [dreg:s7], $0x2FFFF;
	_ =	strace $0x9FFFFFFF  }
0xc2: {  	(tm) =	ssettm $0x7FFFFFFF  }
0xc3: {  	_ =	shalt  }
tec
execute0_lowered:
.L_overlay_start_1:
0x0: {  	(tag) =	ssettag $0x1  }
0x1: {  	s3 =	rddreg [dreg:$0x0]  }
0x2: {  	s5 =	rddreg [dreg:$0x1]  }
0x3: {  	s2 =	srdreg.scid;
	s1 =	stileid.u32  }
0x4: {  	s0 =	rddreg [dreg:$0x2];
	s10 =	simm.s32 $0x180;
	s4 =	sand.u32 $0x1, s2  }
0x5: {  	s6 =	sshll.u32 s1, $0x1;
	s2 =	simm.s32 $0x0;
	s7 =	sshrl.u32 s1, $0x2  }
0x6: {  	s3 =	sadd.s32 $0xA200, s3;
	s6 =	sor.u32 s4, s6;
	[smem:$0x7FF] =	sst s2  }
0x7: {  	s7 =	smul.u32 $0x14000, s7;
	s4 =	ssub.s32 $0x2, s4;
	s8 =	sshll.u32 s6, $0x7  }
0x8: {  	_ =	strace $0x80000047;
	s9 =	sshrl.u32 s4, $0x1;
	s8 =	sand.u32 $0x380, s8  }
0x9: {  	s30 =	ssub.s32 s4, s9;
	s4 =	smul.u32 $0x1600, s6;
	s7 =	sor.u32 s7, s8  }
0xa: {  	s9 =	simm.s32 $0x400;
	s6 =	smax.u32 s30, $0x1;
	s31 =	sshrl.u32 s7, $0x3  }
0xb: {  	v0 =	vimm.f32 $0.0e+00;
	v1 =	vlaneseq.u32;
	s8 =	simm.s32 $0x80;
	s7 =	simm.s32 $0x1;
	s5 =	sadd.s32 s5, s31  }
.LBB2_1:
0xc: {  	s11 =	simm.s32 $0x40;
	s12 =	simm.s32 $0x0  }
.LBB2_2:
0xd: {  	p0 =	sne.s32 s11, $0x9FC0;
	[tilespmem:s12+$0x180] =	vst v0;
	s12 =	smov.u32 s11;
	s11 =	sadd.s32 $0x40, s11  }
.Ltmp0:
0xe: {  	(pc) =	sbr.rel @p0 .LBB2_2-.Ltmp0, $2  }
0xf: {  	_ =	sdelay $0x2  }
0x10: {  	s12 =	sshra.s32 s12, $0x2  }
0x11: {  	[tilespmem:s12+$0x180] =	vst v0;
	s11 =	simm.s32 $0x0;
	s12 =	simm.s32 $0x0  }
.LBB2_4:
0x12: {  	s13 =	smul.u32 $0x160, s12;
	_ =	sdelay $0x1  }
0x13: {  	s13 =	sadd.s32 s4, s13  }
0x14: {  	s13 =	sshrl.u32 s13, $0x3  }
0x15: {  	s13 =	sadd.s32 s3, s13  }
0x16: {  	[tilespmem:s11], [sflag:$0x1] =	stream.linear.gather [hbm4b:s13+s11], $0x160, $0x38;
	[tilespmem:$0x2980] =	vst v63  }
0x17: {  	_ =	swait.ge [sflag:s7], $0x160  }
0x18: {  	[sflag:s7] =	ssyncset.done $0x0  }
0x19: {  	s14 =	simm.s32 $0x0;
	s13 =	simm.s32 $0x4;
	[sflag:s7] =	ssyncadd.s32 $0xFFFFFEA0  }
.LBB2_5:
0x1a: {  	p0 =	sne.s32 s13, $0x57C;
	v2 =	vld [tilespmem:s14+$0x0];
	_ =	sdelay $0x4  }
0x1b: {  	(v2sf) =	vpush v2, $0x0;
	_ =	sdelay $0xe  }
0x1c: {  	s14 =	spop (v2sf)  }
0x1d: {  	s15 =	sand.u32 $0xFFFFFFF0, s14  }
0x1e: {  	v2 =	vld [tilespmem:s15+$0x180]  }
0x1f: {  	s14 =	sand.u32 $0xF, s14  }
0x20: {  	v3 =	vmov s14  }
.Ltmp1:
0x21: {  	vm0 =	veq.s32 v3, v1;
	(pc) =	sbr.rel @p0 .LBB2_5-.Ltmp1, $3  }
0x22: {  	v3 =	vsel vm0, $0x3F800000, v0  }
0x23: {  	v2 =	vadd.f32 v3, v2;
	_ =	sdelay $0x1  }
0x24: {  	s14 =	sshra.s32 s13, $0x2;
	s13 =	sadd.s32 $0x4, s13;
	[tilespmem:s15+$0x180] =	vst v2  }
0x25: {  	v2 =	vld [tilespmem:s14+$0x0];
	_ =	sdelay $0x4  }
0x26: {  	(v2sf) =	vpush v2, $0x0;
	_ =	sdelay $0xe  }
0x27: {  	s13 =	spop (v2sf)  }
0x28: {  	s31 =	sand.u32 $0xFFFFFFF0, s13  }
0x29: {  	v2 =	vld [tilespmem:s31+$0x180]  }
0x2a: {  	s12 =	sadd.s32 $0x1, s12;
	s13 =	sand.u32 $0xF, s13  }
0x2b: {  	p0 =	sne.s32 s12, $0x10;
	v3 =	vmov s13  }
.Ltmp2:
0x2c: {  	vm0 =	veq.s32 v3, v1;
	(pc) =	sbr.rel @p0 .LBB2_4-.Ltmp2, $3  }
0x2d: {  	v3 =	vsel vm0, $0x3F800000, v0  }
0x2e: {  	v2 =	vadd.f32 v3, v2;
	_ =	sdelay $0x1  }
0x2f: {  	[tilespmem:s31+$0x180] =	vst v2  }
0x30: {  	s2 =	sadd.s32 $0x1, s2  }
0x31: {  	p0 =	sne.s32 s2, s6  }
.Ltmp3:
0x32: {  	_ = 	snop;
	(pc) =	sbr.rel @p0 .LBB2_1-.Ltmp3, $4  }
0x33: {  	[hbm4b:s5+s8] =	stream.strided.scatter [tilespmem:s10], [sflag:$0x1], $0x2800, s9, s8, $0x38;
	[tilespmem:$0x2980] =	vst v63  }
0x34: {  	_ =	swait.ge [sflag:s7], $0x2800  }
0x35: {  	[sflag:s7] =	ssyncset.done $0x0  }
0x36: {  	[sflag:s7] =	ssyncadd.s32 $0xFFFFD800  }
0x37: {  	_ =	sfence.sel $0x180000  }
0x38: {  	[bflag:$0x0] =	sbarrier.arrive $0xFFFF  }
0x39: {  	p0 =	sne.s32 s1, $0x0;
	_ =	strace $0x90000047  }
0x3a: {  	s0 =	sadd.s32 @!p0 $0x100000, s0;
	[bflag:$0x2] =	sbarrier.arrive $0xFFFF  }
0x3b: {  	[sflag:s0] =	ssyncadd.tile.s32 @!p0 $0x1;
	_ =	shalt  }
.Lfunc_end2:
_tile_overlayer_lowered:
.L_overlay_start_2:
0x3c: {  	(tag) =	ssettag $0x2  }
0x3d: {  	s0 =	rddreg [dreg:$0x0];
	s2 =	stileid.u32  }
0x3e: {  	s1 =	rddreg [dreg:$0x1];
	p0 =	sne.s32 s2, $0x0  }
0x3f: {  	s3 =	rddreg [dreg:$0x2];
	[bflag:$0x3] =	sbarrier.arrive $0xFFFF;
	s2 =	simm.s32 @!p0 $0x1C01  }
0x40: {  	[timem:s3], [sflag:s2] =	dma.local @!p0 [hbm:s0], s1  }
0x41: {  	s0 =	simm.s32 @!p0 $0x1  }
0x42: {  	_ =	swait.ge @!p0 [sflag:s0], s1  }
0x43: {  	s1 =	ssub.s32 @!p0 $0x0, s1;
	[sflag:s0] =	ssyncset.done @!p0 $0x0  }
0x44: {  	[sflag:s0] =	ssyncadd.s32 @!p0 s1  }
0x45: {  	[bflag:$0x3] =	sbarrier.arrive $0xFFFF  }
0x46: {  	_ =	shalt  }

// kernel: kernel.14.cloned.1.call-start
scs
__scs_entry_jumppad:
0x0: {  	(pc) =	sbr.rel $0x88, $3  }
0x1: {  	(tag) =	ssettag $0x0;
	lr =	simm.s32 $0x1  }
0x2: {  	[smem:$0x3F8D] =	sst lr;
	_ =	strace $0xD0000000  }
0x3: {  	_ = 	snop  }
0x4: {  	_ = 	snop  }
0x5: {  	_ = 	snop  }
0x6: {  	_ = 	snop  }
0x7: {  	_ = 	snop  }
__scs_overlays_trampoline_lowered:
0x8: {  	[smem:$0x3F9C] =	sst s0  }
0x9: {  	[smem:$0x3F9D] =	sst s1  }
0xa: {  	[smem:$0x3F9E] =	sst s2  }
0xb: {  	[smem:$0x3F9F] =	sst s3  }
0xc: {  	[smem:$0x3FA0] =	sst s4  }
0xd: {  	[smem:$0x3FA1] =	sst s5  }
0xe: {  	[smem:$0x3FA2] =	sst s6  }
0xf: {  	[smem:$0x3FA3] =	sst s7  }
0x10: {  	[smem:$0x3FA4] =	sst s8  }
0x11: {  	[smem:$0x3FA5] =	sst s9;
	s0 =	simm.s32 @!p0 $0x0  }
0x12: {  	s1 =	sld [smem:$0x3F8B];
	s0 =	simm.s32 @p0 $0x1  }
0x13: {  	[smem:$0x3FA6] =	sst s0;
	s0 =	simm.s32 @!p1 $0x0  }
0x14: {  	s2 =	sld [smem:$0x3F8A];
	s0 =	simm.s32 @p1 $0x1  }
0x15: {  	[smem:$0x3FA7] =	sst s0;
	s0 =	simm.s32 @!p2 $0x0  }
0x16: {  	s3 =	sld [smem:$0x3FDB];
	s0 =	simm.s32 @p2 $0x1  }
0x17: {  	s4 =	simm.s32 $0x1BF5;
	[smem:$0x3FA9] =	sst s0  }
0x18: {  	s0 =	sld [smem:$0x3F8C];
	_ =	swait.ge [sflag:s4], $0x0  }
0x19: {  	s7 =	sld [smem:$0x3F8D]  }
0x1a: {  	s8 =	sadd.s32 $0xFFFFE003, lr  }
0x1b: {  	s9 =	sadd.s32 $0xFFFFFEF7, lr;
	s5 =	simm.s32 $0xFFFFFFFF;
	p2 =	slt.u32 s8, $0xFFFFF086  }
0x1c: {  	p1 =	slt.u32 s9, $0xF7A;
	s5 =	simm.s32 @!p2 $0x0  }
0x1d: {  	s5 =	simm.s32 @p1 $0x1;
	p0 =	seq.s32 s7, s2  }
0x1e: {  	s7 =	smul.u32 @!p0 $0xF7A, s2;
	p2 =	seq.s32 @!p0 s5, $0x0  }
0x1f: {  	s9 =	smul.u32 $0xF7A, s1;
	s8 =	simm.s32 @!p0 $0x1BF5;
	p2 =	por !p2, p0  }
0x20: {  	[sflag:s8] =	ssyncset.s32 @!p0 $0xFFFFF086;
	s6 =	sadd.s32 @!p0 s3, s7;
	s7 =	simm.s32 @!p0 $0x108  }
0x21: {  	s3 =	sadd.s32 s3, s9;
	s6 =	sadd.s32 @!p0 $0x88, s6;
	s7 =	simm.s32 @p2 $0x1082  }
0x22: {  	[simem:s7], [sflag:s8] =	dma.local @!p0 [hbm:s6], $0xF7A  }
0x23: {  	s9 =	sor.u32 $0xD0000000, s2;
	s6 =	simm.s32 $0x108;
	_ =	swait.ge @!p0 [sflag:s8], $0x0  }
0x24: {  	s3 =	sadd.s32 $0x88, s3;
	s6 =	simm.s32 @!p1 $0x1082;
	[sflag:s4] =	ssyncset.s32 $0xFFFFF086  }
0x25: {  	[simem:s6], [sflag:s4] =	dma.local [hbm:s3], $0xF7A  }
0x26: {  	[smem:$0x3F8D] =	sst s1;
	(tag) =	ssettag s2;
	_ =	strace s9  }
0x27: {  	s1 =	sld [smem:$0x3F9D]  }
0x28: {  	s2 =	sld [smem:$0x3F9E]  }
0x29: {  	s4 =	sld [smem:$0x3FA0]  }
0x2a: {  	p0 =	seq.s32 s5, $0x0;
	s5 =	sld [smem:$0x3FA1]  }
0x2b: {  	s6 =	sld [smem:$0x3FA2]  }
0x2c: {  	s7 =	sld [smem:$0x3FA3]  }
0x2d: {  	s3 =	simm.s32 $0x108;
	s8 =	sld [smem:$0x3FA4]  }
0x2e: {  	s3 =	simm.s32 @!p0 $0x1082;
	s9 =	sld [smem:$0x3FA5]  }
0x2f: {  	lr =	sadd.s32 s0, s3;
	s0 =	sld [smem:$0x3F9C]  }
0x30: {  	s3 =	sld [smem:$0x3F9F]  }
0x31: {  	[smem:$0x3FA8] =	sst s10  }
0x32: {  	s10 =	sld [smem:$0x3FA6];
	_ =	sdelay $0x3  }
0x33: {  	p0 =	seq.s32 s10, $0x1;
	s10 =	sld [smem:$0x3FA8];
	_ =	sdelay $0x3  }
0x34: {  	[smem:$0x3FA8] =	sst s10  }
0x35: {  	s10 =	sld [smem:$0x3FA7];
	_ =	sdelay $0x3  }
0x36: {  	p1 =	seq.s32 s10, $0x1;
	s10 =	sld [smem:$0x3FA8];
	_ =	sdelay $0x3  }
0x37: {  	[smem:$0x3FA8] =	sst s10  }
0x38: {  	s10 =	sld [smem:$0x3FA9]  }
0x39: {  	_ = 	snop;
	(pc) =	sbr.ind lr, $3  }
0x3a: {  	_ = 	snop  }
0x3b: {  	_ = 	snop  }
0x3c: {  	p2 =	seq.s32 s10, $0x1;
	s10 =	sld [smem:$0x3FA8]  }
0x3d: {  	_ =	shalt  }
0x3e: {  	_ =	shalt  }
0x3f: {  	_ =	shalt  }
0x40: {  	_ =	shalt  }
0x41: {  	_ =	shalt  }
0x42: {  	_ =	shalt  }
0x43: {  	_ =	shalt  }
0x44: {  	_ =	shalt  }
0x45: {  	_ =	shalt  }
0x46: {  	_ =	shalt  }
0x47: {  	_ =	shalt  }
0x48: {  	_ =	shalt  }
0x49: {  	_ =	shalt  }
0x4a: {  	_ =	shalt  }
0x4b: {  	_ =	shalt  }
0x4c: {  	_ =	shalt  }
0x4d: {  	_ =	shalt  }
0x4e: {  	_ =	shalt  }
0x4f: {  	_ =	shalt  }
0x50: {  	_ =	shalt  }
0x51: {  	_ =	shalt  }
0x52: {  	_ =	shalt  }
0x53: {  	_ =	shalt  }
0x54: {  	_ =	shalt  }
0x55: {  	_ =	shalt  }
0x56: {  	_ =	shalt  }
0x57: {  	_ =	shalt  }
0x58: {  	_ =	shalt  }
0x59: {  	_ =	shalt  }
0x5a: {  	_ =	shalt  }
0x5b: {  	_ =	shalt  }
0x5c: {  	_ =	shalt  }
0x5d: {  	_ =	shalt  }
0x5e: {  	_ =	shalt  }
0x5f: {  	_ =	shalt  }
0x60: {  	_ =	shalt  }
0x61: {  	_ =	shalt  }
0x62: {  	_ =	shalt  }
0x63: {  	_ =	shalt  }
0x64: {  	_ =	shalt  }
0x65: {  	_ =	shalt  }
0x66: {  	_ =	shalt  }
0x67: {  	_ =	shalt  }
0x68: {  	_ =	shalt  }
0x69: {  	_ =	shalt  }
0x6a: {  	_ =	shalt  }
0x6b: {  	_ =	shalt  }
0x6c: {  	_ =	shalt  }
0x6d: {  	_ =	shalt  }
0x6e: {  	_ =	shalt  }
0x6f: {  	_ =	shalt  }
0x70: {  	_ =	shalt  }
0x71: {  	_ =	shalt  }
0x72: {  	_ =	shalt  }
0x73: {  	_ =	shalt  }
0x74: {  	_ =	shalt  }
0x75: {  	_ =	shalt  }
0x76: {  	_ =	shalt  }
0x77: {  	_ =	shalt  }
0x78: {  	_ =	shalt  }
0x79: {  	_ =	shalt  }
0x7a: {  	_ =	shalt  }
0x7b: {  	_ =	shalt  }
0x7c: {  	_ =	shalt  }
0x7d: {  	_ =	shalt  }
0x7e: {  	_ =	shalt  }
0x7f: {  	_ =	shalt  }
0x80: {  	_ =	shalt  }
0x81: {  	_ =	shalt  }
0x82: {  	_ =	shalt  }
0x83: {  	_ =	shalt  }
0x84: {  	_ =	shalt  }
0x85: {  	_ =	shalt  }
0x86: {  	_ =	shalt  }
0x87: {  	_ =	shalt  }
.Lfunc_end0:
.L_simem_size_0:
called_computation.3_lowered:
.L_overlay_start_0:
0x88: {  	s2 =	sld [smem:$0x3FD9]  }
0x89: {  	s3 =	sld [smem:$0x3FFE];
	_ =	sdelay $0x1  }
0x8a: {  	s1 =	srdreg.scid  }
0x8b: {  	s0 =	sand.u32 $0x1, s1  }
0x8c: {  	s17 =	sshll.u32 s0, $0xA;
	s2 =	sadd.s32 s3, s2  }
0x8d: {  	s2 =	sadd.s32 s2, s17  }
0x8e: {  	[smem:$0x3FB4] =	sst s2  }
0x8f: {  	_ = 	snop  }
0x90: {  	s18 =	sld [smem:$0x3FD0];
	(tm) =	ssettm $0x1  }
0x91: {  	s19 =	sld [smem:$0x3FFB];
	_ =	sdelay $0x3  }
0x92: {  	_ =	strace s19  }
0x93: {  	s2 =	sld [smem:$0x3FFC];
	_ =	sdelay $0x3  }
0x94: {  	_ =	strace s2  }
0x95: {  	s2 =	sld [smem:$0x3FFD];
	_ =	sdelay $0x3  }
0x96: {  	_ =	strace s2  }
0x97: {  	_ =	strace $0x8FFFFFFF  }
0x98: {  	s20 =	sld [smem:$0x3FDB];
	_ =	sdelay $0x1  }
0x99: {  	s4 =	simm.s32 $_scs_section_size  }
0x9a: {  	s5 =	simm.s32 $_size__tile_overlayer_lowered;
	s6 =	simm.s32 $_tile_overlayer_lowered  }
0x9b: {  	s7 =	simm.s32 $0x1BFF;
	s21 =	sshll.u32 s6, $0x1;
	s4 =	sadd.s32 s4, s20  }
0x9c: {  	s22 =	simm.s32 $0x0;
	s5 =	sshll.u32 s5, $0x1;
	s6 =	sadd.s32 s21, s4  }
0x9d: {  	[timem:s22], [sflag:s7] =	dma.local [hbm:s6], s5  }
0x9e: {  	_ =	swait.ge [sflag:s7], s5  }
0x9f: {  	s5 =	ssub.s32 $0x0, s5;
	[sflag:s7] =	ssyncset.done $0x0  }
0xa0: {  	[sflag:s7] =	ssyncadd.s32 s5;
	_ =	sdelay $0x1  }
0xa1: {  	s23 =	simm.s32 $0x1B8B  }
0xa2: {  	_ =	swait.ge [sflag:s23], $0x1  }
0xa3: {  	[sflag:s23] =	ssyncset.done $0x0  }
0xa4: {  	[sflag:s23] =	ssyncadd.s32 $0xFFFFFFFF  }
0xa5: {  	s5 =	sld [smem:$0x0]  }
0xa6: {  	s6 =	sand.u32 $0xFFFFFFFE, s1  }
0xa7: {  	p0 =	sne.s32 s1, s6  }
0xa8: {  	s6 =	sshll.u32 @p0 s6, $0xE  }
0xa9: {  	s6 =	sadd.s32 @p0 $0x11B8D, s6;
	s7 =	sshll.u32 @p0 s5, $0x11  }
0xaa: {  	s6 =	sor.u32 @p0 s7, s6  }
0xab: {  	[sflag:s6] =	ssyncadd.remote.s32 @p0 $0x1;
	_ =	sdelay $0x1  }
0xac: {  	s6 =	simm.s32 @p0 $0x1B8D  }
0xad: {  	_ =	swait.eq @p0 [sflag:s6], $0x1  }
0xae: {  	[sflag:s6] =	ssyncadd.s32 @p0 $0xFFFFFFFF  }
0xaf: {  	s7 =	sshll.u32 @!p0 s1, $0xE  }
0xb0: {  	s7 =	sor.u32 @!p0 $0x4000, s7;
	s6 =	simm.s32 @!p0 $0x1B8D  }
0xb1: {  	s5 =	sshll.u32 @!p0 s5, $0x11;
	s7 =	sadd.s32 @!p0 $0x11B8D, s7;
	_ =	swait.eq @!p0 [sflag:s6], $0x1  }
0xb2: {  	s5 =	sor.u32 @!p0 s5, s7;
	[sflag:s6] =	ssyncadd.s32 @!p0 $0xFFFFFFFF  }
0xb3: {  	s25 =	simm.s32 $0x1B8E;
	s24 =	sld [smem:$0x3FFE];
	[sflag:s5] =	ssyncadd.remote.s32 @!p0 $0x1  }
0xb4: {  	s26 =	simm.s32 $execute0_lowered;
	[smem:$0x3FD2] =	sst s25  }
0xb5: {  	s6 =	sshll.u32 s26, $0x1;
	_ =	strace $0x8000004F;
	[dreg:$0x1] =	wrdreg $0xFFFFFFFF  }
0xb6: {  	s28 =	simm.s32 $_size_execute0_lowered;
	s4 =	sadd.s32 s4, s6;
	[dreg:$0x0] =	wrdreg $0x0  }
0xb7: {  	s6 =	sshll.u32 s28, $0x1;
	[dreg:$0x2] =	wrdreg s4  }
0xb8: {  	[dreg:$0x3] =	wrdreg s6  }
0xb9: {  	[dreg:$0x4] =	wrdreg $0xC0  }
0xba: {  	_ =	task [dreg:s22], $0x5FFFF  }
0xbb: {  	[dreg:$0x1] =	wrdreg $0xFFFFFFFF  }
0xbc: {  	[dreg:$0x0] =	wrdreg $0x60  }
0xbd: {  	[dreg:$0x2] =	wrdreg s18  }
0xbe: {  	[dreg:$0x3] =	wrdreg s24  }
0xbf: {  	[dreg:$0x4] =	wrdreg $0xB6000  }
0xc0: {  	[dreg:$0x5] =	wrdreg $0xB  }
0xc1: {  	_ =	task.clear_ibuf [dreg:s22], $0x6FFFF;
	_ =	strace $0x9000004F  }
0xc2: {  	s29 =	simm.s32 $0xB;
	_ =	strace $0x80000051  }
0xc3: {  	_ =	swait.ge [sflag:s29], $0x1  }
0xc4: {  	[sflag:s29] =	ssyncadd.s32 $0xFFFFFFFF  }
0xc5: {  	_ =	strace $0x90000051  }
0xc6: {  	_ =	sfence  }
0xc7: {  	s30 =	sld [smem:$0x0];
	_ =	sdelay $0x2  }
0xc8: {  	s31 =	sshll.u32 s1, $0xD;
	s1 =	sshrl.u32 s1, $0x2  }
0xc9: {  	s4 =	sand.u32 $0x4000, s31;
	s1 =	sadd.s32 s1, s30  }
0xca: {  	s0 =	sor.u32 s4, s0;
	s1 =	sshll.u32 s1, $0x11  }
0xcb: {  	s0 =	sor.u32 s1, s0  }
0xcc: {  	s0 =	sadd.s32 $0x8F2B, s0  }
0xcd: {  	[sflag:s0] =	ssyncadd.remote.s32 $0x1  }
0xce: {  	_ =	sfence.sel $0xFFFF  }
0xcf: {  	[dreg:$0x0] =	wrdreg $0xFFFFFFFF;
	(pc) =	sbr.abs _section_cstart, $3  }
0xd0: {  	[dreg:$0x1] =	wrdreg $0xFFFFFFFF  }
0xd1: {  	_ =	task.clear_ibuf [dreg:s22], $0x2FFFF;
	_ =	strace $0x9FFFFFFF  }
0xd2: {  	(tm) =	ssettm $0x7FFFFFFF  }
0xd3: {  	_ =	shalt  }
tec
execute0_lowered:
.L_overlay_start_1:
0x0: {  	(tag) =	ssettag $0x1  }
0x1: {  	s1 =	rddreg [dreg:$0x0]  }
0x2: {  	s7 =	rddreg [dreg:$0x1]  }
0x3: {  	s2 =	rddreg [dreg:$0x2];
	s3 =	srdreg.scid  }
0x4: {  	s0 =	rddreg [dreg:$0x3];
	s4 =	stileid.u32;
	s15 =	simm.s32 $0x180  }
0x5: {  	s16 =	simm.s32 $0x160;
	s18 =	simm.s32 $0x1;
	s19 =	simm.s32 $0x480  }
0x6: {  	s8 =	sand.u32 $0x1, s3;
	s3 =	simm.s32 $0x0;
	s10 =	smul.u32 $0xA000, s4  }
0x7: {  	s5 =	sadd.s32 $0xA200, s7;
	s6 =	sadd.s32 $0xFA00, s7;
	s12 =	smul.u32 $0x28000, s4  }
0x8: {  	p0 =	sne.s32 s4, $0x0;
	s9 =	smul.u32 $0x140000, s8;
	[smem:$0x7FF] =	sst s3  }
0x9: {  	s30 =	ssub.s32 $0x2, s8;
	s17 =	smul.u32 $0x2800, s8;
	s8 =	sadd.s32 $0xA0000, s2  }
0xa: {  	_ =	strace $0x80000050;
	s11 =	sshrl.u32 s30, $0x1;
	s9 =	sadd.s32 s10, s9  }
0xb: {  	s31 =	sshrl.u32 s12, $0x2;
	s14 =	ssub.s32 s30, s11;
	s9 =	sshrl.u32 s9, $0x3  }
0xc: {  	v0 =	vmov s17;
	s17 =	simm.s32 $0x300;
	s12 =	smax.u32 s14, $0x1;
	s13 =	sadd.s32 s9, s7  }
0xd: {  	s14 =	simm.s32 $0x2;
	s7 =	smul.u32 $0x2C00, s4;
	s10 =	sadd.s32 $0x3F8800, s13  }
0xe: {  	v1 =	vimm.s32 $0x0;
	v2 =	vimm.f32 $0.0e+00;
	s9 =	sadd.s32 s31, s2;
	s11 =	sadd.s32 $0x40C800, s13;
	s13 =	simm.s32 $0x600  }
.LBB2_1:
0xf: {  	[tilespmem:$0x300] =	vst v1  }
0x10: {  	[tilespmem:$0x310] =	vst v1  }
0x11: {  	[tilespmem:$0x320] =	vst v1  }
0x12: {  	[tilespmem:$0x330] =	vst v1  }
0x13: {  	[tilespmem:$0x340] =	vst v1  }
0x14: {  	[tilespmem:$0x350] =	vst v1  }
0x15: {  	[tilespmem:$0x360] =	vst v1  }
0x16: {  	[tilespmem:$0x370] =	vst v1  }
0x17: {  	[tilespmem:$0x380] =	vst v1  }
0x18: {  	[tilespmem:$0x390] =	vst v1  }
0x19: {  	[tilespmem:$0x3A0] =	vst v1  }
0x1a: {  	[tilespmem:$0x3B0] =	vst v1  }
0x1b: {  	[tilespmem:$0x3C0] =	vst v1  }
0x1c: {  	[tilespmem:$0x3D0] =	vst v1  }
0x1d: {  	[tilespmem:$0x3E0] =	vst v1  }
0x1e: {  	[tilespmem:$0x3F0] =	vst v1  }
0x1f: {  	[tilespmem:$0x400] =	vst v1  }
0x20: {  	[tilespmem:$0x410] =	vst v1  }
0x21: {  	[tilespmem:$0x420] =	vst v1  }
0x22: {  	[tilespmem:$0x430] =	vst v1  }
0x23: {  	[tilespmem:$0x440] =	vst v1  }
0x24: {  	[tilespmem:$0x450] =	vst v1;
	s20 =	simm.s32 $0x0;
	s21 =	simm.s32 $0x200  }
.LBB2_2:
0x25: {  	p1 =	sne.s32 s21, $0x2BE00;
	[tilespmem:s20+$0x670] =	vst v2  }
0x26: {  	[tilespmem:s20+$0x600] =	vst v2  }
0x27: {  	[tilespmem:s20+$0x610] =	vst v2  }
.Ltmp0:
0x28: {  	[tilespmem:s20+$0x620] =	vst v2;
	(pc) =	sbr.rel @p1 .LBB2_2-.Ltmp0, $4  }
0x29: {  	[tilespmem:s20+$0x630] =	vst v2  }
0x2a: {  	[tilespmem:s20+$0x640] =	vst v2  }
0x2b: {  	[tilespmem:s20+$0x650] =	vst v2  }
0x2c: {  	[tilespmem:s20+$0x660] =	vst v2;
	s20 =	sshra.s32 s21, $0x2;
	s21 =	sadd.s32 $0x200, s21  }
0x2d: {  	[tilespmem:s20+$0x670] =	vst v2  }
0x2e: {  	[tilespmem:s20+$0x600] =	vst v2  }
0x2f: {  	[tilespmem:s20+$0x610] =	vst v2  }
0x30: {  	[tilespmem:s20+$0x620] =	vst v2  }
0x31: {  	[tilespmem:s20+$0x630] =	vst v2  }
0x32: {  	[tilespmem:s20+$0x640] =	vst v2  }
0x33: {  	[tilespmem:s20+$0x650] =	vst v2  }
0x34: {  	[tilespmem:s20+$0x660] =	vst v2  }
0x35: {  	[spmem:s9] =	stream.linear.scatter [tilespmem:s13], [sflag:$0x2], $0xA000, $0x38;
	[tilespmem:$0x15680] =	vst v63  }
0x36: {  	_ =	swait.ge [sflag:s14], $0xA000  }
0x37: {  	[sflag:s14] =	ssyncset.done $0x0  }
0x38: {  	s20 =	simm.s32 @!p0 $0x600;
	[sflag:s14] =	ssyncadd.s32 $0xFFFF6000  }
0x39: {  	[spmem:s8] =	stream.linear.scatter @!p0 [tilespmem:s20], [sflag:$0x2], $0x800, $0x38;
	[tilespmem:$0x15680] =	vst v63  }
0x3a: {  	s20 =	simm.s32 @!p0 $0x2  }
0x3b: {  	_ =	swait.ge @!p0 [sflag:s20], $0x800  }
0x3c: {  	[sflag:s20] =	ssyncset.done @!p0 $0x0  }
0x3d: {  	[sflag:s20] =	ssyncadd.s32 @!p0 $0xFFFFF800  }
0x3e: {  	s21 =	simm.s32 $0x0;
	s20 =	simm.s32 $0x0;
	[bflag:$0x0] =	sbarrier.arrive $0xFFFF  }
.LBB2_4:
0x3f: {  	s22 =	smul.u32 $0x160, s21;
	_ =	sdelay $0x1  }
0x40: {  	s22 =	sadd.s32 s7, s22  }
0x41: {  	s22 =	sshrl.u32 s22, $0x3  }
0x42: {  	s23 =	sadd.s32 s1, s22  }
0x43: {  	[tilespmem:s20], [sflag:$0x2] =	stream.linear.gather [hbm4b:s23+s20], $0x160, $0x38;
	[tilespmem:$0x15680] =	vst v63  }
0x44: {  	_ =	swait.ge [sflag:s14], $0x160  }
0x45: {  	[sflag:s14] =	ssyncset.done $0x0  }
0x46: {  	s22 =	sadd.s32 s5, s22;
	[sflag:s14] =	ssyncadd.s32 $0xFFFFFEA0  }
0x47: {  	[tilespmem:s15], [sflag:$0x2] =	stream.linear.gather [hbm4b:s22+s20], $0x160, $0x38;
	[tilespmem:$0x15680] =	vst v63  }
0x48: {  	_ =	swait.ge [sflag:s14], $0x160  }
0x49: {  	[sflag:s14] =	ssyncset.done $0x0  }
0x4a: {  	s22 =	simm.s32 $0x0;
	[sflag:s14] =	ssyncadd.s32 $0xFFFFFEA0  }
0x4b: {  	v3 =	vld [tilespmem:s22+$0x0]  }
0x4c: {  	s23 =	simm.s32 $0x40;
	v4 =	vld [tilespmem:s22+$0x180]  }
.LBB2_5:
0x4d: {  	p1 =	sne.s32 s23, $0x540  }
.Ltmp1:
0x4e: {  	_ = 	snop;
	(pc) =	sbr.rel @p1 .LBB2_5-.Ltmp1, $4  }
0x4f: {  	_ = 	snop  }
0x50: {  	s24 =	sshra.s32 s23, $0x2;
	s23 =	sadd.s32 $0x40, s23;
	v5 =	vadd.s32 v0, v3  }
0x51: {  	v3 =	vld [tilespmem:s24+$0x0];
	v6 =	vmin.u32 v4, $0x1400;
	[tilespmem:s22+$0x300] =	vst v5  }
0x52: {  	v4 =	vld [tilespmem:s24+$0x180];
	[tilespmem:s22+$0x480] =	vst v6;
	s22 =	smov.u32 s24  }
0x53: {  	_ =	sdelay $0x2  }
0x54: {  	v3 =	vadd.s32 v0, v3  }
0x55: {  	v4 =	vmin.u32 v4, $0x1400;
	[tilespmem:s22+$0x300] =	vst v3  }
0x56: {  	[tilespmem:s22+$0x480] =	vst v4  }
0x57: {  	[tilespmem:s13], [sflag:$0x1] =	stream.indirect.gather [hbm4b:s6+s16], $0x80, s17, s16, $0xb8;
	[tilespmem:$0x15680] =	vst v63  }
0x58: {  	s21 =	sadd.s32 $0x1, s21;
	_ =	swait.ge [sflag:s18], $0xB000  }
0x59: {  	p1 =	sne.s32 s21, $0x20;
	[sflag:s18] =	ssyncset.done $0x0  }
.Ltmp2:
0x5a: {  	[sflag:s18] =	ssyncadd.s32 $0xFFFF5000;
	(pc) =	sbr.rel @p1 .LBB2_4-.Ltmp2, $4  }
0x5b: {  	[spmem:s2] =	stream.indirect.scatter.add.f32 [tilespmem:s13], [sflag:$0x2], $0x80, s19, s16, $0xb8;
	[tilespmem:$0x15680] =	vst v63  }
0x5c: {  	_ =	swait.ge [sflag:s14], $0xB000  }
0x5d: {  	[sflag:s14] =	ssyncset.done $0x0  }
0x5e: {  	[sflag:s14] =	ssyncadd.s32 $0xFFFF5000  }
0x5f: {  	s20 =	sshll.u32 s4, $0x6  }
0x60: {  	[bflag:$0x0] =	sbarrier.arrive $0xFFFF;
	s21 =	sshrl.u32 s9, $0x3;
	s20 =	sor.u32 $0x1C02, s20  }
0x61: {  	[hbm:s10], [sflag:s20] =	dma.local [spmem:s21], $0x1400  }
0x62: {  	_ =	swait.ge [sflag:s14], $0x1400  }
0x63: {  	[sflag:s14] =	ssyncset.done $0x0  }
0x64: {  	[sflag:s14] =	ssyncadd.s32 $0xFFFFEC00  }
0x65: {  	s22 =	simm.s32 $0x0;
	s23 =	simm.s32 $0x200;
	[bflag:$0x0] =	sbarrier.arrive $0xFFFF  }
.LBB2_8:
0x66: {  	p1 =	sne.s32 s23, $0x2BE00;
	[tilespmem:s22+$0x670] =	vst v2  }
0x67: {  	[tilespmem:s22+$0x600] =	vst v2  }
0x68: {  	[tilespmem:s22+$0x610] =	vst v2  }
.Ltmp3:
0x69: {  	[tilespmem:s22+$0x620] =	vst v2;
	(pc) =	sbr.rel @p1 .LBB2_8-.Ltmp3, $4  }
0x6a: {  	[tilespmem:s22+$0x630] =	vst v2  }
0x6b: {  	[tilespmem:s22+$0x640] =	vst v2  }
0x6c: {  	[tilespmem:s22+$0x650] =	vst v2  }
0x6d: {  	[tilespmem:s22+$0x660] =	vst v2;
	s22 =	sshra.s32 s23, $0x2;
	s23 =	sadd.s32 $0x200, s23  }
0x6e: {  	[tilespmem:s22+$0x670] =	vst v2  }
0x6f: {  	[tilespmem:s22+$0x600] =	vst v2  }
0x70: {  	[tilespmem:s22+$0x610] =	vst v2  }
0x71: {  	[tilespmem:s22+$0x620] =	vst v2  }
0x72: {  	[tilespmem:s22+$0x630] =	vst v2  }
0x73: {  	[tilespmem:s22+$0x640] =	vst v2  }
0x74: {  	[tilespmem:s22+$0x650] =	vst v2  }
0x75: {  	[tilespmem:s22+$0x660] =	vst v2  }
0x76: {  	[spmem:s9] =	stream.linear.scatter [tilespmem:s13], [sflag:$0x2], $0xA000, $0x38;
	[tilespmem:$0x15680] =	vst v63  }
0x77: {  	_ =	swait.ge [sflag:s14], $0xA000  }
0x78: {  	[sflag:s14] =	ssyncset.done $0x0  }
0x79: {  	s22 =	simm.s32 @!p0 $0x600;
	[sflag:s14] =	ssyncadd.s32 $0xFFFF6000  }
0x7a: {  	[spmem:s8] =	stream.linear.scatter @!p0 [tilespmem:s22], [sflag:$0x2], $0x800, $0x38;
	[tilespmem:$0x15680] =	vst v63  }
0x7b: {  	s22 =	simm.s32 @!p0 $0x2  }
0x7c: {  	_ =	swait.ge @!p0 [sflag:s22], $0x800  }
0x7d: {  	[sflag:s22] =	ssyncset.done @!p0 $0x0  }
0x7e: {  	[sflag:s22] =	ssyncadd.s32 @!p0 $0xFFFFF800  }
0x7f: {  	s23 =	simm.s32 $0x0;
	s22 =	simm.s32 $0x0;
	[bflag:$0x0] =	sbarrier.arrive $0xFFFF  }
.LBB2_10:
0x80: {  	s24 =	smul.u32 $0x160, s23;
	_ =	sdelay $0x1  }
0x81: {  	s24 =	sadd.s32 s7, s24  }
0x82: {  	s24 =	sshrl.u32 s24, $0x3  }
0x83: {  	s25 =	sadd.s32 s1, s24  }
0x84: {  	[tilespmem:s22], [sflag:$0x2] =	stream.linear.gather [hbm4b:s25+s22], $0x160, $0x38;
	[tilespmem:$0x15680] =	vst v63  }
0x85: {  	_ =	swait.ge [sflag:s14], $0x160  }
0x86: {  	[sflag:s14] =	ssyncset.done $0x0  }
0x87: {  	s24 =	sadd.s32 s5, s24;
	[sflag:s14] =	ssyncadd.s32 $0xFFFFFEA0  }
0x88: {  	[tilespmem:s15], [sflag:$0x2] =	stream.linear.gather [hbm4b:s24+s22], $0x160, $0x38;
	[tilespmem:$0x15680] =	vst v63  }
0x89: {  	_ =	swait.ge [sflag:s14], $0x160  }
0x8a: {  	[sflag:s14] =	ssyncset.done $0x0  }
0x8b: {  	s24 =	simm.s32 $0x0;
	[sflag:s14] =	ssyncadd.s32 $0xFFFFFEA0  }
0x8c: {  	v3 =	vld [tilespmem:s24+$0x180]  }
0x8d: {  	v4 =	vld [tilespmem:s24+$0x0]  }
0x8e: {  	s25 =	simm.s32 $0x40  }
.LBB2_11:
0x8f: {  	p1 =	sne.s32 s25, $0x540  }
.Ltmp4:
0x90: {  	_ = 	snop;
	(pc) =	sbr.rel @p1 .LBB2_11-.Ltmp4, $4  }
0x91: {  	s26 =	sshra.s32 s25, $0x2  }
0x92: {  	v5 =	vadd.s32 $0xFFFFEC00, v3;
	v3 =	vld [tilespmem:s26+$0x180];
	v6 =	vadd.s32 v0, v4  }
0x93: {  	v4 =	vld [tilespmem:s26+$0x0];
	v5 =	vmin.u32 v5, $0x1400;
	[tilespmem:s24+$0x300] =	vst v6  }
0x94: {  	s25 =	sadd.s32 $0x40, s25;
	[tilespmem:s24+$0x480] =	vst v5;
	s24 =	smov.u32 s26  }
0x95: {  	_ =	sdelay $0x1  }
0x96: {  	v3 =	vadd.s32 $0xFFFFEC00, v3  }
0x97: {  	v3 =	vmin.u32 v3, $0x1400  }
0x98: {  	v4 =	vadd.s32 v0, v4;
	[tilespmem:s24+$0x480] =	vst v3  }
0x99: {  	[tilespmem:s24+$0x300] =	vst v4  }
0x9a: {  	[tilespmem:s13], [sflag:$0x1] =	stream.indirect.gather [hbm4b:s6+s16], $0x80, s17, s16, $0xb8;
	[tilespmem:$0x15680] =	vst v63  }
0x9b: {  	s23 =	sadd.s32 $0x1, s23;
	_ =	swait.ge [sflag:s18], $0xB000  }
0x9c: {  	p1 =	sne.s32 s23, $0x20;
	[sflag:s18] =	ssyncset.done $0x0  }
.Ltmp5:
0x9d: {  	[sflag:s18] =	ssyncadd.s32 $0xFFFF5000;
	(pc) =	sbr.rel @p1 .LBB2_10-.Ltmp5, $4  }
0x9e: {  	[spmem:s2] =	stream.indirect.scatter.add.f32 [tilespmem:s13], [sflag:$0x2], $0x80, s19, s16, $0xb8;
	[tilespmem:$0x15680] =	vst v63  }
0x9f: {  	_ =	swait.ge [sflag:s14], $0xB000  }
0xa0: {  	[sflag:s14] =	ssyncset.done $0x0  }
0xa1: {  	[sflag:s14] =	ssyncadd.s32 $0xFFFF5000  }
0xa2: {  	[bflag:$0x0] =	sbarrier.arrive $0xFFFF;
	s3 =	sadd.s32 $0x1, s3  }
0xa3: {  	[hbm:s11], [sflag:s20] =	dma.local [spmem:s21], $0x1400  }
0xa4: {  	p1 =	sne.s32 s3, s12  }
.Ltmp6:
0xa5: {  	_ =	swait.ge [sflag:s14], $0x1400;
	(pc) =	sbr.rel @p1 .LBB2_1-.Ltmp6, $3  }
0xa6: {  	[sflag:s14] =	ssyncset.done $0x0  }
0xa7: {  	[sflag:s14] =	ssyncadd.s32 $0xFFFFEC00  }
0xa8: {  	[bflag:$0x0] =	sbarrier.arrive $0xFFFF;
	_ =	sdelay $0x1  }
0xa9: {  	_ =	sfence.sel $0x180000  }
0xaa: {  	[bflag:$0x0] =	sbarrier.arrive $0xFFFF  }
0xab: {  	_ =	strace $0x90000050  }
0xac: {  	s0 =	sadd.s32 @!p0 $0x100000, s0;
	[bflag:$0x2] =	sbarrier.arrive $0xFFFF  }
0xad: {  	[sflag:s0] =	ssyncadd.tile.s32 @!p0 $0x1;
	_ =	shalt  }
.Lfunc_end2:
_tile_overlayer_lowered:
.L_overlay_start_2:
0xae: {  	(tag) =	ssettag $0x2  }
0xaf: {  	s0 =	rddreg [dreg:$0x0];
	s2 =	stileid.u32  }
0xb0: {  	s1 =	rddreg [dreg:$0x1];
	p0 =	sne.s32 s2, $0x0  }
0xb1: {  	s3 =	rddreg [dreg:$0x2];
	[bflag:$0x3] =	sbarrier.arrive $0xFFFF;
	s2 =	simm.s32 @!p0 $0x1C02  }
0xb2: {  	[timem:s3], [sflag:s2] =	dma.local @!p0 [hbm:s0], s1  }
0xb3: {  	s0 =	simm.s32 @!p0 $0x2  }
0xb4: {  	_ =	swait.ge @!p0 [sflag:s0], s1  }
0xb5: {  	s1 =	ssub.s32 @!p0 $0x0, s1;
	[sflag:s0] =	ssyncset.done @!p0 $0x0  }
0xb6: {  	[sflag:s0] =	ssyncadd.s32 @!p0 s1  }
0xb7: {  	[bflag:$0x3] =	sbarrier.arrive $0xFFFF  }
0xb8: {  	_ =	shalt  }

// kernel: kernel.17.cloned.1.call-start
scs
__scs_entry_jumppad:
0x0: {  	(pc) =	sbr.rel $0x88, $3  }
0x1: {  	(tag) =	ssettag $0x0;
	lr =	simm.s32 $0x1  }
0x2: {  	[smem:$0x3F8D] =	sst lr;
	_ =	strace $0xD0000000  }
0x3: {  	_ = 	snop  }
0x4: {  	_ = 	snop  }
0x5: {  	_ = 	snop  }
0x6: {  	_ = 	snop  }
0x7: {  	_ = 	snop  }
__scs_overlays_trampoline_lowered:
0x8: {  	[smem:$0x3F9C] =	sst s0  }
0x9: {  	[smem:$0x3F9D] =	sst s1  }
0xa: {  	[smem:$0x3F9E] =	sst s2  }
0xb: {  	[smem:$0x3F9F] =	sst s3  }
0xc: {  	[smem:$0x3FA0] =	sst s4  }
0xd: {  	[smem:$0x3FA1] =	sst s5  }
0xe: {  	[smem:$0x3FA2] =	sst s6  }
0xf: {  	[smem:$0x3FA3] =	sst s7  }
0x10: {  	[smem:$0x3FA4] =	sst s8  }
0x11: {  	[smem:$0x3FA5] =	sst s9;
	s0 =	simm.s32 @!p0 $0x0  }
0x12: {  	s1 =	sld [smem:$0x3F8B];
	s0 =	simm.s32 @p0 $0x1  }
0x13: {  	[smem:$0x3FA6] =	sst s0;
	s0 =	simm.s32 @!p1 $0x0  }
0x14: {  	s2 =	sld [smem:$0x3F8A];
	s0 =	simm.s32 @p1 $0x1  }
0x15: {  	[smem:$0x3FA7] =	sst s0;
	s0 =	simm.s32 @!p2 $0x0  }
0x16: {  	s3 =	sld [smem:$0x3FDB];
	s0 =	simm.s32 @p2 $0x1  }
0x17: {  	s4 =	simm.s32 $0x1BF5;
	[smem:$0x3FA9] =	sst s0  }
0x18: {  	s0 =	sld [smem:$0x3F8C];
	_ =	swait.ge [sflag:s4], $0x0  }
0x19: {  	s7 =	sld [smem:$0x3F8D]  }
0x1a: {  	s8 =	sadd.s32 $0xFFFFE003, lr  }
0x1b: {  	s9 =	sadd.s32 $0xFFFFFEF7, lr;
	s5 =	simm.s32 $0xFFFFFFFF;
	p2 =	slt.u32 s8, $0xFFFFF086  }
0x1c: {  	p1 =	slt.u32 s9, $0xF7A;
	s5 =	simm.s32 @!p2 $0x0  }
0x1d: {  	s5 =	simm.s32 @p1 $0x1;
	p0 =	seq.s32 s7, s2  }
0x1e: {  	s7 =	smul.u32 @!p0 $0xF7A, s2;
	p2 =	seq.s32 @!p0 s5, $0x0  }
0x1f: {  	s9 =	smul.u32 $0xF7A, s1;
	s8 =	simm.s32 @!p0 $0x1BF5;
	p2 =	por !p2, p0  }
0x20: {  	[sflag:s8] =	ssyncset.s32 @!p0 $0xFFFFF086;
	s6 =	sadd.s32 @!p0 s3, s7;
	s7 =	simm.s32 @!p0 $0x108  }
0x21: {  	s3 =	sadd.s32 s3, s9;
	s6 =	sadd.s32 @!p0 $0x88, s6;
	s7 =	simm.s32 @p2 $0x1082  }
0x22: {  	[simem:s7], [sflag:s8] =	dma.local @!p0 [hbm:s6], $0xF7A  }
0x23: {  	s9 =	sor.u32 $0xD0000000, s2;
	s6 =	simm.s32 $0x108;
	_ =	swait.ge @!p0 [sflag:s8], $0x0  }
0x24: {  	s3 =	sadd.s32 $0x88, s3;
	s6 =	simm.s32 @!p1 $0x1082;
	[sflag:s4] =	ssyncset.s32 $0xFFFFF086  }
0x25: {  	[simem:s6], [sflag:s4] =	dma.local [hbm:s3], $0xF7A  }
0x26: {  	[smem:$0x3F8D] =	sst s1;
	(tag) =	ssettag s2;
	_ =	strace s9  }
0x27: {  	s1 =	sld [smem:$0x3F9D]  }
0x28: {  	s2 =	sld [smem:$0x3F9E]  }
0x29: {  	s4 =	sld [smem:$0x3FA0]  }
0x2a: {  	p0 =	seq.s32 s5, $0x0;
	s5 =	sld [smem:$0x3FA1]  }
0x2b: {  	s6 =	sld [smem:$0x3FA2]  }
0x2c: {  	s7 =	sld [smem:$0x3FA3]  }
0x2d: {  	s3 =	simm.s32 $0x108;
	s8 =	sld [smem:$0x3FA4]  }
0x2e: {  	s3 =	simm.s32 @!p0 $0x1082;
	s9 =	sld [smem:$0x3FA5]  }
0x2f: {  	lr =	sadd.s32 s0, s3;
	s0 =	sld [smem:$0x3F9C]  }
0x30: {  	s3 =	sld [smem:$0x3F9F]  }
0x31: {  	[smem:$0x3FA8] =	sst s10  }
0x32: {  	s10 =	sld [smem:$0x3FA6];
	_ =	sdelay $0x3  }
0x33: {  	p0 =	seq.s32 s10, $0x1;
	s10 =	sld [smem:$0x3FA8];
	_ =	sdelay $0x3  }
0x34: {  	[smem:$0x3FA8] =	sst s10  }
0x35: {  	s10 =	sld [smem:$0x3FA7];
	_ =	sdelay $0x3  }
0x36: {  	p1 =	seq.s32 s10, $0x1;
	s10 =	sld [smem:$0x3FA8];
	_ =	sdelay $0x3  }
0x37: {  	[smem:$0x3FA8] =	sst s10  }
0x38: {  	s10 =	sld [smem:$0x3FA9]  }
0x39: {  	_ = 	snop;
	(pc) =	sbr.ind lr, $3  }
0x3a: {  	_ = 	snop  }
0x3b: {  	_ = 	snop  }
0x3c: {  	p2 =	seq.s32 s10, $0x1;
	s10 =	sld [smem:$0x3FA8]  }
0x3d: {  	_ =	shalt  }
0x3e: {  	_ =	shalt  }
0x3f: {  	_ =	shalt  }
0x40: {  	_ =	shalt  }
0x41: {  	_ =	shalt  }
0x42: {  	_ =	shalt  }
0x43: {  	_ =	shalt  }
0x44: {  	_ =	shalt  }
0x45: {  	_ =	shalt  }
0x46: {  	_ =	shalt  }
0x47: {  	_ =	shalt  }
0x48: {  	_ =	shalt  }
0x49: {  	_ =	shalt  }
0x4a: {  	_ =	shalt  }
0x4b: {  	_ =	shalt  }
0x4c: {  	_ =	shalt  }
0x4d: {  	_ =	shalt  }
0x4e: {  	_ =	shalt  }
0x4f: {  	_ =	shalt  }
0x50: {  	_ =	shalt  }
0x51: {  	_ =	shalt  }
0x52: {  	_ =	shalt  }
0x53: {  	_ =	shalt  }
0x54: {  	_ =	shalt  }
0x55: {  	_ =	shalt  }
0x56: {  	_ =	shalt  }
0x57: {  	_ =	shalt  }
0x58: {  	_ =	shalt  }
0x59: {  	_ =	shalt  }
0x5a: {  	_ =	shalt  }
0x5b: {  	_ =	shalt  }
0x5c: {  	_ =	shalt  }
0x5d: {  	_ =	shalt  }
0x5e: {  	_ =	shalt  }
0x5f: {  	_ =	shalt  }
0x60: {  	_ =	shalt  }
0x61: {  	_ =	shalt  }
0x62: {  	_ =	shalt  }
0x63: {  	_ =	shalt  }
0x64: {  	_ =	shalt  }
0x65: {  	_ =	shalt  }
0x66: {  	_ =	shalt  }
0x67: {  	_ =	shalt  }
0x68: {  	_ =	shalt  }
0x69: {  	_ =	shalt  }
0x6a: {  	_ =	shalt  }
0x6b: {  	_ =	shalt  }
0x6c: {  	_ =	shalt  }
0x6d: {  	_ =	shalt  }
0x6e: {  	_ =	shalt  }
0x6f: {  	_ =	shalt  }
0x70: {  	_ =	shalt  }
0x71: {  	_ =	shalt  }
0x72: {  	_ =	shalt  }
0x73: {  	_ =	shalt  }
0x74: {  	_ =	shalt  }
0x75: {  	_ =	shalt  }
0x76: {  	_ =	shalt  }
0x77: {  	_ =	shalt  }
0x78: {  	_ =	shalt  }
0x79: {  	_ =	shalt  }
0x7a: {  	_ =	shalt  }
0x7b: {  	_ =	shalt  }
0x7c: {  	_ =	shalt  }
0x7d: {  	_ =	shalt  }
0x7e: {  	_ =	shalt  }
0x7f: {  	_ =	shalt  }
0x80: {  	_ =	shalt  }
0x81: {  	_ =	shalt  }
0x82: {  	_ =	shalt  }
0x83: {  	_ =	shalt  }
0x84: {  	_ =	shalt  }
0x85: {  	_ =	shalt  }
0x86: {  	_ =	shalt  }
0x87: {  	_ =	shalt  }
.Lfunc_end0:
.L_simem_size_0:
called_computation.4_lowered:
.L_overlay_start_0:
0x88: {  	s2 =	sld [smem:$0x3FD9]  }
0x89: {  	s3 =	sld [smem:$0x3FFE];
	_ =	sdelay $0x1  }
0x8a: {  	s1 =	srdreg.scid  }
0x8b: {  	s0 =	sand.u32 $0x1, s1  }
0x8c: {  	s17 =	sshll.u32 s0, $0xA;
	s2 =	sadd.s32 s3, s2  }
0x8d: {  	s2 =	sadd.s32 s2, s17  }
0x8e: {  	[smem:$0x3FB4] =	sst s2  }
0x8f: {  	_ = 	snop  }
0x90: {  	s18 =	sld [smem:$0x3FD0];
	(tm) =	ssettm $0x1  }
0x91: {  	s19 =	sld [smem:$0x3FFB];
	_ =	sdelay $0x3  }
0x92: {  	_ =	strace s19  }
0x93: {  	s2 =	sld [smem:$0x3FFC];
	_ =	sdelay $0x3  }
0x94: {  	_ =	strace s2  }
0x95: {  	s2 =	sld [smem:$0x3FFD];
	_ =	sdelay $0x3  }
0x96: {  	_ =	strace s2  }
0x97: {  	_ =	strace $0x8FFFFFFF  }
0x98: {  	s20 =	sld [smem:$0x3FDB];
	_ =	sdelay $0x1  }
0x99: {  	s4 =	simm.s32 $_scs_section_size  }
0x9a: {  	s5 =	simm.s32 $_size__tile_overlayer_lowered;
	s6 =	simm.s32 $_tile_overlayer_lowered  }
0x9b: {  	s7 =	simm.s32 $0x1BFF;
	s21 =	sshll.u32 s6, $0x1;
	s4 =	sadd.s32 s4, s20  }
0x9c: {  	s22 =	simm.s32 $0x0;
	s5 =	sshll.u32 s5, $0x1;
	s6 =	sadd.s32 s21, s4  }
0x9d: {  	[timem:s22], [sflag:s7] =	dma.local [hbm:s6], s5  }
0x9e: {  	_ =	swait.ge [sflag:s7], s5  }
0x9f: {  	s5 =	ssub.s32 $0x0, s5;
	[sflag:s7] =	ssyncset.done $0x0  }
0xa0: {  	[sflag:s7] =	ssyncadd.s32 s5;
	_ =	sdelay $0x1  }
0xa1: {  	s23 =	simm.s32 $0x1B8B  }
0xa2: {  	_ =	swait.ge [sflag:s23], $0x1  }
0xa3: {  	[sflag:s23] =	ssyncset.done $0x0  }
0xa4: {  	[sflag:s23] =	ssyncadd.s32 $0xFFFFFFFF  }
0xa5: {  	s5 =	sld [smem:$0x0]  }
0xa6: {  	s6 =	sand.u32 $0xFFFFFFFE, s1  }
0xa7: {  	p0 =	sne.s32 s1, s6  }
0xa8: {  	s6 =	sshll.u32 @p0 s6, $0xE  }
0xa9: {  	s6 =	sadd.s32 @p0 $0x11B8D, s6;
	s7 =	sshll.u32 @p0 s5, $0x11  }
0xaa: {  	s6 =	sor.u32 @p0 s7, s6  }
0xab: {  	[sflag:s6] =	ssyncadd.remote.s32 @p0 $0x1;
	_ =	sdelay $0x1  }
0xac: {  	s6 =	simm.s32 @p0 $0x1B8D  }
0xad: {  	_ =	swait.eq @p0 [sflag:s6], $0x1  }
0xae: {  	[sflag:s6] =	ssyncadd.s32 @p0 $0xFFFFFFFF  }
0xaf: {  	s7 =	sshll.u32 @!p0 s1, $0xE  }
0xb0: {  	s7 =	sor.u32 @!p0 $0x4000, s7;
	s6 =	simm.s32 @!p0 $0x1B8D  }
0xb1: {  	s5 =	sshll.u32 @!p0 s5, $0x11;
	s7 =	sadd.s32 @!p0 $0x11B8D, s7;
	_ =	swait.eq @!p0 [sflag:s6], $0x1  }
0xb2: {  	s5 =	sor.u32 @!p0 s5, s7;
	[sflag:s6] =	ssyncadd.s32 @!p0 $0xFFFFFFFF  }
0xb3: {  	s25 =	simm.s32 $0x1B8E;
	s24 =	sld [smem:$0x3FFE];
	[sflag:s5] =	ssyncadd.remote.s32 @!p0 $0x1  }
0xb4: {  	s26 =	simm.s32 $execute0_lowered;
	[smem:$0x3FD2] =	sst s25  }
0xb5: {  	s6 =	sshll.u32 s26, $0x1;
	_ =	strace $0x80000055;
	[dreg:$0x1] =	wrdreg $0xFFFFFFFF  }
0xb6: {  	s28 =	simm.s32 $_size_execute0_lowered;
	s4 =	sadd.s32 s4, s6;
	[dreg:$0x0] =	wrdreg $0x0  }
0xb7: {  	s6 =	sshll.u32 s28, $0x1;
	[dreg:$0x2] =	wrdreg s4  }
0xb8: {  	[dreg:$0x3] =	wrdreg s6  }
0xb9: {  	[dreg:$0x4] =	wrdreg $0xC0  }
0xba: {  	_ =	task [dreg:s22], $0x5FFFF  }
0xbb: {  	[dreg:$0x1] =	wrdreg $0xFFFFFFFF  }
0xbc: {  	[dreg:$0x0] =	wrdreg $0x60  }
0xbd: {  	[dreg:$0x2] =	wrdreg s18  }
0xbe: {  	[dreg:$0x3] =	wrdreg s24  }
0xbf: {  	[dreg:$0x4] =	wrdreg $0xB6000  }
0xc0: {  	[dreg:$0x5] =	wrdreg $0xA  }
0xc1: {  	_ =	task.clear_ibuf [dreg:s22], $0x6FFFF;
	_ =	strace $0x90000055  }
0xc2: {  	s29 =	simm.s32 $0xA;
	_ =	strace $0x80000057  }
0xc3: {  	_ =	swait.ge [sflag:s29], $0x1  }
0xc4: {  	[sflag:s29] =	ssyncadd.s32 $0xFFFFFFFF  }
0xc5: {  	_ =	strace $0x90000057  }
0xc6: {  	_ =	sfence  }
0xc7: {  	s30 =	sld [smem:$0x0];
	_ =	sdelay $0x2  }
0xc8: {  	s31 =	sshll.u32 s1, $0xD;
	s1 =	sshrl.u32 s1, $0x2  }
0xc9: {  	s4 =	sand.u32 $0x4000, s31;
	s1 =	sadd.s32 s1, s30  }
0xca: {  	s0 =	sor.u32 s4, s0;
	s1 =	sshll.u32 s1, $0x11  }
0xcb: {  	s0 =	sor.u32 s1, s0  }
0xcc: {  	s0 =	sadd.s32 $0x8F2B, s0  }
0xcd: {  	[sflag:s0] =	ssyncadd.remote.s32 $0x1  }
0xce: {  	_ =	sfence.sel $0xFFFF  }
0xcf: {  	[dreg:$0x0] =	wrdreg $0xFFFFFFFF;
	(pc) =	sbr.abs _section_cstart, $3  }
0xd0: {  	[dreg:$0x1] =	wrdreg $0xFFFFFFFF  }
0xd1: {  	_ =	task.clear_ibuf [dreg:s22], $0x2FFFF;
	_ =	strace $0x9FFFFFFF  }
0xd2: {  	(tm) =	ssettm $0x7FFFFFFF  }
0xd3: {  	_ =	shalt  }
tec
execute0_lowered:
.L_overlay_start_1:
0x0: {  	(tag) =	ssettag $0x1  }
0x1: {  	s0 =	rddreg [dreg:$0x0]  }
0x2: {  	s7 =	rddreg [dreg:$0x1]  }
0x3: {  	s1 =	srdreg.scid;
	s2 =	rddreg [dreg:$0x2]  }
0x4: {  	s3 =	stileid.u32;
	s4 =	simm.s32 $0x0;
	s13 =	simm.s32 $0x600  }
0x5: {  	s14 =	simm.s32 $0x2;
	s15 =	simm.s32 $0x180;
	s16 =	simm.s32 $0x160  }
0x6: {  	s18 =	simm.s32 $0x1;
	s19 =	simm.s32 $0x480;
	s6 =	smul.u32 $0xA000, s3  }
0x7: {  	s8 =	sand.u32 $0x1, s1;
	s1 =	rddreg [dreg:$0x3];
	s10 =	smul.u32 $0x28000, s3  }
0x8: {  	[smem:$0x7FF] =	sst s4;
	p0 =	sne.s32 s3, $0x0;
	s5 =	smul.u32 $0x140000, s8  }
0x9: {  	_ =	strace $0x80000056;
	s31 =	ssub.s32 $0x2, s8;
	s17 =	smul.u32 $0x2800, s8  }
0xa: {  	s12 =	sshrl.u32 s31, $0x1;
	s10 =	sshrl.u32 s10, $0x2;
	s6 =	sadd.s32 s6, s5  }
0xb: {  	s5 =	sadd.s32 $0xA200, s7;
	s12 =	ssub.s32 s31, s12;
	s8 =	sadd.s32 s10, s2  }
0xc: {  	v0 =	vmov s17;
	s17 =	simm.s32 $0x300;
	s9 =	sshrl.u32 s6, $0x3;
	s6 =	sadd.s32 $0x110800, s7  }
0xd: {  	s12 =	smax.u32 s12, $0x1;
	s11 =	sadd.s32 s9, s7;
	s7 =	smul.u32 $0x2C00, s3  }
0xe: {  	v1 =	vimm.s32 $0x0;
	v2 =	vimm.f32 $0.0e+00;
	s9 =	sadd.s32 $0xA0000, s2;
	s10 =	sadd.s32 $0xFA00, s11;
	s11 =	sadd.s32 $0x23A00, s11  }
.LBB2_1:
0xf: {  	[tilespmem:$0x300] =	vst v1  }
0x10: {  	[tilespmem:$0x310] =	vst v1  }
0x11: {  	[tilespmem:$0x320] =	vst v1  }
0x12: {  	[tilespmem:$0x330] =	vst v1  }
0x13: {  	[tilespmem:$0x340] =	vst v1  }
0x14: {  	[tilespmem:$0x350] =	vst v1  }
0x15: {  	[tilespmem:$0x360] =	vst v1  }
0x16: {  	[tilespmem:$0x370] =	vst v1  }
0x17: {  	[tilespmem:$0x380] =	vst v1  }
0x18: {  	[tilespmem:$0x390] =	vst v1  }
0x19: {  	[tilespmem:$0x3A0] =	vst v1  }
0x1a: {  	[tilespmem:$0x3B0] =	vst v1  }
0x1b: {  	[tilespmem:$0x3C0] =	vst v1  }
0x1c: {  	[tilespmem:$0x3D0] =	vst v1  }
0x1d: {  	[tilespmem:$0x3E0] =	vst v1  }
0x1e: {  	[tilespmem:$0x3F0] =	vst v1  }
0x1f: {  	[tilespmem:$0x400] =	vst v1  }
0x20: {  	[tilespmem:$0x410] =	vst v1  }
0x21: {  	[tilespmem:$0x420] =	vst v1  }
0x22: {  	[tilespmem:$0x430] =	vst v1  }
0x23: {  	[tilespmem:$0x440] =	vst v1  }
0x24: {  	[tilespmem:$0x450] =	vst v1;
	s20 =	simm.s32 $0x0;
	s21 =	simm.s32 $0x200  }
.LBB2_2:
0x25: {  	p1 =	sne.s32 s21, $0x2BE00;
	[tilespmem:s20+$0x670] =	vst v2  }
0x26: {  	[tilespmem:s20+$0x600] =	vst v2  }
0x27: {  	[tilespmem:s20+$0x610] =	vst v2  }
.Ltmp0:
0x28: {  	[tilespmem:s20+$0x620] =	vst v2;
	(pc) =	sbr.rel @p1 .LBB2_2-.Ltmp0, $4  }
0x29: {  	[tilespmem:s20+$0x630] =	vst v2  }
0x2a: {  	[tilespmem:s20+$0x640] =	vst v2  }
0x2b: {  	[tilespmem:s20+$0x650] =	vst v2  }
0x2c: {  	[tilespmem:s20+$0x660] =	vst v2;
	s20 =	sshra.s32 s21, $0x2;
	s21 =	sadd.s32 $0x200, s21  }
0x2d: {  	[tilespmem:s20+$0x670] =	vst v2  }
0x2e: {  	[tilespmem:s20+$0x600] =	vst v2  }
0x2f: {  	[tilespmem:s20+$0x610] =	vst v2  }
0x30: {  	[tilespmem:s20+$0x620] =	vst v2  }
0x31: {  	[tilespmem:s20+$0x630] =	vst v2  }
0x32: {  	[tilespmem:s20+$0x640] =	vst v2  }
0x33: {  	[tilespmem:s20+$0x650] =	vst v2  }
0x34: {  	[tilespmem:s20+$0x660] =	vst v2  }
0x35: {  	[spmem:s8] =	stream.linear.scatter [tilespmem:s13], [sflag:$0x2], $0xA000, $0x38;
	[tilespmem:$0x15680] =	vst v63  }
0x36: {  	_ =	swait.ge [sflag:s14], $0xA000  }
0x37: {  	[sflag:s14] =	ssyncset.done $0x0  }
0x38: {  	s20 =	simm.s32 @!p0 $0x600;
	[sflag:s14] =	ssyncadd.s32 $0xFFFF6000  }
0x39: {  	[spmem:s9] =	stream.linear.scatter @!p0 [tilespmem:s20], [sflag:$0x2], $0x800, $0x38;
	[tilespmem:$0x15680] =	vst v63  }
0x3a: {  	s20 =	simm.s32 @!p0 $0x2  }
0x3b: {  	_ =	swait.ge @!p0 [sflag:s20], $0x800  }
0x3c: {  	[sflag:s20] =	ssyncset.done @!p0 $0x0  }
0x3d: {  	[sflag:s20] =	ssyncadd.s32 @!p0 $0xFFFFF800  }
0x3e: {  	s21 =	simm.s32 $0x0;
	s20 =	simm.s32 $0x0;
	[bflag:$0x0] =	sbarrier.arrive $0xFFFF  }
.LBB2_4:
0x3f: {  	s22 =	smul.u32 $0x160, s21;
	_ =	sdelay $0x1  }
0x40: {  	s22 =	sadd.s32 s7, s22  }
0x41: {  	s22 =	sshrl.u32 s22, $0x3  }
0x42: {  	s23 =	sadd.s32 s0, s22  }
0x43: {  	[tilespmem:s20], [sflag:$0x2] =	stream.linear.gather [hbm4b:s23+s20], $0x160, $0x38;
	[tilespmem:$0x15680] =	vst v63  }
0x44: {  	_ =	swait.ge [sflag:s14], $0x160  }
0x45: {  	[sflag:s14] =	ssyncset.done $0x0  }
0x46: {  	s22 =	sadd.s32 s5, s22;
	[sflag:s14] =	ssyncadd.s32 $0xFFFFFEA0  }
0x47: {  	[tilespmem:s15], [sflag:$0x2] =	stream.linear.gather [hbm4b:s22+s20], $0x160, $0x38;
	[tilespmem:$0x15680] =	vst v63  }
0x48: {  	_ =	swait.ge [sflag:s14], $0x160  }
0x49: {  	[sflag:s14] =	ssyncset.done $0x0  }
0x4a: {  	s22 =	simm.s32 $0x0;
	[sflag:s14] =	ssyncadd.s32 $0xFFFFFEA0  }
0x4b: {  	v3 =	vld [tilespmem:s22+$0x0]  }
0x4c: {  	s23 =	simm.s32 $0x40;
	v4 =	vld [tilespmem:s22+$0x180]  }
.LBB2_5:
0x4d: {  	p1 =	sne.s32 s23, $0x540  }
.Ltmp1:
0x4e: {  	_ = 	snop;
	(pc) =	sbr.rel @p1 .LBB2_5-.Ltmp1, $4  }
0x4f: {  	_ = 	snop  }
0x50: {  	s24 =	sshra.s32 s23, $0x2;
	s23 =	sadd.s32 $0x40, s23;
	v5 =	vadd.s32 v0, v3  }
0x51: {  	v3 =	vld [tilespmem:s24+$0x0];
	v6 =	vmin.u32 v4, $0x1400;
	[tilespmem:s22+$0x300] =	vst v5  }
0x52: {  	v4 =	vld [tilespmem:s24+$0x180];
	[tilespmem:s22+$0x480] =	vst v6;
	s22 =	smov.u32 s24  }
0x53: {  	_ =	sdelay $0x2  }
0x54: {  	v3 =	vadd.s32 v0, v3  }
0x55: {  	v4 =	vmin.u32 v4, $0x1400;
	[tilespmem:s22+$0x300] =	vst v3  }
0x56: {  	[tilespmem:s22+$0x480] =	vst v4  }
0x57: {  	[tilespmem:s13], [sflag:$0x1] =	stream.indirect.gather [hbm4b:s6+s16], $0x80, s17, s16, $0xb8;
	[tilespmem:$0x15680] =	vst v63  }
0x58: {  	s21 =	sadd.s32 $0x1, s21;
	_ =	swait.ge [sflag:s18], $0xB000  }
0x59: {  	p1 =	sne.s32 s21, $0x20;
	[sflag:s18] =	ssyncset.done $0x0  }
.Ltmp2:
0x5a: {  	[sflag:s18] =	ssyncadd.s32 $0xFFFF5000;
	(pc) =	sbr.rel @p1 .LBB2_4-.Ltmp2, $4  }
0x5b: {  	[spmem:s2] =	stream.indirect.scatter.add.f32 [tilespmem:s13], [sflag:$0x2], $0x80, s19, s16, $0xb8;
	[tilespmem:$0x15680] =	vst v63  }
0x5c: {  	_ =	swait.ge [sflag:s14], $0xB000  }
0x5d: {  	[sflag:s14] =	ssyncset.done $0x0  }
0x5e: {  	[sflag:s14] =	ssyncadd.s32 $0xFFFF5000  }
0x5f: {  	s20 =	sshll.u32 s3, $0x6  }
0x60: {  	[bflag:$0x0] =	sbarrier.arrive $0xFFFF;
	s21 =	sshrl.u32 s8, $0x3;
	s20 =	sor.u32 $0x1C02, s20  }
0x61: {  	[hbm:s10], [sflag:s20] =	dma.local [spmem:s21], $0x1400  }
0x62: {  	_ =	swait.ge [sflag:s14], $0x1400  }
0x63: {  	[sflag:s14] =	ssyncset.done $0x0  }
0x64: {  	[sflag:s14] =	ssyncadd.s32 $0xFFFFEC00  }
0x65: {  	s22 =	simm.s32 $0x0;
	s23 =	simm.s32 $0x200;
	[bflag:$0x0] =	sbarrier.arrive $0xFFFF  }
.LBB2_8:
0x66: {  	p1 =	sne.s32 s23, $0x2BE00;
	[tilespmem:s22+$0x670] =	vst v2  }
0x67: {  	[tilespmem:s22+$0x600] =	vst v2  }
0x68: {  	[tilespmem:s22+$0x610] =	vst v2  }
.Ltmp3:
0x69: {  	[tilespmem:s22+$0x620] =	vst v2;
	(pc) =	sbr.rel @p1 .LBB2_8-.Ltmp3, $4  }
0x6a: {  	[tilespmem:s22+$0x630] =	vst v2  }
0x6b: {  	[tilespmem:s22+$0x640] =	vst v2  }
0x6c: {  	[tilespmem:s22+$0x650] =	vst v2  }
0x6d: {  	[tilespmem:s22+$0x660] =	vst v2;
	s22 =	sshra.s32 s23, $0x2;
	s23 =	sadd.s32 $0x200, s23  }
0x6e: {  	[tilespmem:s22+$0x670] =	vst v2  }
0x6f: {  	[tilespmem:s22+$0x600] =	vst v2  }
0x70: {  	[tilespmem:s22+$0x610] =	vst v2  }
0x71: {  	[tilespmem:s22+$0x620] =	vst v2  }
0x72: {  	[tilespmem:s22+$0x630] =	vst v2  }
0x73: {  	[tilespmem:s22+$0x640] =	vst v2  }
0x74: {  	[tilespmem:s22+$0x650] =	vst v2  }
0x75: {  	[tilespmem:s22+$0x660] =	vst v2  }
0x76: {  	[spmem:s8] =	stream.linear.scatter [tilespmem:s13], [sflag:$0x2], $0xA000, $0x38;
	[tilespmem:$0x15680] =	vst v63  }
0x77: {  	_ =	swait.ge [sflag:s14], $0xA000  }
0x78: {  	[sflag:s14] =	ssyncset.done $0x0  }
0x79: {  	s22 =	simm.s32 @!p0 $0x600;
	[sflag:s14] =	ssyncadd.s32 $0xFFFF6000  }
0x7a: {  	[spmem:s9] =	stream.linear.scatter @!p0 [tilespmem:s22], [sflag:$0x2], $0x800, $0x38;
	[tilespmem:$0x15680] =	vst v63  }
0x7b: {  	s22 =	simm.s32 @!p0 $0x2  }
0x7c: {  	_ =	swait.ge @!p0 [sflag:s22], $0x800  }
0x7d: {  	[sflag:s22] =	ssyncset.done @!p0 $0x0  }
0x7e: {  	[sflag:s22] =	ssyncadd.s32 @!p0 $0xFFFFF800  }
0x7f: {  	s23 =	simm.s32 $0x0;
	s22 =	simm.s32 $0x0;
	[bflag:$0x0] =	sbarrier.arrive $0xFFFF  }
.LBB2_10:
0x80: {  	s24 =	smul.u32 $0x160, s23;
	_ =	sdelay $0x1  }
0x81: {  	s24 =	sadd.s32 s7, s24  }
0x82: {  	s24 =	sshrl.u32 s24, $0x3  }
0x83: {  	s25 =	sadd.s32 s0, s24  }
0x84: {  	[tilespmem:s22], [sflag:$0x2] =	stream.linear.gather [hbm4b:s25+s22], $0x160, $0x38;
	[tilespmem:$0x15680] =	vst v63  }
0x85: {  	_ =	swait.ge [sflag:s14], $0x160  }
0x86: {  	[sflag:s14] =	ssyncset.done $0x0  }
0x87: {  	s24 =	sadd.s32 s5, s24;
	[sflag:s14] =	ssyncadd.s32 $0xFFFFFEA0  }
0x88: {  	[tilespmem:s15], [sflag:$0x2] =	stream.linear.gather [hbm4b:s24+s22], $0x160, $0x38;
	[tilespmem:$0x15680] =	vst v63  }
0x89: {  	_ =	swait.ge [sflag:s14], $0x160  }
0x8a: {  	[sflag:s14] =	ssyncset.done $0x0  }
0x8b: {  	s24 =	simm.s32 $0x0;
	[sflag:s14] =	ssyncadd.s32 $0xFFFFFEA0  }
0x8c: {  	v3 =	vld [tilespmem:s24+$0x180]  }
0x8d: {  	v4 =	vld [tilespmem:s24+$0x0]  }
0x8e: {  	s25 =	simm.s32 $0x40  }
.LBB2_11:
0x8f: {  	p1 =	sne.s32 s25, $0x540  }
.Ltmp4:
0x90: {  	_ = 	snop;
	(pc) =	sbr.rel @p1 .LBB2_11-.Ltmp4, $4  }
0x91: {  	s26 =	sshra.s32 s25, $0x2  }
0x92: {  	v5 =	vadd.s32 $0xFFFFEC00, v3;
	v3 =	vld [tilespmem:s26+$0x180];
	v6 =	vadd.s32 v0, v4  }
0x93: {  	v4 =	vld [tilespmem:s26+$0x0];
	v5 =	vmin.u32 v5, $0x1400;
	[tilespmem:s24+$0x300] =	vst v6  }
0x94: {  	s25 =	sadd.s32 $0x40, s25;
	[tilespmem:s24+$0x480] =	vst v5;
	s24 =	smov.u32 s26  }
0x95: {  	_ =	sdelay $0x1  }
0x96: {  	v3 =	vadd.s32 $0xFFFFEC00, v3  }
0x97: {  	v3 =	vmin.u32 v3, $0x1400  }
0x98: {  	v4 =	vadd.s32 v0, v4;
	[tilespmem:s24+$0x480] =	vst v3  }
0x99: {  	[tilespmem:s24+$0x300] =	vst v4  }
0x9a: {  	[tilespmem:s13], [sflag:$0x1] =	stream.indirect.gather [hbm4b:s6+s16], $0x80, s17, s16, $0xb8;
	[tilespmem:$0x15680] =	vst v63  }
0x9b: {  	s23 =	sadd.s32 $0x1, s23;
	_ =	swait.ge [sflag:s18], $0xB000  }
0x9c: {  	p1 =	sne.s32 s23, $0x20;
	[sflag:s18] =	ssyncset.done $0x0  }
.Ltmp5:
0x9d: {  	[sflag:s18] =	ssyncadd.s32 $0xFFFF5000;
	(pc) =	sbr.rel @p1 .LBB2_10-.Ltmp5, $4  }
0x9e: {  	[spmem:s2] =	stream.indirect.scatter.add.f32 [tilespmem:s13], [sflag:$0x2], $0x80, s19, s16, $0xb8;
	[tilespmem:$0x15680] =	vst v63  }
0x9f: {  	_ =	swait.ge [sflag:s14], $0xB000  }
0xa0: {  	[sflag:s14] =	ssyncset.done $0x0  }
0xa1: {  	[sflag:s14] =	ssyncadd.s32 $0xFFFF5000  }
0xa2: {  	[bflag:$0x0] =	sbarrier.arrive $0xFFFF;
	s4 =	sadd.s32 $0x1, s4  }
0xa3: {  	[hbm:s11], [sflag:s20] =	dma.local [spmem:s21], $0x1400  }
0xa4: {  	p1 =	sne.s32 s4, s12  }
.Ltmp6:
0xa5: {  	_ =	swait.ge [sflag:s14], $0x1400;
	(pc) =	sbr.rel @p1 .LBB2_1-.Ltmp6, $3  }
0xa6: {  	[sflag:s14] =	ssyncset.done $0x0  }
0xa7: {  	[sflag:s14] =	ssyncadd.s32 $0xFFFFEC00  }
0xa8: {  	[bflag:$0x0] =	sbarrier.arrive $0xFFFF;
	_ =	sdelay $0x1  }
0xa9: {  	_ =	sfence.sel $0x180000  }
0xaa: {  	[bflag:$0x0] =	sbarrier.arrive $0xFFFF  }
0xab: {  	_ =	strace $0x90000056  }
0xac: {  	s0 =	sadd.s32 @!p0 $0x100000, s1;
	[bflag:$0x2] =	sbarrier.arrive $0xFFFF  }
0xad: {  	[sflag:s0] =	ssyncadd.tile.s32 @!p0 $0x1;
	_ =	shalt  }
.Lfunc_end2:
_tile_overlayer_lowered:
.L_overlay_start_2:
0xae: {  	(tag) =	ssettag $0x2  }
0xaf: {  	s0 =	rddreg [dreg:$0x0];
	s2 =	stileid.u32  }
0xb0: {  	s1 =	rddreg [dreg:$0x1];
	p0 =	sne.s32 s2, $0x0  }
0xb1: {  	s3 =	rddreg [dreg:$0x2];
	[bflag:$0x3] =	sbarrier.arrive $0xFFFF;
	s2 =	simm.s32 @!p0 $0x1C02  }
0xb2: {  	[timem:s3], [sflag:s2] =	dma.local @!p0 [hbm:s0], s1  }
0xb3: {  	s0 =	simm.s32 @!p0 $0x2  }
0xb4: {  	_ =	swait.ge @!p0 [sflag:s0], s1  }
0xb5: {  	s1 =	ssub.s32 @!p0 $0x0, s1;
	[sflag:s0] =	ssyncset.done @!p0 $0x0  }
0xb6: {  	[sflag:s0] =	ssyncadd.s32 @!p0 s1  }
0xb7: {  	[bflag:$0x3] =	sbarrier.arrive $0xFFFF  }
0xb8: {  	_ =	shalt  }

// kernel: scatter_offload_async_start.1
scs
__scs_entry_jumppad:
0x0: {  	(pc) =	sbr.rel $0x88, $3  }
0x1: {  	(tag) =	ssettag $0x0;
	lr =	simm.s32 $0x1  }
0x2: {  	[smem:$0x3F8D] =	sst lr;
	_ =	strace $0xD0000000  }
0x3: {  	_ = 	snop  }
0x4: {  	_ = 	snop  }
0x5: {  	_ = 	snop  }
0x6: {  	_ = 	snop  }
0x7: {  	_ = 	snop  }
__scs_overlays_trampoline_lowered:
0x8: {  	[smem:$0x3F9C] =	sst s0  }
0x9: {  	[smem:$0x3F9D] =	sst s1  }
0xa: {  	[smem:$0x3F9E] =	sst s2  }
0xb: {  	[smem:$0x3F9F] =	sst s3  }
0xc: {  	[smem:$0x3FA0] =	sst s4  }
0xd: {  	[smem:$0x3FA1] =	sst s5  }
0xe: {  	[smem:$0x3FA2] =	sst s6  }
0xf: {  	[smem:$0x3FA3] =	sst s7  }
0x10: {  	[smem:$0x3FA4] =	sst s8  }
0x11: {  	[smem:$0x3FA5] =	sst s9;
	s0 =	simm.s32 @!p0 $0x0  }
0x12: {  	s1 =	sld [smem:$0x3F8B];
	s0 =	simm.s32 @p0 $0x1  }
0x13: {  	[smem:$0x3FA6] =	sst s0;
	s0 =	simm.s32 @!p1 $0x0  }
0x14: {  	s2 =	sld [smem:$0x3F8A];
	s0 =	simm.s32 @p1 $0x1  }
0x15: {  	[smem:$0x3FA7] =	sst s0;
	s0 =	simm.s32 @!p2 $0x0  }
0x16: {  	s3 =	sld [smem:$0x3FDB];
	s0 =	simm.s32 @p2 $0x1  }
0x17: {  	s4 =	simm.s32 $0x1BF5;
	[smem:$0x3FA9] =	sst s0  }
0x18: {  	s0 =	sld [smem:$0x3F8C];
	_ =	swait.ge [sflag:s4], $0x0  }
0x19: {  	s7 =	sld [smem:$0x3F8D]  }
0x1a: {  	s8 =	sadd.s32 $0xFFFFE003, lr  }
0x1b: {  	s9 =	sadd.s32 $0xFFFFFEF7, lr;
	s5 =	simm.s32 $0xFFFFFFFF;
	p2 =	slt.u32 s8, $0xFFFFF086  }
0x1c: {  	p1 =	slt.u32 s9, $0xF7A;
	s5 =	simm.s32 @!p2 $0x0  }
0x1d: {  	s5 =	simm.s32 @p1 $0x1;
	p0 =	seq.s32 s7, s2  }
0x1e: {  	s7 =	smul.u32 @!p0 $0xF7A, s2;
	p2 =	seq.s32 @!p0 s5, $0x0  }
0x1f: {  	s9 =	smul.u32 $0xF7A, s1;
	s8 =	simm.s32 @!p0 $0x1BF5;
	p2 =	por !p2, p0  }
0x20: {  	[sflag:s8] =	ssyncset.s32 @!p0 $0xFFFFF086;
	s6 =	sadd.s32 @!p0 s3, s7;
	s7 =	simm.s32 @!p0 $0x108  }
0x21: {  	s3 =	sadd.s32 s3, s9;
	s6 =	sadd.s32 @!p0 $0x88, s6;
	s7 =	simm.s32 @p2 $0x1082  }
0x22: {  	[simem:s7], [sflag:s8] =	dma.local @!p0 [hbm:s6], $0xF7A  }
0x23: {  	s9 =	sor.u32 $0xD0000000, s2;
	s6 =	simm.s32 $0x108;
	_ =	swait.ge @!p0 [sflag:s8], $0x0  }
0x24: {  	s3 =	sadd.s32 $0x88, s3;
	s6 =	simm.s32 @!p1 $0x1082;
	[sflag:s4] =	ssyncset.s32 $0xFFFFF086  }
0x25: {  	[simem:s6], [sflag:s4] =	dma.local [hbm:s3], $0xF7A  }
0x26: {  	[smem:$0x3F8D] =	sst s1;
	(tag) =	ssettag s2;
	_ =	strace s9  }
0x27: {  	s1 =	sld [smem:$0x3F9D]  }
0x28: {  	s2 =	sld [smem:$0x3F9E]  }
0x29: {  	s4 =	sld [smem:$0x3FA0]  }
0x2a: {  	p0 =	seq.s32 s5, $0x0;
	s5 =	sld [smem:$0x3FA1]  }
0x2b: {  	s6 =	sld [smem:$0x3FA2]  }
0x2c: {  	s7 =	sld [smem:$0x3FA3]  }
0x2d: {  	s3 =	simm.s32 $0x108;
	s8 =	sld [smem:$0x3FA4]  }
0x2e: {  	s3 =	simm.s32 @!p0 $0x1082;
	s9 =	sld [smem:$0x3FA5]  }
0x2f: {  	lr =	sadd.s32 s0, s3;
	s0 =	sld [smem:$0x3F9C]  }
0x30: {  	s3 =	sld [smem:$0x3F9F]  }
0x31: {  	[smem:$0x3FA8] =	sst s10  }
0x32: {  	s10 =	sld [smem:$0x3FA6];
	_ =	sdelay $0x3  }
0x33: {  	p0 =	seq.s32 s10, $0x1;
	s10 =	sld [smem:$0x3FA8];
	_ =	sdelay $0x3  }
0x34: {  	[smem:$0x3FA8] =	sst s10  }
0x35: {  	s10 =	sld [smem:$0x3FA7];
	_ =	sdelay $0x3  }
0x36: {  	p1 =	seq.s32 s10, $0x1;
	s10 =	sld [smem:$0x3FA8];
	_ =	sdelay $0x3  }
0x37: {  	[smem:$0x3FA8] =	sst s10  }
0x38: {  	s10 =	sld [smem:$0x3FA9]  }
0x39: {  	_ = 	snop;
	(pc) =	sbr.ind lr, $3  }
0x3a: {  	_ = 	snop  }
0x3b: {  	_ = 	snop  }
0x3c: {  	p2 =	seq.s32 s10, $0x1;
	s10 =	sld [smem:$0x3FA8]  }
0x3d: {  	_ =	shalt  }
0x3e: {  	_ =	shalt  }
0x3f: {  	_ =	shalt  }
0x40: {  	_ =	shalt  }
0x41: {  	_ =	shalt  }
0x42: {  	_ =	shalt  }
0x43: {  	_ =	shalt  }
0x44: {  	_ =	shalt  }
0x45: {  	_ =	shalt  }
0x46: {  	_ =	shalt  }
0x47: {  	_ =	shalt  }
0x48: {  	_ =	shalt  }
0x49: {  	_ =	shalt  }
0x4a: {  	_ =	shalt  }
0x4b: {  	_ =	shalt  }
0x4c: {  	_ =	shalt  }
0x4d: {  	_ =	shalt  }
0x4e: {  	_ =	shalt  }
0x4f: {  	_ =	shalt  }
0x50: {  	_ =	shalt  }
0x51: {  	_ =	shalt  }
0x52: {  	_ =	shalt  }
0x53: {  	_ =	shalt  }
0x54: {  	_ =	shalt  }
0x55: {  	_ =	shalt  }
0x56: {  	_ =	shalt  }
0x57: {  	_ =	shalt  }
0x58: {  	_ =	shalt  }
0x59: {  	_ =	shalt  }
0x5a: {  	_ =	shalt  }
0x5b: {  	_ =	shalt  }
0x5c: {  	_ =	shalt  }
0x5d: {  	_ =	shalt  }
0x5e: {  	_ =	shalt  }
0x5f: {  	_ =	shalt  }
0x60: {  	_ =	shalt  }
0x61: {  	_ =	shalt  }
0x62: {  	_ =	shalt  }
0x63: {  	_ =	shalt  }
0x64: {  	_ =	shalt  }
0x65: {  	_ =	shalt  }
0x66: {  	_ =	shalt  }
0x67: {  	_ =	shalt  }
0x68: {  	_ =	shalt  }
0x69: {  	_ =	shalt  }
0x6a: {  	_ =	shalt  }
0x6b: {  	_ =	shalt  }
0x6c: {  	_ =	shalt  }
0x6d: {  	_ =	shalt  }
0x6e: {  	_ =	shalt  }
0x6f: {  	_ =	shalt  }
0x70: {  	_ =	shalt  }
0x71: {  	_ =	shalt  }
0x72: {  	_ =	shalt  }
0x73: {  	_ =	shalt  }
0x74: {  	_ =	shalt  }
0x75: {  	_ =	shalt  }
0x76: {  	_ =	shalt  }
0x77: {  	_ =	shalt  }
0x78: {  	_ =	shalt  }
0x79: {  	_ =	shalt  }
0x7a: {  	_ =	shalt  }
0x7b: {  	_ =	shalt  }
0x7c: {  	_ =	shalt  }
0x7d: {  	_ =	shalt  }
0x7e: {  	_ =	shalt  }
0x7f: {  	_ =	shalt  }
0x80: {  	_ =	shalt  }
0x81: {  	_ =	shalt  }
0x82: {  	_ =	shalt  }
0x83: {  	_ =	shalt  }
0x84: {  	_ =	shalt  }
0x85: {  	_ =	shalt  }
0x86: {  	_ =	shalt  }
0x87: {  	_ =	shalt  }
.Lfunc_end0:
.L_simem_size_0:
called_computation.1_lowered:
.L_overlay_start_0:
0x88: {  	s2 =	sld [smem:$0x3FD9]  }
0x89: {  	s3 =	sld [smem:$0x3FFE];
	_ =	sdelay $0x1  }
0x8a: {  	s1 =	srdreg.scid  }
0x8b: {  	s0 =	sand.u32 $0x1, s1  }
0x8c: {  	s15 =	sshll.u32 s0, $0xA;
	s2 =	sadd.s32 s3, s2  }
0x8d: {  	s2 =	sadd.s32 s2, s15  }
0x8e: {  	[smem:$0x3FB4] =	sst s2  }
0x8f: {  	_ = 	snop  }
0x90: {  	(tm) =	ssettm $0x1  }
0x91: {  	s16 =	sld [smem:$0x3FFB];
	_ =	sdelay $0x3  }
0x92: {  	_ =	strace s16  }
0x93: {  	s2 =	sld [smem:$0x3FFC];
	_ =	sdelay $0x3  }
0x94: {  	_ =	strace s2  }
0x95: {  	s2 =	sld [smem:$0x3FFD];
	_ =	sdelay $0x3  }
0x96: {  	_ =	strace s2  }
0x97: {  	_ =	strace $0x8FFFFFFF  }
0x98: {  	s17 =	sld [smem:$0x3FDB];
	_ =	sdelay $0x1  }
0x99: {  	s18 =	simm.s32 $_scs_section_size  }
0x9a: {  	s4 =	simm.s32 $_size__tile_overlayer_lowered;
	s5 =	simm.s32 $_tile_overlayer_lowered  }
0x9b: {  	s21 =	simm.s32 $0x1BFF;
	s20 =	sshll.u32 s5, $0x1;
	s2 =	sadd.s32 s18, s17  }
0x9c: {  	s6 =	simm.s32 $0x0;
	s19 =	sshll.u32 s4, $0x1;
	s4 =	sadd.s32 s20, s2  }
0x9d: {  	[timem:s6], [sflag:s21] =	dma.local [hbm:s4], s19  }
0x9e: {  	_ =	swait.ge [sflag:s21], s19  }
0x9f: {  	s3 =	ssub.s32 $0x0, s19;
	[sflag:s21] =	ssyncset.done $0x0  }
0xa0: {  	[sflag:s21] =	ssyncadd.s32 s3;
	_ =	sdelay $0x1  }
0xa1: {  	s22 =	simm.s32 $0x1B8B  }
0xa2: {  	_ =	swait.ge [sflag:s22], $0x1  }
0xa3: {  	[sflag:s22] =	ssyncset.done $0x0  }
0xa4: {  	s23 =	sld [smem:$0x3FFE];
	[sflag:s22] =	ssyncadd.s32 $0xFFFFFFFF  }
0xa5: {  	s25 =	simm.s32 $0x1B8E;
	s24 =	sld [smem:$0x0]  }
0xa6: {  	s26 =	simm.s32 $execute0_lowered;
	[smem:$0x3FD2] =	sst s25  }
0xa7: {  	s5 =	sshll.u32 s26, $0x1;
	_ =	strace $0x80000052;
	[dreg:$0x1] =	wrdreg $0xFFFFFFFF  }
0xa8: {  	s28 =	simm.s32 $_size_execute0_lowered;
	s2 =	sadd.s32 s2, s5;
	[dreg:$0x0] =	wrdreg $0x0  }
0xa9: {  	s5 =	sshll.u32 s28, $0x1;
	[dreg:$0x2] =	wrdreg s2  }
0xaa: {  	[dreg:$0x3] =	wrdreg s5  }
0xab: {  	[dreg:$0x4] =	wrdreg $0xC0  }
0xac: {  	_ =	task [dreg:s6], $0x5FFFF  }
0xad: {  	[dreg:$0x1] =	wrdreg $0xFFFFFFFF  }
0xae: {  	[dreg:$0x0] =	wrdreg $0x60  }
0xaf: {  	[dreg:$0x2] =	wrdreg s23  }
0xb0: {  	[dreg:$0x3] =	wrdreg s1  }
0xb1: {  	[dreg:$0x4] =	wrdreg s24  }
0xb2: {  	[dreg:$0x5] =	wrdreg $0x9  }
0xb3: {  	_ =	task.clear_ibuf [dreg:s6], $0x6FFFF;
	_ =	strace $0x90000052  }
0xb4: {  	s29 =	simm.s32 $0x9;
	_ =	strace $0x80000054  }
0xb5: {  	_ =	swait.ge [sflag:s29], $0x1  }
0xb6: {  	[sflag:s29] =	ssyncadd.s32 $0xFFFFFFFF  }
0xb7: {  	_ =	strace $0x90000054  }
0xb8: {  	_ =	sfence  }
0xb9: {  	s30 =	sld [smem:$0x0];
	_ =	sdelay $0x2  }
0xba: {  	s31 =	sshll.u32 s1, $0xD;
	s1 =	sshrl.u32 s1, $0x2  }
0xbb: {  	s3 =	sand.u32 $0x4000, s31;
	s1 =	sadd.s32 s1, s30  }
0xbc: {  	s0 =	sor.u32 s3, s0;
	s1 =	sshll.u32 s1, $0x11  }
0xbd: {  	s0 =	sor.u32 s1, s0  }
0xbe: {  	s0 =	sadd.s32 $0x8F2B, s0  }
0xbf: {  	[sflag:s0] =	ssyncadd.remote.s32 $0x1  }
0xc0: {  	_ =	sfence.sel $0xFFFF  }
0xc1: {  	[dreg:$0x0] =	wrdreg $0xFFFFFFFF;
	(pc) =	sbr.abs _section_cstart, $3  }
0xc2: {  	[dreg:$0x1] =	wrdreg $0xFFFFFFFF  }
0xc3: {  	_ =	task.clear_ibuf [dreg:s6], $0x2FFFF;
	_ =	strace $0x9FFFFFFF  }
0xc4: {  	(tm) =	ssettm $0x7FFFFFFF  }
0xc5: {  	_ =	shalt  }
tec
execute0_lowered:
.L_overlay_start_1:
0x0: {  	(tag) =	ssettag $0x1  }
0x1: {  	s2 =	rddreg [dreg:$0x0]  }
0x2: {  	s3 =	rddreg [dreg:$0x1];
	_ =	strace $0x80000053;
	s0 =	simm.s32 $0x1  }
0x3: {  	s4 =	simm.s32 $0x88;
	v0 =	vimm.s32 $0x0;
	[sflag:s0] =	ssyncpa.u1 $0x0  }
0x4: {  	[tilespmem:s4+$0x30] =	vst v0  }
0x5: {  	s1 =	sadd.s32 $0x98800, s2;
	s0 =	sadd.s32 $0x5FA00, s2;
	s6 =	sadd.s32 $0x160800, s2;
	[tilespmem:s4+$0x20] =	vst v0  }
0x6: {  	s14 =	sadd.s32 $0x65200, s2;
	s9 =	sand.u32 $0x1, s3;
	s2 =	simm.s32 $0x40;
	[tilespmem:s4+$0x10] =	vst v0  }
.LBB2_1:
0x7: {  	s2 =	sadd.s32 $0x40, s2  }
0x8: {  	[tilespmem:s4+$0x0] =	vst v0;
	s4 =	sadd.s32 $0x40, s4;
	p0 =	slt.u32 s2, $0x5040  }
.Ltmp0:
0x9: {  	(pc) =	sbr.rel @p0 .LBB2_1-.Ltmp0, $4  }
0xa: {  	_ = 	snop  }
0xb: {  	[tilespmem:s4+$0x30] =	vst v0  }
0xc: {  	[tilespmem:s4+$0x20] =	vst v0  }
0xd: {  	[tilespmem:s4+$0x10] =	vst v0  }
0xe: {  	s10 =	stileid.u32  }
0xf: {  	s2 =	smul.u32 $0x11, s10  }
0x10: {  	s3 =	smin.u32 s10, $0xA  }
0x11: {  	s2 =	sadd.s32 s3, s2  }
0x12: {  	p0 =	slt.u32 s10, $0xA;
	s7 =	smul.u32 $0x140, s2;
	s2 =	simm.s32 $0x1680  }
0x13: {  	s2 =	simm.s32 @!p0 $0x1540  }
0x14: {  	s2 =	sadd.s32 s2, s7  }
0x15: {  	s8 =	smin.u32 s2, $0x16000  }
0x16: {  	s2 =	ssub.s32 s8, s7  }
0x17: {  	s26 =	simm.s32 $0x2;
	s29 =	simm.s32 $0x9;
	p0 =	sgt.s32 s2, $0x0  }
0x18: {  	s30 =	simm.s32 $0xA;
	s31 =	smul.u32 $0x2C00, s9;
	s2 =	simm.s32 @!p0 $0x0  }
0x19: {  	s11 =	simm.s32 $0xB;
	[dreg:$0x4] =	wrdreg s9;
	s28 =	smulhi.u32 $0x66666667, s2  }
0x1a: {  	s12 =	simm.s32 $0x1;
	s18 =	simm.s32 $0x0;
	p1 =	por $0x0, $0x0  }
0x1b: {  	s19 =	simm.s32 $0xC;
	s23 =	simm.s32 $0x0;
	s3 =	sshrl.u32 s28, $0x7  }
0x1c: {  	s20 =	simm.s32 $0x0;
	s22 =	simm.s32 $0x0;
	s5 =	smul.u32 $0x140, s3  }
.Ltmp1:
0x1d: {  	[tilespmem:s4+$0x0] =	vst v0;
	v0 =	vimm.s32 $0xFFFFFFFF;
	[sflag:s26] =	ssyncpa.u1 $0x0;
	s16 =	sshll.u32 s10, $0x7;
	(pc) =	sbr.rel .LBB2_3-.Ltmp1, $4  }
0x1e: {  	[tilespmem:$0xA108] =	vst v0;
	[sflag:s29] =	ssyncpa.u1 $0x0;
	p0 =	sne.s32 s2, s5;
	s2 =	simm.s32 $0x1  }
0x1f: {  	s14 =	sadd.s32 s31, s14;
	[sflag:s30] =	ssyncpa.u1 $0x0;
	s2 =	simm.s32 @!p0 $0x0  }
0x20: {  	s15 =	sadd.s32 s31, s0;
	[sflag:s11] =	ssyncpa.u1 $0x0;
	s13 =	sadd.s32 s2, s3  }
0x21: {  	v0 =	vlaneseq.u32;
	s21 =	smov.u32 s7;
	p0 =	por $0x1, $0x1;
	s17 =	sadd.s32 $0x1, s13  }
.LBB2_24:
0x22: {  	s0 =	sshrl.u32 s0, $0x2  }
.LBB2_26:
0x23: {  	_ =	swait.ge [sflag:s19], s0  }
0x24: {  	s30 =	ssub.s32 $0x0, s0;
	v1 =	vmov s25;
	vm0 =	veq.s32 v0, $0x0;
	[sflag:s19] =	ssyncset.done $0x0  }
0x25: {  	vm15 =	veq.s32 v0, $0x2;
	v1 =	vsel vm0, s31, v1;
	[sflag:s19] =	ssyncadd.s32 s30  }
0x26: {  	v1 =	vsel vm15, s23, v1;
	[sflag:s19] =	ssyncpa.u1 $0x1  }
0x27: {  	[tilespmem:$0xA108] =	vst v1  }
.LBB2_27:
0x28: {  	s0 =	sadd.s32 $0x140, s21  }
0x29: {  	s2 =	smov.u32 s7;
	p2 =	slt.s32 s0, s8  }
0x2a: {  	s2 =	smov.u32 @p2 s0;
	p2 =	sne.s32 s22, s17  }
.Ltmp2:
0x2b: {  	_ = 	snop;
	(pc) =	sbr.rel @!p2 .LBB2_28-.Ltmp2, $4  }
0x2c: {  	_ = 	snop  }
0x2d: {  	s23 =	smov.u32 s20  }
0x2e: {  	s31 =	sadd.s32 $0x1, s22;
	s20 =	smov.u32 s21;
	p0 =	por !p0, !p0  }
0x2f: {  	p1 =	por !p1, !p1;
	s22 =	smov.u32 s31;
	s21 =	smov.u32 s2  }
.LBB2_3:
0x30: {  	p2 =	sge.u32 s22, s13  }
0x31: {  	s0 =	smulhi.u32 @!p2 $0xAAAAAAAB, s22  }
0x32: {  	s2 =	smov.u32 s21;
	p3 =	sgt.s32 @!p2 s21, $0x15EC0  }
0x33: {  	s3 =	sshra.s32 @!p2 s21, $0x1F;
	p3 =	por !p3, p2;
	s0 =	sshrl.u32 @!p2 s0, $0x1  }
0x34: {  	s3 =	sand.u32 @!p2 s3, s21;
	s2 =	simm.s32 @p3 $0x15EC0;
	s0 =	smul.u32 @!p2 $0x3, s0  }
0x35: {  	s2 =	ssub.s32 @!p2 s2, s3  }
0x36: {  	s2 =	sadd.s32 @!p2 $0xFFFEA140, s2;
	s0 =	ssub.s32 @!p2 s22, s0  }
0x37: {  	s3 =	sshll.u32 @!p2 s2, $0x2;
	p3 =	sgt.s32 @!p2 s2, $0x13F;
	s0 =	smul.u32 @!p2 $0x500, s0  }
0x38: {  	s4 =	sand.u32 @!p2 $0x7, s21;
	s2 =	ssub.s32 @!p2 $0x500, s3;
	p3 =	por !p3, p2  }
0x39: {  	s3 =	sshrl.u32 @!p2 s21, $0x3;
	s2 =	sshrl.u32 @!p2 s2, $0x2;
	s0 =	sshrl.u32 @!p2 s0, $0x2  }
0x3a: {  	s3 =	sadd.s32 @!p2 s3, s14;
	s2 =	simm.s32 @!p3 $0x0;
	s0 =	sadd.s32 @!p2 $0xA948, s0  }
0x3b: {  	[tilespmem:s0], [sflag:$0xA] =	stream.linear.gather @!p2 [hbm4b:s3+s4], s2, $0x38;
	[tilespmem:$0x1EF88] =	vst v63  }
0x3c: {  	s4 =	sadd.s32 $0xFFFFFFFF, s22  }
0x3d: {  	p2 =	sge.u32 s4, s13  }
0x3e: {  	p3 =	sgt.s32 @!p2 s20, $0x15EC0  }
0x3f: {  	s0 =	smov.u32 s20;
	s2 =	sshra.s32 @!p2 s20, $0x1F;
	p3 =	por !p3, p2  }
0x40: {  	s2 =	sand.u32 @!p2 s2, s20;
	s0 =	simm.s32 @p3 $0x15EC0  }
0x41: {  	s0 =	ssub.s32 @!p2 s0, s2  }
0x42: {  	s0 =	sadd.s32 @!p2 $0xFFFEA140, s0  }
0x43: {  	s2 =	sshll.u32 @!p2 s0, $0x2  }
0x44: {  	p3 =	sgt.s32 @!p2 s0, $0x13F;
	s0 =	ssub.s32 @!p2 $0x500, s2  }
0x45: {  	p3 =	por !p3, p2;
	s0 =	sshrl.u32 @!p2 s0, $0x2  }
0x46: {  	s3 =	simm.s32 @!p2 $0xA;
	s2 =	sand.u32 @!p2 $0x1, s4;
	s0 =	simm.s32 @!p3 $0x0  }
0x47: {  	s2 =	smul.u32 @!p2 $0x500, s2;
	_ =	swait.ge @!p2 [sflag:s3], s0  }
0x48: {  	s5 =	ssub.s32 @!p2 $0x0, s0;
	[sflag:s3] =	ssyncset.done @!p2 $0x0  }
0x49: {  	s2 =	sshrl.u32 @!p2 s2, $0x2;
	[sflag:s3] =	ssyncadd.s32 @!p2 s5;
	s3 =	sshrl.u32 @!p2 s20, $0x3  }
0x4a: {  	s2 =	sadd.s32 @!p2 $0xAD08, s2;
	s5 =	sand.u32 @!p2 $0x7, s20;
	s3 =	sadd.s32 @!p2 s3, s15  }
0x4b: {  	[tilespmem:s2], [sflag:$0xB] =	stream.linear.gather @!p2 [hbm4b:s3+s5], s0, $0x38;
	[tilespmem:$0x1EF88] =	vst v63  }
0x4c: {  	s0 =	ssub.s32 @!p2 $0x16000, s20  }
0x4d: {  	p3 =	slt.s32 @!p2 s0, $0x1  }
0x4e: {  	p3 =	por p2, p3  }
.Ltmp3:
0x4f: {  	_ = 	snop;
	(pc) =	sbr.rel @p3 .LBB2_9-.Ltmp3, $1  }
0x50: {  	_ =	sdelay $0x3  }
0x51: {  	s2 =	smulhi.u32 $0xAAAAAAAB, s4;
	_ =	sdelay $0x1  }
0x52: {  	s2 =	sshrl.u32 s2, $0x1  }
0x53: {  	s2 =	smul.u32 $0x3, s2;
	_ =	sdelay $0x1  }
0x54: {  	s2 =	ssub.s32 s4, s2  }
0x55: {  	s3 =	simm.s32 $0x1;
	s2 =	smul.u32 $0x500, s2  }
.Ltmp4:
0x56: {  	s3 =	simm.s32 @!p0 $0x0;
	(pc) =	sbr.rel .LBB2_6-.Ltmp4, $4  }
0x57: {  	s3 =	smul.u32 $0x28000, s3  }
0x58: {  	p3 =	slt.s32 @!p2 s0, $0x140;
	s2 =	sshrl.u32 s2, $0x2  }
0x59: {  	p2 =	por !p3, p2;
	s3 =	sshrl.u32 s3, $0x2;
	s2 =	sadd.s32 $0xA948, s2  }
0x5a: {  	s24 =	simm.s32 $0x0;
	s0 =	simm.s32 @p2 $0x140;
	s4 =	sadd.s32 $0xAF88, s3;
	v1 =	vmov s2  }
.LBB2_5:
0x5b: {  	p2 =	sge.s32 s24, s0  }
.Ltmp5:
0x5c: {  	_ = 	snop;
	(pc) =	sbr.rel @p2 .LBB2_9-.Ltmp5, $2  }
0x5d: {  	_ =	sdelay $0x2  }
0x5e: {  	s4 =	sadd.s32 $0x800, s4  }
.LBB2_6:
0x5f: {  	p2 =	sle.s32 s0, s24  }
.Ltmp6:
0x60: {  	_ = 	snop;
	(pc) =	sbr.rel @p2 .LBB2_5-.Ltmp6, $2  }
0x61: {  	_ =	sdelay $0x2  }
0x62: {  	s5 =	smov.u32 s24;
	s24 =	sadd.s32 $0x10, s24  }
0x63: {  	s2 =	ssub.s32 s0, s5  }
0x64: {  	p2 =	slt.s32 s2, $0x10  }
0x65: {  	s2 =	simm.s32 @!p2 $0x10  }
0x66: {  	v2 =	vmov s2  }
0x67: {  	vm0 =	vgt.s32 v2, v0;
	_ =	sdelay $0x5  }
0x68: {  	v2 =	vld.idx.msk [tilespmem:v1+s5+$0x0 ss:$0x1], vm0;
	_ =	sdelay $0x2  }
0x69: {  	p2 =	slt.s32 s24, s0;
	s2 =	smov.u32 s0  }
0x6a: {  	s3 =	smov.u32 s4;
	s25 =	simm.s32 $0x0;
	s2 =	smov.u32 @p2 s24  }
.LBB2_8:
0x6b: {  	(v2sf) =	vpush v2, s25;
	_ =	sdelay $0xc  }
0x6c: {  	s25 =	sadd.s32 $0x1, s25  }
0x6d: {  	s31 =	sadd.s32 s25, s5  }
0x6e: {  	p2 =	slt.s32 s31, s2;
	s9 =	spop (v2sf)  }
.Ltmp7:
0x6f: {  	s9 =	sshll.u32 s9, $0x4;
	(pc) =	sbr.rel @p2 .LBB2_8-.Ltmp7, $4  }
0x70: {  	s9 =	sand.u32 $0x1FFFFFF0, s9  }
0x71: {  	s9 =	sadd.s32 s6, s9  }
0x72: {  	[tilespmem:s3], [sflag:$0x9] =	stream.linear.gather [hbm4b:s9+s18], $0x40, $0x38;
	[tilespmem:$0x1EF88] =	vst v63  }
0x73: {  	s3 =	sadd.s32 $0x80, s3  }
.Ltmp8:
0x74: {  	_ = 	snop;
	(pc) =	sbr.rel .LBB2_5-.Ltmp8, $1  }
0x75: {  	_ =	sdelay $0x3  }
.LBB2_9:
0x76: {  	p2 =	slt.u32 s22, $0x2  }
.Ltmp9:
0x77: {  	_ = 	snop;
	(pc) =	sbr.rel @p2 .LBB2_27-.Ltmp9, $1  }
0x78: {  	_ =	sdelay $0x3  }
0x79: {  	p2 =	sgt.s32 s23, $0x15EC0  }
0x7a: {  	s0 =	smov.u32 s23;
	s2 =	sshra.s32 s23, $0x1F;
	s3 =	ssub.s32 $0x16000, s23  }
0x7b: {  	s0 =	simm.s32 @!p2 $0x15EC0;
	s2 =	sand.u32 s2, s23;
	p2 =	slt.s32 s3, $0x140  }
0x7c: {  	s0 =	ssub.s32 s0, s2;
	s3 =	simm.s32 @!p2 $0x140  }
0x7d: {  	s0 =	sadd.s32 $0xFFFEA140, s0;
	s10 =	sshll.u32 s3, $0x6  }
0x7e: {  	s26 =	simm.s32 $0x9;
	s24 =	sshll.u32 s0, $0x2;
	s2 =	sand.u32 $0x3FFFFFC0, s10  }
0x7f: {  	p2 =	sgt.s32 s0, $0x13F;
	s25 =	ssub.s32 $0x500, s24;
	_ =	swait.ge [sflag:s26], s2  }
0x80: {  	s2 =	ssub.s32 $0x0, s2;
	[sflag:s26] =	ssyncset.done $0x0;
	s0 =	sshrl.u32 s25, $0x2  }
0x81: {  	[sflag:s26] =	ssyncadd.s32 s2;
	s0 =	simm.s32 @p2 $0x0  }
0x82: {  	_ =	swait.ge [sflag:s11], s0  }
0x83: {  	s0 =	ssub.s32 $0x0, s0;
	[sflag:s11] =	ssyncset.done $0x0  }
0x84: {  	[sflag:s11] =	ssyncadd.s32 s0  }
0x85: {  	v1 =	vld [tilespmem:$0xA108];
	_ =	sdelay $0x4  }
0x86: {  	(v2sf) =	vpush v1, $0x0  }
0x87: {  	(v2sf) =	vpush v1, $0x1  }
0x88: {  	(v2sf) =	vpush v1, $0x2;
	_ =	sdelay $0x3  }
0x89: {  	s0 =	sadd.s32 $0x140, s23  }
0x8a: {  	s2 =	ssub.s32 $0x2C000, s23;
	p2 =	slt.s32 s8, s0  }
0x8b: {  	s0 =	smov.u32 @p2 s8;
	p2 =	sgt.s32 s2, $0x0  }
0x8c: {  	s0 =	ssub.s32 s0, s23;
	s2 =	simm.s32 @!p2 $0x0  }
0x8d: {  	p2 =	slt.s32 s2, s0  }
0x8e: {  	s0 =	smov.u32 @p2 s2  }
0x8f: {  	s26 =	simm.s32 $0x1;
	p2 =	slt.s32 s0, $0x1  }
.Ltmp10:
0x90: {  	s26 =	simm.s32 @!p1 $0x0;
	(pc) =	sbr.rel @p2 .LBB2_14-.Ltmp10, $4  }
0x91: {  	s30 =	smul.u32 $0x500, s26  }
0x92: {  	s28 =	spop (v2sf)  }
0x93: {  	s31 =	sshrl.u32 s30, $0x2;
	s29 =	spop (v2sf)  }
0x94: {  	s24 =	sadd.s32 $0xAD08, s31;
	s23 =	spop (v2sf)  }
0x95: {  	s2 =	smin.u32 s0, $0x10  }
0x96: {  	v1 =	vmov s2  }
0x97: {  	p3 =	sgt.s32 s0, $0x10;
	vm1 =	vgt.u32 v1, v0  }
.Ltmp11:
0x98: {  	_ = 	snop;
	(pc) =	sbr.rel @!p3 .LBB2_13-.Ltmp11, $2  }
0x99: {  	_ =	sdelay $0x2  }
0x9a: {  	s5 =	simm.s32 $0x10;
	s25 =	sadd.s32 $0xFFFFFFF0, s0;
	s4 =	smov.u32 s24;
	vm0 =	vmmov vm1  }
.LBB2_12:
0x9b: {  	s2 =	smin.u32 s25, $0x10;
	s5 =	sadd.s32 $0x10, s5;
	v1 =	vld.msk [tilespmem:s4+$0x0 ss:$0x1], vm1  }
0x9c: {  	v2 =	vmov s2;
	p3 =	slt.s32 s5, s0  }
0x9d: {  	vm1 =	vgt.u32 v2, v0  }
.Ltmp12:
0x9e: {  	(pc) =	sbr.rel @p3 .LBB2_12-.Ltmp12, $3  }
0x9f: {  	_ =	sdelay $0x1  }
0xa0: {  	v1 =	vshll.u32 v1, $0x4  }
0xa1: {  	s25 =	sadd.s32 $0xFFFFFFF0, s25;
	[tilespmem:s4+$0x0] =	vst.msk vm0, v1;
	s4 =	sadd.s32 $0x10, s4;
	vm0 =	vmmov vm1  }
.LBB2_13:
0xa2: {  	_ =	sdelay $0x4  }
0xa3: {  	v1 =	vld.msk [tilespmem:s4+$0x0 ss:$0x1], vm1;
	_ =	sdelay $0x4  }
0xa4: {  	v1 =	vshll.u32 v1, $0x4  }
0xa5: {  	[tilespmem:s4+$0x0] =	vst.msk vm0, v1  }
.LBB2_14:
0xa6: {  	s2 =	sand.u32 $0x1, s22  }
0xa7: {  	s3 =	smul.u32 $0xA000, s2  }
0xa8: {  	p3 =	sne.s32 s29, $0xFFFFFFFF;
	s2 =	smul.u32 $0x140, s2  }
0xa9: {  	v1 =	vld @!p3 [tilespmem:s3+$0xAF88]  }
0xaa: {  	v2 =	vld.msk @!p3 [tilespmem:s2+$0xAD08], $0x1;
	_ =	sdelay $0x3  }
0xab: {  	[tilespmem:$0x88] =	vst @!p3 v1  }
0xac: {  	(v2sf) =	vpush @!p3 v2, $0x0;
	v1 =	vld @!p3 [tilespmem:s3+$0xAF98];
	_ =	sdelay $0x4  }
0xad: {  	[tilespmem:$0x98] =	vst @!p3 v1  }
0xae: {  	v1 =	vld @!p3 [tilespmem:s3+$0xAFA8];
	_ =	sdelay $0x4  }
0xaf: {  	[tilespmem:$0xA8] =	vst @!p3 v1  }
0xb0: {  	v1 =	vld @!p3 [tilespmem:s3+$0xAFB8]  }
.Ltmp13:
0xb1: {  	_ = 	snop;
	(pc) =	sbr.rel @p2 .LBB2_25-.Ltmp13, $4  }
0xb2: {  	_ = 	snop  }
0xb3: {  	s30 =	spop @!p3 (v2sf)  }
0xb4: {  	s23 =	simm.s32 @!p3 $0x0;
	s25 =	smov.u32 s30  }
0xb5: {  	s30 =	smov.u32 @p3 s28;
	s25 =	smov.u32 @p3 s29;
	[tilespmem:$0xB8] =	vst @!p3 v1;
	[sflag:s19] =	ssyncpa.u1 $0x0  }
0xb6: {  	v1 =	vld.msk [tilespmem:s24+$0x0], $0x1;
	_ =	sdelay $0x4  }
0xb7: {  	(v2sf) =	vpush v1, $0x0;
	_ =	sdelay $0xe  }
0xb8: {  	s2 =	smul.u32 $0x28000, s26;
	s4 =	spop (v2sf)  }
0xb9: {  	s28 =	ssub.s32 $0x0, s0;
	p2 =	seq.s32 s30, s4  }
0xba: {  	s0 =	sadd.s32 $0x1, s28;
	s2 =	sshrl.u32 s2, $0x2;
	p3 =	sgt.s32 @!p2 s30, $0x0  }
0xbb: {  	s26 =	sadd.s32 $0xAFA8, s2;
	s2 =	smov.u32 s30;
	p3 =	por !p3, p2  }
0xbc: {  	s2 =	simm.s32 @p3 $0x0;
	p3 =	seq.s32 s0, $0x0  }
.Ltmp14:
0xbd: {  	_ = 	snop;
	(pc) =	sbr.rel @p3 .LBB2_17-.Ltmp14, $4  }
0xbe: {  	_ = 	snop  }
0xbf: {  	s29 =	simm.s32 $0x0;
	s5 =	simm.s32 @!p2 $0x1;
	s3 =	smin.u32 @!p2 s2, $0x27FF8  }
0xc0: {  	s31 =	sadd.s32 $0x1, s24;
	s5 =	smov.u32 @p2 s29;
	s9 =	sand.u32 @!p2 $0x3FFF8, s3  }
0xc1: {  	s2 =	simm.s32 @!p2 $0x50C8;
	s3 =	sand.u32 @!p2 $0x7, s3;
	s9 =	sadd.s32 @!p2 s1, s9  }
.LBB2_16:
0xc2: {  	s10 =	smov.u32 s5  }
0xc3: {  	[tilespmem:s2], [sflag:$0x2] =	stream.linear.gather @!p2 [hbm4b:s9+s3], $0x40, $0x38;
	[tilespmem:$0x1EF88] =	vst v63  }
0xc4: {  	s0 =	sadd.s32 $0x1, s0;
	s3 =	smov.u32 s4;
	v1 =	vld.msk [tilespmem:s31+$0x0], $0x1  }
0xc5: {  	p3 =	seq.s32 s0, $0x0;
	_ =	sdelay $0x3  }
0xc6: {  	(v2sf) =	vpush v1, $0x0;
	_ =	sdelay $0xe  }
0xc7: {  	s4 =	spop (v2sf)  }
0xc8: {  	p2 =	seq.s32 s3, s4  }
0xc9: {  	p4 =	sgt.s32 @!p2 s3, $0x0;
	s2 =	sshll.u32 @!p2 s5, $0x8;
	s5 =	sadd.s32 @!p2 $0x1, s5  }
.Ltmp15:
0xca: {  	p4 =	por !p4, p2;
	s2 =	sshra.s32 @!p2 s2, $0x2;
	(pc) =	sbr.rel @!p3 .LBB2_16-.Ltmp15, $4  }
0xcb: {  	s5 =	smov.u32 @p2 s10;
	s3 =	simm.s32 @p4 $0x0;
	s2 =	sadd.s32 @!p2 $0x50C8, s2  }
0xcc: {  	s3 =	smin.u32 @!p2 s3, $0x27FF8  }
0xcd: {  	s9 =	sand.u32 @!p2 $0x3FFF8, s3;
	s3 =	sand.u32 @!p2 $0x7, s3  }
0xce: {  	s31 =	sadd.s32 $0x1, s31;
	s9 =	sadd.s32 @!p2 s1, s9  }
.LBB2_17:
0xcf: {  	[tilespmem:s2], [sflag:$0x2] =	stream.linear.gather @!p2 [hbm4b:s9+s3], $0x40, $0x38;
	[tilespmem:$0x1EF88] =	vst v63  }
.Ltmp16:
0xd0: {  	s0 =	sshll.u32 s5, $0x6;
	(pc) =	sbr.rel .LBB2_18-.Ltmp16, $4  }
0xd1: {  	s31 =	simm.s32 $0x2;
	s0 =	sand.u32 $0x3FFFFFC0, s0  }
0xd2: {  	_ =	swait.ge [sflag:s31], s0  }
0xd3: {  	s0 =	ssub.s32 $0x0, s0;
	[sflag:s31] =	ssyncset.done $0x0  }
0xd4: {  	[sflag:s31] =	ssyncadd.s32 s0;
	s0 =	simm.s32 $0x0  }
.LBB2_19:
0xd5: {  	v1 =	vld [tilespmem:s26+$0xFFFFFFE0]  }
0xd6: {  	v2 =	vld [tilespmem:s4+$0x88];
	_ =	sdelay $0x4  }
0xd7: {  	v1 =	vmax.f32 v1, v2  }
0xd8: {  	v2 =	vld [tilespmem:s4+$0x98];
	[tilespmem:s4+$0x88] =	vst v1  }
0xd9: {  	v1 =	vld [tilespmem:s26+$0xFFFFFFF0];
	_ =	sdelay $0x4  }
0xda: {  	v1 =	vmax.f32 v1, v2  }
0xdb: {  	v2 =	vld [tilespmem:s4+$0xA8];
	[tilespmem:s4+$0x98] =	vst v1  }
0xdc: {  	v1 =	vld [tilespmem:s26+$0x0];
	_ =	sdelay $0x4  }
0xdd: {  	v1 =	vmax.f32 v1, v2  }
0xde: {  	v2 =	vld [tilespmem:s4+$0xB8];
	[tilespmem:s4+$0xA8] =	vst v1  }
0xdf: {  	v1 =	vld [tilespmem:s26+$0x10];
	_ =	sdelay $0x4  }
0xe0: {  	v1 =	vmax.f32 v1, v2  }
0xe1: {  	[tilespmem:s4+$0xB8] =	vst v1  }
.LBB2_23:
0xe2: {  	s28 =	sadd.s32 $0x1, s28  }
0xe3: {  	p2 =	seq.s32 s28, $0x0  }
.Ltmp17:
0xe4: {  	_ = 	snop;
	(pc) =	sbr.rel @p2 .LBB2_24-.Ltmp17, $2  }
0xe5: {  	_ =	sdelay $0x2  }
0xe6: {  	s26 =	sadd.s32 $0x80, s26;
	s24 =	sadd.s32 $0x1, s24;
	s30 =	smov.u32 s31  }
.LBB2_18:
0xe7: {  	v1 =	vld.msk [tilespmem:s24+$0x0], $0x1;
	_ =	sdelay $0x4  }
0xe8: {  	(v2sf) =	vpush v1, $0x0;
	_ =	sdelay $0xe  }
0xe9: {  	s31 =	spop (v2sf)  }
0xea: {  	p2 =	sne.s32 s30, s31  }
.Ltmp18:
0xeb: {  	_ = 	snop;
	(pc) =	sbr.rel @!p2 .LBB2_19-.Ltmp18, $3  }
0xec: {  	_ =	sdelay $0x1  }
0xed: {  	s2 =	sshll.u32 s23, $0x8  }
0xee: {  	s4 =	sshra.s32 s2, $0x2  }
0xef: {  	p2 =	seq.s32 s30, s25  }
.Ltmp19:
0xf0: {  	_ = 	snop;
	(pc) =	sbr.rel @!p2 .LBB2_21-.Ltmp19, $1  }
0xf1: {  	_ =	sdelay $0x3  }
.Ltmp20:
0xf2: {  	s2 =	sadd.s32 $0x88, s4;
	(pc) =	sbr.rel .LBB2_22-.Ltmp20, $4  }
0xf3: {  	[spmem:s16] =	stream.linear.scatter [tilespmem:s2], [sflag:$0x1], $0x40, $0x38;
	[tilespmem:$0x1EF88] =	vst v63  }
0xf4: {  	_ =	swait.ge [sflag:s12], $0x40  }
0xf5: {  	[sflag:s12] =	ssyncset.done $0x0  }
0xf6: {  	[sflag:s12] =	ssyncadd.s32 $0xFFFFFFC0  }
.LBB2_21:
0xf7: {  	s2 =	sshll.u32 s29, $0x8  }
0xf8: {  	v2 =	vld [tilespmem:s4+$0x88];
	s2 =	sshra.s32 s2, $0x2  }
0xf9: {  	v1 =	vld [tilespmem:s2+$0x50C8];
	_ =	sdelay $0x4  }
0xfa: {  	v1 =	vmax.f32 v1, v2  }
0xfb: {  	v2 =	vld [tilespmem:s4+$0x98];
	[tilespmem:s4+$0x88] =	vst v1  }
0xfc: {  	v1 =	vld [tilespmem:s2+$0x50D8];
	_ =	sdelay $0x4  }
0xfd: {  	v1 =	vmax.f32 v1, v2  }
0xfe: {  	v2 =	vld [tilespmem:s4+$0xA8];
	[tilespmem:s4+$0x98] =	vst v1  }
0xff: {  	v1 =	vld [tilespmem:s2+$0x50E8];
	_ =	sdelay $0x4  }
0x100: {  	v1 =	vmax.f32 v1, v2  }
0x101: {  	v2 =	vld [tilespmem:s4+$0xB8];
	[tilespmem:s4+$0xA8] =	vst v1  }
0x102: {  	v1 =	vld [tilespmem:s2+$0x50F8];
	_ =	sdelay $0x3  }
0x103: {  	p2 =	sgt.u32 s30, $0x27FF8  }
0x104: {  	s2 =	sand.u32 @!p2 $0x3FFF8, s30;
	v1 =	vmax.f32 v1, v2  }
0x105: {  	s3 =	sadd.s32 $0x88, s4;
	s2 =	sadd.s32 @!p2 s1, s2;
	[tilespmem:s4+$0xB8] =	vst v1;
	s4 =	sand.u32 @!p2 $0x7, s30  }
0x106: {  	[hbm4b:s2+s4] =	stream.linear.scatter @!p2 [tilespmem:s3], [sflag:$0xC], $0x40, $0x38;
	[tilespmem:$0x1EF88] =	vst v63  }
0x107: {  	s2 =	simm.s32 $0x0  }
0x108: {  	s2 =	simm.s32 @!p2 $0x100  }
0x109: {  	s0 =	sadd.s32 s2, s0  }
.LBB2_22:
0x10a: {  	s2 =	sadd.s32 $0x1, s23  }
0x10b: {  	s3 =	smulhi.u32 $0xCCCCCCCD, s2;
	_ =	sdelay $0x1  }
0x10c: {  	v1 =	vld [tilespmem:s26+$0xFFFFFFE0];
	s3 =	sshrl.u32 s3, $0x8  }
0x10d: {  	s3 =	smul.u32 $0x140, s3;
	_ =	sdelay $0x1  }
0x10e: {  	s23 =	ssub.s32 s2, s3  }
0x10f: {  	s2 =	sshll.u32 s23, $0x6  }
0x110: {  	[tilespmem:s2+$0x88] =	vst v1  }
0x111: {  	v1 =	vld [tilespmem:s26+$0xFFFFFFF0];
	_ =	sdelay $0x4  }
0x112: {  	[tilespmem:s2+$0x98] =	vst v1  }
0x113: {  	v1 =	vld [tilespmem:s26+$0x0];
	_ =	sdelay $0x4  }
0x114: {  	[tilespmem:s2+$0xA8] =	vst v1  }
0x115: {  	v1 =	vld [tilespmem:s26+$0x10]  }
.Ltmp21:
0x116: {  	_ = 	snop;
	(pc) =	sbr.rel .LBB2_23-.Ltmp21, $2  }
0x117: {  	_ =	sdelay $0x2  }
0x118: {  	s29 =	sadd.s32 $0x1, s29;
	[tilespmem:s2+$0xB8] =	vst v1  }
.LBB2_25:
.Ltmp22:
0x119: {  	(pc) =	sbr.rel .LBB2_26-.Ltmp22, $4  }
0x11a: {  	_ = 	snop  }
0x11b: {  	s0 =	simm.s32 $0x2  }
0x11c: {  	_ =	swait.ge [sflag:s0], $0x0  }
0x11d: {  	s31 =	smov.u32 s30;
	[sflag:s0] =	ssyncset.done $0x0;
	s0 =	simm.s32 $0x0  }
.LBB2_28:
0x11e: {  	_ =	sfence.sel $0x180000  }
0x11f: {  	s0 =	simm.s32 $0x9;
	[bflag:$0x0] =	sbarrier.arrive $0xFFFF  }
0x120: {  	s24 =	simm.s32 $0xA;
	[sflag:s0] =	ssyncpa.u1 $0x1  }
0x121: {  	s25 =	simm.s32 $0xB;
	[sflag:s24] =	ssyncpa.u1 $0x1  }
0x122: {  	s26 =	simm.s32 $0x2;
	[sflag:s25] =	ssyncpa.u1 $0x1  }
0x123: {  	[sflag:s26] =	ssyncpa.u1 $0x1  }
0x124: {  	v0 =	vld [tilespmem:$0xA108];
	_ =	sdelay $0x4  }
0x125: {  	(v2sf) =	vpush v0, $0x0  }
0x126: {  	(v2sf) =	vpush v0, $0x1;
	_ =	sdelay $0x1  }
0x127: {  	(v2sf) =	vpush v0, $0x2;
	_ =	sdelay $0xb  }
0x128: {  	s0 =	spop (v2sf)  }
0x129: {  	s2 =	spop (v2sf)  }
0x12a: {  	s3 =	smov.u32 s0;
	p0 =	sne.s32 s0, s2  }
0x12b: {  	s4 =	spop (v2sf);
	s3 =	simm.s32 @!p0 $0xFFFFFFFF  }
0x12c: {  	v2 =	vimm.s32 $0x1;
	v3 =	vlaneseq.u32;
	p0 =	seq.s32 s4, $0xFFFFFFFF;
	v1 =	vmov s3  }
0x12d: {  	s15 =	stileid.u32;
	v0 =	vperm.xlane v0, v2;
	p1 =	sne.s32 @!p0 s0, s2;
	v1 =	vperm.xlane v1, v3  }
0x12e: {  	vm0 =	vcmask $0x3F04;
	s6 =	simm.s32 $0xA108;
	s0 =	simm.s32 @!p0 $0x1;
	p1 =	por !p1, p0  }
0x12f: {  	s3 =	sshll.u32 s15, $0x1;
	s2 =	sshll.u32 @!p0 s4, $0x8;
	s0 =	simm.s32 @p1 $0x0;
	v0 =	vsel vm0, v1, v0  }
0x130: {  	s5 =	sor.u32 $0x800, s3;
	s2 =	sshra.s32 @!p0 s2, $0x2;
	s0 =	sor.u32 @!p0 s0, s3;
	[tilespmem:$0xA108] =	vst v0  }
0x131: {  	[spmem:s5] =	stream.linear.scatter [tilespmem:s6], [sflag:$0x1], $0x2, $0x38;
	[tilespmem:$0x1EF88] =	vst v63  }
0x132: {  	s2 =	sadd.s32 @!p0 $0x88, s2;
	s0 =	sshll.u32 @!p0 s0, $0x6  }
0x133: {  	[spmem:s0] =	stream.linear.scatter @!p0 [tilespmem:s2], [sflag:$0x1], $0x40, $0x38;
	[tilespmem:$0x1EF88] =	vst v63  }
0x134: {  	s0 =	simm.s32 @!p0 $0x42  }
0x135: {  	s28 =	simm.s32 $0x1;
	s0 =	simm.s32 @p0 $0x2  }
0x136: {  	_ =	swait.ge [sflag:s28], s0  }
0x137: {  	s0 =	ssub.s32 $0x0, s0;
	[sflag:s28] =	ssyncset.done $0x0  }
0x138: {  	p0 =	sne.s32 s15, $0x0;
	[sflag:s28] =	ssyncadd.s32 s0  }
.Ltmp23:
0x139: {  	_ =	sfence.stream.spmem;
	(pc) =	sbr.rel @p0 .LBB2_45-.Ltmp23, $4  }
0x13a: {  	s29 =	simm.s32 $0x3;
	[bflag:$0x0] =	sbarrier.arrive $0xFFFF  }
0x13b: {  	s30 =	simm.s32 $0x4;
	[sflag:s29] =	ssyncpa.u1 $0x1  }
0x13c: {  	s31 =	simm.s32 $0x3C;
	[sflag:s30] =	ssyncpa.u1 $0x1  }
0x13d: {  	s14 =	rddreg [dreg:$0x4];
	[sflag:s31] =	ssyncpa.u1 $0x1  }
0x13e: {  	_ =	sfence.stream.spmem;
	s0 =	simm.s32 $0x5  }
0x13f: {  	s2 =	simm.s32 $0x800;
	s3 =	simm.s32 $0xA118;
	[sflag:s0] =	ssyncpa.u1 $0x0  }
0x140: {  	[tilespmem:s3], [sflag:$0x5] =	stream.linear.gather [spmem:s2], $0x20, $0x38;
	[tilespmem:$0x1EF88] =	vst v63  }
0x141: {  	s26 =	simm.s32 $0x0;
	s28 =	simm.s32 $0xA138  }
0x142: {  	[tilespmem:s28], [sflag:$0x5] =	stream.linear.gather [spmem:s26], $0x800, $0x38;
	[tilespmem:$0x1EF88] =	vst v63  }
0x143: {  	_ =	swait.ge [sflag:s0], $0x820  }
0x144: {  	[sflag:s0] =	ssyncset.done $0x0  }
0x145: {  	s29 =	simm.s32 $0x0;
	[sflag:s0] =	ssyncadd.s32 $0xFFFFF7E0  }
0x146: {  	v0 =	vld.msk [tilespmem:s29+$0xA118], $0x1;
	_ =	sdelay $0x1  }
0x147: {  	s30 =	simm.s32 $0x1  }
0x148: {  	v1 =	vld.msk [tilespmem:s30+$0xA118], $0x1;
	_ =	sdelay $0x1  }
0x149: {  	(v2sf) =	vpush v0, $0x0;
	_ =	sdelay $0x2  }
0x14a: {  	(v2sf) =	vpush v1, $0x0;
	_ =	sdelay $0x2  }
0x14b: {  	s31 =	simm.s32 $0x2  }
0x14c: {  	v0 =	vld.msk [tilespmem:s31+$0xA118], $0x1;
	_ =	sdelay $0x2  }
0x14d: {  	s4 =	simm.s32 $0xFFFFFFFF;
	s2 =	simm.s32 $0xFFFFFFFF;
	s0 =	simm.s32 $0xC  }
.LBB2_30:
0x14e: {  	s3 =	smov.u32 s4;
	s5 =	smov.u32 s2  }
0x14f: {  	s2 =	sshra.s32 s0, $0x2;
	p1 =	sne.s32 s0, $0x7C;
	s0 =	sadd.s32 $0x4, s0;
	(v2sf) =	vpush v0, $0x0  }
0x150: {  	v0 =	vld.msk [tilespmem:s2+$0xA118], $0x1  }
.Ltmp24:
0x151: {  	(pc) =	sbr.rel @p1 .LBB2_30-.Ltmp24, $4  }
0x152: {  	s4 =	spop (v2sf)  }
0x153: {  	p2 =	sne.s32 s5, $0xFFFFFFFF;
	s2 =	smov.u32 s4  }
0x154: {  	p3 =	seq.s32 s4, $0xFFFFFFFF;
	s2 =	smov.u32 @p2 s5  }
0x155: {  	s4 =	smov.u32 @p3 s3;
	s2 =	smov.u32 @p3 s5  }
0x156: {  	(v2sf) =	vpush v0, $0x0;
	_ =	sdelay $0x8  }
0x157: {  	s0 =	spop (v2sf)  }
0x158: {  	p1 =	sne.s32 s2, $0xFFFFFFFF;
	s3 =	smov.u32 s0  }
0x159: {  	s9 =	simm.s32 $0x6;
	p2 =	seq.s32 s0, $0xFFFFFFFF;
	s3 =	smov.u32 @p1 s2  }
0x15a: {  	s6 =	simm.s32 $0x0;
	s3 =	smov.u32 @p2 s2;
	s2 =	spop (v2sf)  }
0x15b: {  	s0 =	smov.u32 @p2 s4;
	p1 =	sne.s32 s3, $0xFFFFFFFF;
	s5 =	smov.u32 s2  }
.Ltmp25:
0x15c: {  	p2 =	seq.s32 s2, $0xFFFFFFFF;
	s5 =	smov.u32 @p1 s3;
	(pc) =	sbr.rel .LBB2_32-.Ltmp25, $4  }
0x15d: {  	s10 =	simm.s32 $0xA0C8;
	s5 =	smov.u32 @p2 s3;
	s7 =	spop (v2sf)  }
0x15e: {  	s11 =	simm.s32 $0x0;
	p1 =	sne.s32 s5, $0xFFFFFFFF;
	s8 =	smov.u32 s7  }
0x15f: {  	s2 =	smov.u32 @p2 s0;
	p2 =	seq.s32 s7, $0xFFFFFFFF;
	s8 =	smov.u32 @p1 s5  }
0x160: {  	[sflag:s9] =	ssyncpa.u1 $0x0;
	s7 =	smov.u32 @p2 s2;
	s8 =	smov.u32 @p2 s5  }
.LBB2_38:
0x161: {  	p1 =	sgt.u32 s0, $0x27FF8  }
0x162: {  	p2 =	seq.s32 @!p1 s0, s8  }
0x163: {  	p1 =	por p1, p2  }
0x164: {  	p2 =	sne.s32 @!p1 s0, s7  }
0x165: {  	p1 =	por p1, !p2  }
0x166: {  	s0 =	sshll.u32 @p1 s11, $0x8  }
0x167: {  	s2 =	sand.u32 @!p1 $0x3FFF8, s0  }
0x168: {  	s0 =	sand.u32 @!p1 $0x7, s0;
	s2 =	sadd.s32 @!p1 s1, s2  }
0x169: {  	[tilespmem:s10], [sflag:$0x6] =	stream.linear.gather @!p1 [hbm4b:s2+s0], $0x40, $0x38;
	[tilespmem:$0x1EF88] =	vst v63  }
0x16a: {  	_ =	swait.ge @!p1 [sflag:s9], $0x40  }
0x16b: {  	[sflag:s9] =	ssyncset.done @!p1 $0x0  }
0x16c: {  	s0 =	sshll.u32 @!p1 s11, $0x8;
	[sflag:s9] =	ssyncadd.s32 @!p1 $0xFFFFFFC0  }
0x16d: {  	s2 =	sshrl.u32 @!p1 s0, $0x2;
	v1 =	vld @!p1 [tilespmem:$0xA0C8]  }
0x16e: {  	v2 =	vld @!p1 [tilespmem:s2+$0xA138];
	_ =	sdelay $0x4  }
0x16f: {  	v1 =	vmax.f32 @!p1 v1, v2  }
0x170: {  	v2 =	vld @!p1 [tilespmem:s2+$0xA148];
	[tilespmem:s2+$0xA138] =	vst @!p1 v1  }
0x171: {  	v1 =	vld @!p1 [tilespmem:$0xA0D8];
	_ =	sdelay $0x4  }
0x172: {  	v1 =	vmax.f32 @!p1 v1, v2  }
0x173: {  	v2 =	vld @!p1 [tilespmem:s2+$0xA158];
	[tilespmem:s2+$0xA148] =	vst @!p1 v1  }
0x174: {  	v1 =	vld @!p1 [tilespmem:$0xA0E8];
	_ =	sdelay $0x4  }
0x175: {  	v1 =	vmax.f32 @!p1 v1, v2  }
0x176: {  	v2 =	vld @!p1 [tilespmem:s2+$0xA168];
	[tilespmem:s2+$0xA158] =	vst @!p1 v1  }
0x177: {  	v1 =	vld @!p1 [tilespmem:$0xA0F8];
	_ =	sdelay $0x4  }
0x178: {  	v1 =	vmax.f32 @!p1 v1, v2  }
0x179: {  	[tilespmem:s2+$0xA168] =	vst @!p1 v1  }
0x17a: {  	s0 =	sshrl.u32 s0, $0x2;
	[tilespmem:s6+$0xA118] =	vst.msk $0x1, v0  }
0x17b: {  	v0 =	vld [tilespmem:s0+$0xA138];
	_ =	sdelay $0x2  }
0x17c: {  	s31 =	sshll.u32 s6, $0x8  }
0x17d: {  	s2 =	sshra.s32 s31, $0x2  }
0x17e: {  	[tilespmem:s2+$0xA138] =	vst v0  }
0x17f: {  	v0 =	vld [tilespmem:s0+$0xA148];
	_ =	sdelay $0x4  }
0x180: {  	[tilespmem:s2+$0xA148] =	vst v0  }
0x181: {  	v0 =	vld [tilespmem:s0+$0xA158];
	_ =	sdelay $0x4  }
0x182: {  	[tilespmem:s2+$0xA158] =	vst v0  }
0x183: {  	v0 =	vld [tilespmem:s0+$0xA168];
	_ =	sdelay $0x4  }
0x184: {  	s6 =	sadd.s32 $0x1, s6;
	[tilespmem:s2+$0xA168] =	vst v0  }
.LBB2_39:
0x185: {  	s11 =	sadd.s32 $0x1, s11  }
0x186: {  	p1 =	sne.s32 s11, $0x20  }
.Ltmp26:
0x187: {  	_ = 	snop;
	(pc) =	sbr.rel @!p1 .LBB2_40-.Ltmp26, $1  }
0x188: {  	_ =	sdelay $0x3  }
.LBB2_32:
0x189: {  	v0 =	vld.msk [tilespmem:s11+$0xA118], $0x1;
	_ =	sdelay $0x4  }
0x18a: {  	(v2sf) =	vpush v0, $0x0;
	_ =	sdelay $0xe  }
0x18b: {  	s0 =	spop (v2sf)  }
0x18c: {  	p1 =	seq.s32 s0, $0xFFFFFFFF  }
.Ltmp27:
0x18d: {  	_ = 	snop;
	(pc) =	sbr.rel @p1 .LBB2_39-.Ltmp27, $1  }
0x18e: {  	_ =	sdelay $0x3  }
0x18f: {  	p1 =	slt.s32 s6, $0x1  }
.Ltmp28:
0x190: {  	_ = 	snop;
	(pc) =	sbr.rel @p1 .LBB2_38-.Ltmp28, $1  }
0x191: {  	_ =	sdelay $0x3  }
0x192: {  	s12 =	simm.s32 $0xA118;
	p1 =	por $0x0, $0x0  }
0x193: {  	v1 =	vld.msk @!p1 [tilespmem:s12+$0x0], $0x1;
	_ =	sdelay $0x4  }
0x194: {  	(v2sf) =	vpush @!p1 v1, $0x0;
	_ =	sdelay $0xd  }
0x195: {  	p3 =	sne.s32 s6, $0x1  }
.Ltmp29:
0x196: {  	s2 =	spop @!p1 (v2sf);
	(pc) =	sbr.rel @!p3 .LBB2_36-.Ltmp29, $4  }
0x197: {  	p2 =	seq.s32 @!p1 s0, s2  }
0x198: {  	s13 =	simm.s32 $0x0;
	p2 =	por !p2, p1  }
0x199: {  	s2 =	simm.s32 $0xFFFFFFFF;
	s13 =	simm.s32 @p2 $0xFFFFFFFF  }
0x19a: {  	s4 =	simm.s32 $0x1;
	s13 =	smov.u32 @p1 s2  }
.LBB2_35:
0x19b: {  	s2 =	smov.u32 s13;
	p1 =	sne.s32 s13, $0xFFFFFFFF  }
0x19c: {  	s12 =	sadd.s32 $0x1, s12;
	s13 =	smov.u32 s4;
	s4 =	sadd.s32 $0x1, s4  }
0x19d: {  	p2 =	sne.s32 s6, s4;
	v1 =	vld.msk @!p1 [tilespmem:s12+$0x0], $0x1;
	_ =	sdelay $0x4  }
0x19e: {  	(v2sf) =	vpush @!p1 v1, $0x0;
	_ =	sdelay $0xe  }
.Ltmp30:
0x19f: {  	s3 =	spop @!p1 (v2sf);
	(pc) =	sbr.rel @p2 .LBB2_35-.Ltmp30, $4  }
0x1a0: {  	p3 =	seq.s32 @!p1 s0, s3  }
0x1a1: {  	p3 =	por !p3, p1  }
0x1a2: {  	s13 =	simm.s32 @p3 $0xFFFFFFFF  }
0x1a3: {  	s13 =	smov.u32 @p1 s2  }
.LBB2_36:
0x1a4: {  	p1 =	seq.s32 s13, $0xFFFFFFFF  }
.Ltmp31:
0x1a5: {  	_ = 	snop;
	(pc) =	sbr.rel @p1 .LBB2_38-.Ltmp31, $1  }
0x1a6: {  	_ =	sdelay $0x3  }
0x1a7: {  	s0 =	sshll.u32 s11, $0x6  }
0x1a8: {  	s2 =	sshll.u32 s13, $0x8;
	s0 =	sand.u32 $0x3FFFFFC0, s0  }
0x1a9: {  	s2 =	sshra.s32 s2, $0x2;
	v0 =	vld [tilespmem:s0+$0xA138]  }
0x1aa: {  	v1 =	vld [tilespmem:s2+$0xA138];
	_ =	sdelay $0x4  }
0x1ab: {  	v0 =	vmax.f32 v0, v1  }
0x1ac: {  	v61 =	vld [tilespmem:s2+$0xA148];
	[tilespmem:s2+$0xA138] =	vst v0  }
0x1ad: {  	v0 =	vld [tilespmem:s0+$0xA148];
	_ =	sdelay $0x4  }
0x1ae: {  	v0 =	vmax.f32 v0, v61  }
0x1af: {  	v62 =	vld [tilespmem:s2+$0xA158];
	[tilespmem:s2+$0xA148] =	vst v0  }
0x1b0: {  	v0 =	vld [tilespmem:s0+$0xA158];
	_ =	sdelay $0x4  }
0x1b1: {  	v0 =	vmax.f32 v0, v62  }
0x1b2: {  	v63 =	vld [tilespmem:s2+$0xA168];
	[tilespmem:s2+$0xA158] =	vst v0  }
0x1b3: {  	v0 =	vld [tilespmem:s0+$0xA168];
	_ =	sdelay $0x1  }
.Ltmp32:
0x1b4: {  	_ = 	snop;
	(pc) =	sbr.rel .LBB2_39-.Ltmp32, $3  }
0x1b5: {  	_ =	sdelay $0x1  }
0x1b6: {  	v0 =	vmax.f32 v0, v63  }
0x1b7: {  	[tilespmem:s2+$0xA168] =	vst v0  }
.LBB2_40:
0x1b8: {  	s0 =	simm.s32 $0x6;
	p1 =	seq.s32 s6, $0x0  }
0x1b9: {  	[sflag:s0] =	ssyncpa.u1 $0x1;
	v0 =	vimm.s32 @p1 $0xFFFFFFFF  }
0x1ba: {  	s0 =	sadd.s32 $0xFFFFFFFF, s6;
	[tilespmem:$0xA938] =	vst @p1 v0  }
0x1bb: {  	v0 =	vld.msk @!p1 [tilespmem:s0+$0xA118], $0x1;
	_ =	sdelay $0x1  }
0x1bc: {  	v1 =	vld.msk @!p1 [tilespmem:$0xA118], $0x1;
	_ =	sdelay $0x2  }
0x1bd: {  	p2 =	seq.s32 @!p1 s0, $0x0;
	v0 =	vbroadcast @!p1 v0, $0x0  }
0x1be: {  	vm0 =	vmmov @!p1 $0x1;
	p2 =	por !p2, p1  }
0x1bf: {  	v1 =	vnsel @!p1 vm0, $0xFFFFFFFF, v1;
	vm0 =	vcmask @!p1 $0x308;
	v0 =	vpsel !p2, $0xFFFFFFFF, v0  }
0x1c0: {  	p2 =	sne.s32 @!p1 s8, s7;
	v0 =	vsel @!p1 vm0, v1, v0  }
0x1c1: {  	s2 =	simm.s32 @!p1 $0xA138;
	s3 =	simm.s32 @!p1 $0x0;
	p3 =	por !p2, p1;
	[tilespmem:$0xA938] =	vst @!p1 v0  }
0x1c2: {  	[spmem:s3] =	stream.linear.scatter @!p1 [tilespmem:s2], [sflag:$0x1], $0x40, $0x38;
	[tilespmem:$0x1EF88] =	vst v63  }
0x1c3: {  	s2 =	sshll.u32 @!p3 s0, $0x8  }
0x1c4: {  	s2 =	sshra.s32 @!p3 s2, $0x2  }
0x1c5: {  	s3 =	simm.s32 @!p3 $0x40;
	s2 =	sadd.s32 @!p3 $0xA138, s2  }
0x1c6: {  	[spmem:s3] =	stream.linear.scatter @!p3 [tilespmem:s2], [sflag:$0x1], $0x40, $0x38;
	[tilespmem:$0x1EF88] =	vst v63  }
0x1c7: {  	s2 =	simm.s32 @!p3 $0x1  }
0x1c8: {  	_ =	swait.ge @!p3 [sflag:s2], $0x80  }
0x1c9: {  	p1 =	por p2, p1;
	[sflag:s2] =	ssyncset.done @!p3 $0x0  }
0x1ca: {  	[sflag:s2] =	ssyncadd.s32 @!p3 $0xFFFFFF80;
	s2 =	simm.s32 @!p1 $0x1  }
0x1cb: {  	_ =	swait.ge @!p1 [sflag:s2], $0x40  }
0x1cc: {  	s29 =	simm.s32 $0xA938;
	[sflag:s2] =	ssyncset.done @!p1 $0x0  }
0x1cd: {  	s30 =	simm.s32 $0x800;
	s31 =	simm.s32 $0x1;
	[sflag:s2] =	ssyncadd.s32 @!p1 $0xFFFFFFC0  }
0x1ce: {  	[spmem:s30] =	stream.linear.scatter [tilespmem:s29], [sflag:$0x1], $0x10, $0x38;
	[tilespmem:$0x1EF88] =	vst v63  }
0x1cf: {  	_ =	swait.ge [sflag:s31], $0x10  }
0x1d0: {  	[sflag:s31] =	ssyncset.done $0x0  }
0x1d1: {  	p1 =	seq.s32 s14, $0x0;
	s9 =	rddreg [dreg:$0x1];
	[sflag:s31] =	ssyncadd.s32 $0xFFFFFFF0  }
0x1d2: {  	s3 =	sshll.u32 @p1 s9, $0xE;
	s8 =	rddreg [dreg:$0x2]  }
0x1d3: {  	s2 =	sadd.s32 @p1 $0x15C3C, s3;
	s3 =	sshll.u32 @p1 s8, $0x11  }
0x1d4: {  	_ =	sfence.stream.spmem;
	s2 =	sor.u32 @p1 s3, s2  }
0x1d5: {  	[sflag:s2] =	ssyncadd.remote.s32 @p1 $0x1;
	s2 =	simm.s32 @p1 $0x4  }
0x1d6: {  	s4 =	simm.s32 @!p1 $0x3C;
	s3 =	sand.u32 $0xFFFFFFFE, s9;
	_ =	swait.ge @p1 [sflag:s2], $0x12  }
0x1d7: {  	s5 =	simm.s32 @!p1 $0x0;
	s3 =	sadd.s32 @!p1 $0x4, s3;
	[sflag:s2] =	ssyncset.done @p1 $0x0  }
0x1d8: {  	s7 =	simm.s32 @!p1 $0x80;
	[sflag:s2] =	ssyncadd.s32 @p1 $0xFFFFFFEE;
	s2 =	sshll.u32 @!p1 s3, $0x1A  }
0x1d9: {  	s3 =	sshll.u32 @!p1 s3, $0xD;
	s2 =	sor.u32 @!p1 s2, s8;
	_ =	swait.eq @!p1 [sflag:s4], $0x1  }
0x1da: {  	s3 =	sor.u32 @!p1 $0x1C04, s3;
	s4 =	simm.s32 @!p1 $0x1C03;
	s2 =	sor.u32 @!p1 $0x80004000, s2  }
0x1db: {  	[spmem:s7], [sflag:s3] =	dma.general @!p1 [spmem:s5], [sflag:s4], length:$0x10, [dreg:$0x0], stride_count:$0x0, ici_dest:s2, dma_misc:DstOpCode:WRITE  }
0x1dc: {  	p2 =	slt.s32 s0, $0x2;
	s5 =	simm.s32 @!p1 $0x100;
	s7 =	simm.s32 @!p1 $0x102  }
0x1dd: {  	[spmem:s7], [sflag:s3] =	dma.general @!p1 [spmem:s5], [sflag:s4], length:$0x2, [dreg:$0x0], stride_count:$0x0, ici_dest:s2, dma_misc:DstOpCode:WRITE  }
.Ltmp33:
0x1de: {  	s2 =	simm.s32 @!p1 $0x3;
	(pc) =	sbr.rel @p2 .LBB2_44-.Ltmp33, $4  }
0x1df: {  	s3 =	sshll.u32 @!p1 s9, $0xE;
	_ =	swait.ge @!p1 [sflag:s2], $0x12  }
0x1e0: {  	s4 =	sshll.u32 @!p1 s8, $0x11;
	s3 =	sadd.s32 @!p1 $0x11C3C, s3;
	[sflag:s2] =	ssyncset.done @!p1 $0x0  }
0x1e1: {  	[sflag:s2] =	ssyncadd.s32 @!p1 $0xFFFFFFEE;
	s2 =	sor.u32 @!p1 s4, s3  }
0x1e2: {  	s0 =	simm.s32 $0x0;
	[sflag:s2] =	ssyncadd.remote.s32 @!p1 $0xFFFFFFFF  }
0x1e3: {  	s0 =	simm.s32 $0xA119  }
0x1e4: {  	v0 =	vld.msk [tilespmem:s0+$0x0], $0x1;
	_ =	sdelay $0x4  }
0x1e5: {  	(v2sf) =	vpush v0, $0x0;
	_ =	sdelay $0xd  }
0x1e6: {  	s3 =	sadd.s32 $0xFFFFFFFE, s6  }
0x1e7: {  	s4 =	sadd.s32 $0xFFFFFFFF, s3;
	s2 =	spop (v2sf)  }
0x1e8: {  	p2 =	sne.s32 s4, $0x0;
	p1 =	sgt.u32 s2, $0x27FF8  }
.Ltmp34:
0x1e9: {  	s5 =	sand.u32 @!p1 $0x3FFF8, s2;
	(pc) =	sbr.rel @!p2 .LBB2_43-.Ltmp34, $4  }
0x1ea: {  	s0 =	simm.s32 $0xA178;
	s2 =	sand.u32 @!p1 $0x7, s2;
	s3 =	sadd.s32 @!p1 s1, s5  }
0x1eb: {  	[hbm4b:s3+s2] =	stream.linear.scatter @!p1 [tilespmem:s0], [sflag:$0x5], $0x40, $0x38;
	[tilespmem:$0x1EF88] =	vst v63  }
0x1ec: {  	s2 =	simm.s32 $0x0  }
0x1ed: {  	s6 =	simm.s32 $0xA11A;
	s5 =	simm.s32 $0x0;
	s2 =	simm.s32 @!p1 $0x100  }
.LBB2_42:
0x1ee: {  	v0 =	vld.msk [tilespmem:s6+$0x0], $0x1;
	s4 =	sadd.s32 $0xFFFFFFFF, s4;
	s5 =	sadd.s32 s5, s2  }
0x1ef: {  	p1 =	sne.s32 s4, $0x0;
	_ =	sdelay $0x3  }
0x1f0: {  	(v2sf) =	vpush v0, $0x0;
	_ =	sdelay $0xe  }
.Ltmp35:
0x1f1: {  	s3 =	spop (v2sf);
	(pc) =	sbr.rel @p1 .LBB2_42-.Ltmp35, $4  }
0x1f2: {  	s2 =	simm.s32 $0x0;
	p2 =	sgt.u32 s3, $0x27FF8  }
0x1f3: {  	s0 =	sadd.s32 $0x40, s0;
	s2 =	simm.s32 @!p2 $0x100;
	s7 =	sand.u32 @!p2 $0x3FFF8, s3  }
0x1f4: {  	s6 =	sadd.s32 $0x1, s6;
	s3 =	sand.u32 @!p2 $0x7, s3;
	s7 =	sadd.s32 @!p2 s1, s7  }
0x1f5: {  	[hbm4b:s7+s3] =	stream.linear.scatter @!p2 [tilespmem:s0], [sflag:$0x5], $0x40, $0x38;
	[tilespmem:$0x1EF88] =	vst v63  }
.LBB2_43:
0x1f6: {  	s0 =	sadd.s32 s5, s2  }
0x1f7: {  	s0 =	sshrl.u32 s0, $0x2  }
.LBB2_44:
0x1f8: {  	s2 =	simm.s32 $0x5  }
0x1f9: {  	_ =	swait.ge [sflag:s2], s0  }
0x1fa: {  	s31 =	ssub.s32 $0x0, s0;
	[sflag:s2] =	ssyncset.done $0x0  }
0x1fb: {  	[sflag:s2] =	ssyncadd.s32 s31  }
0x1fc: {  	[sflag:s2] =	ssyncpa.u1 $0x1  }
.LBB2_45:
0x1fd: {  	s0 =	sor.u32 s14, s15  }
0x1fe: {  	p1 =	sne.s32 s0, $0x0  }
.Ltmp36:
0x1ff: {  	_ = 	snop;
	(pc) =	sbr.rel @p1 .LBB2_60-.Ltmp36, $3  }
0x200: {  	_ =	sdelay $0x1  }
0x201: {  	[bflag:$0x0] =	sbarrier.arrive $0xFFFF  }
0x202: {  	_ =	sfence  }
0x203: {  	s0 =	simm.s32 $0x7  }
0x204: {  	s2 =	simm.s32 $0x800;
	s3 =	simm.s32 $0xA118;
	[sflag:s0] =	ssyncpa.u1 $0x0  }
0x205: {  	[tilespmem:s3], [sflag:$0x7] =	stream.linear.gather [spmem:s2], $0x20, $0x38;
	[tilespmem:$0x1EF88] =	vst v63  }
0x206: {  	s30 =	simm.s32 $0xA138;
	s2 =	simm.s32 $0x0  }
0x207: {  	[tilespmem:s30], [sflag:$0x7] =	stream.linear.gather [spmem:s2], $0x800, $0x38;
	[tilespmem:$0x1EF88] =	vst v63  }
.Ltmp37:
0x208: {  	_ = 	snop;
	(pc) =	sbr.rel .LBB2_47-.Ltmp37, $4  }
0x209: {  	_ =	swait.ge [sflag:s0], $0x820  }
0x20a: {  	[sflag:s0] =	ssyncset.done $0x0  }
0x20b: {  	s31 =	simm.s32 $0x8;
	[sflag:s0] =	ssyncadd.s32 $0xFFFFF7E0  }
0x20c: {  	s3 =	simm.s32 $0x0;
	[sflag:s31] =	ssyncpa.u1 $0x0  }
.LBB2_53:
0x20d: {  	p1 =	slt.u32 s0, $0x27FF9  }
0x20e: {  	s4 =	sand.u32 @p1 $0x3FFF8, s0  }
0x20f: {  	s0 =	sand.u32 @p1 $0x7, s0;
	s5 =	simm.s32 @p1 $0xA0C8;
	s4 =	sadd.s32 @p1 s1, s4  }
0x210: {  	[tilespmem:s5], [sflag:$0x8] =	stream.linear.gather @p1 [hbm4b:s4+s0], $0x40, $0x38;
	[tilespmem:$0x1EF88] =	vst v63  }
0x211: {  	s0 =	simm.s32 @p1 $0x8  }
0x212: {  	_ =	swait.ge @p1 [sflag:s0], $0x40  }
0x213: {  	[sflag:s0] =	ssyncset.done @p1 $0x0  }
0x214: {  	[sflag:s0] =	ssyncadd.s32 @p1 $0xFFFFFFC0;
	s0 =	sshll.u32 @p1 s3, $0x8  }
0x215: {  	s4 =	sshrl.u32 @p1 s0, $0x2;
	v1 =	vld @p1 [tilespmem:$0xA0C8]  }
0x216: {  	v2 =	vld @p1 [tilespmem:s4+$0xA138];
	_ =	sdelay $0x4  }
0x217: {  	v1 =	vmax.f32 @p1 v1, v2  }
0x218: {  	v2 =	vld @p1 [tilespmem:s4+$0xA148];
	[tilespmem:s4+$0xA138] =	vst @p1 v1  }
0x219: {  	v1 =	vld @p1 [tilespmem:$0xA0D8];
	_ =	sdelay $0x4  }
0x21a: {  	v1 =	vmax.f32 @p1 v1, v2  }
0x21b: {  	v2 =	vld @p1 [tilespmem:s4+$0xA158];
	[tilespmem:s4+$0xA148] =	vst @p1 v1  }
0x21c: {  	v1 =	vld @p1 [tilespmem:$0xA0E8];
	_ =	sdelay $0x4  }
0x21d: {  	v1 =	vmax.f32 @p1 v1, v2  }
0x21e: {  	v2 =	vld @p1 [tilespmem:s4+$0xA168];
	[tilespmem:s4+$0xA158] =	vst @p1 v1  }
0x21f: {  	v1 =	vld @p1 [tilespmem:$0xA0F8];
	_ =	sdelay $0x4  }
0x220: {  	s5 =	sshll.u32 @!p1 s3, $0x8;
	v1 =	vmax.f32 @p1 v1, v2  }
0x221: {  	s5 =	smov.u32 @p1 s0;
	[tilespmem:s4+$0xA168] =	vst @p1 v1  }
0x222: {  	s0 =	sshrl.u32 s5, $0x2;
	[tilespmem:s2+$0xA118] =	vst.msk $0x1, v0  }
0x223: {  	v0 =	vld [tilespmem:s0+$0xA138];
	_ =	sdelay $0x2  }
0x224: {  	s31 =	sshll.u32 s2, $0x8  }
0x225: {  	s4 =	sshra.s32 s31, $0x2  }
0x226: {  	[tilespmem:s4+$0xA138] =	vst v0  }
0x227: {  	v0 =	vld [tilespmem:s0+$0xA148];
	_ =	sdelay $0x4  }
0x228: {  	[tilespmem:s4+$0xA148] =	vst v0  }
0x229: {  	v0 =	vld [tilespmem:s0+$0xA158];
	_ =	sdelay $0x4  }
0x22a: {  	[tilespmem:s4+$0xA158] =	vst v0  }
0x22b: {  	v0 =	vld [tilespmem:s0+$0xA168];
	_ =	sdelay $0x4  }
0x22c: {  	s2 =	sadd.s32 $0x1, s2;
	[tilespmem:s4+$0xA168] =	vst v0  }
.LBB2_54:
0x22d: {  	s3 =	sadd.s32 $0x1, s3  }
0x22e: {  	p1 =	sne.s32 s3, $0x20  }
.Ltmp38:
0x22f: {  	_ = 	snop;
	(pc) =	sbr.rel @!p1 .LBB2_55-.Ltmp38, $1  }
0x230: {  	_ =	sdelay $0x3  }
.LBB2_47:
0x231: {  	v0 =	vld.msk [tilespmem:s3+$0xA118], $0x1;
	_ =	sdelay $0x4  }
0x232: {  	(v2sf) =	vpush v0, $0x0;
	_ =	sdelay $0xe  }
0x233: {  	s0 =	spop (v2sf)  }
0x234: {  	p1 =	seq.s32 s0, $0xFFFFFFFF  }
.Ltmp39:
0x235: {  	_ = 	snop;
	(pc) =	sbr.rel @p1 .LBB2_54-.Ltmp39, $1  }
0x236: {  	_ =	sdelay $0x3  }
0x237: {  	p1 =	slt.s32 s2, $0x1  }
.Ltmp40:
0x238: {  	_ = 	snop;
	(pc) =	sbr.rel @p1 .LBB2_53-.Ltmp40, $1  }
0x239: {  	_ =	sdelay $0x3  }
0x23a: {  	s4 =	simm.s32 $0xA118;
	p1 =	por $0x0, $0x0  }
0x23b: {  	v1 =	vld.msk @!p1 [tilespmem:s4+$0x0], $0x1;
	_ =	sdelay $0x4  }
0x23c: {  	(v2sf) =	vpush @!p1 v1, $0x0;
	_ =	sdelay $0xd  }
0x23d: {  	p3 =	sne.s32 s2, $0x1  }
.Ltmp41:
0x23e: {  	s5 =	spop @!p1 (v2sf);
	(pc) =	sbr.rel @!p3 .LBB2_51-.Ltmp41, $4  }
0x23f: {  	p2 =	seq.s32 @!p1 s0, s5  }
0x240: {  	s5 =	simm.s32 $0x0;
	p2 =	por !p2, p1  }
0x241: {  	s7 =	simm.s32 $0xFFFFFFFF;
	s5 =	simm.s32 @p2 $0xFFFFFFFF  }
0x242: {  	s6 =	simm.s32 $0x1;
	s5 =	smov.u32 @p1 s7  }
.LBB2_50:
0x243: {  	s7 =	smov.u32 s5;
	p1 =	sne.s32 s5, $0xFFFFFFFF  }
0x244: {  	s4 =	sadd.s32 $0x1, s4;
	s5 =	smov.u32 s6;
	s6 =	sadd.s32 $0x1, s6  }
0x245: {  	p2 =	sne.s32 s2, s6;
	v1 =	vld.msk @!p1 [tilespmem:s4+$0x0], $0x1;
	_ =	sdelay $0x4  }
0x246: {  	(v2sf) =	vpush @!p1 v1, $0x0;
	_ =	sdelay $0xe  }
.Ltmp42:
0x247: {  	s8 =	spop @!p1 (v2sf);
	(pc) =	sbr.rel @p2 .LBB2_50-.Ltmp42, $4  }
0x248: {  	p3 =	seq.s32 @!p1 s0, s8  }
0x249: {  	p3 =	por !p3, p1  }
0x24a: {  	s5 =	simm.s32 @p3 $0xFFFFFFFF  }
0x24b: {  	s5 =	smov.u32 @p1 s7  }
.LBB2_51:
0x24c: {  	p1 =	seq.s32 s5, $0xFFFFFFFF  }
.Ltmp43:
0x24d: {  	_ = 	snop;
	(pc) =	sbr.rel @p1 .LBB2_53-.Ltmp43, $1  }
0x24e: {  	_ =	sdelay $0x3  }
0x24f: {  	s0 =	sshll.u32 s3, $0x6  }
0x250: {  	s4 =	sshll.u32 s5, $0x8;
	s0 =	sand.u32 $0x3FFFFFC0, s0  }
0x251: {  	s4 =	sshra.s32 s4, $0x2;
	v0 =	vld [tilespmem:s0+$0xA138]  }
0x252: {  	v1 =	vld [tilespmem:s4+$0xA138];
	_ =	sdelay $0x4  }
0x253: {  	v0 =	vmax.f32 v0, v1  }
0x254: {  	v61 =	vld [tilespmem:s4+$0xA148];
	[tilespmem:s4+$0xA138] =	vst v0  }
0x255: {  	v0 =	vld [tilespmem:s0+$0xA148];
	_ =	sdelay $0x4  }
0x256: {  	v0 =	vmax.f32 v0, v61  }
0x257: {  	v62 =	vld [tilespmem:s4+$0xA158];
	[tilespmem:s4+$0xA148] =	vst v0  }
0x258: {  	v0 =	vld [tilespmem:s0+$0xA158];
	_ =	sdelay $0x4  }
0x259: {  	v0 =	vmax.f32 v0, v62  }
0x25a: {  	v63 =	vld [tilespmem:s4+$0xA168];
	[tilespmem:s4+$0xA158] =	vst v0  }
0x25b: {  	v0 =	vld [tilespmem:s0+$0xA168];
	_ =	sdelay $0x1  }
.Ltmp44:
0x25c: {  	_ = 	snop;
	(pc) =	sbr.rel .LBB2_54-.Ltmp44, $3  }
0x25d: {  	_ =	sdelay $0x1  }
0x25e: {  	v0 =	vmax.f32 v0, v63  }
0x25f: {  	[tilespmem:s4+$0xA168] =	vst v0  }
.LBB2_55:
0x260: {  	p1 =	slt.s32 s2, $0x1  }
.Ltmp45:
0x261: {  	_ = 	snop;
	(pc) =	sbr.rel @p1 .LBB2_59-.Ltmp45, $3  }
0x262: {  	_ =	sdelay $0x1  }
0x263: {  	s0 =	simm.s32 $0x8  }
0x264: {  	[sflag:s0] =	ssyncpa.u1 $0x1;
	s0 =	simm.s32 $0x0  }
0x265: {  	s3 =	simm.s32 $0xA118  }
0x266: {  	v0 =	vld.msk [tilespmem:s3+$0x0], $0x1;
	_ =	sdelay $0x4  }
0x267: {  	(v2sf) =	vpush v0, $0x0;
	_ =	sdelay $0xe  }
0x268: {  	s2 =	sadd.s32 $0xFFFFFFFF, s2;
	s4 =	spop (v2sf)  }
0x269: {  	p2 =	sne.s32 s2, $0x0;
	p1 =	sgt.u32 s4, $0x27FF8  }
.Ltmp46:
0x26a: {  	s5 =	sand.u32 @!p1 $0x3FFF8, s4;
	(pc) =	sbr.rel @!p2 .LBB2_58-.Ltmp46, $4  }
0x26b: {  	s3 =	simm.s32 $0xA138;
	s4 =	sand.u32 @!p1 $0x7, s4;
	s5 =	sadd.s32 @!p1 s1, s5  }
0x26c: {  	[hbm4b:s5+s4] =	stream.linear.scatter @!p1 [tilespmem:s3], [sflag:$0x7], $0x40, $0x38;
	[tilespmem:$0x1EF88] =	vst v63  }
0x26d: {  	s5 =	simm.s32 $0x0  }
0x26e: {  	s4 =	simm.s32 $0xA119;
	s5 =	simm.s32 @!p1 $0x100  }
.LBB2_57:
0x26f: {  	v0 =	vld.msk [tilespmem:s4+$0x0], $0x1;
	s2 =	sadd.s32 $0xFFFFFFFF, s2;
	s0 =	sadd.s32 s0, s5  }
0x270: {  	p1 =	sne.s32 s2, $0x0;
	_ =	sdelay $0x3  }
0x271: {  	(v2sf) =	vpush v0, $0x0;
	_ =	sdelay $0xe  }
.Ltmp47:
0x272: {  	s6 =	spop (v2sf);
	(pc) =	sbr.rel @p1 .LBB2_57-.Ltmp47, $4  }
0x273: {  	s5 =	simm.s32 $0x0;
	p2 =	sgt.u32 s6, $0x27FF8  }
0x274: {  	s3 =	sadd.s32 $0x40, s3;
	s5 =	simm.s32 @!p2 $0x100;
	s7 =	sand.u32 @!p2 $0x3FFF8, s6  }
0x275: {  	s4 =	sadd.s32 $0x1, s4;
	s6 =	sand.u32 @!p2 $0x7, s6;
	s7 =	sadd.s32 @!p2 s1, s7  }
0x276: {  	[hbm4b:s7+s6] =	stream.linear.scatter @!p2 [tilespmem:s3], [sflag:$0x7], $0x40, $0x38;
	[tilespmem:$0x1EF88] =	vst v63  }
.LBB2_58:
0x277: {  	s0 =	sadd.s32 s0, s5  }
0x278: {  	s0 =	sshrl.u32 s0, $0x2  }
.LBB2_59:
0x279: {  	s1 =	simm.s32 $0x7  }
0x27a: {  	_ =	swait.ge [sflag:s1], s0  }
0x27b: {  	s31 =	ssub.s32 $0x0, s0;
	[sflag:s1] =	ssyncset.done $0x0  }
0x27c: {  	[sflag:s1] =	ssyncadd.s32 s31  }
0x27d: {  	[sflag:s1] =	ssyncpa.u1 $0x1  }
.LBB2_60:
0x27e: {  	_ =	sfence;
	s0 =	simm.s32 $0x1  }
0x27f: {  	[sflag:s0] =	ssyncpa.u1 $0x1  }
0x280: {  	_ =	strace $0x90000053  }
0x281: {  	[bflag:$0x2] =	sbarrier.arrive $0xFFFF  }
0x282: {  	s0 =	rddreg [dreg:$0x3]  }
0x283: {  	s0 =	sadd.s32 @!p0 $0x100000, s0  }
0x284: {  	[sflag:s0] =	ssyncadd.tile.s32 @!p0 $0x1;
	_ =	shalt  }
.Lfunc_end2:
_tile_overlayer_lowered:
.L_overlay_start_2:
0x285: {  	(tag) =	ssettag $0x2  }
0x286: {  	s0 =	rddreg [dreg:$0x0];
	s2 =	stileid.u32  }
0x287: {  	s1 =	rddreg [dreg:$0x1];
	p0 =	sne.s32 s2, $0x0  }
0x288: {  	s3 =	rddreg [dreg:$0x2];
	[bflag:$0x3] =	sbarrier.arrive $0xFFFF;
	s2 =	simm.s32 @!p0 $0x1C01  }
0x289: {  	[timem:s3], [sflag:s2] =	dma.local @!p0 [hbm:s0], s1  }
0x28a: {  	s0 =	simm.s32 @!p0 $0x1  }
0x28b: {  	_ =	swait.ge @!p0 [sflag:s0], s1  }
0x28c: {  	s1 =	ssub.s32 @!p0 $0x0, s1;
	[sflag:s0] =	ssyncset.done @!p0 $0x0  }
0x28d: {  	[sflag:s0] =	ssyncadd.s32 @!p0 s1  }
0x28e: {  	[bflag:$0x3] =	sbarrier.arrive $0xFFFF  }
0x28f: {  	_ =	shalt  }

// kernel: scatter_offload_async_start
scs
__scs_entry_jumppad:
0x0: {  	(pc) =	sbr.rel $0x88, $3  }
0x1: {  	(tag) =	ssettag $0x0;
	lr =	simm.s32 $0x1  }
0x2: {  	[smem:$0x3F8D] =	sst lr;
	_ =	strace $0xD0000000  }
0x3: {  	_ = 	snop  }
0x4: {  	_ = 	snop  }
0x5: {  	_ = 	snop  }
0x6: {  	_ = 	snop  }
0x7: {  	_ = 	snop  }
__scs_overlays_trampoline_lowered:
0x8: {  	[smem:$0x3F9C] =	sst s0  }
0x9: {  	[smem:$0x3F9D] =	sst s1  }
0xa: {  	[smem:$0x3F9E] =	sst s2  }
0xb: {  	[smem:$0x3F9F] =	sst s3  }
0xc: {  	[smem:$0x3FA0] =	sst s4  }
0xd: {  	[smem:$0x3FA1] =	sst s5  }
0xe: {  	[smem:$0x3FA2] =	sst s6  }
0xf: {  	[smem:$0x3FA3] =	sst s7  }
0x10: {  	[smem:$0x3FA4] =	sst s8  }
0x11: {  	[smem:$0x3FA5] =	sst s9;
	s0 =	simm.s32 @!p0 $0x0  }
0x12: {  	s1 =	sld [smem:$0x3F8B];
	s0 =	simm.s32 @p0 $0x1  }
0x13: {  	[smem:$0x3FA6] =	sst s0;
	s0 =	simm.s32 @!p1 $0x0  }
0x14: {  	s2 =	sld [smem:$0x3F8A];
	s0 =	simm.s32 @p1 $0x1  }
0x15: {  	[smem:$0x3FA7] =	sst s0;
	s0 =	simm.s32 @!p2 $0x0  }
0x16: {  	s3 =	sld [smem:$0x3FDB];
	s0 =	simm.s32 @p2 $0x1  }
0x17: {  	s4 =	simm.s32 $0x1BF5;
	[smem:$0x3FA9] =	sst s0  }
0x18: {  	s0 =	sld [smem:$0x3F8C];
	_ =	swait.ge [sflag:s4], $0x0  }
0x19: {  	s7 =	sld [smem:$0x3F8D]  }
0x1a: {  	s8 =	sadd.s32 $0xFFFFE003, lr  }
0x1b: {  	s9 =	sadd.s32 $0xFFFFFEF7, lr;
	s5 =	simm.s32 $0xFFFFFFFF;
	p2 =	slt.u32 s8, $0xFFFFF086  }
0x1c: {  	p1 =	slt.u32 s9, $0xF7A;
	s5 =	simm.s32 @!p2 $0x0  }
0x1d: {  	s5 =	simm.s32 @p1 $0x1;
	p0 =	seq.s32 s7, s2  }
0x1e: {  	s7 =	smul.u32 @!p0 $0xF7A, s2;
	p2 =	seq.s32 @!p0 s5, $0x0  }
0x1f: {  	s9 =	smul.u32 $0xF7A, s1;
	s8 =	simm.s32 @!p0 $0x1BF5;
	p2 =	por !p2, p0  }
0x20: {  	[sflag:s8] =	ssyncset.s32 @!p0 $0xFFFFF086;
	s6 =	sadd.s32 @!p0 s3, s7;
	s7 =	simm.s32 @!p0 $0x108  }
0x21: {  	s3 =	sadd.s32 s3, s9;
	s6 =	sadd.s32 @!p0 $0x88, s6;
	s7 =	simm.s32 @p2 $0x1082  }
0x22: {  	[simem:s7], [sflag:s8] =	dma.local @!p0 [hbm:s6], $0xF7A  }
0x23: {  	s9 =	sor.u32 $0xD0000000, s2;
	s6 =	simm.s32 $0x108;
	_ =	swait.ge @!p0 [sflag:s8], $0x0  }
0x24: {  	s3 =	sadd.s32 $0x88, s3;
	s6 =	simm.s32 @!p1 $0x1082;
	[sflag:s4] =	ssyncset.s32 $0xFFFFF086  }
0x25: {  	[simem:s6], [sflag:s4] =	dma.local [hbm:s3], $0xF7A  }
0x26: {  	[smem:$0x3F8D] =	sst s1;
	(tag) =	ssettag s2;
	_ =	strace s9  }
0x27: {  	s1 =	sld [smem:$0x3F9D]  }
0x28: {  	s2 =	sld [smem:$0x3F9E]  }
0x29: {  	s4 =	sld [smem:$0x3FA0]  }
0x2a: {  	p0 =	seq.s32 s5, $0x0;
	s5 =	sld [smem:$0x3FA1]  }
0x2b: {  	s6 =	sld [smem:$0x3FA2]  }
0x2c: {  	s7 =	sld [smem:$0x3FA3]  }
0x2d: {  	s3 =	simm.s32 $0x108;
	s8 =	sld [smem:$0x3FA4]  }
0x2e: {  	s3 =	simm.s32 @!p0 $0x1082;
	s9 =	sld [smem:$0x3FA5]  }
0x2f: {  	lr =	sadd.s32 s0, s3;
	s0 =	sld [smem:$0x3F9C]  }
0x30: {  	s3 =	sld [smem:$0x3F9F]  }
0x31: {  	[smem:$0x3FA8] =	sst s10  }
0x32: {  	s10 =	sld [smem:$0x3FA6];
	_ =	sdelay $0x3  }
0x33: {  	p0 =	seq.s32 s10, $0x1;
	s10 =	sld [smem:$0x3FA8];
	_ =	sdelay $0x3  }
0x34: {  	[smem:$0x3FA8] =	sst s10  }
0x35: {  	s10 =	sld [smem:$0x3FA7];
	_ =	sdelay $0x3  }
0x36: {  	p1 =	seq.s32 s10, $0x1;
	s10 =	sld [smem:$0x3FA8];
	_ =	sdelay $0x3  }
0x37: {  	[smem:$0x3FA8] =	sst s10  }
0x38: {  	s10 =	sld [smem:$0x3FA9]  }
0x39: {  	_ = 	snop;
	(pc) =	sbr.ind lr, $3  }
0x3a: {  	_ = 	snop  }
0x3b: {  	_ = 	snop  }
0x3c: {  	p2 =	seq.s32 s10, $0x1;
	s10 =	sld [smem:$0x3FA8]  }
0x3d: {  	_ =	shalt  }
0x3e: {  	_ =	shalt  }
0x3f: {  	_ =	shalt  }
0x40: {  	_ =	shalt  }
0x41: {  	_ =	shalt  }
0x42: {  	_ =	shalt  }
0x43: {  	_ =	shalt  }
0x44: {  	_ =	shalt  }
0x45: {  	_ =	shalt  }
0x46: {  	_ =	shalt  }
0x47: {  	_ =	shalt  }
0x48: {  	_ =	shalt  }
0x49: {  	_ =	shalt  }
0x4a: {  	_ =	shalt  }
0x4b: {  	_ =	shalt  }
0x4c: {  	_ =	shalt  }
0x4d: {  	_ =	shalt  }
0x4e: {  	_ =	shalt  }
0x4f: {  	_ =	shalt  }
0x50: {  	_ =	shalt  }
0x51: {  	_ =	shalt  }
0x52: {  	_ =	shalt  }
0x53: {  	_ =	shalt  }
0x54: {  	_ =	shalt  }
0x55: {  	_ =	shalt  }
0x56: {  	_ =	shalt  }
0x57: {  	_ =	shalt  }
0x58: {  	_ =	shalt  }
0x59: {  	_ =	shalt  }
0x5a: {  	_ =	shalt  }
0x5b: {  	_ =	shalt  }
0x5c: {  	_ =	shalt  }
0x5d: {  	_ =	shalt  }
0x5e: {  	_ =	shalt  }
0x5f: {  	_ =	shalt  }
0x60: {  	_ =	shalt  }
0x61: {  	_ =	shalt  }
0x62: {  	_ =	shalt  }
0x63: {  	_ =	shalt  }
0x64: {  	_ =	shalt  }
0x65: {  	_ =	shalt  }
0x66: {  	_ =	shalt  }
0x67: {  	_ =	shalt  }
0x68: {  	_ =	shalt  }
0x69: {  	_ =	shalt  }
0x6a: {  	_ =	shalt  }
0x6b: {  	_ =	shalt  }
0x6c: {  	_ =	shalt  }
0x6d: {  	_ =	shalt  }
0x6e: {  	_ =	shalt  }
0x6f: {  	_ =	shalt  }
0x70: {  	_ =	shalt  }
0x71: {  	_ =	shalt  }
0x72: {  	_ =	shalt  }
0x73: {  	_ =	shalt  }
0x74: {  	_ =	shalt  }
0x75: {  	_ =	shalt  }
0x76: {  	_ =	shalt  }
0x77: {  	_ =	shalt  }
0x78: {  	_ =	shalt  }
0x79: {  	_ =	shalt  }
0x7a: {  	_ =	shalt  }
0x7b: {  	_ =	shalt  }
0x7c: {  	_ =	shalt  }
0x7d: {  	_ =	shalt  }
0x7e: {  	_ =	shalt  }
0x7f: {  	_ =	shalt  }
0x80: {  	_ =	shalt  }
0x81: {  	_ =	shalt  }
0x82: {  	_ =	shalt  }
0x83: {  	_ =	shalt  }
0x84: {  	_ =	shalt  }
0x85: {  	_ =	shalt  }
0x86: {  	_ =	shalt  }
0x87: {  	_ =	shalt  }
.Lfunc_end0:
.L_simem_size_0:
called_computation_lowered:
.L_overlay_start_0:
0x88: {  	s2 =	sld [smem:$0x3FD9]  }
0x89: {  	s3 =	sld [smem:$0x3FFE];
	_ =	sdelay $0x1  }
0x8a: {  	s1 =	srdreg.scid  }
0x8b: {  	s0 =	sand.u32 $0x1, s1  }
0x8c: {  	s15 =	sshll.u32 s0, $0xA;
	s2 =	sadd.s32 s3, s2  }
0x8d: {  	s2 =	sadd.s32 s2, s15  }
0x8e: {  	[smem:$0x3FB4] =	sst s2  }
0x8f: {  	_ = 	snop  }
0x90: {  	(tm) =	ssettm $0x1  }
0x91: {  	s16 =	sld [smem:$0x3FFB];
	_ =	sdelay $0x3  }
0x92: {  	_ =	strace s16  }
0x93: {  	s2 =	sld [smem:$0x3FFC];
	_ =	sdelay $0x3  }
0x94: {  	_ =	strace s2  }
0x95: {  	s2 =	sld [smem:$0x3FFD];
	_ =	sdelay $0x3  }
0x96: {  	_ =	strace s2  }
0x97: {  	_ =	strace $0x8FFFFFFF  }
0x98: {  	s17 =	sld [smem:$0x3FDB];
	_ =	sdelay $0x1  }
0x99: {  	s18 =	simm.s32 $_scs_section_size  }
0x9a: {  	s4 =	simm.s32 $_size__tile_overlayer_lowered;
	s5 =	simm.s32 $_tile_overlayer_lowered  }
0x9b: {  	s6 =	simm.s32 $0x1BFF;
	s19 =	sshll.u32 s5, $0x1;
	s3 =	sadd.s32 s18, s17  }
0x9c: {  	s20 =	simm.s32 $0x0;
	s4 =	sshll.u32 s4, $0x1;
	s5 =	sadd.s32 s19, s3  }
0x9d: {  	[timem:s20], [sflag:s6] =	dma.local [hbm:s5], s4  }
0x9e: {  	_ =	swait.ge [sflag:s6], s4  }
0x9f: {  	s4 =	ssub.s32 $0x0, s4;
	[sflag:s6] =	ssyncset.done $0x0  }
0xa0: {  	[sflag:s6] =	ssyncadd.s32 s4;
	_ =	sdelay $0x1  }
0xa1: {  	s21 =	simm.s32 $0x1B8B  }
0xa2: {  	_ =	swait.ge [sflag:s21], $0x1  }
0xa3: {  	[sflag:s21] =	ssyncset.done $0x0  }
0xa4: {  	s22 =	sld [smem:$0x3FFE];
	[sflag:s21] =	ssyncadd.s32 $0xFFFFFFFF  }
0xa5: {  	s24 =	simm.s32 $0x1B8E;
	s23 =	sld [smem:$0x0]  }
0xa6: {  	s25 =	simm.s32 $execute0_lowered;
	[smem:$0x3FD2] =	sst s24  }
0xa7: {  	s6 =	sshll.u32 s25, $0x1;
	_ =	strace $0x80000049;
	[dreg:$0x1] =	wrdreg $0xFFFFFFFF  }
0xa8: {  	s7 =	simm.s32 $_size_execute0_lowered;
	s6 =	sadd.s32 s3, s6;
	[dreg:$0x0] =	wrdreg $0x0  }
0xa9: {  	s7 =	sshll.u32 s7, $0x1;
	[dreg:$0x2] =	wrdreg s6  }
0xaa: {  	[dreg:$0x3] =	wrdreg s7  }
0xab: {  	[dreg:$0x4] =	wrdreg $0xC0  }
0xac: {  	s26 =	simm.s32 $execute1_lowered;
	_ =	task [dreg:s20], $0x5FFFF  }
0xad: {  	s6 =	sshll.u32 s26, $0x1;
	[dreg:$0x1] =	wrdreg $0xFFFFFFFF  }
0xae: {  	s3 =	sadd.s32 s3, s6;
	[dreg:$0x0] =	wrdreg $0x60  }
0xaf: {  	[dreg:$0x2] =	wrdreg s3  }
0xb0: {  	[dreg:$0x3] =	wrdreg s22  }
0xb1: {  	[dreg:$0x4] =	wrdreg $0x9  }
0xb2: {  	_ =	task.clear_ibuf [dreg:s20], $0x5FFFF;
	_ =	strace $0x90000049  }
0xb3: {  	s28 =	simm.s32 $0x9;
	_ =	strace $0x8000004B  }
0xb4: {  	_ =	swait.ge [sflag:s28], $0x1  }
0xb5: {  	[sflag:s28] =	ssyncadd.s32 $0xFFFFFFFF  }
0xb6: {  	_ =	strace $0x9000004B  }
0xb7: {  	s3 =	sld [smem:$0x0]  }
0xb8: {  	s6 =	sand.u32 $0xFFFFFFFE, s1  }
0xb9: {  	p0 =	sne.s32 s1, s6  }
0xba: {  	s6 =	sshll.u32 @p0 s6, $0xE  }
0xbb: {  	s6 =	sadd.s32 @p0 $0x11BF3, s6;
	s7 =	sshll.u32 @p0 s3, $0x11  }
0xbc: {  	s6 =	sor.u32 @p0 s7, s6  }
0xbd: {  	[sflag:s6] =	ssyncadd.remote.s32 @p0 $0x1;
	_ =	sdelay $0x1  }
0xbe: {  	s6 =	simm.s32 @p0 $0x1BF3  }
0xbf: {  	_ =	swait.eq @p0 [sflag:s6], $0x1  }
0xc0: {  	[sflag:s6] =	ssyncadd.s32 @p0 $0xFFFFFFFF  }
0xc1: {  	s7 =	sshll.u32 @!p0 s1, $0xE  }
0xc2: {  	s7 =	sor.u32 @!p0 $0x4000, s7;
	s6 =	simm.s32 @!p0 $0x1BF3  }
0xc3: {  	s3 =	sshll.u32 @!p0 s3, $0x11;
	s7 =	sadd.s32 @!p0 $0x11BF3, s7;
	_ =	swait.eq @!p0 [sflag:s6], $0x1  }
0xc4: {  	s3 =	sor.u32 @!p0 s3, s7;
	[sflag:s6] =	ssyncadd.s32 @!p0 $0xFFFFFFFF  }
0xc5: {  	[sflag:s3] =	ssyncadd.remote.s32 @!p0 $0x1  }
0xc6: {  	_ =	strace $0x8000004C;
	[dreg:$0x1] =	wrdreg $0xFFFFFFFF  }
0xc7: {  	[dreg:$0x0] =	wrdreg $0x2030  }
0xc8: {  	[dreg:$0x2] =	wrdreg s22  }
0xc9: {  	[dreg:$0x3] =	wrdreg s1  }
0xca: {  	[dreg:$0x4] =	wrdreg s23  }
0xcb: {  	[dreg:$0x5] =	wrdreg $0xA  }
0xcc: {  	_ =	task.clear_ibuf [dreg:s20], $0x6FFFF;
	_ =	strace $0x9000004C  }
0xcd: {  	s29 =	simm.s32 $0xA;
	_ =	strace $0x8000004E  }
0xce: {  	_ =	swait.ge [sflag:s29], $0x1  }
0xcf: {  	[sflag:s29] =	ssyncadd.s32 $0xFFFFFFFF  }
0xd0: {  	_ =	strace $0x9000004E  }
0xd1: {  	_ =	sfence  }
0xd2: {  	s30 =	sld [smem:$0x0];
	_ =	sdelay $0x2  }
0xd3: {  	s31 =	sshll.u32 s1, $0xD;
	s1 =	sshrl.u32 s1, $0x2  }
0xd4: {  	s4 =	sand.u32 $0x4000, s31;
	s1 =	sadd.s32 s1, s30  }
0xd5: {  	s0 =	sor.u32 s4, s0;
	s1 =	sshll.u32 s1, $0x11  }
0xd6: {  	s0 =	sor.u32 s1, s0  }
0xd7: {  	s0 =	sadd.s32 $0x8F2B, s0  }
0xd8: {  	[sflag:s0] =	ssyncadd.remote.s32 $0x1  }
0xd9: {  	_ =	sfence.sel $0xFFFF  }
0xda: {  	[dreg:$0x0] =	wrdreg $0xFFFFFFFF;
	(pc) =	sbr.abs _section_cstart, $3  }
0xdb: {  	[dreg:$0x1] =	wrdreg $0xFFFFFFFF  }
0xdc: {  	_ =	task.clear_ibuf [dreg:s20], $0x2FFFF;
	_ =	strace $0x9FFFFFFF  }
0xdd: {  	(tm) =	ssettm $0x7FFFFFFF  }
tec
execute0_lowered:
.L_overlay_start_1:
0x0: {  	(tag) =	ssettag $0x1  }
0x1: {  	s2 =	rddreg [dreg:$0x0]  }
0x2: {  	s5 =	rddreg [dreg:$0x1]  }
0x3: {  	s0 =	rddreg [dreg:$0x2];
	s3 =	stileid.u32;
	[bflag:$0x3] =	sbarrier.arrive $0xFFFF  }
0x4: {  	s1 =	simm.s32 $_size_execute1_lowered;
	s30 =	srdreg.scid;
	p0 =	sne.s32 s3, $0x0  }
0x5: {  	s1 =	sshll.u32 s1, $0x1;
	s4 =	simm.s32 @!p0 $0x1C3F;
	s6 =	simm.s32 @!p0 $0x4060  }
0x6: {  	[timem:s6], [sflag:s4] =	dma.local @!p0 [hbm:s2], s1  }
0x7: {  	s8 =	simm.s32 $0x2;
	s2 =	sshll.u32 s30, $0x8  }
0x8: {  	s13 =	simm.s32 $0x0;
	s3 =	sshll.u32 s3, $0x9;
	s2 =	sand.u32 $0x100, s2  }
0x9: {  	s9 =	simm.s32 $0x80;
	s10 =	simm.s32 $0x0;
	s2 =	sor.u32 s3, s2  }
0xa: {  	s12 =	simm.s32 $0x0;
	s4 =	simm.s32 $0x1;
	s31 =	ssub.s32 $0x2800, s2  }
.Ltmp0:
0xb: {  	_ =	strace $0x8000004A;
	s7 =	sand.u32 $0x1F00, s31;
	(pc) =	sbr.rel .LBB2_1-.Ltmp0, $4  }
0xc: {  	s3 =	sadd.s32 $0x98800, s5;
	p1 =	sne.s32 s7, $0x0;
	s7 =	simm.s32 $0x1  }
0xd: {  	[sflag:s4] =	ssyncpa.u1 $0x0;
	s6 =	sshrl.u32 s31, $0xD;
	s7 =	simm.s32 @!p1 $0x0  }
0xe: {  	s5 =	sadd.s32 $0xC0800, s5;
	[sflag:s8] =	ssyncpa.u1 $0x0;
	s6 =	sadd.s32 s7, s6  }
0xf: {  	s8 =	simm.s32 $0x40;
	s11 =	smov.u32 s2;
	s7 =	sadd.s32 $0x1, s6  }
.LBB2_4:
0x10: {  	s13 =	sand.u32 $0x1FFFFFF, s13  }
0x11: {  	s16 =	smulhi.u32 $0xCCCCCD, s13;
	_ =	sdelay $0x1  }
0x12: {  	s16 =	sshrl.u32 s16, $0x5  }
0x13: {  	s16 =	smul.u32 $0x2800, s16  }
0x14: {  	[tilespmem:v2+s14+$0x30 ss:$0x1] =	vst.idx.msk $0xffff, v1  }
0x15: {  	[tilespmem:v2+s14+$0x0 ss:$0x1] =	vst.idx.msk $0xffff, v3;
	s13 =	ssub.s32 s13, s16  }
0x16: {  	[tilespmem:v2+s14+$0x10 ss:$0x1] =	vst.idx.msk $0xffff, v4;
	s13 =	sshll.u32 s13, $0x4  }
0x17: {  	[tilespmem:v2+s14+$0x20 ss:$0x1] =	vst.idx.msk $0xffff, v5;
	s13 =	sadd.s32 s5, s13  }
0x18: {  	[hbm4b:s13+s8] =	stream.strided.scatter [tilespmem:s15], [sflag:$0x2], $0x4000, s9, s8, $0x38;
	[tilespmem:$0x10000] =	vst v63  }
.LBB2_5:
0x19: {  	s15 =	sadd.s32 $0x2000, s11  }
0x1a: {  	p2 =	sgt.s32 s15, $0x27FF  }
0x1b: {  	s15 =	smov.u32 @p2 s2;
	p2 =	sne.s32 s12, s7  }
.Ltmp1:
0x1c: {  	p1 =	slt.u32 s12, $0x2;
	(pc) =	sbr.rel @!p2 .LBB2_6-.Ltmp1, $4  }
0x1d: {  	s14 =	simm.s32 @!p1 $0x2  }
0x1e: {  	s16 =	sadd.s32 $0x1, s12;
	_ =	swait.ge @!p1 [sflag:s14], $0x4000  }
0x1f: {  	s13 =	smov.u32 s11;
	s10 =	sadd.s32 $0x4000, s10;
	[sflag:s14] =	ssyncset.done @!p1 $0x0  }
0x20: {  	s12 =	smov.u32 s16;
	s11 =	smov.u32 s15;
	[sflag:s14] =	ssyncadd.s32 @!p1 $0xFFFFC000  }
.LBB2_1:
0x21: {  	p1 =	sge.u32 s12, s6  }
0x22: {  	s14 =	sand.u32 @!p1 $0x1FFFFFF, s11  }
0x23: {  	s15 =	smulhi.u32 @!p1 $0xCCCCCD, s14;
	_ =	sdelay $0x1  }
0x24: {  	s15 =	sshrl.u32 @!p1 s15, $0x5  }
0x25: {  	s15 =	smul.u32 @!p1 $0x2800, s15;
	_ =	sdelay $0x1  }
0x26: {  	s31 =	sadd.s32 $0xFFFFFFFF, s12;
	s16 =	sxor.u32 @!p1 $0xFFFFFFFF, s12;
	s14 =	ssub.s32 @!p1 s14, s15  }
0x27: {  	s17 =	simm.s32 @!p1 $0x80;
	s16 =	sshll.u32 @!p1 s16, $0xE;
	s14 =	sshll.u32 @!p1 s14, $0x4  }
0x28: {  	s15 =	sand.u32 @!p1 $0x4000, s16;
	s16 =	simm.s32 @!p1 $0x40;
	s14 =	sadd.s32 @!p1 s3, s14  }
0x29: {  	[tilespmem:s15], [sflag:$0x1] =	stream.strided.gather @!p1 [hbm4b:s14+s16], $0x4000, s17, s16, $0x38;
	[tilespmem:$0x10000] =	vst v63  }
0x2a: {  	p1 =	sge.u32 s31, s6  }
.Ltmp2:
0x2b: {  	_ = 	snop;
	(pc) =	sbr.rel @p1 .LBB2_5-.Ltmp2, $1  }
0x2c: {  	_ =	sdelay $0x3  }
0x2d: {  	s15 =	sand.u32 $0x4000, s10  }
0x2e: {  	s14 =	sor.u32 $0x20, s15  }
0x2f: {  	v0 =	vmov s14;
	_ =	sdelay $0x1  }
0x30: {  	_ =	swait.ge [sflag:s4], $0x4000  }
0x31: {  	[sflag:s4] =	ssyncset.done $0x0  }
0x32: {  	[sflag:s4] =	ssyncadd.s32 $0xFFFFC000;
	s14 =	simm.s32 $0x0  }
0x33: {  	s17 =	sor.u32 $0x8000, s15;
	v1 =	vld.idx.msk [tilespmem:v0+s14+$0x10 ss:$0x1], $0xffff  }
0x34: {  	s16 =	sshll.u32 s12, $0xE;
	v2 =	vmov s17;
	v3 =	vld.idx.msk [tilespmem:v0+s14+$0xFFFFFFE0 ss:$0x1], $0xffff  }
0x35: {  	s31 =	sand.u32 $0x4000, s16;
	v4 =	vld.idx.msk [tilespmem:v0+s14+$0xFFFFFFF0 ss:$0x1], $0xffff  }
0x36: {  	s16 =	simm.s32 $0x100;
	s15 =	sor.u32 $0x8000, s31;
	v5 =	vld.idx.msk [tilespmem:v0+s14+$0x0 ss:$0x1], $0xffff  }
.LBB2_3:
0x37: {  	p1 =	sne.s32 s16, $0xFF00  }
.Ltmp3:
0x38: {  	s17 =	sshra.s32 s16, $0x2;
	s16 =	sadd.s32 $0x100, s16;
	(pc) =	sbr.rel @p1 .LBB2_3-.Ltmp3, $4  }
0x39: {  	[tilespmem:v2+s14+$0x30 ss:$0x1] =	vst.idx.msk $0xffff, v1;
	v1 =	vld.idx.msk [tilespmem:v0+s17+$0x10 ss:$0x1], $0xffff  }
0x3a: {  	[tilespmem:v2+s14+$0x0 ss:$0x1] =	vst.idx.msk $0xffff, v3;
	v3 =	vld.idx.msk [tilespmem:v0+s17+$0xFFFFFFE0 ss:$0x1], $0xffff  }
0x3b: {  	[tilespmem:v2+s14+$0x10 ss:$0x1] =	vst.idx.msk $0xffff, v4;
	v4 =	vld.idx.msk [tilespmem:v0+s17+$0xFFFFFFF0 ss:$0x1], $0xffff  }
0x3c: {  	[tilespmem:v2+s14+$0x20 ss:$0x1] =	vst.idx.msk $0xffff, v5;
	v5 =	vld.idx.msk [tilespmem:v0+s17+$0x0 ss:$0x1], $0xffff;
	s14 =	smov.u32 s17  }
.Ltmp4:
0x3d: {  	_ = 	snop;
	(pc) =	sbr.rel .LBB2_4-.Ltmp4, $1  }
0x3e: {  	_ =	sdelay $0x3  }
.LBB2_6:
0x3f: {  	_ =	sfence.sel $0x180000  }
0x40: {  	s2 =	simm.s32 $0x1;
	[bflag:$0x0] =	sbarrier.arrive $0xFFFF  }
0x41: {  	s31 =	simm.s32 $0x2;
	[sflag:s2] =	ssyncpa.u1 $0x1  }
0x42: {  	[sflag:s31] =	ssyncpa.u1 $0x1  }
0x43: {  	_ =	strace $0x9000004A  }
0x44: {  	s0 =	sadd.s32 @!p0 $0x100000, s0;
	[bflag:$0x2] =	sbarrier.arrive $0xFFFF  }
0x45: {  	[sflag:s0] =	ssyncadd.tile.s32 @!p0 $0x1;
	s0 =	simm.s32 @!p0 $0x3F  }
0x46: {  	_ =	swait.ge @!p0 [sflag:s0], s1  }
0x47: {  	s1 =	ssub.s32 @!p0 $0x0, s1;
	[sflag:s0] =	ssyncset.done @!p0 $0x0  }
0x48: {  	[sflag:s0] =	ssyncadd.s32 @!p0 s1  }
0x49: {  	[bflag:$0x3] =	sbarrier.arrive $0xFFFF  }
0x4a: {  	_ =	shalt  }
.Lfunc_end2:
execute1_lowered:
.L_overlay_start_2:
0x4b: {  	(tag) =	ssettag $0x2  }
0x4c: {  	s2 =	rddreg [dreg:$0x0]  }
0x4d: {  	s3 =	rddreg [dreg:$0x1];
	_ =	strace $0x8000004D;
	s0 =	simm.s32 $0x1  }
0x4e: {  	s4 =	simm.s32 $0x88;
	v0 =	vimm.s32 $0x0;
	[sflag:s0] =	ssyncpa.u1 $0x0  }
0x4f: {  	[tilespmem:s4+$0x30] =	vst v0  }
0x50: {  	s1 =	sadd.s32 $0xC0800, s2;
	s0 =	sadd.s32 $0x5FA00, s2;
	s6 =	sadd.s32 $0x138800, s2;
	[tilespmem:s4+$0x20] =	vst v0  }
0x51: {  	s14 =	sadd.s32 $0x65200, s2;
	s9 =	sand.u32 $0x1, s3;
	s2 =	simm.s32 $0x40;
	[tilespmem:s4+$0x10] =	vst v0  }
.LBB3_1:
0x52: {  	s2 =	sadd.s32 $0x40, s2  }
0x53: {  	[tilespmem:s4+$0x0] =	vst v0;
	s4 =	sadd.s32 $0x40, s4;
	p0 =	slt.u32 s2, $0x5040  }
.Ltmp5:
0x54: {  	(pc) =	sbr.rel @p0 .LBB3_1-.Ltmp5, $4  }
0x55: {  	_ = 	snop  }
0x56: {  	[tilespmem:s4+$0x30] =	vst v0  }
0x57: {  	[tilespmem:s4+$0x20] =	vst v0  }
0x58: {  	[tilespmem:s4+$0x10] =	vst v0  }
0x59: {  	s10 =	stileid.u32  }
0x5a: {  	s2 =	smul.u32 $0x11, s10  }
0x5b: {  	s3 =	smin.u32 s10, $0xA  }
0x5c: {  	s2 =	sadd.s32 s3, s2  }
0x5d: {  	p0 =	slt.u32 s10, $0xA;
	s7 =	smul.u32 $0x140, s2;
	s2 =	simm.s32 $0x1680  }
0x5e: {  	s2 =	simm.s32 @!p0 $0x1540  }
0x5f: {  	s2 =	sadd.s32 s2, s7  }
0x60: {  	s8 =	smin.u32 s2, $0x16000  }
0x61: {  	s2 =	ssub.s32 s8, s7  }
0x62: {  	s26 =	simm.s32 $0x2;
	s29 =	simm.s32 $0x9;
	p0 =	sgt.s32 s2, $0x0  }
0x63: {  	s30 =	simm.s32 $0xA;
	s31 =	smul.u32 $0x2C00, s9;
	s2 =	simm.s32 @!p0 $0x0  }
0x64: {  	s11 =	simm.s32 $0xB;
	[dreg:$0x4] =	wrdreg s9;
	s28 =	smulhi.u32 $0x66666667, s2  }
0x65: {  	s12 =	simm.s32 $0x1;
	s18 =	simm.s32 $0x0;
	p1 =	por $0x0, $0x0  }
0x66: {  	s19 =	simm.s32 $0xC;
	s23 =	simm.s32 $0x0;
	s3 =	sshrl.u32 s28, $0x7  }
0x67: {  	s20 =	simm.s32 $0x0;
	s22 =	simm.s32 $0x0;
	s5 =	smul.u32 $0x140, s3  }
.Ltmp6:
0x68: {  	[tilespmem:s4+$0x0] =	vst v0;
	v0 =	vimm.s32 $0xFFFFFFFF;
	[sflag:s26] =	ssyncpa.u1 $0x0;
	s16 =	sshll.u32 s10, $0x7;
	(pc) =	sbr.rel .LBB3_3-.Ltmp6, $4  }
0x69: {  	[tilespmem:$0xA108] =	vst v0;
	[sflag:s29] =	ssyncpa.u1 $0x0;
	p0 =	sne.s32 s2, s5;
	s2 =	simm.s32 $0x1  }
0x6a: {  	s14 =	sadd.s32 s31, s14;
	[sflag:s30] =	ssyncpa.u1 $0x0;
	s2 =	simm.s32 @!p0 $0x0  }
0x6b: {  	s15 =	sadd.s32 s31, s0;
	[sflag:s11] =	ssyncpa.u1 $0x0;
	s13 =	sadd.s32 s2, s3  }
0x6c: {  	v0 =	vlaneseq.u32;
	s21 =	smov.u32 s7;
	p0 =	por $0x1, $0x1;
	s17 =	sadd.s32 $0x1, s13  }
.LBB3_24:
0x6d: {  	s0 =	sshrl.u32 s0, $0x2  }
.LBB3_26:
0x6e: {  	_ =	swait.ge [sflag:s19], s0  }
0x6f: {  	s30 =	ssub.s32 $0x0, s0;
	v1 =	vmov s25;
	vm0 =	veq.s32 v0, $0x0;
	[sflag:s19] =	ssyncset.done $0x0  }
0x70: {  	vm15 =	veq.s32 v0, $0x2;
	v1 =	vsel vm0, s31, v1;
	[sflag:s19] =	ssyncadd.s32 s30  }
0x71: {  	v1 =	vsel vm15, s23, v1;
	[sflag:s19] =	ssyncpa.u1 $0x1  }
0x72: {  	[tilespmem:$0xA108] =	vst v1  }
.LBB3_27:
0x73: {  	s0 =	sadd.s32 $0x140, s21  }
0x74: {  	s2 =	smov.u32 s7;
	p2 =	slt.s32 s0, s8  }
0x75: {  	s2 =	smov.u32 @p2 s0;
	p2 =	sne.s32 s22, s17  }
.Ltmp7:
0x76: {  	_ = 	snop;
	(pc) =	sbr.rel @!p2 .LBB3_28-.Ltmp7, $4  }
0x77: {  	_ = 	snop  }
0x78: {  	s23 =	smov.u32 s20  }
0x79: {  	s31 =	sadd.s32 $0x1, s22;
	s20 =	smov.u32 s21;
	p0 =	por !p0, !p0  }
0x7a: {  	p1 =	por !p1, !p1;
	s22 =	smov.u32 s31;
	s21 =	smov.u32 s2  }
.LBB3_3:
0x7b: {  	p2 =	sge.u32 s22, s13  }
0x7c: {  	s0 =	smulhi.u32 @!p2 $0xAAAAAAAB, s22  }
0x7d: {  	s2 =	smov.u32 s21;
	p3 =	sgt.s32 @!p2 s21, $0x15EC0  }
0x7e: {  	s3 =	sshra.s32 @!p2 s21, $0x1F;
	p3 =	por !p3, p2;
	s0 =	sshrl.u32 @!p2 s0, $0x1  }
0x7f: {  	s3 =	sand.u32 @!p2 s3, s21;
	s2 =	simm.s32 @p3 $0x15EC0;
	s0 =	smul.u32 @!p2 $0x3, s0  }
0x80: {  	s2 =	ssub.s32 @!p2 s2, s3  }
0x81: {  	s2 =	sadd.s32 @!p2 $0xFFFEA140, s2;
	s0 =	ssub.s32 @!p2 s22, s0  }
0x82: {  	s3 =	sshll.u32 @!p2 s2, $0x2;
	p3 =	sgt.s32 @!p2 s2, $0x13F;
	s0 =	smul.u32 @!p2 $0x500, s0  }
0x83: {  	s4 =	sand.u32 @!p2 $0x7, s21;
	s2 =	ssub.s32 @!p2 $0x500, s3;
	p3 =	por !p3, p2  }
0x84: {  	s3 =	sshrl.u32 @!p2 s21, $0x3;
	s2 =	sshrl.u32 @!p2 s2, $0x2;
	s0 =	sshrl.u32 @!p2 s0, $0x2  }
0x85: {  	s3 =	sadd.s32 @!p2 s3, s14;
	s2 =	simm.s32 @!p3 $0x0;
	s0 =	sadd.s32 @!p2 $0xA948, s0  }
0x86: {  	[tilespmem:s0], [sflag:$0xA] =	stream.linear.gather @!p2 [hbm4b:s3+s4], s2, $0x38;
	[tilespmem:$0x1EF88] =	vst v63  }
0x87: {  	s4 =	sadd.s32 $0xFFFFFFFF, s22  }
0x88: {  	p2 =	sge.u32 s4, s13  }
0x89: {  	p3 =	sgt.s32 @!p2 s20, $0x15EC0  }
0x8a: {  	s0 =	smov.u32 s20;
	s2 =	sshra.s32 @!p2 s20, $0x1F;
	p3 =	por !p3, p2  }
0x8b: {  	s2 =	sand.u32 @!p2 s2, s20;
	s0 =	simm.s32 @p3 $0x15EC0  }
0x8c: {  	s0 =	ssub.s32 @!p2 s0, s2  }
0x8d: {  	s0 =	sadd.s32 @!p2 $0xFFFEA140, s0  }
0x8e: {  	s2 =	sshll.u32 @!p2 s0, $0x2  }
0x8f: {  	p3 =	sgt.s32 @!p2 s0, $0x13F;
	s0 =	ssub.s32 @!p2 $0x500, s2  }
0x90: {  	p3 =	por !p3, p2;
	s0 =	sshrl.u32 @!p2 s0, $0x2  }
0x91: {  	s3 =	simm.s32 @!p2 $0xA;
	s2 =	sand.u32 @!p2 $0x1, s4;
	s0 =	simm.s32 @!p3 $0x0  }
0x92: {  	s2 =	smul.u32 @!p2 $0x500, s2;
	_ =	swait.ge @!p2 [sflag:s3], s0  }
0x93: {  	s5 =	ssub.s32 @!p2 $0x0, s0;
	[sflag:s3] =	ssyncset.done @!p2 $0x0  }
0x94: {  	s2 =	sshrl.u32 @!p2 s2, $0x2;
	[sflag:s3] =	ssyncadd.s32 @!p2 s5;
	s3 =	sshrl.u32 @!p2 s20, $0x3  }
0x95: {  	s2 =	sadd.s32 @!p2 $0xAD08, s2;
	s5 =	sand.u32 @!p2 $0x7, s20;
	s3 =	sadd.s32 @!p2 s3, s15  }
0x96: {  	[tilespmem:s2], [sflag:$0xB] =	stream.linear.gather @!p2 [hbm4b:s3+s5], s0, $0x38;
	[tilespmem:$0x1EF88] =	vst v63  }
0x97: {  	s0 =	ssub.s32 @!p2 $0x16000, s20  }
0x98: {  	p3 =	slt.s32 @!p2 s0, $0x1  }
0x99: {  	p3 =	por p2, p3  }
.Ltmp8:
0x9a: {  	_ = 	snop;
	(pc) =	sbr.rel @p3 .LBB3_9-.Ltmp8, $1  }
0x9b: {  	_ =	sdelay $0x3  }
0x9c: {  	s2 =	smulhi.u32 $0xAAAAAAAB, s4;
	_ =	sdelay $0x1  }
0x9d: {  	s2 =	sshrl.u32 s2, $0x1  }
0x9e: {  	s2 =	smul.u32 $0x3, s2;
	_ =	sdelay $0x1  }
0x9f: {  	s2 =	ssub.s32 s4, s2  }
0xa0: {  	s3 =	simm.s32 $0x1;
	s2 =	smul.u32 $0x500, s2  }
.Ltmp9:
0xa1: {  	s3 =	simm.s32 @!p0 $0x0;
	(pc) =	sbr.rel .LBB3_6-.Ltmp9, $4  }
0xa2: {  	s3 =	smul.u32 $0x28000, s3  }
0xa3: {  	p3 =	slt.s32 @!p2 s0, $0x140;
	s2 =	sshrl.u32 s2, $0x2  }
0xa4: {  	p2 =	por !p3, p2;
	s3 =	sshrl.u32 s3, $0x2;
	s2 =	sadd.s32 $0xA948, s2  }
0xa5: {  	s24 =	simm.s32 $0x0;
	s0 =	simm.s32 @p2 $0x140;
	s4 =	sadd.s32 $0xAF88, s3;
	v1 =	vmov s2  }
.LBB3_5:
0xa6: {  	p2 =	sge.s32 s24, s0  }
.Ltmp10:
0xa7: {  	_ = 	snop;
	(pc) =	sbr.rel @p2 .LBB3_9-.Ltmp10, $2  }
0xa8: {  	_ =	sdelay $0x2  }
0xa9: {  	s4 =	sadd.s32 $0x800, s4  }
.LBB3_6:
0xaa: {  	p2 =	sle.s32 s0, s24  }
.Ltmp11:
0xab: {  	_ = 	snop;
	(pc) =	sbr.rel @p2 .LBB3_5-.Ltmp11, $2  }
0xac: {  	_ =	sdelay $0x2  }
0xad: {  	s5 =	smov.u32 s24;
	s24 =	sadd.s32 $0x10, s24  }
0xae: {  	s2 =	ssub.s32 s0, s5  }
0xaf: {  	p2 =	slt.s32 s2, $0x10  }
0xb0: {  	s2 =	simm.s32 @!p2 $0x10  }
0xb1: {  	v2 =	vmov s2  }
0xb2: {  	vm0 =	vgt.s32 v2, v0;
	_ =	sdelay $0x5  }
0xb3: {  	v2 =	vld.idx.msk [tilespmem:v1+s5+$0x0 ss:$0x1], vm0;
	_ =	sdelay $0x2  }
0xb4: {  	p2 =	slt.s32 s24, s0;
	s2 =	smov.u32 s0  }
0xb5: {  	s3 =	smov.u32 s4;
	s25 =	simm.s32 $0x0;
	s2 =	smov.u32 @p2 s24  }
.LBB3_8:
0xb6: {  	(v2sf) =	vpush v2, s25;
	_ =	sdelay $0xc  }
0xb7: {  	s25 =	sadd.s32 $0x1, s25  }
0xb8: {  	s31 =	sadd.s32 s25, s5  }
0xb9: {  	p2 =	slt.s32 s31, s2;
	s9 =	spop (v2sf)  }
.Ltmp12:
0xba: {  	s9 =	sshll.u32 s9, $0x4;
	(pc) =	sbr.rel @p2 .LBB3_8-.Ltmp12, $4  }
0xbb: {  	s9 =	sand.u32 $0x1FFFFFF0, s9  }
0xbc: {  	s9 =	sadd.s32 s6, s9  }
0xbd: {  	[tilespmem:s3], [sflag:$0x9] =	stream.linear.gather [hbm4b:s9+s18], $0x40, $0x38;
	[tilespmem:$0x1EF88] =	vst v63  }
0xbe: {  	s3 =	sadd.s32 $0x80, s3  }
.Ltmp13:
0xbf: {  	_ = 	snop;
	(pc) =	sbr.rel .LBB3_5-.Ltmp13, $1  }
0xc0: {  	_ =	sdelay $0x3  }
.LBB3_9:
0xc1: {  	p2 =	slt.u32 s22, $0x2  }
.Ltmp14:
0xc2: {  	_ = 	snop;
	(pc) =	sbr.rel @p2 .LBB3_27-.Ltmp14, $1  }
0xc3: {  	_ =	sdelay $0x3  }
0xc4: {  	p2 =	sgt.s32 s23, $0x15EC0  }
0xc5: {  	s0 =	smov.u32 s23;
	s2 =	sshra.s32 s23, $0x1F;
	s3 =	ssub.s32 $0x16000, s23  }
0xc6: {  	s0 =	simm.s32 @!p2 $0x15EC0;
	s2 =	sand.u32 s2, s23;
	p2 =	slt.s32 s3, $0x140  }
0xc7: {  	s0 =	ssub.s32 s0, s2;
	s3 =	simm.s32 @!p2 $0x140  }
0xc8: {  	s0 =	sadd.s32 $0xFFFEA140, s0;
	s10 =	sshll.u32 s3, $0x6  }
0xc9: {  	s26 =	simm.s32 $0x9;
	s24 =	sshll.u32 s0, $0x2;
	s2 =	sand.u32 $0x3FFFFFC0, s10  }
0xca: {  	p2 =	sgt.s32 s0, $0x13F;
	s25 =	ssub.s32 $0x500, s24;
	_ =	swait.ge [sflag:s26], s2  }
0xcb: {  	s2 =	ssub.s32 $0x0, s2;
	[sflag:s26] =	ssyncset.done $0x0;
	s0 =	sshrl.u32 s25, $0x2  }
0xcc: {  	[sflag:s26] =	ssyncadd.s32 s2;
	s0 =	simm.s32 @p2 $0x0  }
0xcd: {  	_ =	swait.ge [sflag:s11], s0  }
0xce: {  	s0 =	ssub.s32 $0x0, s0;
	[sflag:s11] =	ssyncset.done $0x0  }
0xcf: {  	[sflag:s11] =	ssyncadd.s32 s0  }
0xd0: {  	v1 =	vld [tilespmem:$0xA108];
	_ =	sdelay $0x4  }
0xd1: {  	(v2sf) =	vpush v1, $0x0  }
0xd2: {  	(v2sf) =	vpush v1, $0x1  }
0xd3: {  	(v2sf) =	vpush v1, $0x2;
	_ =	sdelay $0x3  }
0xd4: {  	s0 =	sadd.s32 $0x140, s23  }
0xd5: {  	s2 =	ssub.s32 $0x2C000, s23;
	p2 =	slt.s32 s8, s0  }
0xd6: {  	s0 =	smov.u32 @p2 s8;
	p2 =	sgt.s32 s2, $0x0  }
0xd7: {  	s0 =	ssub.s32 s0, s23;
	s2 =	simm.s32 @!p2 $0x0  }
0xd8: {  	p2 =	slt.s32 s2, s0  }
0xd9: {  	s0 =	smov.u32 @p2 s2  }
0xda: {  	s26 =	simm.s32 $0x1;
	p2 =	slt.s32 s0, $0x1  }
.Ltmp15:
0xdb: {  	s26 =	simm.s32 @!p1 $0x0;
	(pc) =	sbr.rel @p2 .LBB3_14-.Ltmp15, $4  }
0xdc: {  	s30 =	smul.u32 $0x500, s26  }
0xdd: {  	s28 =	spop (v2sf)  }
0xde: {  	s31 =	sshrl.u32 s30, $0x2;
	s29 =	spop (v2sf)  }
0xdf: {  	s24 =	sadd.s32 $0xAD08, s31;
	s23 =	spop (v2sf)  }
0xe0: {  	s2 =	smin.u32 s0, $0x10  }
0xe1: {  	v1 =	vmov s2  }
0xe2: {  	p3 =	sgt.s32 s0, $0x10;
	vm1 =	vgt.u32 v1, v0  }
.Ltmp16:
0xe3: {  	_ = 	snop;
	(pc) =	sbr.rel @!p3 .LBB3_13-.Ltmp16, $2  }
0xe4: {  	_ =	sdelay $0x2  }
0xe5: {  	s5 =	simm.s32 $0x10;
	s25 =	sadd.s32 $0xFFFFFFF0, s0;
	s4 =	smov.u32 s24;
	vm0 =	vmmov vm1  }
.LBB3_12:
0xe6: {  	s2 =	smin.u32 s25, $0x10;
	s5 =	sadd.s32 $0x10, s5;
	v1 =	vld.msk [tilespmem:s4+$0x0 ss:$0x1], vm1  }
0xe7: {  	v2 =	vmov s2;
	p3 =	slt.s32 s5, s0  }
0xe8: {  	vm1 =	vgt.u32 v2, v0  }
.Ltmp17:
0xe9: {  	(pc) =	sbr.rel @p3 .LBB3_12-.Ltmp17, $3  }
0xea: {  	_ =	sdelay $0x1  }
0xeb: {  	v1 =	vshll.u32 v1, $0x4  }
0xec: {  	s25 =	sadd.s32 $0xFFFFFFF0, s25;
	[tilespmem:s4+$0x0] =	vst.msk vm0, v1;
	s4 =	sadd.s32 $0x10, s4;
	vm0 =	vmmov vm1  }
.LBB3_13:
0xed: {  	_ =	sdelay $0x4  }
0xee: {  	v1 =	vld.msk [tilespmem:s4+$0x0 ss:$0x1], vm1;
	_ =	sdelay $0x4  }
0xef: {  	v1 =	vshll.u32 v1, $0x4  }
0xf0: {  	[tilespmem:s4+$0x0] =	vst.msk vm0, v1  }
.LBB3_14:
0xf1: {  	s2 =	sand.u32 $0x1, s22  }
0xf2: {  	s3 =	smul.u32 $0xA000, s2  }
0xf3: {  	p3 =	sne.s32 s29, $0xFFFFFFFF;
	s2 =	smul.u32 $0x140, s2  }
0xf4: {  	v1 =	vld @!p3 [tilespmem:s3+$0xAF88]  }
0xf5: {  	v2 =	vld.msk @!p3 [tilespmem:s2+$0xAD08], $0x1;
	_ =	sdelay $0x3  }
0xf6: {  	[tilespmem:$0x88] =	vst @!p3 v1  }
0xf7: {  	(v2sf) =	vpush @!p3 v2, $0x0;
	v1 =	vld @!p3 [tilespmem:s3+$0xAF98];
	_ =	sdelay $0x4  }
0xf8: {  	[tilespmem:$0x98] =	vst @!p3 v1  }
0xf9: {  	v1 =	vld @!p3 [tilespmem:s3+$0xAFA8];
	_ =	sdelay $0x4  }
0xfa: {  	[tilespmem:$0xA8] =	vst @!p3 v1  }
0xfb: {  	v1 =	vld @!p3 [tilespmem:s3+$0xAFB8]  }
.Ltmp18:
0xfc: {  	_ = 	snop;
	(pc) =	sbr.rel @p2 .LBB3_25-.Ltmp18, $4  }
0xfd: {  	_ = 	snop  }
0xfe: {  	s30 =	spop @!p3 (v2sf)  }
0xff: {  	s23 =	simm.s32 @!p3 $0x0;
	s25 =	smov.u32 s30  }
0x100: {  	s30 =	smov.u32 @p3 s28;
	s25 =	smov.u32 @p3 s29;
	[tilespmem:$0xB8] =	vst @!p3 v1;
	[sflag:s19] =	ssyncpa.u1 $0x0  }
0x101: {  	v1 =	vld.msk [tilespmem:s24+$0x0], $0x1;
	_ =	sdelay $0x4  }
0x102: {  	(v2sf) =	vpush v1, $0x0;
	_ =	sdelay $0xe  }
0x103: {  	s2 =	smul.u32 $0x28000, s26;
	s4 =	spop (v2sf)  }
0x104: {  	s28 =	ssub.s32 $0x0, s0;
	p2 =	seq.s32 s30, s4  }
0x105: {  	s0 =	sadd.s32 $0x1, s28;
	s2 =	sshrl.u32 s2, $0x2;
	p3 =	sgt.s32 @!p2 s30, $0x0  }
0x106: {  	s26 =	sadd.s32 $0xAFA8, s2;
	s2 =	smov.u32 s30;
	p3 =	por !p3, p2  }
0x107: {  	s2 =	simm.s32 @p3 $0x0;
	p3 =	seq.s32 s0, $0x0  }
.Ltmp19:
0x108: {  	_ = 	snop;
	(pc) =	sbr.rel @p3 .LBB3_17-.Ltmp19, $4  }
0x109: {  	_ = 	snop  }
0x10a: {  	s29 =	simm.s32 $0x0;
	s5 =	simm.s32 @!p2 $0x1;
	s3 =	smin.u32 @!p2 s2, $0x27FF8  }
0x10b: {  	s31 =	sadd.s32 $0x1, s24;
	s5 =	smov.u32 @p2 s29;
	s9 =	sand.u32 @!p2 $0x3FFF8, s3  }
0x10c: {  	s2 =	simm.s32 @!p2 $0x50C8;
	s3 =	sand.u32 @!p2 $0x7, s3;
	s9 =	sadd.s32 @!p2 s1, s9  }
.LBB3_16:
0x10d: {  	s10 =	smov.u32 s5  }
0x10e: {  	[tilespmem:s2], [sflag:$0x2] =	stream.linear.gather @!p2 [hbm4b:s9+s3], $0x40, $0x38;
	[tilespmem:$0x1EF88] =	vst v63  }
0x10f: {  	s0 =	sadd.s32 $0x1, s0;
	s3 =	smov.u32 s4;
	v1 =	vld.msk [tilespmem:s31+$0x0], $0x1  }
0x110: {  	p3 =	seq.s32 s0, $0x0;
	_ =	sdelay $0x3  }
0x111: {  	(v2sf) =	vpush v1, $0x0;
	_ =	sdelay $0xe  }
0x112: {  	s4 =	spop (v2sf)  }
0x113: {  	p2 =	seq.s32 s3, s4  }
0x114: {  	p4 =	sgt.s32 @!p2 s3, $0x0;
	s2 =	sshll.u32 @!p2 s5, $0x8;
	s5 =	sadd.s32 @!p2 $0x1, s5  }
.Ltmp20:
0x115: {  	p4 =	por !p4, p2;
	s2 =	sshra.s32 @!p2 s2, $0x2;
	(pc) =	sbr.rel @!p3 .LBB3_16-.Ltmp20, $4  }
0x116: {  	s5 =	smov.u32 @p2 s10;
	s3 =	simm.s32 @p4 $0x0;
	s2 =	sadd.s32 @!p2 $0x50C8, s2  }
0x117: {  	s3 =	smin.u32 @!p2 s3, $0x27FF8  }
0x118: {  	s9 =	sand.u32 @!p2 $0x3FFF8, s3;
	s3 =	sand.u32 @!p2 $0x7, s3  }
0x119: {  	s31 =	sadd.s32 $0x1, s31;
	s9 =	sadd.s32 @!p2 s1, s9  }
.LBB3_17:
0x11a: {  	[tilespmem:s2], [sflag:$0x2] =	stream.linear.gather @!p2 [hbm4b:s9+s3], $0x40, $0x38;
	[tilespmem:$0x1EF88] =	vst v63  }
.Ltmp21:
0x11b: {  	s0 =	sshll.u32 s5, $0x6;
	(pc) =	sbr.rel .LBB3_18-.Ltmp21, $4  }
0x11c: {  	s31 =	simm.s32 $0x2;
	s0 =	sand.u32 $0x3FFFFFC0, s0  }
0x11d: {  	_ =	swait.ge [sflag:s31], s0  }
0x11e: {  	s0 =	ssub.s32 $0x0, s0;
	[sflag:s31] =	ssyncset.done $0x0  }
0x11f: {  	[sflag:s31] =	ssyncadd.s32 s0;
	s0 =	simm.s32 $0x0  }
.LBB3_19:
0x120: {  	v1 =	vld [tilespmem:s26+$0xFFFFFFE0]  }
0x121: {  	v2 =	vld [tilespmem:s4+$0x88];
	_ =	sdelay $0x4  }
0x122: {  	v1 =	vmax.f32 v1, v2  }
0x123: {  	v2 =	vld [tilespmem:s4+$0x98];
	[tilespmem:s4+$0x88] =	vst v1  }
0x124: {  	v1 =	vld [tilespmem:s26+$0xFFFFFFF0];
	_ =	sdelay $0x4  }
0x125: {  	v1 =	vmax.f32 v1, v2  }
0x126: {  	v2 =	vld [tilespmem:s4+$0xA8];
	[tilespmem:s4+$0x98] =	vst v1  }
0x127: {  	v1 =	vld [tilespmem:s26+$0x0];
	_ =	sdelay $0x4  }
0x128: {  	v1 =	vmax.f32 v1, v2  }
0x129: {  	v2 =	vld [tilespmem:s4+$0xB8];
	[tilespmem:s4+$0xA8] =	vst v1  }
0x12a: {  	v1 =	vld [tilespmem:s26+$0x10];
	_ =	sdelay $0x4  }
0x12b: {  	v1 =	vmax.f32 v1, v2  }
0x12c: {  	[tilespmem:s4+$0xB8] =	vst v1  }
.LBB3_23:
0x12d: {  	s28 =	sadd.s32 $0x1, s28  }
0x12e: {  	p2 =	seq.s32 s28, $0x0  }
.Ltmp22:
0x12f: {  	_ = 	snop;
	(pc) =	sbr.rel @p2 .LBB3_24-.Ltmp22, $2  }
0x130: {  	_ =	sdelay $0x2  }
0x131: {  	s26 =	sadd.s32 $0x80, s26;
	s24 =	sadd.s32 $0x1, s24;
	s30 =	smov.u32 s31  }
.LBB3_18:
0x132: {  	v1 =	vld.msk [tilespmem:s24+$0x0], $0x1;
	_ =	sdelay $0x4  }
0x133: {  	(v2sf) =	vpush v1, $0x0;
	_ =	sdelay $0xe  }
0x134: {  	s31 =	spop (v2sf)  }
0x135: {  	p2 =	sne.s32 s30, s31  }
.Ltmp23:
0x136: {  	_ = 	snop;
	(pc) =	sbr.rel @!p2 .LBB3_19-.Ltmp23, $3  }
0x137: {  	_ =	sdelay $0x1  }
0x138: {  	s2 =	sshll.u32 s23, $0x8  }
0x139: {  	s4 =	sshra.s32 s2, $0x2  }
0x13a: {  	p2 =	seq.s32 s30, s25  }
.Ltmp24:
0x13b: {  	_ = 	snop;
	(pc) =	sbr.rel @!p2 .LBB3_21-.Ltmp24, $1  }
0x13c: {  	_ =	sdelay $0x3  }
.Ltmp25:
0x13d: {  	s2 =	sadd.s32 $0x88, s4;
	(pc) =	sbr.rel .LBB3_22-.Ltmp25, $4  }
0x13e: {  	[spmem:s16] =	stream.linear.scatter [tilespmem:s2], [sflag:$0x1], $0x40, $0x38;
	[tilespmem:$0x1EF88] =	vst v63  }
0x13f: {  	_ =	swait.ge [sflag:s12], $0x40  }
0x140: {  	[sflag:s12] =	ssyncset.done $0x0  }
0x141: {  	[sflag:s12] =	ssyncadd.s32 $0xFFFFFFC0  }
.LBB3_21:
0x142: {  	s2 =	sshll.u32 s29, $0x8  }
0x143: {  	v2 =	vld [tilespmem:s4+$0x88];
	s2 =	sshra.s32 s2, $0x2  }
0x144: {  	v1 =	vld [tilespmem:s2+$0x50C8];
	_ =	sdelay $0x4  }
0x145: {  	v1 =	vmax.f32 v1, v2  }
0x146: {  	v2 =	vld [tilespmem:s4+$0x98];
	[tilespmem:s4+$0x88] =	vst v1  }
0x147: {  	v1 =	vld [tilespmem:s2+$0x50D8];
	_ =	sdelay $0x4  }
0x148: {  	v1 =	vmax.f32 v1, v2  }
0x149: {  	v2 =	vld [tilespmem:s4+$0xA8];
	[tilespmem:s4+$0x98] =	vst v1  }
0x14a: {  	v1 =	vld [tilespmem:s2+$0x50E8];
	_ =	sdelay $0x4  }
0x14b: {  	v1 =	vmax.f32 v1, v2  }
0x14c: {  	v2 =	vld [tilespmem:s4+$0xB8];
	[tilespmem:s4+$0xA8] =	vst v1  }
0x14d: {  	v1 =	vld [tilespmem:s2+$0x50F8];
	_ =	sdelay $0x3  }
0x14e: {  	p2 =	sgt.u32 s30, $0x27FF8  }
0x14f: {  	s2 =	sand.u32 @!p2 $0x3FFF8, s30;
	v1 =	vmax.f32 v1, v2  }
0x150: {  	s3 =	sadd.s32 $0x88, s4;
	s2 =	sadd.s32 @!p2 s1, s2;
	[tilespmem:s4+$0xB8] =	vst v1;
	s4 =	sand.u32 @!p2 $0x7, s30  }
0x151: {  	[hbm4b:s2+s4] =	stream.linear.scatter @!p2 [tilespmem:s3], [sflag:$0xC], $0x40, $0x38;
	[tilespmem:$0x1EF88] =	vst v63  }
0x152: {  	s2 =	simm.s32 $0x0  }
0x153: {  	s2 =	simm.s32 @!p2 $0x100  }
0x154: {  	s0 =	sadd.s32 s2, s0  }
.LBB3_22:
0x155: {  	s2 =	sadd.s32 $0x1, s23  }
0x156: {  	s3 =	smulhi.u32 $0xCCCCCCCD, s2;
	_ =	sdelay $0x1  }
0x157: {  	v1 =	vld [tilespmem:s26+$0xFFFFFFE0];
	s3 =	sshrl.u32 s3, $0x8  }
0x158: {  	s3 =	smul.u32 $0x140, s3;
	_ =	sdelay $0x1  }
0x159: {  	s23 =	ssub.s32 s2, s3  }
0x15a: {  	s2 =	sshll.u32 s23, $0x6  }
0x15b: {  	[tilespmem:s2+$0x88] =	vst v1  }
0x15c: {  	v1 =	vld [tilespmem:s26+$0xFFFFFFF0];
	_ =	sdelay $0x4  }
0x15d: {  	[tilespmem:s2+$0x98] =	vst v1  }
0x15e: {  	v1 =	vld [tilespmem:s26+$0x0];
	_ =	sdelay $0x4  }
0x15f: {  	[tilespmem:s2+$0xA8] =	vst v1  }
0x160: {  	v1 =	vld [tilespmem:s26+$0x10]  }
.Ltmp26:
0x161: {  	_ = 	snop;
	(pc) =	sbr.rel .LBB3_23-.Ltmp26, $2  }
0x162: {  	_ =	sdelay $0x2  }
0x163: {  	s29 =	sadd.s32 $0x1, s29;
	[tilespmem:s2+$0xB8] =	vst v1  }
.LBB3_25:
.Ltmp27:
0x164: {  	(pc) =	sbr.rel .LBB3_26-.Ltmp27, $4  }
0x165: {  	_ = 	snop  }
0x166: {  	s0 =	simm.s32 $0x2  }
0x167: {  	_ =	swait.ge [sflag:s0], $0x0  }
0x168: {  	s31 =	smov.u32 s30;
	[sflag:s0] =	ssyncset.done $0x0;
	s0 =	simm.s32 $0x0  }
.LBB3_28:
0x169: {  	_ =	sfence.sel $0x180000  }
0x16a: {  	s0 =	simm.s32 $0x9;
	[bflag:$0x0] =	sbarrier.arrive $0xFFFF  }
0x16b: {  	s24 =	simm.s32 $0xA;
	[sflag:s0] =	ssyncpa.u1 $0x1  }
0x16c: {  	s25 =	simm.s32 $0xB;
	[sflag:s24] =	ssyncpa.u1 $0x1  }
0x16d: {  	s26 =	simm.s32 $0x2;
	[sflag:s25] =	ssyncpa.u1 $0x1  }
0x16e: {  	[sflag:s26] =	ssyncpa.u1 $0x1  }
0x16f: {  	v0 =	vld [tilespmem:$0xA108];
	_ =	sdelay $0x4  }
0x170: {  	(v2sf) =	vpush v0, $0x0  }
0x171: {  	(v2sf) =	vpush v0, $0x1;
	_ =	sdelay $0x1  }
0x172: {  	(v2sf) =	vpush v0, $0x2;
	_ =	sdelay $0xb  }
0x173: {  	s0 =	spop (v2sf)  }
0x174: {  	s2 =	spop (v2sf)  }
0x175: {  	s3 =	smov.u32 s0;
	p0 =	sne.s32 s0, s2  }
0x176: {  	s4 =	spop (v2sf);
	s3 =	simm.s32 @!p0 $0xFFFFFFFF  }
0x177: {  	v2 =	vimm.s32 $0x1;
	v3 =	vlaneseq.u32;
	p0 =	seq.s32 s4, $0xFFFFFFFF;
	v1 =	vmov s3  }
0x178: {  	s15 =	stileid.u32;
	v0 =	vperm.xlane v0, v2;
	p1 =	sne.s32 @!p0 s0, s2;
	v1 =	vperm.xlane v1, v3  }
0x179: {  	vm0 =	vcmask $0x3F04;
	s6 =	simm.s32 $0xA108;
	s0 =	simm.s32 @!p0 $0x1;
	p1 =	por !p1, p0  }
0x17a: {  	s3 =	sshll.u32 s15, $0x1;
	s2 =	sshll.u32 @!p0 s4, $0x8;
	s0 =	simm.s32 @p1 $0x0;
	v0 =	vsel vm0, v1, v0  }
0x17b: {  	s5 =	sor.u32 $0x800, s3;
	s2 =	sshra.s32 @!p0 s2, $0x2;
	s0 =	sor.u32 @!p0 s0, s3;
	[tilespmem:$0xA108] =	vst v0  }
0x17c: {  	[spmem:s5] =	stream.linear.scatter [tilespmem:s6], [sflag:$0x1], $0x2, $0x38;
	[tilespmem:$0x1EF88] =	vst v63  }
0x17d: {  	s2 =	sadd.s32 @!p0 $0x88, s2;
	s0 =	sshll.u32 @!p0 s0, $0x6  }
0x17e: {  	[spmem:s0] =	stream.linear.scatter @!p0 [tilespmem:s2], [sflag:$0x1], $0x40, $0x38;
	[tilespmem:$0x1EF88] =	vst v63  }
0x17f: {  	s0 =	simm.s32 @!p0 $0x42  }
0x180: {  	s28 =	simm.s32 $0x1;
	s0 =	simm.s32 @p0 $0x2  }
0x181: {  	_ =	swait.ge [sflag:s28], s0  }
0x182: {  	s0 =	ssub.s32 $0x0, s0;
	[sflag:s28] =	ssyncset.done $0x0  }
0x183: {  	p0 =	sne.s32 s15, $0x0;
	[sflag:s28] =	ssyncadd.s32 s0  }
.Ltmp28:
0x184: {  	_ =	sfence.stream.spmem;
	(pc) =	sbr.rel @p0 .LBB3_45-.Ltmp28, $4  }
0x185: {  	s29 =	simm.s32 $0x3;
	[bflag:$0x0] =	sbarrier.arrive $0xFFFF  }
0x186: {  	s30 =	simm.s32 $0x4;
	[sflag:s29] =	ssyncpa.u1 $0x1  }
0x187: {  	s31 =	simm.s32 $0x3C;
	[sflag:s30] =	ssyncpa.u1 $0x1  }
0x188: {  	s14 =	rddreg [dreg:$0x4];
	[sflag:s31] =	ssyncpa.u1 $0x1  }
0x189: {  	_ =	sfence.stream.spmem;
	s0 =	simm.s32 $0x5  }
0x18a: {  	s2 =	simm.s32 $0x800;
	s3 =	simm.s32 $0xA118;
	[sflag:s0] =	ssyncpa.u1 $0x0  }
0x18b: {  	[tilespmem:s3], [sflag:$0x5] =	stream.linear.gather [spmem:s2], $0x20, $0x38;
	[tilespmem:$0x1EF88] =	vst v63  }
0x18c: {  	s26 =	simm.s32 $0x0;
	s28 =	simm.s32 $0xA138  }
0x18d: {  	[tilespmem:s28], [sflag:$0x5] =	stream.linear.gather [spmem:s26], $0x800, $0x38;
	[tilespmem:$0x1EF88] =	vst v63  }
0x18e: {  	_ =	swait.ge [sflag:s0], $0x820  }
0x18f: {  	[sflag:s0] =	ssyncset.done $0x0  }
0x190: {  	s29 =	simm.s32 $0x0;
	[sflag:s0] =	ssyncadd.s32 $0xFFFFF7E0  }
0x191: {  	v0 =	vld.msk [tilespmem:s29+$0xA118], $0x1;
	_ =	sdelay $0x1  }
0x192: {  	s30 =	simm.s32 $0x1  }
0x193: {  	v1 =	vld.msk [tilespmem:s30+$0xA118], $0x1;
	_ =	sdelay $0x1  }
0x194: {  	(v2sf) =	vpush v0, $0x0;
	_ =	sdelay $0x2  }
0x195: {  	(v2sf) =	vpush v1, $0x0;
	_ =	sdelay $0x2  }
0x196: {  	s31 =	simm.s32 $0x2  }
0x197: {  	v0 =	vld.msk [tilespmem:s31+$0xA118], $0x1;
	_ =	sdelay $0x2  }
0x198: {  	s4 =	simm.s32 $0xFFFFFFFF;
	s2 =	simm.s32 $0xFFFFFFFF;
	s0 =	simm.s32 $0xC  }
.LBB3_30:
0x199: {  	s3 =	smov.u32 s4;
	s5 =	smov.u32 s2  }
0x19a: {  	s2 =	sshra.s32 s0, $0x2;
	p1 =	sne.s32 s0, $0x7C;
	s0 =	sadd.s32 $0x4, s0;
	(v2sf) =	vpush v0, $0x0  }
0x19b: {  	v0 =	vld.msk [tilespmem:s2+$0xA118], $0x1  }
.Ltmp29:
0x19c: {  	(pc) =	sbr.rel @p1 .LBB3_30-.Ltmp29, $4  }
0x19d: {  	s4 =	spop (v2sf)  }
0x19e: {  	p2 =	sne.s32 s5, $0xFFFFFFFF;
	s2 =	smov.u32 s4  }
0x19f: {  	p3 =	seq.s32 s4, $0xFFFFFFFF;
	s2 =	smov.u32 @p2 s5  }
0x1a0: {  	s4 =	smov.u32 @p3 s3;
	s2 =	smov.u32 @p3 s5  }
0x1a1: {  	(v2sf) =	vpush v0, $0x0;
	_ =	sdelay $0x8  }
0x1a2: {  	s0 =	spop (v2sf)  }
0x1a3: {  	p1 =	sne.s32 s2, $0xFFFFFFFF;
	s3 =	smov.u32 s0  }
0x1a4: {  	s9 =	simm.s32 $0x6;
	p2 =	seq.s32 s0, $0xFFFFFFFF;
	s3 =	smov.u32 @p1 s2  }
0x1a5: {  	s6 =	simm.s32 $0x0;
	s3 =	smov.u32 @p2 s2;
	s2 =	spop (v2sf)  }
0x1a6: {  	s0 =	smov.u32 @p2 s4;
	p1 =	sne.s32 s3, $0xFFFFFFFF;
	s5 =	smov.u32 s2  }
.Ltmp30:
0x1a7: {  	p2 =	seq.s32 s2, $0xFFFFFFFF;
	s5 =	smov.u32 @p1 s3;
	(pc) =	sbr.rel .LBB3_32-.Ltmp30, $4  }
0x1a8: {  	s10 =	simm.s32 $0xA0C8;
	s5 =	smov.u32 @p2 s3;
	s7 =	spop (v2sf)  }
0x1a9: {  	s11 =	simm.s32 $0x0;
	p1 =	sne.s32 s5, $0xFFFFFFFF;
	s8 =	smov.u32 s7  }
0x1aa: {  	s2 =	smov.u32 @p2 s0;
	p2 =	seq.s32 s7, $0xFFFFFFFF;
	s8 =	smov.u32 @p1 s5  }
0x1ab: {  	[sflag:s9] =	ssyncpa.u1 $0x0;
	s7 =	smov.u32 @p2 s2;
	s8 =	smov.u32 @p2 s5  }
.LBB3_38:
0x1ac: {  	p1 =	sgt.u32 s0, $0x27FF8  }
0x1ad: {  	p2 =	seq.s32 @!p1 s0, s8  }
0x1ae: {  	p1 =	por p1, p2  }
0x1af: {  	p2 =	sne.s32 @!p1 s0, s7  }
0x1b0: {  	p1 =	por p1, !p2  }
0x1b1: {  	s0 =	sshll.u32 @p1 s11, $0x8  }
0x1b2: {  	s2 =	sand.u32 @!p1 $0x3FFF8, s0  }
0x1b3: {  	s0 =	sand.u32 @!p1 $0x7, s0;
	s2 =	sadd.s32 @!p1 s1, s2  }
0x1b4: {  	[tilespmem:s10], [sflag:$0x6] =	stream.linear.gather @!p1 [hbm4b:s2+s0], $0x40, $0x38;
	[tilespmem:$0x1EF88] =	vst v63  }
0x1b5: {  	_ =	swait.ge @!p1 [sflag:s9], $0x40  }
0x1b6: {  	[sflag:s9] =	ssyncset.done @!p1 $0x0  }
0x1b7: {  	s0 =	sshll.u32 @!p1 s11, $0x8;
	[sflag:s9] =	ssyncadd.s32 @!p1 $0xFFFFFFC0  }
0x1b8: {  	s2 =	sshrl.u32 @!p1 s0, $0x2;
	v1 =	vld @!p1 [tilespmem:$0xA0C8]  }
0x1b9: {  	v2 =	vld @!p1 [tilespmem:s2+$0xA138];
	_ =	sdelay $0x4  }
0x1ba: {  	v1 =	vmax.f32 @!p1 v1, v2  }
0x1bb: {  	v2 =	vld @!p1 [tilespmem:s2+$0xA148];
	[tilespmem:s2+$0xA138] =	vst @!p1 v1  }
0x1bc: {  	v1 =	vld @!p1 [tilespmem:$0xA0D8];
	_ =	sdelay $0x4  }
0x1bd: {  	v1 =	vmax.f32 @!p1 v1, v2  }
0x1be: {  	v2 =	vld @!p1 [tilespmem:s2+$0xA158];
	[tilespmem:s2+$0xA148] =	vst @!p1 v1  }
0x1bf: {  	v1 =	vld @!p1 [tilespmem:$0xA0E8];
	_ =	sdelay $0x4  }
0x1c0: {  	v1 =	vmax.f32 @!p1 v1, v2  }
0x1c1: {  	v2 =	vld @!p1 [tilespmem:s2+$0xA168];
	[tilespmem:s2+$0xA158] =	vst @!p1 v1  }
0x1c2: {  	v1 =	vld @!p1 [tilespmem:$0xA0F8];
	_ =	sdelay $0x4  }
0x1c3: {  	v1 =	vmax.f32 @!p1 v1, v2  }
0x1c4: {  	[tilespmem:s2+$0xA168] =	vst @!p1 v1  }
0x1c5: {  	s0 =	sshrl.u32 s0, $0x2;
	[tilespmem:s6+$0xA118] =	vst.msk $0x1, v0  }
0x1c6: {  	v0 =	vld [tilespmem:s0+$0xA138];
	_ =	sdelay $0x2  }
0x1c7: {  	s31 =	sshll.u32 s6, $0x8  }
0x1c8: {  	s2 =	sshra.s32 s31, $0x2  }
0x1c9: {  	[tilespmem:s2+$0xA138] =	vst v0  }
0x1ca: {  	v0 =	vld [tilespmem:s0+$0xA148];
	_ =	sdelay $0x4  }
0x1cb: {  	[tilespmem:s2+$0xA148] =	vst v0  }
0x1cc: {  	v0 =	vld [tilespmem:s0+$0xA158];
	_ =	sdelay $0x4  }
0x1cd: {  	[tilespmem:s2+$0xA158] =	vst v0  }
0x1ce: {  	v0 =	vld [tilespmem:s0+$0xA168];
	_ =	sdelay $0x4  }
0x1cf: {  	s6 =	sadd.s32 $0x1, s6;
	[tilespmem:s2+$0xA168] =	vst v0  }
.LBB3_39:
0x1d0: {  	s11 =	sadd.s32 $0x1, s11  }
0x1d1: {  	p1 =	sne.s32 s11, $0x20  }
.Ltmp31:
0x1d2: {  	_ = 	snop;
	(pc) =	sbr.rel @!p1 .LBB3_40-.Ltmp31, $1  }
0x1d3: {  	_ =	sdelay $0x3  }
.LBB3_32:
0x1d4: {  	v0 =	vld.msk [tilespmem:s11+$0xA118], $0x1;
	_ =	sdelay $0x4  }
0x1d5: {  	(v2sf) =	vpush v0, $0x0;
	_ =	sdelay $0xe  }
0x1d6: {  	s0 =	spop (v2sf)  }
0x1d7: {  	p1 =	seq.s32 s0, $0xFFFFFFFF  }
.Ltmp32:
0x1d8: {  	_ = 	snop;
	(pc) =	sbr.rel @p1 .LBB3_39-.Ltmp32, $1  }
0x1d9: {  	_ =	sdelay $0x3  }
0x1da: {  	p1 =	slt.s32 s6, $0x1  }
.Ltmp33:
0x1db: {  	_ = 	snop;
	(pc) =	sbr.rel @p1 .LBB3_38-.Ltmp33, $1  }
0x1dc: {  	_ =	sdelay $0x3  }
0x1dd: {  	s12 =	simm.s32 $0xA118;
	p1 =	por $0x0, $0x0  }
0x1de: {  	v1 =	vld.msk @!p1 [tilespmem:s12+$0x0], $0x1;
	_ =	sdelay $0x4  }
0x1df: {  	(v2sf) =	vpush @!p1 v1, $0x0;
	_ =	sdelay $0xd  }
0x1e0: {  	p3 =	sne.s32 s6, $0x1  }
.Ltmp34:
0x1e1: {  	s2 =	spop @!p1 (v2sf);
	(pc) =	sbr.rel @!p3 .LBB3_36-.Ltmp34, $4  }
0x1e2: {  	p2 =	seq.s32 @!p1 s0, s2  }
0x1e3: {  	s13 =	simm.s32 $0x0;
	p2 =	por !p2, p1  }
0x1e4: {  	s2 =	simm.s32 $0xFFFFFFFF;
	s13 =	simm.s32 @p2 $0xFFFFFFFF  }
0x1e5: {  	s4 =	simm.s32 $0x1;
	s13 =	smov.u32 @p1 s2  }
.LBB3_35:
0x1e6: {  	s2 =	smov.u32 s13;
	p1 =	sne.s32 s13, $0xFFFFFFFF  }
0x1e7: {  	s12 =	sadd.s32 $0x1, s12;
	s13 =	smov.u32 s4;
	s4 =	sadd.s32 $0x1, s4  }
0x1e8: {  	p2 =	sne.s32 s6, s4;
	v1 =	vld.msk @!p1 [tilespmem:s12+$0x0], $0x1;
	_ =	sdelay $0x4  }
0x1e9: {  	(v2sf) =	vpush @!p1 v1, $0x0;
	_ =	sdelay $0xe  }
.Ltmp35:
0x1ea: {  	s3 =	spop @!p1 (v2sf);
	(pc) =	sbr.rel @p2 .LBB3_35-.Ltmp35, $4  }
0x1eb: {  	p3 =	seq.s32 @!p1 s0, s3  }
0x1ec: {  	p3 =	por !p3, p1  }
0x1ed: {  	s13 =	simm.s32 @p3 $0xFFFFFFFF  }
0x1ee: {  	s13 =	smov.u32 @p1 s2  }
.LBB3_36:
0x1ef: {  	p1 =	seq.s32 s13, $0xFFFFFFFF  }
.Ltmp36:
0x1f0: {  	_ = 	snop;
	(pc) =	sbr.rel @p1 .LBB3_38-.Ltmp36, $1  }
0x1f1: {  	_ =	sdelay $0x3  }
0x1f2: {  	s0 =	sshll.u32 s11, $0x6  }
0x1f3: {  	s2 =	sshll.u32 s13, $0x8;
	s0 =	sand.u32 $0x3FFFFFC0, s0  }
0x1f4: {  	s2 =	sshra.s32 s2, $0x2;
	v0 =	vld [tilespmem:s0+$0xA138]  }
0x1f5: {  	v1 =	vld [tilespmem:s2+$0xA138];
	_ =	sdelay $0x4  }
0x1f6: {  	v0 =	vmax.f32 v0, v1  }
0x1f7: {  	v61 =	vld [tilespmem:s2+$0xA148];
	[tilespmem:s2+$0xA138] =	vst v0  }
0x1f8: {  	v0 =	vld [tilespmem:s0+$0xA148];
	_ =	sdelay $0x4  }
0x1f9: {  	v0 =	vmax.f32 v0, v61  }
0x1fa: {  	v62 =	vld [tilespmem:s2+$0xA158];
	[tilespmem:s2+$0xA148] =	vst v0  }
0x1fb: {  	v0 =	vld [tilespmem:s0+$0xA158];
	_ =	sdelay $0x4  }
0x1fc: {  	v0 =	vmax.f32 v0, v62  }
0x1fd: {  	v63 =	vld [tilespmem:s2+$0xA168];
	[tilespmem:s2+$0xA158] =	vst v0  }
0x1fe: {  	v0 =	vld [tilespmem:s0+$0xA168];
	_ =	sdelay $0x1  }
.Ltmp37:
0x1ff: {  	_ = 	snop;
	(pc) =	sbr.rel .LBB3_39-.Ltmp37, $3  }
0x200: {  	_ =	sdelay $0x1  }
0x201: {  	v0 =	vmax.f32 v0, v63  }
0x202: {  	[tilespmem:s2+$0xA168] =	vst v0  }
.LBB3_40:
0x203: {  	s0 =	simm.s32 $0x6;
	p1 =	seq.s32 s6, $0x0  }
0x204: {  	[sflag:s0] =	ssyncpa.u1 $0x1;
	v0 =	vimm.s32 @p1 $0xFFFFFFFF  }
0x205: {  	s0 =	sadd.s32 $0xFFFFFFFF, s6;
	[tilespmem:$0xA938] =	vst @p1 v0  }
0x206: {  	v0 =	vld.msk @!p1 [tilespmem:s0+$0xA118], $0x1;
	_ =	sdelay $0x1  }
0x207: {  	v1 =	vld.msk @!p1 [tilespmem:$0xA118], $0x1;
	_ =	sdelay $0x2  }
0x208: {  	p2 =	seq.s32 @!p1 s0, $0x0;
	v0 =	vbroadcast @!p1 v0, $0x0  }
0x209: {  	vm0 =	vmmov @!p1 $0x1;
	p2 =	por !p2, p1  }
0x20a: {  	v1 =	vnsel @!p1 vm0, $0xFFFFFFFF, v1;
	vm0 =	vcmask @!p1 $0x308;
	v0 =	vpsel !p2, $0xFFFFFFFF, v0  }
0x20b: {  	p2 =	sne.s32 @!p1 s8, s7;
	v0 =	vsel @!p1 vm0, v1, v0  }
0x20c: {  	s2 =	simm.s32 @!p1 $0xA138;
	s3 =	simm.s32 @!p1 $0x0;
	p3 =	por !p2, p1;
	[tilespmem:$0xA938] =	vst @!p1 v0  }
0x20d: {  	[spmem:s3] =	stream.linear.scatter @!p1 [tilespmem:s2], [sflag:$0x1], $0x40, $0x38;
	[tilespmem:$0x1EF88] =	vst v63  }
0x20e: {  	s2 =	sshll.u32 @!p3 s0, $0x8  }
0x20f: {  	s2 =	sshra.s32 @!p3 s2, $0x2  }
0x210: {  	s3 =	simm.s32 @!p3 $0x40;
	s2 =	sadd.s32 @!p3 $0xA138, s2  }
0x211: {  	[spmem:s3] =	stream.linear.scatter @!p3 [tilespmem:s2], [sflag:$0x1], $0x40, $0x38;
	[tilespmem:$0x1EF88] =	vst v63  }
0x212: {  	s2 =	simm.s32 @!p3 $0x1  }
0x213: {  	_ =	swait.ge @!p3 [sflag:s2], $0x80  }
0x214: {  	p1 =	por p2, p1;
	[sflag:s2] =	ssyncset.done @!p3 $0x0  }
0x215: {  	[sflag:s2] =	ssyncadd.s32 @!p3 $0xFFFFFF80;
	s2 =	simm.s32 @!p1 $0x1  }
0x216: {  	_ =	swait.ge @!p1 [sflag:s2], $0x40  }
0x217: {  	s29 =	simm.s32 $0xA938;
	[sflag:s2] =	ssyncset.done @!p1 $0x0  }
0x218: {  	s30 =	simm.s32 $0x800;
	s31 =	simm.s32 $0x1;
	[sflag:s2] =	ssyncadd.s32 @!p1 $0xFFFFFFC0  }
0x219: {  	[spmem:s30] =	stream.linear.scatter [tilespmem:s29], [sflag:$0x1], $0x10, $0x38;
	[tilespmem:$0x1EF88] =	vst v63  }
0x21a: {  	_ =	swait.ge [sflag:s31], $0x10  }
0x21b: {  	[sflag:s31] =	ssyncset.done $0x0  }
0x21c: {  	p1 =	seq.s32 s14, $0x0;
	s9 =	rddreg [dreg:$0x1];
	[sflag:s31] =	ssyncadd.s32 $0xFFFFFFF0  }
0x21d: {  	s3 =	sshll.u32 @p1 s9, $0xE;
	s8 =	rddreg [dreg:$0x2]  }
0x21e: {  	s2 =	sadd.s32 @p1 $0x15C3C, s3;
	s3 =	sshll.u32 @p1 s8, $0x11  }
0x21f: {  	_ =	sfence.stream.spmem;
	s2 =	sor.u32 @p1 s3, s2  }
0x220: {  	[sflag:s2] =	ssyncadd.remote.s32 @p1 $0x1;
	s2 =	simm.s32 @p1 $0x4  }
0x221: {  	s4 =	simm.s32 @!p1 $0x3C;
	s3 =	sand.u32 $0xFFFFFFFE, s9;
	_ =	swait.ge @p1 [sflag:s2], $0x12  }
0x222: {  	s5 =	simm.s32 @!p1 $0x0;
	s3 =	sadd.s32 @!p1 $0x4, s3;
	[sflag:s2] =	ssyncset.done @p1 $0x0  }
0x223: {  	s7 =	simm.s32 @!p1 $0x80;
	[sflag:s2] =	ssyncadd.s32 @p1 $0xFFFFFFEE;
	s2 =	sshll.u32 @!p1 s3, $0x1A  }
0x224: {  	s3 =	sshll.u32 @!p1 s3, $0xD;
	s2 =	sor.u32 @!p1 s2, s8;
	_ =	swait.eq @!p1 [sflag:s4], $0x1  }
0x225: {  	s3 =	sor.u32 @!p1 $0x1C04, s3;
	s4 =	simm.s32 @!p1 $0x1C03;
	s2 =	sor.u32 @!p1 $0x80004000, s2  }
0x226: {  	[spmem:s7], [sflag:s3] =	dma.general @!p1 [spmem:s5], [sflag:s4], length:$0x10, [dreg:$0x0], stride_count:$0x0, ici_dest:s2, dma_misc:DstOpCode:WRITE  }
0x227: {  	p2 =	slt.s32 s0, $0x2;
	s5 =	simm.s32 @!p1 $0x100;
	s7 =	simm.s32 @!p1 $0x102  }
0x228: {  	[spmem:s7], [sflag:s3] =	dma.general @!p1 [spmem:s5], [sflag:s4], length:$0x2, [dreg:$0x0], stride_count:$0x0, ici_dest:s2, dma_misc:DstOpCode:WRITE  }
.Ltmp38:
0x229: {  	s2 =	simm.s32 @!p1 $0x3;
	(pc) =	sbr.rel @p2 .LBB3_44-.Ltmp38, $4  }
0x22a: {  	s3 =	sshll.u32 @!p1 s9, $0xE;
	_ =	swait.ge @!p1 [sflag:s2], $0x12  }
0x22b: {  	s4 =	sshll.u32 @!p1 s8, $0x11;
	s3 =	sadd.s32 @!p1 $0x11C3C, s3;
	[sflag:s2] =	ssyncset.done @!p1 $0x0  }
0x22c: {  	[sflag:s2] =	ssyncadd.s32 @!p1 $0xFFFFFFEE;
	s2 =	sor.u32 @!p1 s4, s3  }
0x22d: {  	s0 =	simm.s32 $0x0;
	[sflag:s2] =	ssyncadd.remote.s32 @!p1 $0xFFFFFFFF  }
0x22e: {  	s0 =	simm.s32 $0xA119  }
0x22f: {  	v0 =	vld.msk [tilespmem:s0+$0x0], $0x1;
	_ =	sdelay $0x4  }
0x230: {  	(v2sf) =	vpush v0, $0x0;
	_ =	sdelay $0xd  }
0x231: {  	s3 =	sadd.s32 $0xFFFFFFFE, s6  }
0x232: {  	s4 =	sadd.s32 $0xFFFFFFFF, s3;
	s2 =	spop (v2sf)  }
0x233: {  	p2 =	sne.s32 s4, $0x0;
	p1 =	sgt.u32 s2, $0x27FF8  }
.Ltmp39:
0x234: {  	s5 =	sand.u32 @!p1 $0x3FFF8, s2;
	(pc) =	sbr.rel @!p2 .LBB3_43-.Ltmp39, $4  }
0x235: {  	s0 =	simm.s32 $0xA178;
	s2 =	sand.u32 @!p1 $0x7, s2;
	s3 =	sadd.s32 @!p1 s1, s5  }
0x236: {  	[hbm4b:s3+s2] =	stream.linear.scatter @!p1 [tilespmem:s0], [sflag:$0x5], $0x40, $0x38;
	[tilespmem:$0x1EF88] =	vst v63  }
0x237: {  	s2 =	simm.s32 $0x0  }
0x238: {  	s6 =	simm.s32 $0xA11A;
	s5 =	simm.s32 $0x0;
	s2 =	simm.s32 @!p1 $0x100  }
.LBB3_42:
0x239: {  	v0 =	vld.msk [tilespmem:s6+$0x0], $0x1;
	s4 =	sadd.s32 $0xFFFFFFFF, s4;
	s5 =	sadd.s32 s5, s2  }
0x23a: {  	p1 =	sne.s32 s4, $0x0;
	_ =	sdelay $0x3  }
0x23b: {  	(v2sf) =	vpush v0, $0x0;
	_ =	sdelay $0xe  }
.Ltmp40:
0x23c: {  	s3 =	spop (v2sf);
	(pc) =	sbr.rel @p1 .LBB3_42-.Ltmp40, $4  }
0x23d: {  	s2 =	simm.s32 $0x0;
	p2 =	sgt.u32 s3, $0x27FF8  }
0x23e: {  	s0 =	sadd.s32 $0x40, s0;
	s2 =	simm.s32 @!p2 $0x100;
	s7 =	sand.u32 @!p2 $0x3FFF8, s3  }
0x23f: {  	s6 =	sadd.s32 $0x1, s6;
	s3 =	sand.u32 @!p2 $0x7, s3;
	s7 =	sadd.s32 @!p2 s1, s7  }
0x240: {  	[hbm4b:s7+s3] =	stream.linear.scatter @!p2 [tilespmem:s0], [sflag:$0x5], $0x40, $0x38;
	[tilespmem:$0x1EF88] =	vst v63  }
.LBB3_43:
0x241: {  	s0 =	sadd.s32 s5, s2  }
0x242: {  	s0 =	sshrl.u32 s0, $0x2  }
.LBB3_44:
0x243: {  	s2 =	simm.s32 $0x5  }
0x244: {  	_ =	swait.ge [sflag:s2], s0  }
0x245: {  	s31 =	ssub.s32 $0x0, s0;
	[sflag:s2] =	ssyncset.done $0x0  }
0x246: {  	[sflag:s2] =	ssyncadd.s32 s31  }
0x247: {  	[sflag:s2] =	ssyncpa.u1 $0x1  }
.LBB3_45:
0x248: {  	s0 =	sor.u32 s14, s15  }
0x249: {  	p1 =	sne.s32 s0, $0x0  }
.Ltmp41:
0x24a: {  	_ = 	snop;
	(pc) =	sbr.rel @p1 .LBB3_60-.Ltmp41, $3  }
0x24b: {  	_ =	sdelay $0x1  }
0x24c: {  	[bflag:$0x0] =	sbarrier.arrive $0xFFFF  }
0x24d: {  	_ =	sfence  }
0x24e: {  	s0 =	simm.s32 $0x7  }
0x24f: {  	s2 =	simm.s32 $0x800;
	s3 =	simm.s32 $0xA118;
	[sflag:s0] =	ssyncpa.u1 $0x0  }
0x250: {  	[tilespmem:s3], [sflag:$0x7] =	stream.linear.gather [spmem:s2], $0x20, $0x38;
	[tilespmem:$0x1EF88] =	vst v63  }
0x251: {  	s30 =	simm.s32 $0xA138;
	s2 =	simm.s32 $0x0  }
0x252: {  	[tilespmem:s30], [sflag:$0x7] =	stream.linear.gather [spmem:s2], $0x800, $0x38;
	[tilespmem:$0x1EF88] =	vst v63  }
.Ltmp42:
0x253: {  	_ = 	snop;
	(pc) =	sbr.rel .LBB3_47-.Ltmp42, $4  }
0x254: {  	_ =	swait.ge [sflag:s0], $0x820  }
0x255: {  	[sflag:s0] =	ssyncset.done $0x0  }
0x256: {  	s31 =	simm.s32 $0x8;
	[sflag:s0] =	ssyncadd.s32 $0xFFFFF7E0  }
0x257: {  	s3 =	simm.s32 $0x0;
	[sflag:s31] =	ssyncpa.u1 $0x0  }
.LBB3_53:
0x258: {  	p1 =	slt.u32 s0, $0x27FF9  }
0x259: {  	s4 =	sand.u32 @p1 $0x3FFF8, s0  }
0x25a: {  	s0 =	sand.u32 @p1 $0x7, s0;
	s5 =	simm.s32 @p1 $0xA0C8;
	s4 =	sadd.s32 @p1 s1, s4  }
0x25b: {  	[tilespmem:s5], [sflag:$0x8] =	stream.linear.gather @p1 [hbm4b:s4+s0], $0x40, $0x38;
	[tilespmem:$0x1EF88] =	vst v63  }
0x25c: {  	s0 =	simm.s32 @p1 $0x8  }
0x25d: {  	_ =	swait.ge @p1 [sflag:s0], $0x40  }
0x25e: {  	[sflag:s0] =	ssyncset.done @p1 $0x0  }
0x25f: {  	[sflag:s0] =	ssyncadd.s32 @p1 $0xFFFFFFC0;
	s0 =	sshll.u32 @p1 s3, $0x8  }
0x260: {  	s4 =	sshrl.u32 @p1 s0, $0x2;
	v1 =	vld @p1 [tilespmem:$0xA0C8]  }
0x261: {  	v2 =	vld @p1 [tilespmem:s4+$0xA138];
	_ =	sdelay $0x4  }
0x262: {  	v1 =	vmax.f32 @p1 v1, v2  }
0x263: {  	v2 =	vld @p1 [tilespmem:s4+$0xA148];
	[tilespmem:s4+$0xA138] =	vst @p1 v1  }
0x264: {  	v1 =	vld @p1 [tilespmem:$0xA0D8];
	_ =	sdelay $0x4  }
0x265: {  	v1 =	vmax.f32 @p1 v1, v2  }
0x266: {  	v2 =	vld @p1 [tilespmem:s4+$0xA158];
	[tilespmem:s4+$0xA148] =	vst @p1 v1  }
0x267: {  	v1 =	vld @p1 [tilespmem:$0xA0E8];
	_ =	sdelay $0x4  }
0x268: {  	v1 =	vmax.f32 @p1 v1, v2  }
0x269: {  	v2 =	vld @p1 [tilespmem:s4+$0xA168];
	[tilespmem:s4+$0xA158] =	vst @p1 v1  }
0x26a: {  	v1 =	vld @p1 [tilespmem:$0xA0F8];
	_ =	sdelay $0x4  }
0x26b: {  	s5 =	sshll.u32 @!p1 s3, $0x8;
	v1 =	vmax.f32 @p1 v1, v2  }
0x26c: {  	s5 =	smov.u32 @p1 s0;
	[tilespmem:s4+$0xA168] =	vst @p1 v1  }
0x26d: {  	s0 =	sshrl.u32 s5, $0x2;
	[tilespmem:s2+$0xA118] =	vst.msk $0x1, v0  }
0x26e: {  	v0 =	vld [tilespmem:s0+$0xA138];
	_ =	sdelay $0x2  }
0x26f: {  	s31 =	sshll.u32 s2, $0x8  }
0x270: {  	s4 =	sshra.s32 s31, $0x2  }
0x271: {  	[tilespmem:s4+$0xA138] =	vst v0  }
0x272: {  	v0 =	vld [tilespmem:s0+$0xA148];
	_ =	sdelay $0x4  }
0x273: {  	[tilespmem:s4+$0xA148] =	vst v0  }
0x274: {  	v0 =	vld [tilespmem:s0+$0xA158];
	_ =	sdelay $0x4  }
0x275: {  	[tilespmem:s4+$0xA158] =	vst v0  }
0x276: {  	v0 =	vld [tilespmem:s0+$0xA168];
	_ =	sdelay $0x4  }
0x277: {  	s2 =	sadd.s32 $0x1, s2;
	[tilespmem:s4+$0xA168] =	vst v0  }
.LBB3_54:
0x278: {  	s3 =	sadd.s32 $0x1, s3  }
0x279: {  	p1 =	sne.s32 s3, $0x20  }
.Ltmp43:
0x27a: {  	_ = 	snop;
	(pc) =	sbr.rel @!p1 .LBB3_55-.Ltmp43, $1  }
0x27b: {  	_ =	sdelay $0x3  }
.LBB3_47:
0x27c: {  	v0 =	vld.msk [tilespmem:s3+$0xA118], $0x1;
	_ =	sdelay $0x4  }
0x27d: {  	(v2sf) =	vpush v0, $0x0;
	_ =	sdelay $0xe  }
0x27e: {  	s0 =	spop (v2sf)  }
0x27f: {  	p1 =	seq.s32 s0, $0xFFFFFFFF  }
.Ltmp44:
0x280: {  	_ = 	snop;
	(pc) =	sbr.rel @p1 .LBB3_54-.Ltmp44, $1  }
0x281: {  	_ =	sdelay $0x3  }
0x282: {  	p1 =	slt.s32 s2, $0x1  }
.Ltmp45:
0x283: {  	_ = 	snop;
	(pc) =	sbr.rel @p1 .LBB3_53-.Ltmp45, $1  }
0x284: {  	_ =	sdelay $0x3  }
0x285: {  	s4 =	simm.s32 $0xA118;
	p1 =	por $0x0, $0x0  }
0x286: {  	v1 =	vld.msk @!p1 [tilespmem:s4+$0x0], $0x1;
	_ =	sdelay $0x4  }
0x287: {  	(v2sf) =	vpush @!p1 v1, $0x0;
	_ =	sdelay $0xd  }
0x288: {  	p3 =	sne.s32 s2, $0x1  }
.Ltmp46:
0x289: {  	s5 =	spop @!p1 (v2sf);
	(pc) =	sbr.rel @!p3 .LBB3_51-.Ltmp46, $4  }
0x28a: {  	p2 =	seq.s32 @!p1 s0, s5  }
0x28b: {  	s5 =	simm.s32 $0x0;
	p2 =	por !p2, p1  }
0x28c: {  	s7 =	simm.s32 $0xFFFFFFFF;
	s5 =	simm.s32 @p2 $0xFFFFFFFF  }
0x28d: {  	s6 =	simm.s32 $0x1;
	s5 =	smov.u32 @p1 s7  }
.LBB3_50:
0x28e: {  	s7 =	smov.u32 s5;
	p1 =	sne.s32 s5, $0xFFFFFFFF  }
0x28f: {  	s4 =	sadd.s32 $0x1, s4;
	s5 =	smov.u32 s6;
	s6 =	sadd.s32 $0x1, s6  }
0x290: {  	p2 =	sne.s32 s2, s6;
	v1 =	vld.msk @!p1 [tilespmem:s4+$0x0], $0x1;
	_ =	sdelay $0x4  }
0x291: {  	(v2sf) =	vpush @!p1 v1, $0x0;
	_ =	sdelay $0xe  }
.Ltmp47:
0x292: {  	s8 =	spop @!p1 (v2sf);
	(pc) =	sbr.rel @p2 .LBB3_50-.Ltmp47, $4  }
0x293: {  	p3 =	seq.s32 @!p1 s0, s8  }
0x294: {  	p3 =	por !p3, p1  }
0x295: {  	s5 =	simm.s32 @p3 $0xFFFFFFFF  }
0x296: {  	s5 =	smov.u32 @p1 s7  }
.LBB3_51:
0x297: {  	p1 =	seq.s32 s5, $0xFFFFFFFF  }
.Ltmp48:
0x298: {  	_ = 	snop;
	(pc) =	sbr.rel @p1 .LBB3_53-.Ltmp48, $1  }
0x299: {  	_ =	sdelay $0x3  }
0x29a: {  	s0 =	sshll.u32 s3, $0x6  }
0x29b: {  	s4 =	sshll.u32 s5, $0x8;
	s0 =	sand.u32 $0x3FFFFFC0, s0  }
0x29c: {  	s4 =	sshra.s32 s4, $0x2;
	v0 =	vld [tilespmem:s0+$0xA138]  }
0x29d: {  	v1 =	vld [tilespmem:s4+$0xA138];
	_ =	sdelay $0x4  }
0x29e: {  	v0 =	vmax.f32 v0, v1  }
0x29f: {  	v61 =	vld [tilespmem:s4+$0xA148];
	[tilespmem:s4+$0xA138] =	vst v0  }
0x2a0: {  	v0 =	vld [tilespmem:s0+$0xA148];
	_ =	sdelay $0x4  }
0x2a1: {  	v0 =	vmax.f32 v0, v61  }
0x2a2: {  	v62 =	vld [tilespmem:s4+$0xA158];
	[tilespmem:s4+$0xA148] =	vst v0  }
0x2a3: {  	v0 =	vld [tilespmem:s0+$0xA158];
	_ =	sdelay $0x4  }
0x2a4: {  	v0 =	vmax.f32 v0, v62  }
0x2a5: {  	v63 =	vld [tilespmem:s4+$0xA168];
	[tilespmem:s4+$0xA158] =	vst v0  }
0x2a6: {  	v0 =	vld [tilespmem:s0+$0xA168];
	_ =	sdelay $0x1  }
.Ltmp49:
0x2a7: {  	_ = 	snop;
	(pc) =	sbr.rel .LBB3_54-.Ltmp49, $3  }
0x2a8: {  	_ =	sdelay $0x1  }
0x2a9: {  	v0 =	vmax.f32 v0, v63  }
0x2aa: {  	[tilespmem:s4+$0xA168] =	vst v0  }
.LBB3_55:
0x2ab: {  	p1 =	slt.s32 s2, $0x1  }
.Ltmp50:
0x2ac: {  	_ = 	snop;
	(pc) =	sbr.rel @p1 .LBB3_59-.Ltmp50, $3  }
0x2ad: {  	_ =	sdelay $0x1  }
0x2ae: {  	s0 =	simm.s32 $0x8  }
0x2af: {  	[sflag:s0] =	ssyncpa.u1 $0x1;
	s0 =	simm.s32 $0x0  }
0x2b0: {  	s3 =	simm.s32 $0xA118  }
0x2b1: {  	v0 =	vld.msk [tilespmem:s3+$0x0], $0x1;
	_ =	sdelay $0x4  }
0x2b2: {  	(v2sf) =	vpush v0, $0x0;
	_ =	sdelay $0xe  }
0x2b3: {  	s2 =	sadd.s32 $0xFFFFFFFF, s2;
	s4 =	spop (v2sf)  }
0x2b4: {  	p2 =	sne.s32 s2, $0x0;
	p1 =	sgt.u32 s4, $0x27FF8  }
.Ltmp51:
0x2b5: {  	s5 =	sand.u32 @!p1 $0x3FFF8, s4;
	(pc) =	sbr.rel @!p2 .LBB3_58-.Ltmp51, $4  }
0x2b6: {  	s3 =	simm.s32 $0xA138;
	s4 =	sand.u32 @!p1 $0x7, s4;
	s5 =	sadd.s32 @!p1 s1, s5  }
0x2b7: {  	[hbm4b:s5+s4] =	stream.linear.scatter @!p1 [tilespmem:s3], [sflag:$0x7], $0x40, $0x38;
	[tilespmem:$0x1EF88] =	vst v63  }
0x2b8: {  	s5 =	simm.s32 $0x0  }
0x2b9: {  	s4 =	simm.s32 $0xA119;
	s5 =	simm.s32 @!p1 $0x100  }
.LBB3_57:
0x2ba: {  	v0 =	vld.msk [tilespmem:s4+$0x0], $0x1;
	s2 =	sadd.s32 $0xFFFFFFFF, s2;
	s0 =	sadd.s32 s0, s5  }
0x2bb: {  	p1 =	sne.s32 s2, $0x0;
	_ =	sdelay $0x3  }
0x2bc: {  	(v2sf) =	vpush v0, $0x0;
	_ =	sdelay $0xe  }
.Ltmp52:
0x2bd: {  	s6 =	spop (v2sf);
	(pc) =	sbr.rel @p1 .LBB3_57-.Ltmp52, $4  }
0x2be: {  	s5 =	simm.s32 $0x0;
	p2 =	sgt.u32 s6, $0x27FF8  }
0x2bf: {  	s3 =	sadd.s32 $0x40, s3;
	s5 =	simm.s32 @!p2 $0x100;
	s7 =	sand.u32 @!p2 $0x3FFF8, s6  }
0x2c0: {  	s4 =	sadd.s32 $0x1, s4;
	s6 =	sand.u32 @!p2 $0x7, s6;
	s7 =	sadd.s32 @!p2 s1, s7  }
0x2c1: {  	[hbm4b:s7+s6] =	stream.linear.scatter @!p2 [tilespmem:s3], [sflag:$0x7], $0x40, $0x38;
	[tilespmem:$0x1EF88] =	vst v63  }
.LBB3_58:
0x2c2: {  	s0 =	sadd.s32 s0, s5  }
0x2c3: {  	s0 =	sshrl.u32 s0, $0x2  }
.LBB3_59:
0x2c4: {  	s1 =	simm.s32 $0x7  }
0x2c5: {  	_ =	swait.ge [sflag:s1], s0  }
0x2c6: {  	s31 =	ssub.s32 $0x0, s0;
	[sflag:s1] =	ssyncset.done $0x0  }
0x2c7: {  	[sflag:s1] =	ssyncadd.s32 s31  }
0x2c8: {  	[sflag:s1] =	ssyncpa.u1 $0x1  }
.LBB3_60:
0x2c9: {  	_ =	sfence;
	s0 =	simm.s32 $0x1  }
0x2ca: {  	[sflag:s0] =	ssyncpa.u1 $0x1  }
0x2cb: {  	_ =	strace $0x9000004D  }
0x2cc: {  	[bflag:$0x2] =	sbarrier.arrive $0xFFFF  }
0x2cd: {  	s0 =	rddreg [dreg:$0x3]  }
0x2ce: {  	s0 =	sadd.s32 @!p0 $0x100000, s0  }
0x2cf: {  	[sflag:s0] =	ssyncadd.tile.s32 @!p0 $0x1;
	_ =	shalt  }
.Lfunc_end3:
_tile_overlayer_lowered:
.L_overlay_start_3:
0x2d0: {  	(tag) =	ssettag $0x3  }
0x2d1: {  	s0 =	rddreg [dreg:$0x0];
	s2 =	stileid.u32  }
0x2d2: {  	s1 =	rddreg [dreg:$0x1];
	p0 =	sne.s32 s2, $0x0  }
0x2d3: {  	s3 =	rddreg [dreg:$0x2];
	[bflag:$0x3] =	sbarrier.arrive $0xFFFF;
	s2 =	simm.s32 @!p0 $0x1C01  }
0x2d4: {  	[timem:s3], [sflag:s2] =	dma.local @!p0 [hbm:s0], s1  }
0x2d5: {  	s0 =	simm.s32 @!p0 $0x1  }
0x2d6: {  	_ =	swait.ge @!p0 [sflag:s0], s1  }
0x2d7: {  	s1 =	ssub.s32 @!p0 $0x0, s1;
	[sflag:s0] =	ssyncset.done @!p0 $0x0  }
0x2d8: {  	[sflag:s0] =	ssyncadd.s32 @!p0 s1  }
0x2d9: {  	[bflag:$0x3] =	sbarrier.arrive $0xFFFF  }
0x2da: {  	_ =	shalt  }

</sc_bundles>
